<compile_context>
chip_gen: v7x
topology: tpu7x:2x2x1
jax: 0.10.2.dev20260603
libtpu: 0.0.44.dev20260713+nightly
codegen_flags: <defaults>
</compile_context>

<pallas_src>
import functools

import jax
import jax.numpy as jnp
from jax import lax
from jax.experimental import pallas as pl
from jax.experimental.pallas import tpu as pltpu
from jax.experimental.pallas import tpu_sc as plsc

VOCAB = 100000
EMBD = 32
STORY = 50
SENT = 20
HOPS = 3
BS = 1024

NW = 32
SEGS = STORY * BS
SEG_W = SEGS // NW
CH = 50
NCH = SEG_W // CH
QSEG_W = BS // NW


def _pe_weights():
    J, d = SENT, EMBD
    return [
        [1.0 - j / J - (k + 1.0 / d) * (1.0 - 2.0 * j / J) for j in range(J)]
        for k in range(HOPS)
    ]


_PE = _pe_weights()


def _bags_body(spec, with_q, *refs):
    n_t = len(spec)
    n_out = (1 if with_q else 0) + sum(int(ws) + int(ww) for ws, ww, _ in spec)
    pos = 0
    xi = refs[pos]; pos += 1
    qi = None
    if with_q:
        qi = refs[pos]; pos += 1
    tabs = refs[pos:pos + n_t]; pos += n_t
    outs = list(refs[pos:pos + n_out]); pos += n_out
    (idx0, idx1, rows0, rows1, acs0, acs1, acw0, acw1, qidxb,
     sg0, sg1, so0, so1) = refs[pos:pos + 13]
    idxb = (idx0, idx1)
    rows = (rows0, rows1)
    accs = (acs0, acs1)
    accw = (acw0, acw1)
    sg = (sg0, sg1)
    so = (so0, so1)
    wid = lax.axis_index("s") * 2 + lax.axis_index("c")

    def seg_sum(rbuf, abuf_s, abuf_w, wts):
        def seg(i, _):
            b = i * SENT
            s_lo = jnp.zeros((16,), jnp.float32)
            s_hi = jnp.zeros((16,), jnp.float32)
            v_lo = jnp.zeros((16,), jnp.float32)
            v_hi = jnp.zeros((16,), jnp.float32)
            for j in range(SENT):
                r_lo = rbuf[b + j, pl.ds(0, 16)]
                r_hi = rbuf[b + j, pl.ds(16, 16)]
                if abuf_s is not None:
                    s_lo = s_lo + r_lo
                    s_hi = s_hi + r_hi
                if abuf_w is not None:
                    v_lo = v_lo + r_lo * wts[j]
                    v_hi = v_hi + r_hi * wts[j]
            if abuf_s is not None:
                abuf_s[i, pl.ds(0, 16)] = s_lo
                abuf_s[i, pl.ds(16, 16)] = s_hi
            if abuf_w is not None:
                abuf_w[i, pl.ds(0, 16)] = v_lo
                abuf_w[i, pl.ds(16, 16)] = v_hi
            return 0

        return seg

    def x_pass(table, out_s, out_w, wts):
        def gather_start(t, b):
            seg0 = wid * SEG_W + t * CH
            pltpu.sync_copy(xi.at[pl.ds(seg0 * SENT, CH * SENT)], idxb[b])
            pltpu.async_copy(table.at[idxb[b]], rows[b], sg[b])

        def gather_wait(b):
            pltpu.make_async_copy(table.at[idxb[b]], rows[b], sg[b]).wait()

        def flush_start(t, b):
            seg0 = wid * SEG_W + t * CH
            if out_s is not None:
                pltpu.async_copy(accs[b], out_s.at[pl.ds(seg0, CH)], so[b])
            if out_w is not None:
                pltpu.async_copy(accw[b], out_w.at[pl.ds(seg0, CH)], so[b])

        def flush_wait(b):
            if out_s is not None:
                pltpu.make_async_copy(
                    accs[b], out_s.at[pl.ds(0, CH)], so[b]).wait()
            if out_w is not None:
                pltpu.make_async_copy(
                    accw[b], out_w.at[pl.ds(0, CH)], so[b]).wait()

        gather_start(0, 0)

        def two(tt, _):
            for b in (0, 1):
                t = tt * 2 + b

                @pl.when(t + 1 < NCH)
                def _():
                    gather_start(t + 1, 1 - b)

                gather_wait(b)

                @pl.when(t >= 2)
                def _():
                    flush_wait(b)

                lax.fori_loop(0, CH, seg_sum(rows[b], accs[b] if out_s is not None else None,
                                             accw[b] if out_w is not None else None, wts), 0)
                flush_start(t, b)
            return 0

        lax.fori_loop(0, NCH // 2, two, 0)
        flush_wait(0)
        flush_wait(1)

    oi = 0
    if with_q:
        u0 = outs[0]
        oi = 1
        qseg0 = wid * QSEG_W
        pltpu.sync_copy(qi.at[pl.ds(qseg0 * SENT, QSEG_W * SENT)], qidxb)
        pltpu.async_copy(
            tabs[0].at[qidxb], rows0.at[pl.ds(0, QSEG_W * SENT)], sg0).wait()
        lax.fori_loop(0, QSEG_W, seg_sum(rows0, acs0, None, None), 0)
        pltpu.sync_copy(acs0.at[pl.ds(0, QSEG_W)], u0.at[pl.ds(qseg0, QSEG_W)])

    for (ws, ww, k), table in zip(spec, tabs):
        out_s = out_w = None
        if ws:
            out_s = outs[oi]
            oi += 1
        if ww:
            out_w = outs[oi]
            oi += 1
        x_pass(table, out_s, out_w, _PE[k] if k is not None else None)


@functools.cache
def _make_bags(spec, with_q):
  n_out = (1 if with_q else 0) + sum(int(ws) + int(ww) for ws, ww, _ in spec)
  return pl.kernel(
    functools.partial(_bags_body, spec, with_q),
    mesh=plsc.VectorSubcoreMesh(core_axis_name="c", subcore_axis_name="s"),
    out_type=(
        ([jax.ShapeDtypeStruct((BS, EMBD), jnp.float32)] if with_q else [])
        + [jax.ShapeDtypeStruct((SEGS, EMBD), jnp.float32)]
        * (n_out - (1 if with_q else 0))
    ),
    scratch_types=[
        pltpu.VMEM((CH * SENT,), jnp.int32),
        pltpu.VMEM((CH * SENT,), jnp.int32),
        pltpu.VMEM((CH * SENT, EMBD), jnp.float32),
        pltpu.VMEM((CH * SENT, EMBD), jnp.float32),
        pltpu.VMEM((CH, EMBD), jnp.float32),
        pltpu.VMEM((CH, EMBD), jnp.float32),
        pltpu.VMEM((CH, EMBD), jnp.float32),
        pltpu.VMEM((CH, EMBD), jnp.float32),
        pltpu.VMEM((QSEG_W * SENT,), jnp.int32),
        pltpu.SemaphoreType.DMA,
        pltpu.SemaphoreType.DMA,
        pltpu.SemaphoreType.DMA,
        pltpu.SemaphoreType.DMA,
    ],
    compiler_params=pltpu.CompilerParams(
        use_tc_tiling_on_sc=False, needs_layout_passes=False),
  )


def _hops_body(u0, w0, s1, w1, s2, w2, s3, ta, tc, u3):
    ta_b = ta[...][:, :, None]
    tc_b = tc[...][:, :, None]
    u = u0[...]
    for m_ref, c_ref in ((w0, s1), (w1, s2), (w2, s3)):
        m = m_ref[...] + ta_b
        c = c_ref[...] + tc_b
        p = jnp.sum(m * u[None, :, :], axis=2)
        p = p - jnp.max(p, axis=0, keepdims=True)
        e = jnp.exp(p)
        p = e / jnp.sum(e, axis=0, keepdims=True)
        o = jnp.sum(c * p[:, :, None], axis=0)
        u = u + o
    u3[...] = u


def _proj_body(u3, a3, out, mmax, ssum):
    p = pl.program_id(0)
    v = pl.program_id(1)
    logits = lax.dot_general(
        u3[...].astype(jnp.bfloat16), a3[...].astype(jnp.bfloat16),
        (((1,), (1,)), ((), ())),
        preferred_element_type=jnp.float32)
    col = lax.broadcasted_iota(jnp.int32, logits.shape, 1) + v * _VT
    logits = jnp.where(col < VOCAB, logits, -jnp.inf)

    @pl.when(p == 0)
    def _():
        @pl.when(v == 0)
        def _():
            mmax[...] = jnp.max(logits, axis=1, keepdims=True)
            ssum[...] = jnp.zeros_like(ssum)

        ssum[...] += jnp.sum(jnp.exp(logits - mmax[...]), axis=1,
                             keepdims=True)

    @pl.when(p == 1)
    def _():
        out[...] = logits - mmax[...] - jnp.log(ssum[...])


_VT = 2048
_NV = -(-VOCAB // _VT)
_BT = 64


def kernel(x, q, A0, A1, A2, A3, TA, TC):
    xi = jnp.transpose(x, (1, 0, 2)).reshape(-1)
    qi = q.reshape(-1)
    ta = TA.reshape(STORY, 1)
    tc = TC.reshape(STORY, 1)

    s1, w1, s2, w2 = _make_bags(
        ((True, True, 1), (True, True, 2)), False)(xi, A1, A2)
    u0, w0, s3 = _make_bags(
        ((False, True, 0), (True, False, None)), True)(xi, qi, A0, A3)

    bag3 = lambda a: a.reshape(STORY, BS, EMBD)
    u3 = pl.pallas_call(
        _hops_body,
        grid=(BS // _BT,),
        in_specs=[
            pl.BlockSpec((_BT, EMBD), lambda b: (b, 0)),
            pl.BlockSpec((STORY, _BT, EMBD), lambda b: (0, b, 0)),
            pl.BlockSpec((STORY, _BT, EMBD), lambda b: (0, b, 0)),
            pl.BlockSpec((STORY, _BT, EMBD), lambda b: (0, b, 0)),
            pl.BlockSpec((STORY, _BT, EMBD), lambda b: (0, b, 0)),
            pl.BlockSpec((STORY, _BT, EMBD), lambda b: (0, b, 0)),
            pl.BlockSpec((STORY, _BT, EMBD), lambda b: (0, b, 0)),
            pl.BlockSpec((STORY, 1), lambda b: (0, 0)),
            pl.BlockSpec((STORY, 1), lambda b: (0, 0)),
        ],
        out_specs=pl.BlockSpec((_BT, EMBD), lambda b: (b, 0)),
        out_shape=jax.ShapeDtypeStruct((BS, EMBD), jnp.float32),
    )(u0, bag3(w0), bag3(s1), bag3(w1), bag3(s2), bag3(w2), bag3(s3), ta, tc)

    out = pl.pallas_call(
        _proj_body,
        grid=(2, _NV),
        in_specs=[
            pl.BlockSpec((BS, EMBD), lambda p, v: (0, 0)),
            pl.BlockSpec((_VT, EMBD), lambda p, v: (v, 0)),
        ],
        out_specs=pl.BlockSpec((BS, _VT), lambda p, v: (0, v * p)),
        out_shape=jax.ShapeDtypeStruct((BS, VOCAB), jnp.float32),
        scratch_shapes=[
            pltpu.VMEM((BS, 1), jnp.float32),
            pltpu.VMEM((BS, 1), jnp.float32),
        ],
        compiler_params=pltpu.CompilerParams(
            dimension_semantics=("arbitrary", "arbitrary")),
    )(u3, A3)
    return out

# --- scband reference (transcript-rebuilt; emitter-appended) ---
"""Pipeline reference for scband-mem-nn-3281355014814 (READ-ONLY COPY).

The authoritative reference and input builder live on the scoring server;
editing this copy changes nothing except your own understanding.
"""

import jax, jax.numpy as jnp
import numpy as np

VOCAB = 100000
EMBD = 32
STORY_LEN = 50
HOPS = 3
BS = 1024
SENT_LEN = 20
Q_LEN = 20


def setup_inputs(seed: int = 0) -> dict:
    key = jax.random.key(seed)
    ks = jax.random.split(key, 10)
    x = jax.random.randint(ks[0], (BS, STORY_LEN, SENT_LEN), 0, VOCAB, dtype=jnp.int64 if jax.config.jax_enable_x64 else jnp.int32).astype(jnp.int32)
    q = jax.random.randint(ks[1], (BS, Q_LEN), 0, VOCAB, dtype=jnp.int32)
    init_rng = 0.1
    # normal_(-init_rng, init_rng): mean=-0.1, std=0.1
    A0 = jax.random.normal(ks[2], (VOCAB, EMBD), dtype=jnp.float32) * init_rng - init_rng
    A1 = jax.random.normal(ks[3], (VOCAB, EMBD), dtype=jnp.float32) * init_rng - init_rng
    A2 = jax.random.normal(ks[4], (VOCAB, EMBD), dtype=jnp.float32) * init_rng - init_rng
    A3 = jax.random.normal(ks[5], (VOCAB, EMBD), dtype=jnp.float32) * init_rng - init_rng
    TA = jax.random.normal(ks[6], (1, STORY_LEN, 1), dtype=jnp.float32) * init_rng - init_rng
    TC = jax.random.normal(ks[7], (1, STORY_LEN, 1), dtype=jnp.float32) * init_rng - init_rng
    return {"x": x, "q": q, "A0": A0, "A1": A1, "A2": A2, "A3": A3, "TA": TA, "TC": TC}


def _position_encoding(hops, J, d):
    pe = np.zeros((hops, J), dtype=np.float32)
    for k in range(hops):
        for j in range(J):
            pe[k, j] = 1 - j / J - (k + 1 / d) * (1 - 2 * j / J)
    return jnp.asarray(pe)


def reference(x, q, A0, A1, A2, A3, TA, TC):
    A = [A0, A1, A2, A3]
    hops = HOPS
    bs, story_len, s_sent_len = x.shape
    d = A0.shape[1]
    xf = x.reshape(bs * story_len, s_sent_len)
    # B = A[0]; u = sum of question embeddings
    u = jnp.sum(jnp.take(A[0], q, axis=0), axis=1)  # [bs, d]
    pe = _position_encoding(hops, s_sent_len, d)
    for k in range(hops):
        m = jnp.take(A[k], xf, axis=0).reshape(bs, story_len, s_sent_len, d)
        m = m * pe[k][None, None, :, None]
        m = jnp.sum(m, axis=2) + TA  # [bs, story_len, d]
        c = jnp.take(A[k + 1], xf, axis=0).reshape(bs, story_len, s_sent_len, d)
        c = jnp.sum(c, axis=2) + TC  # [bs, story_len, d]
        p = jnp.einsum('bsd,bd->bs', m, u)
        p = jax.nn.softmax(p, axis=-1)
        o = jnp.sum(c * p[:, :, None], axis=1)  # [bs, d]
        u = o + u
    W = A[-1].T  # [d, vocab]
    out = u @ W  # [bs, vocab]
    return jax.nn.log_softmax(out, axis=-1)

if __name__ == "__main__":
    import jax
    _d = setup_inputs()
    print(jax.jit(kernel)(*tuple(_d.values())))

</pallas_src>

<mosaic_0001>
#map = affine_map<(d0, d1) -> (0)>
#map1 = affine_map<(d0, d1) -> (0, 0)>
module attributes {stable_mosaic.version = 14 : i64} {
  func.func @_bags_body(%arg0: i32, %arg1: i32, %arg2: memref<1024000xi32, #tpu.memory_space<hbm>>, %arg3: memref<100000x32xf32, #tpu.memory_space<hbm>>, %arg4: memref<100000x32xf32, #tpu.memory_space<hbm>>, %arg5: memref<51200x32xf32, #tpu.memory_space<hbm>>, %arg6: memref<51200x32xf32, #tpu.memory_space<hbm>>, %arg7: memref<51200x32xf32, #tpu.memory_space<hbm>>, %arg8: memref<51200x32xf32, #tpu.memory_space<hbm>>, %arg9: memref<1000xi32, #tpu.memory_space<vmem>>, %arg10: memref<1000xi32, #tpu.memory_space<vmem>>, %arg11: memref<1000x32xf32, #tpu.memory_space<vmem>>, %arg12: memref<1000x32xf32, #tpu.memory_space<vmem>>, %arg13: memref<50x32xf32, #tpu.memory_space<vmem>>, %arg14: memref<50x32xf32, #tpu.memory_space<vmem>>, %arg15: memref<50x32xf32, #tpu.memory_space<vmem>>, %arg16: memref<50x32xf32, #tpu.memory_space<vmem>>, %arg17: memref<640xi32, #tpu.memory_space<vmem>>, %arg18: memref<!tpu.dma_semaphore, #tpu.memory_space<semaphore_mem>>, %arg19: memref<!tpu.dma_semaphore, #tpu.memory_space<semaphore_mem>>, %arg20: memref<!tpu.dma_semaphore, #tpu.memory_space<semaphore_mem>>, %arg21: memref<!tpu.dma_semaphore, #tpu.memory_space<semaphore_mem>>) attributes {dimension_semantics = [#tpu.dimension_semantics<core_parallel>, #tpu.dimension_semantics<subcore_parallel>], iteration_bounds = array<i64: 2, 16>, scalar_prefetch = 0 : i64, scratch_operands = 13 : i64, tpu.core_type = #tpu.core_type<sc_vector_subcore>, window_params = [{transform_indices = #map}, {transform_indices = #map1}, {transform_indices = #map1}, {transform_indices = #map1}, {transform_indices = #map1}, {transform_indices = #map1}, {transform_indices = #map1}]} {
    %mul3A = arith.constant 2 : i32
    %mul3A_0 = arith.muli %arg1, %mul3A : i32
    %add3A = arith.addi %mul3A_0, %arg0 : i32
    %mul3A_1 = arith.constant 1600 : i32
    %mul3A_2 = arith.muli %add3A, %mul3A_1 : i32
    %add3A_3 = arith.constant 0 : i32
    %add3A_4 = arith.addi %mul3A_2, %add3A_3 : i32
    %mul3A_5 = arith.constant 20 : i32
    %mul3A_6 = arith.muli %add3A_4, %mul3A_5 : i32
    "tpu.region"() ({
      %run_scoped3A = tpu.sem_alloc : memref<!tpu.dma_semaphore, #tpu.memory_space<semaphore_mem>>
      %dma_start3A_78 = tpu.memref_slice %arg2[%mul3A_6] : memref<1024000xi32, #tpu.memory_space<hbm>> -> memref<1000xi32, #tpu.memory_space<hbm>>
      %dma_start3A_79 = tpu.memref_slice %arg2[%mul3A_6] : memref<1024000xi32, #tpu.memory_space<hbm>> -> memref<1000xi32, #tpu.memory_space<hbm>>
      tpu.enqueue_dma source(%dma_start3A_79 : memref<1000xi32, #tpu.memory_space<hbm>>) target(%arg9 : memref<1000xi32, #tpu.memory_space<vmem>>) target_semaphore(%run_scoped3A : memref<!tpu.dma_semaphore, #tpu.memory_space<semaphore_mem>>)
      %dma_wait3A_80 = tpu.memref_slice %arg2[%mul3A_6] : memref<1024000xi32, #tpu.memory_space<hbm>> -> memref<1000xi32, #tpu.memory_space<hbm>>
      %dma_wait3A_81 = tpu.memref_slice %arg2[%mul3A_6] : memref<1024000xi32, #tpu.memory_space<hbm>> -> memref<1000xi32, #tpu.memory_space<hbm>>
      tpu.wait_dma2 semaphore(%run_scoped3A : memref<!tpu.dma_semaphore, #tpu.memory_space<semaphore_mem>>) src(%dma_wait3A_81 : memref<1000xi32, #tpu.memory_space<hbm>>) dst(%arg9 : memref<1000xi32, #tpu.memory_space<vmem>>)
      tpu.yield
    }) : () -> ()
    %dma_start3A = arith.constant 0 : i32
    %dma_start3A_7 = arith.constant 0 : i32
    %dma_start3A_8 = tpu.memref_slice %arg3[%dma_start3A, %dma_start3A_7] : memref<100000x32xf32, #tpu.memory_space<hbm>> -> memref<100000x32xf32, #tpu.memory_space<hbm>>
    tpu.enqueue_indirect_dma source(%dma_start3A_8 : memref<100000x32xf32, #tpu.memory_space<hbm>>) target(%arg11 : memref<1000x32xf32, #tpu.memory_space<vmem>>) offsets(%arg9 : memref<1000xi32, #tpu.memory_space<vmem>>) semaphore(%arg18 : memref<!tpu.dma_semaphore, #tpu.memory_space<semaphore_mem>>)
    %scan3A = arith.constant 0 : i32
    %scan3A_9 = arith.constant 0 : i32
    %scan3A_10 = arith.constant 16 : i32
    %scan3A_11 = arith.addi %scan3A_9, %scan3A_10 : i32
    %scan3A_12 = arith.constant 1 : i32
    %scan3A_13 = scf.for %scan3A_78 = %scan3A_9 to %scan3A_11 step %scan3A_12 iter_args(%scan3A_79 = %scan3A) -> (i32)  : i32 {
      %mul3A_80 = arith.constant 2 : i32
      %mul3A_81 = arith.muli %scan3A_78, %mul3A_80 : i32
      %add3A_82 = arith.constant 0 : i32
      %add3A_83 = arith.addi %mul3A_81, %add3A_82 : i32
      %add3A_84 = arith.constant 1 : i32
      %add3A_85 = arith.addi %add3A_83, %add3A_84 : i32
      %lt3A = arith.constant 32 : i32
      %lt3A_86 = arith.cmpi slt, %add3A_85, %lt3A : i32
      %convert_element_type3A = arith.extui %lt3A_86 : i1 to i32
      %cond3A = arith.constant 0 : i32
      %cond3A_87 = arith.cmpi ne, %convert_element_type3A, %cond3A : i32
      scf.if %cond3A_87 {
        %add3A_155 = arith.constant 1 : i32
        %add3A_156 = arith.addi %add3A_83, %add3A_155 : i32
        %mul3A_157 = arith.constant 1600 : i32
        %mul3A_158 = arith.muli %add3A, %mul3A_157 : i32
        %mul3A_159 = arith.constant 50 : i32
        %mul3A_160 = arith.muli %add3A_156, %mul3A_159 : i32
        %add3A_161 = arith.addi %mul3A_158, %mul3A_160 : i32
        %mul3A_162 = arith.constant 20 : i32
        %mul3A_163 = arith.muli %add3A_161, %mul3A_162 : i32
        "tpu.region"() ({
          %run_scoped3A = tpu.sem_alloc : memref<!tpu.dma_semaphore, #tpu.memory_space<semaphore_mem>>
          %dma_start3A_167 = tpu.memref_slice %arg2[%mul3A_163] : memref<1024000xi32, #tpu.memory_space<hbm>> -> memref<1000xi32, #tpu.memory_space<hbm>>
          %dma_start3A_168 = tpu.memref_slice %arg2[%mul3A_163] : memref<1024000xi32, #tpu.memory_space<hbm>> -> memref<1000xi32, #tpu.memory_space<hbm>>
          tpu.enqueue_dma source(%dma_start3A_168 : memref<1000xi32, #tpu.memory_space<hbm>>) target(%arg10 : memref<1000xi32, #tpu.memory_space<vmem>>) target_semaphore(%run_scoped3A : memref<!tpu.dma_semaphore, #tpu.memory_space<semaphore_mem>>)
          %dma_wait3A_169 = tpu.memref_slice %arg2[%mul3A_163] : memref<1024000xi32, #tpu.memory_space<hbm>> -> memref<1000xi32, #tpu.memory_space<hbm>>
          %dma_wait3A_170 = tpu.memref_slice %arg2[%mul3A_163] : memref<1024000xi32, #tpu.memory_space<hbm>> -> memref<1000xi32, #tpu.memory_space<hbm>>
          tpu.wait_dma2 semaphore(%run_scoped3A : memref<!tpu.dma_semaphore, #tpu.memory_space<semaphore_mem>>) src(%dma_wait3A_170 : memref<1000xi32, #tpu.memory_space<hbm>>) dst(%arg10 : memref<1000xi32, #tpu.memory_space<vmem>>)
          tpu.yield
        }) : () -> ()
        %dma_start3A_164 = arith.constant 0 : i32
        %dma_start3A_165 = arith.constant 0 : i32
        %dma_start3A_166 = tpu.memref_slice %arg3[%dma_start3A_164, %dma_start3A_165] : memref<100000x32xf32, #tpu.memory_space<hbm>> -> memref<100000x32xf32, #tpu.memory_space<hbm>>
        tpu.enqueue_indirect_dma source(%dma_start3A_166 : memref<100000x32xf32, #tpu.memory_space<hbm>>) target(%arg12 : memref<1000x32xf32, #tpu.memory_space<vmem>>) offsets(%arg10 : memref<1000xi32, #tpu.memory_space<vmem>>) semaphore(%arg19 : memref<!tpu.dma_semaphore, #tpu.memory_space<semaphore_mem>>)
      } else {
      }
      %dma_wait3A_88 = arith.constant 0 : i32
      %dma_wait3A_89 = arith.constant 0 : i32
      %dma_wait3A_90 = tpu.memref_slice %arg3[%dma_wait3A_88, %dma_wait3A_89] : memref<100000x32xf32, #tpu.memory_space<hbm>> -> memref<100000x32xf32, #tpu.memory_space<hbm>>
      tpu.wait_indirect_dma semaphore(%arg18 : memref<!tpu.dma_semaphore, #tpu.memory_space<semaphore_mem>>) src(%dma_wait3A_90 : memref<100000x32xf32, #tpu.memory_space<hbm>>) dst(%arg11 : memref<1000x32xf32, #tpu.memory_space<vmem>>)
      %ge3A = arith.constant 2 : i32
      %ge3A_91 = arith.cmpi sge, %add3A_83, %ge3A : i32
      %convert_element_type3A_92 = arith.extui %ge3A_91 : i1 to i32
      %cond3A_93 = arith.constant 0 : i32
      %cond3A_94 = arith.cmpi ne, %convert_element_type3A_92, %cond3A_93 : i32
      scf.if %cond3A_94 {
        %dma_wait3A_155 = arith.constant 0 : i32
        %dma_wait3A_156 = arith.constant 0 : i32
        %dma_wait3A_157 = tpu.memref_slice %arg5[%dma_wait3A_155, %dma_wait3A_156] : memref<51200x32xf32, #tpu.memory_space<hbm>> -> memref<50x32xf32, #tpu.memory_space<hbm>>
        %dma_wait3A_158 = arith.constant 0 : i32
        %dma_wait3A_159 = arith.constant 0 : i32
        %dma_wait3A_160 = tpu.memref_slice %arg5[%dma_wait3A_158, %dma_wait3A_159] : memref<51200x32xf32, #tpu.memory_space<hbm>> -> memref<50x32xf32, #tpu.memory_space<hbm>>
        tpu.wait_dma2 semaphore(%arg20 : memref<!tpu.dma_semaphore, #tpu.memory_space<semaphore_mem>>) src(%arg13 : memref<50x32xf32, #tpu.memory_space<vmem>>) dst(%dma_wait3A_160 : memref<50x32xf32, #tpu.memory_space<hbm>>)
        %dma_wait3A_161 = arith.constant 0 : i32
        %dma_wait3A_162 = arith.constant 0 : i32
        %dma_wait3A_163 = tpu.memref_slice %arg6[%dma_wait3A_161, %dma_wait3A_162] : memref<51200x32xf32, #tpu.memory_space<hbm>> -> memref<50x32xf32, #tpu.memory_space<hbm>>
        %dma_wait3A_164 = arith.constant 0 : i32
        %dma_wait3A_165 = arith.constant 0 : i32
        %dma_wait3A_166 = tpu.memref_slice %arg6[%dma_wait3A_164, %dma_wait3A_165] : memref<51200x32xf32, #tpu.memory_space<hbm>> -> memref<50x32xf32, #tpu.memory_space<hbm>>
        tpu.wait_dma2 semaphore(%arg20 : memref<!tpu.dma_semaphore, #tpu.memory_space<semaphore_mem>>) src(%arg15 : memref<50x32xf32, #tpu.memory_space<vmem>>) dst(%dma_wait3A_166 : memref<50x32xf32, #tpu.memory_space<hbm>>)
      } else {
      }
      %scan3A_95 = arith.constant 0 : i32
      %scan3A_96 = arith.constant 0 : i32
      %scan3A_97 = arith.constant 50 : i32
      %scan3A_98 = arith.addi %scan3A_96, %scan3A_97 : i32
      %scan3A_99 = arith.constant 1 : i32
      %scan3A_100 = scf.for %scan3A_155 = %scan3A_96 to %scan3A_98 step %scan3A_99 iter_args(%scan3A_156 = %scan3A_95) -> (i32)  : i32 {
        %mul3A_157 = arith.constant 20 : i32
        %mul3A_158 = arith.muli %scan3A_155, %mul3A_157 : i32
        %broadcast_in_dim3A = arith.constant 0.000000e+00 : f32
        %broadcast_in_dim3A_159 = vector.broadcast %broadcast_in_dim3A : f32 to vector<16xf32>
        %broadcast_in_dim3A_160 = arith.constant 0.000000e+00 : f32
        %broadcast_in_dim3A_161 = vector.broadcast %broadcast_in_dim3A_160 : f32 to vector<16xf32>
        %broadcast_in_dim3A_162 = arith.constant 0.000000e+00 : f32
        %broadcast_in_dim3A_163 = vector.broadcast %broadcast_in_dim3A_162 : f32 to vector<16xf32>
        %broadcast_in_dim3A_164 = arith.constant 0.000000e+00 : f32
        %broadcast_in_dim3A_165 = vector.broadcast %broadcast_in_dim3A_164 : f32 to vector<16xf32>
        %add3A_166 = arith.constant 0 : i32
        %add3A_167 = arith.addi %mul3A_158, %add3A_166 : i32
        %get3A = arith.index_cast %add3A_167 : i32 to index
        %get3A_168 = arith.constant 0 : index
        %get3A_169 = tpu.vector_load %arg11[%get3A, %get3A_168] {strides = array<i32>} : memref<1000x32xf32, #tpu.memory_space<vmem>>, vector<16xf32>,
        %add3A_170 = arith.constant 0 : i32
        %add3A_171 = arith.addi %mul3A_158, %add3A_170 : i32
        %get3A_172 = arith.index_cast %add3A_171 : i32 to index
        %get3A_173 = arith.constant 16 : index
        %get3A_174 = tpu.vector_load %arg11[%get3A_172, %get3A_173] {strides = array<i32>} : memref<1000x32xf32, #tpu.memory_space<vmem>>, vector<16xf32>,
        %add3A_175 = arith.addf %broadcast_in_dim3A_159, %get3A_169 : vector<16xf32>
        %add3A_176 = arith.addf %broadcast_in_dim3A_161, %get3A_174 : vector<16xf32>
        %mul3A_177 = arith.constant -3.125000e-02 : f32
        %mul3A_178 = vector.broadcast %mul3A_177 : f32 to vector<16xf32>
        %mul3A_179 = arith.mulf %get3A_169, %mul3A_178 : vector<16xf32>
        %add3A_180 = arith.addf %broadcast_in_dim3A_163, %mul3A_179 : vector<16xf32>
        %mul3A_181 = arith.constant -3.125000e-02 : f32
        %mul3A_182 = vector.broadcast %mul3A_181 : f32 to vector<16xf32>
        %mul3A_183 = arith.mulf %get3A_174, %mul3A_182 : vector<16xf32>
        %add3A_184 = arith.addf %broadcast_in_dim3A_165, %mul3A_183 : vector<16xf32>
        %add3A_185 = arith.constant 1 : i32
        %add3A_186 = arith.addi %mul3A_158, %add3A_185 : i32
        %get3A_187 = arith.index_cast %add3A_186 : i32 to index
        %get3A_188 = arith.constant 0 : index
        %get3A_189 = tpu.vector_load %arg11[%get3A_187, %get3A_188] {strides = array<i32>} : memref<1000x32xf32, #tpu.memory_space<vmem>>, vector<16xf32>,
        %add3A_190 = arith.constant 1 : i32
        %add3A_191 = arith.addi %mul3A_158, %add3A_190 : i32
        %get3A_192 = arith.index_cast %add3A_191 : i32 to index
        %get3A_193 = arith.constant 16 : index
        %get3A_194 = tpu.vector_load %arg11[%get3A_192, %get3A_193] {strides = array<i32>} : memref<1000x32xf32, #tpu.memory_space<vmem>>, vector<16xf32>,
        %add3A_195 = arith.addf %add3A_175, %get3A_189 : vector<16xf32>
        %add3A_196 = arith.addf %add3A_176, %get3A_194 : vector<16xf32>
        %mul3A_197 = arith.constant 2.187500e-02 : f32
        %mul3A_198 = vector.broadcast %mul3A_197 : f32 to vector<16xf32>
        %mul3A_199 = arith.mulf %get3A_189, %mul3A_198 : vector<16xf32>
        %add3A_200 = arith.addf %add3A_180, %mul3A_199 : vector<16xf32>
        %mul3A_201 = arith.constant 2.187500e-02 : f32
        %mul3A_202 = vector.broadcast %mul3A_201 : f32 to vector<16xf32>
        %mul3A_203 = arith.mulf %get3A_194, %mul3A_202 : vector<16xf32>
        %add3A_204 = arith.addf %add3A_184, %mul3A_203 : vector<16xf32>
        %add3A_205 = arith.constant 2 : i32
        %add3A_206 = arith.addi %mul3A_158, %add3A_205 : i32
        %get3A_207 = arith.index_cast %add3A_206 : i32 to index
        %get3A_208 = arith.constant 0 : index
        %get3A_209 = tpu.vector_load %arg11[%get3A_207, %get3A_208] {strides = array<i32>} : memref<1000x32xf32, #tpu.memory_space<vmem>>, vector<16xf32>,
        %add3A_210 = arith.constant 2 : i32
        %add3A_211 = arith.addi %mul3A_158, %add3A_210 : i32
        %get3A_212 = arith.index_cast %add3A_211 : i32 to index
        %get3A_213 = arith.constant 16 : index
        %get3A_214 = tpu.vector_load %arg11[%get3A_212, %get3A_213] {strides = array<i32>} : memref<1000x32xf32, #tpu.memory_space<vmem>>, vector<16xf32>,
        %add3A_215 = arith.addf %add3A_195, %get3A_209 : vector<16xf32>
        %add3A_216 = arith.addf %add3A_196, %get3A_214 : vector<16xf32>
        %mul3A_217 = arith.constant 7.500000e-02 : f32
        %mul3A_218 = vector.broadcast %mul3A_217 : f32 to vector<16xf32>
        %mul3A_219 = arith.mulf %get3A_209, %mul3A_218 : vector<16xf32>
        %add3A_220 = arith.addf %add3A_200, %mul3A_219 : vector<16xf32>
        %mul3A_221 = arith.constant 7.500000e-02 : f32
        %mul3A_222 = vector.broadcast %mul3A_221 : f32 to vector<16xf32>
        %mul3A_223 = arith.mulf %get3A_214, %mul3A_222 : vector<16xf32>
        %add3A_224 = arith.addf %add3A_204, %mul3A_223 : vector<16xf32>
        %add3A_225 = arith.constant 3 : i32
        %add3A_226 = arith.addi %mul3A_158, %add3A_225 : i32
        %get3A_227 = arith.index_cast %add3A_226 : i32 to index
        %get3A_228 = arith.constant 0 : index
        %get3A_229 = tpu.vector_load %arg11[%get3A_227, %get3A_228] {strides = array<i32>} : memref<1000x32xf32, #tpu.memory_space<vmem>>, vector<16xf32>,
        %add3A_230 = arith.constant 3 : i32
        %add3A_231 = arith.addi %mul3A_158, %add3A_230 : i32
        %get3A_232 = arith.index_cast %add3A_231 : i32 to index
        %get3A_233 = arith.constant 16 : index
        %get3A_234 = tpu.vector_load %arg11[%get3A_232, %get3A_233] {strides = array<i32>} : memref<1000x32xf32, #tpu.memory_space<vmem>>, vector<16xf32>,
        %add3A_235 = arith.addf %add3A_215, %get3A_229 : vector<16xf32>
        %add3A_236 = arith.addf %add3A_216, %get3A_234 : vector<16xf32>
        %mul3A_237 = arith.constant 1.281250e-01 : f32
        %mul3A_238 = vector.broadcast %mul3A_237 : f32 to vector<16xf32>
        %mul3A_239 = arith.mulf %get3A_229, %mul3A_238 : vector<16xf32>
        %add3A_240 = arith.addf %add3A_220, %mul3A_239 : vector<16xf32>
        %mul3A_241 = arith.constant 1.281250e-01 : f32
        %mul3A_242 = vector.broadcast %mul3A_241 : f32 to vector<16xf32>
        %mul3A_243 = arith.mulf %get3A_234, %mul3A_242 : vector<16xf32>
        %add3A_244 = arith.addf %add3A_224, %mul3A_243 : vector<16xf32>
        %add3A_245 = arith.constant 4 : i32
        %add3A_246 = arith.addi %mul3A_158, %add3A_245 : i32
        %get3A_247 = arith.index_cast %add3A_246 : i32 to index
        %get3A_248 = arith.constant 0 : index
        %get3A_249 = tpu.vector_load %arg11[%get3A_247, %get3A_248] {strides = array<i32>} : memref<1000x32xf32, #tpu.memory_space<vmem>>, vector<16xf32>,
        %add3A_250 = arith.constant 4 : i32
        %add3A_251 = arith.addi %mul3A_158, %add3A_250 : i32
        %get3A_252 = arith.index_cast %add3A_251 : i32 to index
        %get3A_253 = arith.constant 16 : index
        %get3A_254 = tpu.vector_load %arg11[%get3A_252, %get3A_253] {strides = array<i32>} : memref<1000x32xf32, #tpu.memory_space<vmem>>, vector<16xf32>,
        %add3A_255 = arith.addf %add3A_235, %get3A_249 : vector<16xf32>
        %add3A_256 = arith.addf %add3A_236, %get3A_254 : vector<16xf32>
        %mul3A_257 = arith.constant 1.812500e-01 : f32
        %mul3A_258 = vector.broadcast %mul3A_257 : f32 to vector<16xf32>
        %mul3A_259 = arith.mulf %get3A_249, %mul3A_258 : vector<16xf32>
        %add3A_260 = arith.addf %add3A_240, %mul3A_259 : vector<16xf32>
        %mul3A_261 = arith.constant 1.812500e-01 : f32
        %mul3A_262 = vector.broadcast %mul3A_261 : f32 to vector<16xf32>
        %mul3A_263 = arith.mulf %get3A_254, %mul3A_262 : vector<16xf32>
        %add3A_264 = arith.addf %add3A_244, %mul3A_263 : vector<16xf32>
        %add3A_265 = arith.constant 5 : i32
        %add3A_266 = arith.addi %mul3A_158, %add3A_265 : i32
        %get3A_267 = arith.index_cast %add3A_266 : i32 to index
        %get3A_268 = arith.constant 0 : index
        %get3A_269 = tpu.vector_load %arg11[%get3A_267, %get3A_268] {strides = array<i32>} : memref<1000x32xf32, #tpu.memory_space<vmem>>, vector<16xf32>,
        %add3A_270 = arith.constant 5 : i32
        %add3A_271 = arith.addi %mul3A_158, %add3A_270 : i32
        %get3A_272 = arith.index_cast %add3A_271 : i32 to index
        %get3A_273 = arith.constant 16 : index
        %get3A_274 = tpu.vector_load %arg11[%get3A_272, %get3A_273] {strides = array<i32>} : memref<1000x32xf32, #tpu.memory_space<vmem>>, vector<16xf32>,
        %add3A_275 = arith.addf %add3A_255, %get3A_269 : vector<16xf32>
        %add3A_276 = arith.addf %add3A_256, %get3A_274 : vector<16xf32>
        %mul3A_277 = arith.constant 2.343750e-01 : f32
        %mul3A_278 = vector.broadcast %mul3A_277 : f32 to vector<16xf32>
        %mul3A_279 = arith.mulf %get3A_269, %mul3A_278 : vector<16xf32>
        %add3A_280 = arith.addf %add3A_260, %mul3A_279 : vector<16xf32>
        %mul3A_281 = arith.constant 2.343750e-01 : f32
        %mul3A_282 = vector.broadcast %mul3A_281 : f32 to vector<16xf32>
        %mul3A_283 = arith.mulf %get3A_274, %mul3A_282 : vector<16xf32>
        %add3A_284 = arith.addf %add3A_264, %mul3A_283 : vector<16xf32>
        %add3A_285 = arith.constant 6 : i32
        %add3A_286 = arith.addi %mul3A_158, %add3A_285 : i32
        %get3A_287 = arith.index_cast %add3A_286 : i32 to index
        %get3A_288 = arith.constant 0 : index
        %get3A_289 = tpu.vector_load %arg11[%get3A_287, %get3A_288] {strides = array<i32>} : memref<1000x32xf32, #tpu.memory_space<vmem>>, vector<16xf32>,
        %add3A_290 = arith.constant 6 : i32
        %add3A_291 = arith.addi %mul3A_158, %add3A_290 : i32
        %get3A_292 = arith.index_cast %add3A_291 : i32 to index
        %get3A_293 = arith.constant 16 : index
        %get3A_294 = tpu.vector_load %arg11[%get3A_292, %get3A_293] {strides = array<i32>} : memref<1000x32xf32, #tpu.memory_space<vmem>>, vector<16xf32>,
        %add3A_295 = arith.addf %add3A_275, %get3A_289 : vector<16xf32>
        %add3A_296 = arith.addf %add3A_276, %get3A_294 : vector<16xf32>
        %mul3A_297 = arith.constant 2.875000e-01 : f32
        %mul3A_298 = vector.broadcast %mul3A_297 : f32 to vector<16xf32>
        %mul3A_299 = arith.mulf %get3A_289, %mul3A_298 : vector<16xf32>
        %add3A_300 = arith.addf %add3A_280, %mul3A_299 : vector<16xf32>
        %mul3A_301 = arith.constant 2.875000e-01 : f32
        %mul3A_302 = vector.broadcast %mul3A_301 : f32 to vector<16xf32>
        %mul3A_303 = arith.mulf %get3A_294, %mul3A_302 : vector<16xf32>
        %add3A_304 = arith.addf %add3A_284, %mul3A_303 : vector<16xf32>
        %add3A_305 = arith.constant 7 : i32
        %add3A_306 = arith.addi %mul3A_158, %add3A_305 : i32
        %get3A_307 = arith.index_cast %add3A_306 : i32 to index
        %get3A_308 = arith.constant 0 : index
        %get3A_309 = tpu.vector_load %arg11[%get3A_307, %get3A_308] {strides = array<i32>} : memref<1000x32xf32, #tpu.memory_space<vmem>>, vector<16xf32>,
        %add3A_310 = arith.constant 7 : i32
        %add3A_311 = arith.addi %mul3A_158, %add3A_310 : i32
        %get3A_312 = arith.index_cast %add3A_311 : i32 to index
        %get3A_313 = arith.constant 16 : index
        %get3A_314 = tpu.vector_load %arg11[%get3A_312, %get3A_313] {strides = array<i32>} : memref<1000x32xf32, #tpu.memory_space<vmem>>, vector<16xf32>,
        %add3A_315 = arith.addf %add3A_295, %get3A_309 : vector<16xf32>
        %add3A_316 = arith.addf %add3A_296, %get3A_314 : vector<16xf32>
        %mul3A_317 = arith.constant 3.406250e-01 : f32
        %mul3A_318 = vector.broadcast %mul3A_317 : f32 to vector<16xf32>
        %mul3A_319 = arith.mulf %get3A_309, %mul3A_318 : vector<16xf32>
        %add3A_320 = arith.addf %add3A_300, %mul3A_319 : vector<16xf32>
        %mul3A_321 = arith.constant 3.406250e-01 : f32
        %mul3A_322 = vector.broadcast %mul3A_321 : f32 to vector<16xf32>
        %mul3A_323 = arith.mulf %get3A_314, %mul3A_322 : vector<16xf32>
        %add3A_324 = arith.addf %add3A_304, %mul3A_323 : vector<16xf32>
        %add3A_325 = arith.constant 8 : i32
        %add3A_326 = arith.addi %mul3A_158, %add3A_325 : i32
        %get3A_327 = arith.index_cast %add3A_326 : i32 to index
        %get3A_328 = arith.constant 0 : index
        %get3A_329 = tpu.vector_load %arg11[%get3A_327, %get3A_328] {strides = array<i32>} : memref<1000x32xf32, #tpu.memory_space<vmem>>, vector<16xf32>,
        %add3A_330 = arith.constant 8 : i32
        %add3A_331 = arith.addi %mul3A_158, %add3A_330 : i32
        %get3A_332 = arith.index_cast %add3A_331 : i32 to index
        %get3A_333 = arith.constant 16 : index
        %get3A_334 = tpu.vector_load %arg11[%get3A_332, %get3A_333] {strides = array<i32>} : memref<1000x32xf32, #tpu.memory_space<vmem>>, vector<16xf32>,
        %add3A_335 = arith.addf %add3A_315, %get3A_329 : vector<16xf32>
        %add3A_336 = arith.addf %add3A_316, %get3A_334 : vector<16xf32>
        %mul3A_337 = arith.constant 3.937500e-01 : f32
        %mul3A_338 = vector.broadcast %mul3A_337 : f32 to vector<16xf32>
        %mul3A_339 = arith.mulf %get3A_329, %mul3A_338 : vector<16xf32>
        %add3A_340 = arith.addf %add3A_320, %mul3A_339 : vector<16xf32>
        %mul3A_341 = arith.constant 3.937500e-01 : f32
        %mul3A_342 = vector.broadcast %mul3A_341 : f32 to vector<16xf32>
        %mul3A_343 = arith.mulf %get3A_334, %mul3A_342 : vector<16xf32>
        %add3A_344 = arith.addf %add3A_324, %mul3A_343 : vector<16xf32>
        %add3A_345 = arith.constant 9 : i32
        %add3A_346 = arith.addi %mul3A_158, %add3A_345 : i32
        %get3A_347 = arith.index_cast %add3A_346 : i32 to index
        %get3A_348 = arith.constant 0 : index
        %get3A_349 = tpu.vector_load %arg11[%get3A_347, %get3A_348] {strides = array<i32>} : memref<1000x32xf32, #tpu.memory_space<vmem>>, vector<16xf32>,
        %add3A_350 = arith.constant 9 : i32
        %add3A_351 = arith.addi %mul3A_158, %add3A_350 : i32
        %get3A_352 = arith.index_cast %add3A_351 : i32 to index
        %get3A_353 = arith.constant 16 : index
        %get3A_354 = tpu.vector_load %arg11[%get3A_352, %get3A_353] {strides = array<i32>} : memref<1000x32xf32, #tpu.memory_space<vmem>>, vector<16xf32>,
        %add3A_355 = arith.addf %add3A_335, %get3A_349 : vector<16xf32>
        %add3A_356 = arith.addf %add3A_336, %get3A_354 : vector<16xf32>
        %mul3A_357 = arith.constant 4.468750e-01 : f32
        %mul3A_358 = vector.broadcast %mul3A_357 : f32 to vector<16xf32>
        %mul3A_359 = arith.mulf %get3A_349, %mul3A_358 : vector<16xf32>
        %add3A_360 = arith.addf %add3A_340, %mul3A_359 : vector<16xf32>
        %mul3A_361 = arith.constant 4.468750e-01 : f32
        %mul3A_362 = vector.broadcast %mul3A_361 : f32 to vector<16xf32>
        %mul3A_363 = arith.mulf %get3A_354, %mul3A_362 : vector<16xf32>
        %add3A_364 = arith.addf %add3A_344, %mul3A_363 : vector<16xf32>
        %add3A_365 = arith.constant 10 : i32
        %add3A_366 = arith.addi %mul3A_158, %add3A_365 : i32
        %get3A_367 = arith.index_cast %add3A_366 : i32 to index
        %get3A_368 = arith.constant 0 : index
        %get3A_369 = tpu.vector_load %arg11[%get3A_367, %get3A_368] {strides = array<i32>} : memref<1000x32xf32, #tpu.memory_space<vmem>>, vector<16xf32>,
        %add3A_370 = arith.constant 10 : i32
        %add3A_371 = arith.addi %mul3A_158, %add3A_370 : i32
        %get3A_372 = arith.index_cast %add3A_371 : i32 to index
        %get3A_373 = arith.constant 16 : index
        %get3A_374 = tpu.vector_load %arg11[%get3A_372, %get3A_373] {strides = array<i32>} : memref<1000x32xf32, #tpu.memory_space<vmem>>, vector<16xf32>,
        %add3A_375 = arith.addf %add3A_355, %get3A_369 : vector<16xf32>
        %add3A_376 = arith.addf %add3A_356, %get3A_374 : vector<16xf32>
        %mul3A_377 = arith.constant 5.000000e-01 : f32
        %mul3A_378 = vector.broadcast %mul3A_377 : f32 to vector<16xf32>
        %mul3A_379 = arith.mulf %get3A_369, %mul3A_378 : vector<16xf32>
        %add3A_380 = arith.addf %add3A_360, %mul3A_379 : vector<16xf32>
        %mul3A_381 = arith.constant 5.000000e-01 : f32
        %mul3A_382 = vector.broadcast %mul3A_381 : f32 to vector<16xf32>
        %mul3A_383 = arith.mulf %get3A_374, %mul3A_382 : vector<16xf32>
        %add3A_384 = arith.addf %add3A_364, %mul3A_383 : vector<16xf32>
        %add3A_385 = arith.constant 11 : i32
        %add3A_386 = arith.addi %mul3A_158, %add3A_385 : i32
        %get3A_387 = arith.index_cast %add3A_386 : i32 to index
        %get3A_388 = arith.constant 0 : index
        %get3A_389 = tpu.vector_load %arg11[%get3A_387, %get3A_388] {strides = array<i32>} : memref<1000x32xf32, #tpu.memory_space<vmem>>, vector<16xf32>,
        %add3A_390 = arith.constant 11 : i32
        %add3A_391 = arith.addi %mul3A_158, %add3A_390 : i32
        %get3A_392 = arith.index_cast %add3A_391 : i32 to index
        %get3A_393 = arith.constant 16 : index
        %get3A_394 = tpu.vector_load %arg11[%get3A_392, %get3A_393] {strides = array<i32>} : memref<1000x32xf32, #tpu.memory_space<vmem>>, vector<16xf32>,
        %add3A_395 = arith.addf %add3A_375, %get3A_389 : vector<16xf32>
        %add3A_396 = arith.addf %add3A_376, %get3A_394 : vector<16xf32>
        %mul3A_397 = arith.constant 5.531250e-01 : f32
        %mul3A_398 = vector.broadcast %mul3A_397 : f32 to vector<16xf32>
        %mul3A_399 = arith.mulf %get3A_389, %mul3A_398 : vector<16xf32>
        %add3A_400 = arith.addf %add3A_380, %mul3A_399 : vector<16xf32>
        %mul3A_401 = arith.constant 5.531250e-01 : f32
        %mul3A_402 = vector.broadcast %mul3A_401 : f32 to vector<16xf32>
        %mul3A_403 = arith.mulf %get3A_394, %mul3A_402 : vector<16xf32>
        %add3A_404 = arith.addf %add3A_384, %mul3A_403 : vector<16xf32>
        %add3A_405 = arith.constant 12 : i32
        %add3A_406 = arith.addi %mul3A_158, %add3A_405 : i32
        %get3A_407 = arith.index_cast %add3A_406 : i32 to index
        %get3A_408 = arith.constant 0 : index
        %get3A_409 = tpu.vector_load %arg11[%get3A_407, %get3A_408] {strides = array<i32>} : memref<1000x32xf32, #tpu.memory_space<vmem>>, vector<16xf32>,
        %add3A_410 = arith.constant 12 : i32
        %add3A_411 = arith.addi %mul3A_158, %add3A_410 : i32
        %get3A_412 = arith.index_cast %add3A_411 : i32 to index
        %get3A_413 = arith.constant 16 : index
        %get3A_414 = tpu.vector_load %arg11[%get3A_412, %get3A_413] {strides = array<i32>} : memref<1000x32xf32, #tpu.memory_space<vmem>>, vector<16xf32>,
        %add3A_415 = arith.addf %add3A_395, %get3A_409 : vector<16xf32>
        %add3A_416 = arith.addf %add3A_396, %get3A_414 : vector<16xf32>
        %mul3A_417 = arith.constant 0.606249988 : f32
        %mul3A_418 = vector.broadcast %mul3A_417 : f32 to vector<16xf32>
        %mul3A_419 = arith.mulf %get3A_409, %mul3A_418 : vector<16xf32>
        %add3A_420 = arith.addf %add3A_400, %mul3A_419 : vector<16xf32>
        %mul3A_421 = arith.constant 0.606249988 : f32
        %mul3A_422 = vector.broadcast %mul3A_421 : f32 to vector<16xf32>
        %mul3A_423 = arith.mulf %get3A_414, %mul3A_422 : vector<16xf32>
        %add3A_424 = arith.addf %add3A_404, %mul3A_423 : vector<16xf32>
        %add3A_425 = arith.constant 13 : i32
        %add3A_426 = arith.addi %mul3A_158, %add3A_425 : i32
        %get3A_427 = arith.index_cast %add3A_426 : i32 to index
        %get3A_428 = arith.constant 0 : index
        %get3A_429 = tpu.vector_load %arg11[%get3A_427, %get3A_428] {strides = array<i32>} : memref<1000x32xf32, #tpu.memory_space<vmem>>, vector<16xf32>,
        %add3A_430 = arith.constant 13 : i32
        %add3A_431 = arith.addi %mul3A_158, %add3A_430 : i32
        %get3A_432 = arith.index_cast %add3A_431 : i32 to index
        %get3A_433 = arith.constant 16 : index
        %get3A_434 = tpu.vector_load %arg11[%get3A_432, %get3A_433] {strides = array<i32>} : memref<1000x32xf32, #tpu.memory_space<vmem>>, vector<16xf32>,
        %add3A_435 = arith.addf %add3A_415, %get3A_429 : vector<16xf32>
        %add3A_436 = arith.addf %add3A_416, %get3A_434 : vector<16xf32>
        %mul3A_437 = arith.constant 6.593750e-01 : f32
        %mul3A_438 = vector.broadcast %mul3A_437 : f32 to vector<16xf32>
        %mul3A_439 = arith.mulf %get3A_429, %mul3A_438 : vector<16xf32>
        %add3A_440 = arith.addf %add3A_420, %mul3A_439 : vector<16xf32>
        %mul3A_441 = arith.constant 6.593750e-01 : f32
        %mul3A_442 = vector.broadcast %mul3A_441 : f32 to vector<16xf32>
        %mul3A_443 = arith.mulf %get3A_434, %mul3A_442 : vector<16xf32>
        %add3A_444 = arith.addf %add3A_424, %mul3A_443 : vector<16xf32>
        %add3A_445 = arith.constant 14 : i32
        %add3A_446 = arith.addi %mul3A_158, %add3A_445 : i32
        %get3A_447 = arith.index_cast %add3A_446 : i32 to index
        %get3A_448 = arith.constant 0 : index
        %get3A_449 = tpu.vector_load %arg11[%get3A_447, %get3A_448] {strides = array<i32>} : memref<1000x32xf32, #tpu.memory_space<vmem>>, vector<16xf32>,
        %add3A_450 = arith.constant 14 : i32
        %add3A_451 = arith.addi %mul3A_158, %add3A_450 : i32
        %get3A_452 = arith.index_cast %add3A_451 : i32 to index
        %get3A_453 = arith.constant 16 : index
        %get3A_454 = tpu.vector_load %arg11[%get3A_452, %get3A_453] {strides = array<i32>} : memref<1000x32xf32, #tpu.memory_space<vmem>>, vector<16xf32>,
        %add3A_455 = arith.addf %add3A_435, %get3A_449 : vector<16xf32>
        %add3A_456 = arith.addf %add3A_436, %get3A_454 : vector<16xf32>
        %mul3A_457 = arith.constant 7.125000e-01 : f32
        %mul3A_458 = vector.broadcast %mul3A_457 : f32 to vector<16xf32>
        %mul3A_459 = arith.mulf %get3A_449, %mul3A_458 : vector<16xf32>
        %add3A_460 = arith.addf %add3A_440, %mul3A_459 : vector<16xf32>
        %mul3A_461 = arith.constant 7.125000e-01 : f32
        %mul3A_462 = vector.broadcast %mul3A_461 : f32 to vector<16xf32>
        %mul3A_463 = arith.mulf %get3A_454, %mul3A_462 : vector<16xf32>
        %add3A_464 = arith.addf %add3A_444, %mul3A_463 : vector<16xf32>
        %add3A_465 = arith.constant 15 : i32
        %add3A_466 = arith.addi %mul3A_158, %add3A_465 : i32
        %get3A_467 = arith.index_cast %add3A_466 : i32 to index
        %get3A_468 = arith.constant 0 : index
        %get3A_469 = tpu.vector_load %arg11[%get3A_467, %get3A_468] {strides = array<i32>} : memref<1000x32xf32, #tpu.memory_space<vmem>>, vector<16xf32>,
        %add3A_470 = arith.constant 15 : i32
        %add3A_471 = arith.addi %mul3A_158, %add3A_470 : i32
        %get3A_472 = arith.index_cast %add3A_471 : i32 to index
        %get3A_473 = arith.constant 16 : index
        %get3A_474 = tpu.vector_load %arg11[%get3A_472, %get3A_473] {strides = array<i32>} : memref<1000x32xf32, #tpu.memory_space<vmem>>, vector<16xf32>,
        %add3A_475 = arith.addf %add3A_455, %get3A_469 : vector<16xf32>
        %add3A_476 = arith.addf %add3A_456, %get3A_474 : vector<16xf32>
        %mul3A_477 = arith.constant 7.656250e-01 : f32
        %mul3A_478 = vector.broadcast %mul3A_477 : f32 to vector<16xf32>
        %mul3A_479 = arith.mulf %get3A_469, %mul3A_478 : vector<16xf32>
        %add3A_480 = arith.addf %add3A_460, %mul3A_479 : vector<16xf32>
        %mul3A_481 = arith.constant 7.656250e-01 : f32
        %mul3A_482 = vector.broadcast %mul3A_481 : f32 to vector<16xf32>
        %mul3A_483 = arith.mulf %get3A_474, %mul3A_482 : vector<16xf32>
        %add3A_484 = arith.addf %add3A_464, %mul3A_483 : vector<16xf32>
        %add3A_485 = arith.constant 16 : i32
        %add3A_486 = arith.addi %mul3A_158, %add3A_485 : i32
        %get3A_487 = arith.index_cast %add3A_486 : i32 to index
        %get3A_488 = arith.constant 0 : index
        %get3A_489 = tpu.vector_load %arg11[%get3A_487, %get3A_488] {strides = array<i32>} : memref<1000x32xf32, #tpu.memory_space<vmem>>, vector<16xf32>,
        %add3A_490 = arith.constant 16 : i32
        %add3A_491 = arith.addi %mul3A_158, %add3A_490 : i32
        %get3A_492 = arith.index_cast %add3A_491 : i32 to index
        %get3A_493 = arith.constant 16 : index
        %get3A_494 = tpu.vector_load %arg11[%get3A_492, %get3A_493] {strides = array<i32>} : memref<1000x32xf32, #tpu.memory_space<vmem>>, vector<16xf32>,
        %add3A_495 = arith.addf %add3A_475, %get3A_489 : vector<16xf32>
        %add3A_496 = arith.addf %add3A_476, %get3A_494 : vector<16xf32>
        %mul3A_497 = arith.constant 8.187500e-01 : f32
        %mul3A_498 = vector.broadcast %mul3A_497 : f32 to vector<16xf32>
        %mul3A_499 = arith.mulf %get3A_489, %mul3A_498 : vector<16xf32>
        %add3A_500 = arith.addf %add3A_480, %mul3A_499 : vector<16xf32>
        %mul3A_501 = arith.constant 8.187500e-01 : f32
        %mul3A_502 = vector.broadcast %mul3A_501 : f32 to vector<16xf32>
        %mul3A_503 = arith.mulf %get3A_494, %mul3A_502 : vector<16xf32>
        %add3A_504 = arith.addf %add3A_484, %mul3A_503 : vector<16xf32>
        %add3A_505 = arith.constant 17 : i32
        %add3A_506 = arith.addi %mul3A_158, %add3A_505 : i32
        %get3A_507 = arith.index_cast %add3A_506 : i32 to index
        %get3A_508 = arith.constant 0 : index
        %get3A_509 = tpu.vector_load %arg11[%get3A_507, %get3A_508] {strides = array<i32>} : memref<1000x32xf32, #tpu.memory_space<vmem>>, vector<16xf32>,
        %add3A_510 = arith.constant 17 : i32
        %add3A_511 = arith.addi %mul3A_158, %add3A_510 : i32
        %get3A_512 = arith.index_cast %add3A_511 : i32 to index
        %get3A_513 = arith.constant 16 : index
        %get3A_514 = tpu.vector_load %arg11[%get3A_512, %get3A_513] {strides = array<i32>} : memref<1000x32xf32, #tpu.memory_space<vmem>>, vector<16xf32>,
        %add3A_515 = arith.addf %add3A_495, %get3A_509 : vector<16xf32>
        %add3A_516 = arith.addf %add3A_496, %get3A_514 : vector<16xf32>
        %mul3A_517 = arith.constant 0.871874988 : f32
        %mul3A_518 = vector.broadcast %mul3A_517 : f32 to vector<16xf32>
        %mul3A_519 = arith.mulf %get3A_509, %mul3A_518 : vector<16xf32>
        %add3A_520 = arith.addf %add3A_500, %mul3A_519 : vector<16xf32>
        %mul3A_521 = arith.constant 0.871874988 : f32
        %mul3A_522 = vector.broadcast %mul3A_521 : f32 to vector<16xf32>
        %mul3A_523 = arith.mulf %get3A_514, %mul3A_522 : vector<16xf32>
        %add3A_524 = arith.addf %add3A_504, %mul3A_523 : vector<16xf32>
        %add3A_525 = arith.constant 18 : i32
        %add3A_526 = arith.addi %mul3A_158, %add3A_525 : i32
        %get3A_527 = arith.index_cast %add3A_526 : i32 to index
        %get3A_528 = arith.constant 0 : index
        %get3A_529 = tpu.vector_load %arg11[%get3A_527, %get3A_528] {strides = array<i32>} : memref<1000x32xf32, #tpu.memory_space<vmem>>, vector<16xf32>,
        %add3A_530 = arith.constant 18 : i32
        %add3A_531 = arith.addi %mul3A_158, %add3A_530 : i32
        %get3A_532 = arith.index_cast %add3A_531 : i32 to index
        %get3A_533 = arith.constant 16 : index
        %get3A_534 = tpu.vector_load %arg11[%get3A_532, %get3A_533] {strides = array<i32>} : memref<1000x32xf32, #tpu.memory_space<vmem>>, vector<16xf32>,
        %add3A_535 = arith.addf %add3A_515, %get3A_529 : vector<16xf32>
        %add3A_536 = arith.addf %add3A_516, %get3A_534 : vector<16xf32>
        %mul3A_537 = arith.constant 9.250000e-01 : f32
        %mul3A_538 = vector.broadcast %mul3A_537 : f32 to vector<16xf32>
        %mul3A_539 = arith.mulf %get3A_529, %mul3A_538 : vector<16xf32>
        %add3A_540 = arith.addf %add3A_520, %mul3A_539 : vector<16xf32>
        %mul3A_541 = arith.constant 9.250000e-01 : f32
        %mul3A_542 = vector.broadcast %mul3A_541 : f32 to vector<16xf32>
        %mul3A_543 = arith.mulf %get3A_534, %mul3A_542 : vector<16xf32>
        %add3A_544 = arith.addf %add3A_524, %mul3A_543 : vector<16xf32>
        %add3A_545 = arith.constant 19 : i32
        %add3A_546 = arith.addi %mul3A_158, %add3A_545 : i32
        %get3A_547 = arith.index_cast %add3A_546 : i32 to index
        %get3A_548 = arith.constant 0 : index
        %get3A_549 = tpu.vector_load %arg11[%get3A_547, %get3A_548] {strides = array<i32>} : memref<1000x32xf32, #tpu.memory_space<vmem>>, vector<16xf32>,
        %add3A_550 = arith.constant 19 : i32
        %add3A_551 = arith.addi %mul3A_158, %add3A_550 : i32
        %get3A_552 = arith.index_cast %add3A_551 : i32 to index
        %get3A_553 = arith.constant 16 : index
        %get3A_554 = tpu.vector_load %arg11[%get3A_552, %get3A_553] {strides = array<i32>} : memref<1000x32xf32, #tpu.memory_space<vmem>>, vector<16xf32>,
        %add3A_555 = arith.addf %add3A_535, %get3A_549 : vector<16xf32>
        %add3A_556 = arith.addf %add3A_536, %get3A_554 : vector<16xf32>
        %mul3A_557 = arith.constant 0.978124976 : f32
        %mul3A_558 = vector.broadcast %mul3A_557 : f32 to vector<16xf32>
        %mul3A_559 = arith.mulf %get3A_549, %mul3A_558 : vector<16xf32>
        %add3A_560 = arith.addf %add3A_540, %mul3A_559 : vector<16xf32>
        %mul3A_561 = arith.constant 0.978124976 : f32
        %mul3A_562 = vector.broadcast %mul3A_561 : f32 to vector<16xf32>
        %mul3A_563 = arith.mulf %get3A_554, %mul3A_562 : vector<16xf32>
        %add3A_564 = arith.addf %add3A_544, %mul3A_563 : vector<16xf32>
        %swap3A = arith.index_cast %scan3A_155 : i32 to index
        %swap3A_565 = arith.constant 0 : index
        %swap3A_566 = tpu.vector_load %arg13[%swap3A, %swap3A_565] {strides = array<i32>} : memref<50x32xf32, #tpu.memory_space<vmem>>, vector<16xf32>,
        tpu.vector_store %arg13[%swap3A, %swap3A_565], %add3A_555 {strides = array<i32>} : memref<50x32xf32, #tpu.memory_space<vmem>>, vector<16xf32>,
        %swap3A_567 = arith.index_cast %scan3A_155 : i32 to index
        %swap3A_568 = arith.constant 16 : index
        %swap3A_569 = tpu.vector_load %arg13[%swap3A_567, %swap3A_568] {strides = array<i32>} : memref<50x32xf32, #tpu.memory_space<vmem>>, vector<16xf32>,
        tpu.vector_store %arg13[%swap3A_567, %swap3A_568], %add3A_556 {strides = array<i32>} : memref<50x32xf32, #tpu.memory_space<vmem>>, vector<16xf32>,
        %swap3A_570 = arith.index_cast %scan3A_155 : i32 to index
        %swap3A_571 = arith.constant 0 : index
        %swap3A_572 = tpu.vector_load %arg15[%swap3A_570, %swap3A_571] {strides = array<i32>} : memref<50x32xf32, #tpu.memory_space<vmem>>, vector<16xf32>,
        tpu.vector_store %arg15[%swap3A_570, %swap3A_571], %add3A_560 {strides = array<i32>} : memref<50x32xf32, #tpu.memory_space<vmem>>, vector<16xf32>,
        %swap3A_573 = arith.index_cast %scan3A_155 : i32 to index
        %swap3A_574 = arith.constant 16 : index
        %swap3A_575 = tpu.vector_load %arg15[%swap3A_573, %swap3A_574] {strides = array<i32>} : memref<50x32xf32, #tpu.memory_space<vmem>>, vector<16xf32>,
        tpu.vector_store %arg15[%swap3A_573, %swap3A_574], %add3A_564 {strides = array<i32>} : memref<50x32xf32, #tpu.memory_space<vmem>>, vector<16xf32>,
        %scan3A_576 = arith.constant 0 : i32
        scf.yield %scan3A_576 : i32
      }
      %scan3A_101 = arith.constant 50 : i32
      %mul3A_102 = arith.constant 1600 : i32
      %mul3A_103 = arith.muli %add3A, %mul3A_102 : i32
      %mul3A_104 = arith.constant 50 : i32
      %mul3A_105 = arith.muli %add3A_83, %mul3A_104 : i32
      %add3A_106 = arith.addi %mul3A_103, %mul3A_105 : i32
      %dma_start3A_107 = arith.constant 0 : i32
      %dma_start3A_108 = tpu.memref_slice %arg5[%add3A_106, %dma_start3A_107] : memref<51200x32xf32, #tpu.memory_space<hbm>> -> memref<50x32xf32, #tpu.memory_space<hbm>>
      %dma_start3A_109 = arith.constant 0 : i32
      %dma_start3A_110 = tpu.memref_slice %arg5[%add3A_106, %dma_start3A_109] : memref<51200x32xf32, #tpu.memory_space<hbm>> -> memref<50x32xf32, #tpu.memory_space<hbm>>
      tpu.enqueue_dma source(%arg13 : memref<50x32xf32, #tpu.memory_space<vmem>>) target(%dma_start3A_110 : memref<50x32xf32, #tpu.memory_space<hbm>>) target_semaphore(%arg20 : memref<!tpu.dma_semaphore, #tpu.memory_space<semaphore_mem>>)
      %dma_start3A_111 = arith.constant 0 : i32
      %dma_start3A_112 = tpu.memref_slice %arg6[%add3A_106, %dma_start3A_111] : memref<51200x32xf32, #tpu.memory_space<hbm>> -> memref<50x32xf32, #tpu.memory_space<hbm>>
      %dma_start3A_113 = arith.constant 0 : i32
      %dma_start3A_114 = tpu.memref_slice %arg6[%add3A_106, %dma_start3A_113] : memref<51200x32xf32, #tpu.memory_space<hbm>> -> memref<50x32xf32, #tpu.memory_space<hbm>>
      tpu.enqueue_dma source(%arg15 : memref<50x32xf32, #tpu.memory_space<vmem>>) target(%dma_start3A_114 : memref<50x32xf32, #tpu.memory_space<hbm>>) target_semaphore(%arg20 : memref<!tpu.dma_semaphore, #tpu.memory_space<semaphore_mem>>)
      %mul3A_115 = arith.constant 2 : i32
      %mul3A_116 = arith.muli %scan3A_78, %mul3A_115 : i32
      %add3A_117 = arith.constant 1 : i32
      %add3A_118 = arith.addi %mul3A_116, %add3A_117 : i32
      %add3A_119 = arith.constant 1 : i32
      %add3A_120 = arith.addi %add3A_118, %add3A_119 : i32
      %lt3A_121 = arith.constant 32 : i32
      %lt3A_122 = arith.cmpi slt, %add3A_120, %lt3A_121 : i32
      %convert_element_type3A_123 = arith.extui %lt3A_122 : i1 to i32
      %cond3A_124 = arith.constant 0 : i32
      %cond3A_125 = arith.cmpi ne, %convert_element_type3A_123, %cond3A_124 : i32
      scf.if %cond3A_125 {
        %add3A_155 = arith.constant 1 : i32
        %add3A_156 = arith.addi %add3A_118, %add3A_155 : i32
        %mul3A_157 = arith.constant 1600 : i32
        %mul3A_158 = arith.muli %add3A, %mul3A_157 : i32
        %mul3A_159 = arith.constant 50 : i32
        %mul3A_160 = arith.muli %add3A_156, %mul3A_159 : i32
        %add3A_161 = arith.addi %mul3A_158, %mul3A_160 : i32
        %mul3A_162 = arith.constant 20 : i32
        %mul3A_163 = arith.muli %add3A_161, %mul3A_162 : i32
        "tpu.region"() ({
          %run_scoped3A = tpu.sem_alloc : memref<!tpu.dma_semaphore, #tpu.memory_space<semaphore_mem>>
          %dma_start3A_167 = tpu.memref_slice %arg2[%mul3A_163] : memref<1024000xi32, #tpu.memory_space<hbm>> -> memref<1000xi32, #tpu.memory_space<hbm>>
          %dma_start3A_168 = tpu.memref_slice %arg2[%mul3A_163] : memref<1024000xi32, #tpu.memory_space<hbm>> -> memref<1000xi32, #tpu.memory_space<hbm>>
          tpu.enqueue_dma source(%dma_start3A_168 : memref<1000xi32, #tpu.memory_space<hbm>>) target(%arg9 : memref<1000xi32, #tpu.memory_space<vmem>>) target_semaphore(%run_scoped3A : memref<!tpu.dma_semaphore, #tpu.memory_space<semaphore_mem>>)
          %dma_wait3A_169 = tpu.memref_slice %arg2[%mul3A_163] : memref<1024000xi32, #tpu.memory_space<hbm>> -> memref<1000xi32, #tpu.memory_space<hbm>>
          %dma_wait3A_170 = tpu.memref_slice %arg2[%mul3A_163] : memref<1024000xi32, #tpu.memory_space<hbm>> -> memref<1000xi32, #tpu.memory_space<hbm>>
          tpu.wait_dma2 semaphore(%run_scoped3A : memref<!tpu.dma_semaphore, #tpu.memory_space<semaphore_mem>>) src(%dma_wait3A_170 : memref<1000xi32, #tpu.memory_space<hbm>>) dst(%arg9 : memref<1000xi32, #tpu.memory_space<vmem>>)
          tpu.yield
        }) : () -> ()
        %dma_start3A_164 = arith.constant 0 : i32
        %dma_start3A_165 = arith.constant 0 : i32
        %dma_start3A_166 = tpu.memref_slice %arg3[%dma_start3A_164, %dma_start3A_165] : memref<100000x32xf32, #tpu.memory_space<hbm>> -> memref<100000x32xf32, #tpu.memory_space<hbm>>
        tpu.enqueue_indirect_dma source(%dma_start3A_166 : memref<100000x32xf32, #tpu.memory_space<hbm>>) target(%arg11 : memref<1000x32xf32, #tpu.memory_space<vmem>>) offsets(%arg9 : memref<1000xi32, #tpu.memory_space<vmem>>) semaphore(%arg18 : memref<!tpu.dma_semaphore, #tpu.memory_space<semaphore_mem>>)
      } else {
      }
      %dma_wait3A_126 = arith.constant 0 : i32
      %dma_wait3A_127 = arith.constant 0 : i32
      %dma_wait3A_128 = tpu.memref_slice %arg3[%dma_wait3A_126, %dma_wait3A_127] : memref<100000x32xf32, #tpu.memory_space<hbm>> -> memref<100000x32xf32, #tpu.memory_space<hbm>>
      tpu.wait_indirect_dma semaphore(%arg19 : memref<!tpu.dma_semaphore, #tpu.memory_space<semaphore_mem>>) src(%dma_wait3A_128 : memref<100000x32xf32, #tpu.memory_space<hbm>>) dst(%arg12 : memref<1000x32xf32, #tpu.memory_space<vmem>>)
      %ge3A_129 = arith.constant 2 : i32
      %ge3A_130 = arith.cmpi sge, %add3A_118, %ge3A_129 : i32
      %convert_element_type3A_131 = arith.extui %ge3A_130 : i1 to i32
      %cond3A_132 = arith.constant 0 : i32
      %cond3A_133 = arith.cmpi ne, %convert_element_type3A_131, %cond3A_132 : i32
      scf.if %cond3A_133 {
        %dma_wait3A_155 = arith.constant 0 : i32
        %dma_wait3A_156 = arith.constant 0 : i32
        %dma_wait3A_157 = tpu.memref_slice %arg5[%dma_wait3A_155, %dma_wait3A_156] : memref<51200x32xf32, #tpu.memory_space<hbm>> -> memref<50x32xf32, #tpu.memory_space<hbm>>
        %dma_wait3A_158 = arith.constant 0 : i32
        %dma_wait3A_159 = arith.constant 0 : i32
        %dma_wait3A_160 = tpu.memref_slice %arg5[%dma_wait3A_158, %dma_wait3A_159] : memref<51200x32xf32, #tpu.memory_space<hbm>> -> memref<50x32xf32, #tpu.memory_space<hbm>>
        tpu.wait_dma2 semaphore(%arg21 : memref<!tpu.dma_semaphore, #tpu.memory_space<semaphore_mem>>) src(%arg14 : memref<50x32xf32, #tpu.memory_space<vmem>>) dst(%dma_wait3A_160 : memref<50x32xf32, #tpu.memory_space<hbm>>)
        %dma_wait3A_161 = arith.constant 0 : i32
        %dma_wait3A_162 = arith.constant 0 : i32
        %dma_wait3A_163 = tpu.memref_slice %arg6[%dma_wait3A_161, %dma_wait3A_162] : memref<51200x32xf32, #tpu.memory_space<hbm>> -> memref<50x32xf32, #tpu.memory_space<hbm>>
        %dma_wait3A_164 = arith.constant 0 : i32
        %dma_wait3A_165 = arith.constant 0 : i32
        %dma_wait3A_166 = tpu.memref_slice %arg6[%dma_wait3A_164, %dma_wait3A_165] : memref<51200x32xf32, #tpu.memory_space<hbm>> -> memref<50x32xf32, #tpu.memory_space<hbm>>
        tpu.wait_dma2 semaphore(%arg21 : memref<!tpu.dma_semaphore, #tpu.memory_space<semaphore_mem>>) src(%arg16 : memref<50x32xf32, #tpu.memory_space<vmem>>) dst(%dma_wait3A_166 : memref<50x32xf32, #tpu.memory_space<hbm>>)
      } else {
      }
      %scan3A_134 = arith.constant 0 : i32
      %scan3A_135 = arith.constant 0 : i32
      %scan3A_136 = arith.constant 50 : i32
      %scan3A_137 = arith.addi %scan3A_135, %scan3A_136 : i32
      %scan3A_138 = arith.constant 1 : i32
      %scan3A_139 = scf.for %scan3A_155 = %scan3A_135 to %scan3A_137 step %scan3A_138 iter_args(%scan3A_156 = %scan3A_134) -> (i32)  : i32 {
        %mul3A_157 = arith.constant 20 : i32
        %mul3A_158 = arith.muli %scan3A_155, %mul3A_157 : i32
        %broadcast_in_dim3A = arith.constant 0.000000e+00 : f32
        %broadcast_in_dim3A_159 = vector.broadcast %broadcast_in_dim3A : f32 to vector<16xf32>
        %broadcast_in_dim3A_160 = arith.constant 0.000000e+00 : f32
        %broadcast_in_dim3A_161 = vector.broadcast %broadcast_in_dim3A_160 : f32 to vector<16xf32>
        %broadcast_in_dim3A_162 = arith.constant 0.000000e+00 : f32
        %broadcast_in_dim3A_163 = vector.broadcast %broadcast_in_dim3A_162 : f32 to vector<16xf32>
        %broadcast_in_dim3A_164 = arith.constant 0.000000e+00 : f32
        %broadcast_in_dim3A_165 = vector.broadcast %broadcast_in_dim3A_164 : f32 to vector<16xf32>
        %add3A_166 = arith.constant 0 : i32
        %add3A_167 = arith.addi %mul3A_158, %add3A_166 : i32
        %get3A = arith.index_cast %add3A_167 : i32 to index
        %get3A_168 = arith.constant 0 : index
        %get3A_169 = tpu.vector_load %arg12[%get3A, %get3A_168] {strides = array<i32>} : memref<1000x32xf32, #tpu.memory_space<vmem>>, vector<16xf32>,
        %add3A_170 = arith.constant 0 : i32
        %add3A_171 = arith.addi %mul3A_158, %add3A_170 : i32
        %get3A_172 = arith.index_cast %add3A_171 : i32 to index
        %get3A_173 = arith.constant 16 : index
        %get3A_174 = tpu.vector_load %arg12[%get3A_172, %get3A_173] {strides = array<i32>} : memref<1000x32xf32, #tpu.memory_space<vmem>>, vector<16xf32>,
        %add3A_175 = arith.addf %broadcast_in_dim3A_159, %get3A_169 : vector<16xf32>
        %add3A_176 = arith.addf %broadcast_in_dim3A_161, %get3A_174 : vector<16xf32>
        %mul3A_177 = arith.constant -3.125000e-02 : f32
        %mul3A_178 = vector.broadcast %mul3A_177 : f32 to vector<16xf32>
        %mul3A_179 = arith.mulf %get3A_169, %mul3A_178 : vector<16xf32>
        %add3A_180 = arith.addf %broadcast_in_dim3A_163, %mul3A_179 : vector<16xf32>
        %mul3A_181 = arith.constant -3.125000e-02 : f32
        %mul3A_182 = vector.broadcast %mul3A_181 : f32 to vector<16xf32>
        %mul3A_183 = arith.mulf %get3A_174, %mul3A_182 : vector<16xf32>
        %add3A_184 = arith.addf %broadcast_in_dim3A_165, %mul3A_183 : vector<16xf32>
        %add3A_185 = arith.constant 1 : i32
        %add3A_186 = arith.addi %mul3A_158, %add3A_185 : i32
        %get3A_187 = arith.index_cast %add3A_186 : i32 to index
        %get3A_188 = arith.constant 0 : index
        %get3A_189 = tpu.vector_load %arg12[%get3A_187, %get3A_188] {strides = array<i32>} : memref<1000x32xf32, #tpu.memory_space<vmem>>, vector<16xf32>,
        %add3A_190 = arith.constant 1 : i32
        %add3A_191 = arith.addi %mul3A_158, %add3A_190 : i32
        %get3A_192 = arith.index_cast %add3A_191 : i32 to index
        %get3A_193 = arith.constant 16 : index
        %get3A_194 = tpu.vector_load %arg12[%get3A_192, %get3A_193] {strides = array<i32>} : memref<1000x32xf32, #tpu.memory_space<vmem>>, vector<16xf32>,
        %add3A_195 = arith.addf %add3A_175, %get3A_189 : vector<16xf32>
        %add3A_196 = arith.addf %add3A_176, %get3A_194 : vector<16xf32>
        %mul3A_197 = arith.constant 2.187500e-02 : f32
        %mul3A_198 = vector.broadcast %mul3A_197 : f32 to vector<16xf32>
        %mul3A_199 = arith.mulf %get3A_189, %mul3A_198 : vector<16xf32>
        %add3A_200 = arith.addf %add3A_180, %mul3A_199 : vector<16xf32>
        %mul3A_201 = arith.constant 2.187500e-02 : f32
        %mul3A_202 = vector.broadcast %mul3A_201 : f32 to vector<16xf32>
        %mul3A_203 = arith.mulf %get3A_194, %mul3A_202 : vector<16xf32>
        %add3A_204 = arith.addf %add3A_184, %mul3A_203 : vector<16xf32>
        %add3A_205 = arith.constant 2 : i32
        %add3A_206 = arith.addi %mul3A_158, %add3A_205 : i32
        %get3A_207 = arith.index_cast %add3A_206 : i32 to index
        %get3A_208 = arith.constant 0 : index
        %get3A_209 = tpu.vector_load %arg12[%get3A_207, %get3A_208] {strides = array<i32>} : memref<1000x32xf32, #tpu.memory_space<vmem>>, vector<16xf32>,
        %add3A_210 = arith.constant 2 : i32
        %add3A_211 = arith.addi %mul3A_158, %add3A_210 : i32
        %get3A_212 = arith.index_cast %add3A_211 : i32 to index
        %get3A_213 = arith.constant 16 : index
        %get3A_214 = tpu.vector_load %arg12[%get3A_212, %get3A_213] {strides = array<i32>} : memref<1000x32xf32, #tpu.memory_space<vmem>>, vector<16xf32>,
        %add3A_215 = arith.addf %add3A_195, %get3A_209 : vector<16xf32>
        %add3A_216 = arith.addf %add3A_196, %get3A_214 : vector<16xf32>
        %mul3A_217 = arith.constant 7.500000e-02 : f32
        %mul3A_218 = vector.broadcast %mul3A_217 : f32 to vector<16xf32>
        %mul3A_219 = arith.mulf %get3A_209, %mul3A_218 : vector<16xf32>
        %add3A_220 = arith.addf %add3A_200, %mul3A_219 : vector<16xf32>
        %mul3A_221 = arith.constant 7.500000e-02 : f32
        %mul3A_222 = vector.broadcast %mul3A_221 : f32 to vector<16xf32>
        %mul3A_223 = arith.mulf %get3A_214, %mul3A_222 : vector<16xf32>
        %add3A_224 = arith.addf %add3A_204, %mul3A_223 : vector<16xf32>
        %add3A_225 = arith.constant 3 : i32
        %add3A_226 = arith.addi %mul3A_158, %add3A_225 : i32
        %get3A_227 = arith.index_cast %add3A_226 : i32 to index
        %get3A_228 = arith.constant 0 : index
        %get3A_229 = tpu.vector_load %arg12[%get3A_227, %get3A_228] {strides = array<i32>} : memref<1000x32xf32, #tpu.memory_space<vmem>>, vector<16xf32>,
        %add3A_230 = arith.constant 3 : i32
        %add3A_231 = arith.addi %mul3A_158, %add3A_230 : i32
        %get3A_232 = arith.index_cast %add3A_231 : i32 to index
        %get3A_233 = arith.constant 16 : index
        %get3A_234 = tpu.vector_load %arg12[%get3A_232, %get3A_233] {strides = array<i32>} : memref<1000x32xf32, #tpu.memory_space<vmem>>, vector<16xf32>,
        %add3A_235 = arith.addf %add3A_215, %get3A_229 : vector<16xf32>
        %add3A_236 = arith.addf %add3A_216, %get3A_234 : vector<16xf32>
        %mul3A_237 = arith.constant 1.281250e-01 : f32
        %mul3A_238 = vector.broadcast %mul3A_237 : f32 to vector<16xf32>
        %mul3A_239 = arith.mulf %get3A_229, %mul3A_238 : vector<16xf32>
        %add3A_240 = arith.addf %add3A_220, %mul3A_239 : vector<16xf32>
        %mul3A_241 = arith.constant 1.281250e-01 : f32
        %mul3A_242 = vector.broadcast %mul3A_241 : f32 to vector<16xf32>
        %mul3A_243 = arith.mulf %get3A_234, %mul3A_242 : vector<16xf32>
        %add3A_244 = arith.addf %add3A_224, %mul3A_243 : vector<16xf32>
        %add3A_245 = arith.constant 4 : i32
        %add3A_246 = arith.addi %mul3A_158, %add3A_245 : i32
        %get3A_247 = arith.index_cast %add3A_246 : i32 to index
        %get3A_248 = arith.constant 0 : index
        %get3A_249 = tpu.vector_load %arg12[%get3A_247, %get3A_248] {strides = array<i32>} : memref<1000x32xf32, #tpu.memory_space<vmem>>, vector<16xf32>,
        %add3A_250 = arith.constant 4 : i32
        %add3A_251 = arith.addi %mul3A_158, %add3A_250 : i32
        %get3A_252 = arith.index_cast %add3A_251 : i32 to index
        %get3A_253 = arith.constant 16 : index
        %get3A_254 = tpu.vector_load %arg12[%get3A_252, %get3A_253] {strides = array<i32>} : memref<1000x32xf32, #tpu.memory_space<vmem>>, vector<16xf32>,
        %add3A_255 = arith.addf %add3A_235, %get3A_249 : vector<16xf32>
        %add3A_256 = arith.addf %add3A_236, %get3A_254 : vector<16xf32>
        %mul3A_257 = arith.constant 1.812500e-01 : f32
        %mul3A_258 = vector.broadcast %mul3A_257 : f32 to vector<16xf32>
        %mul3A_259 = arith.mulf %get3A_249, %mul3A_258 : vector<16xf32>
        %add3A_260 = arith.addf %add3A_240, %mul3A_259 : vector<16xf32>
        %mul3A_261 = arith.constant 1.812500e-01 : f32
        %mul3A_262 = vector.broadcast %mul3A_261 : f32 to vector<16xf32>
        %mul3A_263 = arith.mulf %get3A_254, %mul3A_262 : vector<16xf32>
        %add3A_264 = arith.addf %add3A_244, %mul3A_263 : vector<16xf32>
        %add3A_265 = arith.constant 5 : i32
        %add3A_266 = arith.addi %mul3A_158, %add3A_265 : i32
        %get3A_267 = arith.index_cast %add3A_266 : i32 to index
        %get3A_268 = arith.constant 0 : index
        %get3A_269 = tpu.vector_load %arg12[%get3A_267, %get3A_268] {strides = array<i32>} : memref<1000x32xf32, #tpu.memory_space<vmem>>, vector<16xf32>,
        %add3A_270 = arith.constant 5 : i32
        %add3A_271 = arith.addi %mul3A_158, %add3A_270 : i32
        %get3A_272 = arith.index_cast %add3A_271 : i32 to index
        %get3A_273 = arith.constant 16 : index
        %get3A_274 = tpu.vector_load %arg12[%get3A_272, %get3A_273] {strides = array<i32>} : memref<1000x32xf32, #tpu.memory_space<vmem>>, vector<16xf32>,
        %add3A_275 = arith.addf %add3A_255, %get3A_269 : vector<16xf32>
        %add3A_276 = arith.addf %add3A_256, %get3A_274 : vector<16xf32>
        %mul3A_277 = arith.constant 2.343750e-01 : f32
        %mul3A_278 = vector.broadcast %mul3A_277 : f32 to vector<16xf32>
        %mul3A_279 = arith.mulf %get3A_269, %mul3A_278 : vector<16xf32>
        %add3A_280 = arith.addf %add3A_260, %mul3A_279 : vector<16xf32>
        %mul3A_281 = arith.constant 2.343750e-01 : f32
        %mul3A_282 = vector.broadcast %mul3A_281 : f32 to vector<16xf32>
        %mul3A_283 = arith.mulf %get3A_274, %mul3A_282 : vector<16xf32>
        %add3A_284 = arith.addf %add3A_264, %mul3A_283 : vector<16xf32>
        %add3A_285 = arith.constant 6 : i32
        %add3A_286 = arith.addi %mul3A_158, %add3A_285 : i32
        %get3A_287 = arith.index_cast %add3A_286 : i32 to index
        %get3A_288 = arith.constant 0 : index
        %get3A_289 = tpu.vector_load %arg12[%get3A_287, %get3A_288] {strides = array<i32>} : memref<1000x32xf32, #tpu.memory_space<vmem>>, vector<16xf32>,
        %add3A_290 = arith.constant 6 : i32
        %add3A_291 = arith.addi %mul3A_158, %add3A_290 : i32
        %get3A_292 = arith.index_cast %add3A_291 : i32 to index
        %get3A_293 = arith.constant 16 : index
        %get3A_294 = tpu.vector_load %arg12[%get3A_292, %get3A_293] {strides = array<i32>} : memref<1000x32xf32, #tpu.memory_space<vmem>>, vector<16xf32>,
        %add3A_295 = arith.addf %add3A_275, %get3A_289 : vector<16xf32>
        %add3A_296 = arith.addf %add3A_276, %get3A_294 : vector<16xf32>
        %mul3A_297 = arith.constant 2.875000e-01 : f32
        %mul3A_298 = vector.broadcast %mul3A_297 : f32 to vector<16xf32>
        %mul3A_299 = arith.mulf %get3A_289, %mul3A_298 : vector<16xf32>
        %add3A_300 = arith.addf %add3A_280, %mul3A_299 : vector<16xf32>
        %mul3A_301 = arith.constant 2.875000e-01 : f32
        %mul3A_302 = vector.broadcast %mul3A_301 : f32 to vector<16xf32>
        %mul3A_303 = arith.mulf %get3A_294, %mul3A_302 : vector<16xf32>
        %add3A_304 = arith.addf %add3A_284, %mul3A_303 : vector<16xf32>
        %add3A_305 = arith.constant 7 : i32
        %add3A_306 = arith.addi %mul3A_158, %add3A_305 : i32
        %get3A_307 = arith.index_cast %add3A_306 : i32 to index
        %get3A_308 = arith.constant 0 : index
        %get3A_309 = tpu.vector_load %arg12[%get3A_307, %get3A_308] {strides = array<i32>} : memref<1000x32xf32, #tpu.memory_space<vmem>>, vector<16xf32>,
        %add3A_310 = arith.constant 7 : i32
        %add3A_311 = arith.addi %mul3A_158, %add3A_310 : i32
        %get3A_312 = arith.index_cast %add3A_311 : i32 to index
        %get3A_313 = arith.constant 16 : index
        %get3A_314 = tpu.vector_load %arg12[%get3A_312, %get3A_313] {strides = array<i32>} : memref<1000x32xf32, #tpu.memory_space<vmem>>, vector<16xf32>,
        %add3A_315 = arith.addf %add3A_295, %get3A_309 : vector<16xf32>
        %add3A_316 = arith.addf %add3A_296, %get3A_314 : vector<16xf32>
        %mul3A_317 = arith.constant 3.406250e-01 : f32
        %mul3A_318 = vector.broadcast %mul3A_317 : f32 to vector<16xf32>
        %mul3A_319 = arith.mulf %get3A_309, %mul3A_318 : vector<16xf32>
        %add3A_320 = arith.addf %add3A_300, %mul3A_319 : vector<16xf32>
        %mul3A_321 = arith.constant 3.406250e-01 : f32
        %mul3A_322 = vector.broadcast %mul3A_321 : f32 to vector<16xf32>
        %mul3A_323 = arith.mulf %get3A_314, %mul3A_322 : vector<16xf32>
        %add3A_324 = arith.addf %add3A_304, %mul3A_323 : vector<16xf32>
        %add3A_325 = arith.constant 8 : i32
        %add3A_326 = arith.addi %mul3A_158, %add3A_325 : i32
        %get3A_327 = arith.index_cast %add3A_326 : i32 to index
        %get3A_328 = arith.constant 0 : index
        %get3A_329 = tpu.vector_load %arg12[%get3A_327, %get3A_328] {strides = array<i32>} : memref<1000x32xf32, #tpu.memory_space<vmem>>, vector<16xf32>,
        %add3A_330 = arith.constant 8 : i32
        %add3A_331 = arith.addi %mul3A_158, %add3A_330 : i32
        %get3A_332 = arith.index_cast %add3A_331 : i32 to index
        %get3A_333 = arith.constant 16 : index
        %get3A_334 = tpu.vector_load %arg12[%get3A_332, %get3A_333] {strides = array<i32>} : memref<1000x32xf32, #tpu.memory_space<vmem>>, vector<16xf32>,
        %add3A_335 = arith.addf %add3A_315, %get3A_329 : vector<16xf32>
        %add3A_336 = arith.addf %add3A_316, %get3A_334 : vector<16xf32>
        %mul3A_337 = arith.constant 3.937500e-01 : f32
        %mul3A_338 = vector.broadcast %mul3A_337 : f32 to vector<16xf32>
        %mul3A_339 = arith.mulf %get3A_329, %mul3A_338 : vector<16xf32>
        %add3A_340 = arith.addf %add3A_320, %mul3A_339 : vector<16xf32>
        %mul3A_341 = arith.constant 3.937500e-01 : f32
        %mul3A_342 = vector.broadcast %mul3A_341 : f32 to vector<16xf32>
        %mul3A_343 = arith.mulf %get3A_334, %mul3A_342 : vector<16xf32>
        %add3A_344 = arith.addf %add3A_324, %mul3A_343 : vector<16xf32>
        %add3A_345 = arith.constant 9 : i32
        %add3A_346 = arith.addi %mul3A_158, %add3A_345 : i32
        %get3A_347 = arith.index_cast %add3A_346 : i32 to index
        %get3A_348 = arith.constant 0 : index
        %get3A_349 = tpu.vector_load %arg12[%get3A_347, %get3A_348] {strides = array<i32>} : memref<1000x32xf32, #tpu.memory_space<vmem>>, vector<16xf32>,
        %add3A_350 = arith.constant 9 : i32
        %add3A_351 = arith.addi %mul3A_158, %add3A_350 : i32
        %get3A_352 = arith.index_cast %add3A_351 : i32 to index
        %get3A_353 = arith.constant 16 : index
        %get3A_354 = tpu.vector_load %arg12[%get3A_352, %get3A_353] {strides = array<i32>} : memref<1000x32xf32, #tpu.memory_space<vmem>>, vector<16xf32>,
        %add3A_355 = arith.addf %add3A_335, %get3A_349 : vector<16xf32>
        %add3A_356 = arith.addf %add3A_336, %get3A_354 : vector<16xf32>
        %mul3A_357 = arith.constant 4.468750e-01 : f32
        %mul3A_358 = vector.broadcast %mul3A_357 : f32 to vector<16xf32>
        %mul3A_359 = arith.mulf %get3A_349, %mul3A_358 : vector<16xf32>
        %add3A_360 = arith.addf %add3A_340, %mul3A_359 : vector<16xf32>
        %mul3A_361 = arith.constant 4.468750e-01 : f32
        %mul3A_362 = vector.broadcast %mul3A_361 : f32 to vector<16xf32>
        %mul3A_363 = arith.mulf %get3A_354, %mul3A_362 : vector<16xf32>
        %add3A_364 = arith.addf %add3A_344, %mul3A_363 : vector<16xf32>
        %add3A_365 = arith.constant 10 : i32
        %add3A_366 = arith.addi %mul3A_158, %add3A_365 : i32
        %get3A_367 = arith.index_cast %add3A_366 : i32 to index
        %get3A_368 = arith.constant 0 : index
        %get3A_369 = tpu.vector_load %arg12[%get3A_367, %get3A_368] {strides = array<i32>} : memref<1000x32xf32, #tpu.memory_space<vmem>>, vector<16xf32>,
        %add3A_370 = arith.constant 10 : i32
        %add3A_371 = arith.addi %mul3A_158, %add3A_370 : i32
        %get3A_372 = arith.index_cast %add3A_371 : i32 to index
        %get3A_373 = arith.constant 16 : index
        %get3A_374 = tpu.vector_load %arg12[%get3A_372, %get3A_373] {strides = array<i32>} : memref<1000x32xf32, #tpu.memory_space<vmem>>, vector<16xf32>,
        %add3A_375 = arith.addf %add3A_355, %get3A_369 : vector<16xf32>
        %add3A_376 = arith.addf %add3A_356, %get3A_374 : vector<16xf32>
        %mul3A_377 = arith.constant 5.000000e-01 : f32
        %mul3A_378 = vector.broadcast %mul3A_377 : f32 to vector<16xf32>
        %mul3A_379 = arith.mulf %get3A_369, %mul3A_378 : vector<16xf32>
        %add3A_380 = arith.addf %add3A_360, %mul3A_379 : vector<16xf32>
        %mul3A_381 = arith.constant 5.000000e-01 : f32
        %mul3A_382 = vector.broadcast %mul3A_381 : f32 to vector<16xf32>
        %mul3A_383 = arith.mulf %get3A_374, %mul3A_382 : vector<16xf32>
        %add3A_384 = arith.addf %add3A_364, %mul3A_383 : vector<16xf32>
        %add3A_385 = arith.constant 11 : i32
        %add3A_386 = arith.addi %mul3A_158, %add3A_385 : i32
        %get3A_387 = arith.index_cast %add3A_386 : i32 to index
        %get3A_388 = arith.constant 0 : index
        %get3A_389 = tpu.vector_load %arg12[%get3A_387, %get3A_388] {strides = array<i32>} : memref<1000x32xf32, #tpu.memory_space<vmem>>, vector<16xf32>,
        %add3A_390 = arith.constant 11 : i32
        %add3A_391 = arith.addi %mul3A_158, %add3A_390 : i32
        %get3A_392 = arith.index_cast %add3A_391 : i32 to index
        %get3A_393 = arith.constant 16 : index
        %get3A_394 = tpu.vector_load %arg12[%get3A_392, %get3A_393] {strides = array<i32>} : memref<1000x32xf32, #tpu.memory_space<vmem>>, vector<16xf32>,
        %add3A_395 = arith.addf %add3A_375, %get3A_389 : vector<16xf32>
        %add3A_396 = arith.addf %add3A_376, %get3A_394 : vector<16xf32>
        %mul3A_397 = arith.constant 5.531250e-01 : f32
        %mul3A_398 = vector.broadcast %mul3A_397 : f32 to vector<16xf32>
        %mul3A_399 = arith.mulf %get3A_389, %mul3A_398 : vector<16xf32>
        %add3A_400 = arith.addf %add3A_380, %mul3A_399 : vector<16xf32>
        %mul3A_401 = arith.constant 5.531250e-01 : f32
        %mul3A_402 = vector.broadcast %mul3A_401 : f32 to vector<16xf32>
        %mul3A_403 = arith.mulf %get3A_394, %mul3A_402 : vector<16xf32>
        %add3A_404 = arith.addf %add3A_384, %mul3A_403 : vector<16xf32>
        %add3A_405 = arith.constant 12 : i32
        %add3A_406 = arith.addi %mul3A_158, %add3A_405 : i32
        %get3A_407 = arith.index_cast %add3A_406 : i32 to index
        %get3A_408 = arith.constant 0 : index
        %get3A_409 = tpu.vector_load %arg12[%get3A_407, %get3A_408] {strides = array<i32>} : memref<1000x32xf32, #tpu.memory_space<vmem>>, vector<16xf32>,
        %add3A_410 = arith.constant 12 : i32
        %add3A_411 = arith.addi %mul3A_158, %add3A_410 : i32
        %get3A_412 = arith.index_cast %add3A_411 : i32 to index
        %get3A_413 = arith.constant 16 : index
        %get3A_414 = tpu.vector_load %arg12[%get3A_412, %get3A_413] {strides = array<i32>} : memref<1000x32xf32, #tpu.memory_space<vmem>>, vector<16xf32>,
        %add3A_415 = arith.addf %add3A_395, %get3A_409 : vector<16xf32>
        %add3A_416 = arith.addf %add3A_396, %get3A_414 : vector<16xf32>
        %mul3A_417 = arith.constant 0.606249988 : f32
        %mul3A_418 = vector.broadcast %mul3A_417 : f32 to vector<16xf32>
        %mul3A_419 = arith.mulf %get3A_409, %mul3A_418 : vector<16xf32>
        %add3A_420 = arith.addf %add3A_400, %mul3A_419 : vector<16xf32>
        %mul3A_421 = arith.constant 0.606249988 : f32
        %mul3A_422 = vector.broadcast %mul3A_421 : f32 to vector<16xf32>
        %mul3A_423 = arith.mulf %get3A_414, %mul3A_422 : vector<16xf32>
        %add3A_424 = arith.addf %add3A_404, %mul3A_423 : vector<16xf32>
        %add3A_425 = arith.constant 13 : i32
        %add3A_426 = arith.addi %mul3A_158, %add3A_425 : i32
        %get3A_427 = arith.index_cast %add3A_426 : i32 to index
        %get3A_428 = arith.constant 0 : index
        %get3A_429 = tpu.vector_load %arg12[%get3A_427, %get3A_428] {strides = array<i32>} : memref<1000x32xf32, #tpu.memory_space<vmem>>, vector<16xf32>,
        %add3A_430 = arith.constant 13 : i32
        %add3A_431 = arith.addi %mul3A_158, %add3A_430 : i32
        %get3A_432 = arith.index_cast %add3A_431 : i32 to index
        %get3A_433 = arith.constant 16 : index
        %get3A_434 = tpu.vector_load %arg12[%get3A_432, %get3A_433] {strides = array<i32>} : memref<1000x32xf32, #tpu.memory_space<vmem>>, vector<16xf32>,
        %add3A_435 = arith.addf %add3A_415, %get3A_429 : vector<16xf32>
        %add3A_436 = arith.addf %add3A_416, %get3A_434 : vector<16xf32>
        %mul3A_437 = arith.constant 6.593750e-01 : f32
        %mul3A_438 = vector.broadcast %mul3A_437 : f32 to vector<16xf32>
        %mul3A_439 = arith.mulf %get3A_429, %mul3A_438 : vector<16xf32>
        %add3A_440 = arith.addf %add3A_420, %mul3A_439 : vector<16xf32>
        %mul3A_441 = arith.constant 6.593750e-01 : f32
        %mul3A_442 = vector.broadcast %mul3A_441 : f32 to vector<16xf32>
        %mul3A_443 = arith.mulf %get3A_434, %mul3A_442 : vector<16xf32>
        %add3A_444 = arith.addf %add3A_424, %mul3A_443 : vector<16xf32>
        %add3A_445 = arith.constant 14 : i32
        %add3A_446 = arith.addi %mul3A_158, %add3A_445 : i32
        %get3A_447 = arith.index_cast %add3A_446 : i32 to index
        %get3A_448 = arith.constant 0 : index
        %get3A_449 = tpu.vector_load %arg12[%get3A_447, %get3A_448] {strides = array<i32>} : memref<1000x32xf32, #tpu.memory_space<vmem>>, vector<16xf32>,
        %add3A_450 = arith.constant 14 : i32
        %add3A_451 = arith.addi %mul3A_158, %add3A_450 : i32
        %get3A_452 = arith.index_cast %add3A_451 : i32 to index
        %get3A_453 = arith.constant 16 : index
        %get3A_454 = tpu.vector_load %arg12[%get3A_452, %get3A_453] {strides = array<i32>} : memref<1000x32xf32, #tpu.memory_space<vmem>>, vector<16xf32>,
        %add3A_455 = arith.addf %add3A_435, %get3A_449 : vector<16xf32>
        %add3A_456 = arith.addf %add3A_436, %get3A_454 : vector<16xf32>
        %mul3A_457 = arith.constant 7.125000e-01 : f32
        %mul3A_458 = vector.broadcast %mul3A_457 : f32 to vector<16xf32>
        %mul3A_459 = arith.mulf %get3A_449, %mul3A_458 : vector<16xf32>
        %add3A_460 = arith.addf %add3A_440, %mul3A_459 : vector<16xf32>
        %mul3A_461 = arith.constant 7.125000e-01 : f32
        %mul3A_462 = vector.broadcast %mul3A_461 : f32 to vector<16xf32>
        %mul3A_463 = arith.mulf %get3A_454, %mul3A_462 : vector<16xf32>
        %add3A_464 = arith.addf %add3A_444, %mul3A_463 : vector<16xf32>
        %add3A_465 = arith.constant 15 : i32
        %add3A_466 = arith.addi %mul3A_158, %add3A_465 : i32
        %get3A_467 = arith.index_cast %add3A_466 : i32 to index
        %get3A_468 = arith.constant 0 : index
        %get3A_469 = tpu.vector_load %arg12[%get3A_467, %get3A_468] {strides = array<i32>} : memref<1000x32xf32, #tpu.memory_space<vmem>>, vector<16xf32>,
        %add3A_470 = arith.constant 15 : i32
        %add3A_471 = arith.addi %mul3A_158, %add3A_470 : i32
        %get3A_472 = arith.index_cast %add3A_471 : i32 to index
        %get3A_473 = arith.constant 16 : index
        %get3A_474 = tpu.vector_load %arg12[%get3A_472, %get3A_473] {strides = array<i32>} : memref<1000x32xf32, #tpu.memory_space<vmem>>, vector<16xf32>,
        %add3A_475 = arith.addf %add3A_455, %get3A_469 : vector<16xf32>
        %add3A_476 = arith.addf %add3A_456, %get3A_474 : vector<16xf32>
        %mul3A_477 = arith.constant 7.656250e-01 : f32
        %mul3A_478 = vector.broadcast %mul3A_477 : f32 to vector<16xf32>
        %mul3A_479 = arith.mulf %get3A_469, %mul3A_478 : vector<16xf32>
        %add3A_480 = arith.addf %add3A_460, %mul3A_479 : vector<16xf32>
        %mul3A_481 = arith.constant 7.656250e-01 : f32
        %mul3A_482 = vector.broadcast %mul3A_481 : f32 to vector<16xf32>
        %mul3A_483 = arith.mulf %get3A_474, %mul3A_482 : vector<16xf32>
        %add3A_484 = arith.addf %add3A_464, %mul3A_483 : vector<16xf32>
        %add3A_485 = arith.constant 16 : i32
        %add3A_486 = arith.addi %mul3A_158, %add3A_485 : i32
        %get3A_487 = arith.index_cast %add3A_486 : i32 to index
        %get3A_488 = arith.constant 0 : index
        %get3A_489 = tpu.vector_load %arg12[%get3A_487, %get3A_488] {strides = array<i32>} : memref<1000x32xf32, #tpu.memory_space<vmem>>, vector<16xf32>,
        %add3A_490 = arith.constant 16 : i32
        %add3A_491 = arith.addi %mul3A_158, %add3A_490 : i32
        %get3A_492 = arith.index_cast %add3A_491 : i32 to index
        %get3A_493 = arith.constant 16 : index
        %get3A_494 = tpu.vector_load %arg12[%get3A_492, %get3A_493] {strides = array<i32>} : memref<1000x32xf32, #tpu.memory_space<vmem>>, vector<16xf32>,
        %add3A_495 = arith.addf %add3A_475, %get3A_489 : vector<16xf32>
        %add3A_496 = arith.addf %add3A_476, %get3A_494 : vector<16xf32>
        %mul3A_497 = arith.constant 8.187500e-01 : f32
        %mul3A_498 = vector.broadcast %mul3A_497 : f32 to vector<16xf32>
        %mul3A_499 = arith.mulf %get3A_489, %mul3A_498 : vector<16xf32>
        %add3A_500 = arith.addf %add3A_480, %mul3A_499 : vector<16xf32>
        %mul3A_501 = arith.constant 8.187500e-01 : f32
        %mul3A_502 = vector.broadcast %mul3A_501 : f32 to vector<16xf32>
        %mul3A_503 = arith.mulf %get3A_494, %mul3A_502 : vector<16xf32>
        %add3A_504 = arith.addf %add3A_484, %mul3A_503 : vector<16xf32>
        %add3A_505 = arith.constant 17 : i32
        %add3A_506 = arith.addi %mul3A_158, %add3A_505 : i32
        %get3A_507 = arith.index_cast %add3A_506 : i32 to index
        %get3A_508 = arith.constant 0 : index
        %get3A_509 = tpu.vector_load %arg12[%get3A_507, %get3A_508] {strides = array<i32>} : memref<1000x32xf32, #tpu.memory_space<vmem>>, vector<16xf32>,
        %add3A_510 = arith.constant 17 : i32
        %add3A_511 = arith.addi %mul3A_158, %add3A_510 : i32
        %get3A_512 = arith.index_cast %add3A_511 : i32 to index
        %get3A_513 = arith.constant 16 : index
        %get3A_514 = tpu.vector_load %arg12[%get3A_512, %get3A_513] {strides = array<i32>} : memref<1000x32xf32, #tpu.memory_space<vmem>>, vector<16xf32>,
        %add3A_515 = arith.addf %add3A_495, %get3A_509 : vector<16xf32>
        %add3A_516 = arith.addf %add3A_496, %get3A_514 : vector<16xf32>
        %mul3A_517 = arith.constant 0.871874988 : f32
        %mul3A_518 = vector.broadcast %mul3A_517 : f32 to vector<16xf32>
        %mul3A_519 = arith.mulf %get3A_509, %mul3A_518 : vector<16xf32>
        %add3A_520 = arith.addf %add3A_500, %mul3A_519 : vector<16xf32>
        %mul3A_521 = arith.constant 0.871874988 : f32
        %mul3A_522 = vector.broadcast %mul3A_521 : f32 to vector<16xf32>
        %mul3A_523 = arith.mulf %get3A_514, %mul3A_522 : vector<16xf32>
        %add3A_524 = arith.addf %add3A_504, %mul3A_523 : vector<16xf32>
        %add3A_525 = arith.constant 18 : i32
        %add3A_526 = arith.addi %mul3A_158, %add3A_525 : i32
        %get3A_527 = arith.index_cast %add3A_526 : i32 to index
        %get3A_528 = arith.constant 0 : index
        %get3A_529 = tpu.vector_load %arg12[%get3A_527, %get3A_528] {strides = array<i32>} : memref<1000x32xf32, #tpu.memory_space<vmem>>, vector<16xf32>,
        %add3A_530 = arith.constant 18 : i32
        %add3A_531 = arith.addi %mul3A_158, %add3A_530 : i32
        %get3A_532 = arith.index_cast %add3A_531 : i32 to index
        %get3A_533 = arith.constant 16 : index
        %get3A_534 = tpu.vector_load %arg12[%get3A_532, %get3A_533] {strides = array<i32>} : memref<1000x32xf32, #tpu.memory_space<vmem>>, vector<16xf32>,
        %add3A_535 = arith.addf %add3A_515, %get3A_529 : vector<16xf32>
        %add3A_536 = arith.addf %add3A_516, %get3A_534 : vector<16xf32>
        %mul3A_537 = arith.constant 9.250000e-01 : f32
        %mul3A_538 = vector.broadcast %mul3A_537 : f32 to vector<16xf32>
        %mul3A_539 = arith.mulf %get3A_529, %mul3A_538 : vector<16xf32>
        %add3A_540 = arith.addf %add3A_520, %mul3A_539 : vector<16xf32>
        %mul3A_541 = arith.constant 9.250000e-01 : f32
        %mul3A_542 = vector.broadcast %mul3A_541 : f32 to vector<16xf32>
        %mul3A_543 = arith.mulf %get3A_534, %mul3A_542 : vector<16xf32>
        %add3A_544 = arith.addf %add3A_524, %mul3A_543 : vector<16xf32>
        %add3A_545 = arith.constant 19 : i32
        %add3A_546 = arith.addi %mul3A_158, %add3A_545 : i32
        %get3A_547 = arith.index_cast %add3A_546 : i32 to index
        %get3A_548 = arith.constant 0 : index
        %get3A_549 = tpu.vector_load %arg12[%get3A_547, %get3A_548] {strides = array<i32>} : memref<1000x32xf32, #tpu.memory_space<vmem>>, vector<16xf32>,
        %add3A_550 = arith.constant 19 : i32
        %add3A_551 = arith.addi %mul3A_158, %add3A_550 : i32
        %get3A_552 = arith.index_cast %add3A_551 : i32 to index
        %get3A_553 = arith.constant 16 : index
        %get3A_554 = tpu.vector_load %arg12[%get3A_552, %get3A_553] {strides = array<i32>} : memref<1000x32xf32, #tpu.memory_space<vmem>>, vector<16xf32>,
        %add3A_555 = arith.addf %add3A_535, %get3A_549 : vector<16xf32>
        %add3A_556 = arith.addf %add3A_536, %get3A_554 : vector<16xf32>
        %mul3A_557 = arith.constant 0.978124976 : f32
        %mul3A_558 = vector.broadcast %mul3A_557 : f32 to vector<16xf32>
        %mul3A_559 = arith.mulf %get3A_549, %mul3A_558 : vector<16xf32>
        %add3A_560 = arith.addf %add3A_540, %mul3A_559 : vector<16xf32>
        %mul3A_561 = arith.constant 0.978124976 : f32
        %mul3A_562 = vector.broadcast %mul3A_561 : f32 to vector<16xf32>
        %mul3A_563 = arith.mulf %get3A_554, %mul3A_562 : vector<16xf32>
        %add3A_564 = arith.addf %add3A_544, %mul3A_563 : vector<16xf32>
        %swap3A = arith.index_cast %scan3A_155 : i32 to index
        %swap3A_565 = arith.constant 0 : index
        %swap3A_566 = tpu.vector_load %arg14[%swap3A, %swap3A_565] {strides = array<i32>} : memref<50x32xf32, #tpu.memory_space<vmem>>, vector<16xf32>,
        tpu.vector_store %arg14[%swap3A, %swap3A_565], %add3A_555 {strides = array<i32>} : memref<50x32xf32, #tpu.memory_space<vmem>>, vector<16xf32>,
        %swap3A_567 = arith.index_cast %scan3A_155 : i32 to index
        %swap3A_568 = arith.constant 16 : index
        %swap3A_569 = tpu.vector_load %arg14[%swap3A_567, %swap3A_568] {strides = array<i32>} : memref<50x32xf32, #tpu.memory_space<vmem>>, vector<16xf32>,
        tpu.vector_store %arg14[%swap3A_567, %swap3A_568], %add3A_556 {strides = array<i32>} : memref<50x32xf32, #tpu.memory_space<vmem>>, vector<16xf32>,
        %swap3A_570 = arith.index_cast %scan3A_155 : i32 to index
        %swap3A_571 = arith.constant 0 : index
        %swap3A_572 = tpu.vector_load %arg16[%swap3A_570, %swap3A_571] {strides = array<i32>} : memref<50x32xf32, #tpu.memory_space<vmem>>, vector<16xf32>,
        tpu.vector_store %arg16[%swap3A_570, %swap3A_571], %add3A_560 {strides = array<i32>} : memref<50x32xf32, #tpu.memory_space<vmem>>, vector<16xf32>,
        %swap3A_573 = arith.index_cast %scan3A_155 : i32 to index
        %swap3A_574 = arith.constant 16 : index
        %swap3A_575 = tpu.vector_load %arg16[%swap3A_573, %swap3A_574] {strides = array<i32>} : memref<50x32xf32, #tpu.memory_space<vmem>>, vector<16xf32>,
        tpu.vector_store %arg16[%swap3A_573, %swap3A_574], %add3A_564 {strides = array<i32>} : memref<50x32xf32, #tpu.memory_space<vmem>>, vector<16xf32>,
        %scan3A_576 = arith.constant 0 : i32
        scf.yield %scan3A_576 : i32
      }
      %scan3A_140 = arith.constant 50 : i32
      %mul3A_141 = arith.constant 1600 : i32
      %mul3A_142 = arith.muli %add3A, %mul3A_141 : i32
      %mul3A_143 = arith.constant 50 : i32
      %mul3A_144 = arith.muli %add3A_118, %mul3A_143 : i32
      %add3A_145 = arith.addi %mul3A_142, %mul3A_144 : i32
      %dma_start3A_146 = arith.constant 0 : i32
      %dma_start3A_147 = tpu.memref_slice %arg5[%add3A_145, %dma_start3A_146] : memref<51200x32xf32, #tpu.memory_space<hbm>> -> memref<50x32xf32, #tpu.memory_space<hbm>>
      %dma_start3A_148 = arith.constant 0 : i32
      %dma_start3A_149 = tpu.memref_slice %arg5[%add3A_145, %dma_start3A_148] : memref<51200x32xf32, #tpu.memory_space<hbm>> -> memref<50x32xf32, #tpu.memory_space<hbm>>
      tpu.enqueue_dma source(%arg14 : memref<50x32xf32, #tpu.memory_space<vmem>>) target(%dma_start3A_149 : memref<50x32xf32, #tpu.memory_space<hbm>>) target_semaphore(%arg21 : memref<!tpu.dma_semaphore, #tpu.memory_space<semaphore_mem>>)
      %dma_start3A_150 = arith.constant 0 : i32
      %dma_start3A_151 = tpu.memref_slice %arg6[%add3A_145, %dma_start3A_150] : memref<51200x32xf32, #tpu.memory_space<hbm>> -> memref<50x32xf32, #tpu.memory_space<hbm>>
      %dma_start3A_152 = arith.constant 0 : i32
      %dma_start3A_153 = tpu.memref_slice %arg6[%add3A_145, %dma_start3A_152] : memref<51200x32xf32, #tpu.memory_space<hbm>> -> memref<50x32xf32, #tpu.memory_space<hbm>>
      tpu.enqueue_dma source(%arg16 : memref<50x32xf32, #tpu.memory_space<vmem>>) target(%dma_start3A_153 : memref<50x32xf32, #tpu.memory_space<hbm>>) target_semaphore(%arg21 : memref<!tpu.dma_semaphore, #tpu.memory_space<semaphore_mem>>)
      %scan3A_154 = arith.constant 0 : i32
      scf.yield %scan3A_154 : i32
    }
    %scan3A_14 = arith.constant 16 : i32
    %dma_wait3A = arith.constant 0 : i32
    %dma_wait3A_15 = arith.constant 0 : i32
    %dma_wait3A_16 = tpu.memref_slice %arg5[%dma_wait3A, %dma_wait3A_15] : memref<51200x32xf32, #tpu.memory_space<hbm>> -> memref<50x32xf32, #tpu.memory_space<hbm>>
    %dma_wait3A_17 = arith.constant 0 : i32
    %dma_wait3A_18 = arith.constant 0 : i32
    %dma_wait3A_19 = tpu.memref_slice %arg5[%dma_wait3A_17, %dma_wait3A_18] : memref<51200x32xf32, #tpu.memory_space<hbm>> -> memref<50x32xf32, #tpu.memory_space<hbm>>
    tpu.wait_dma2 semaphore(%arg20 : memref<!tpu.dma_semaphore, #tpu.memory_space<semaphore_mem>>) src(%arg13 : memref<50x32xf32, #tpu.memory_space<vmem>>) dst(%dma_wait3A_19 : memref<50x32xf32, #tpu.memory_space<hbm>>)
    %dma_wait3A_20 = arith.constant 0 : i32
    %dma_wait3A_21 = arith.constant 0 : i32
    %dma_wait3A_22 = tpu.memref_slice %arg6[%dma_wait3A_20, %dma_wait3A_21] : memref<51200x32xf32, #tpu.memory_space<hbm>> -> memref<50x32xf32, #tpu.memory_space<hbm>>
    %dma_wait3A_23 = arith.constant 0 : i32
    %dma_wait3A_24 = arith.constant 0 : i32
    %dma_wait3A_25 = tpu.memref_slice %arg6[%dma_wait3A_23, %dma_wait3A_24] : memref<51200x32xf32, #tpu.memory_space<hbm>> -> memref<50x32xf32, #tpu.memory_space<hbm>>
    tpu.wait_dma2 semaphore(%arg20 : memref<!tpu.dma_semaphore, #tpu.memory_space<semaphore_mem>>) src(%arg15 : memref<50x32xf32, #tpu.memory_space<vmem>>) dst(%dma_wait3A_25 : memref<50x32xf32, #tpu.memory_space<hbm>>)
    %dma_wait3A_26 = arith.constant 0 : i32
    %dma_wait3A_27 = arith.constant 0 : i32
    %dma_wait3A_28 = tpu.memref_slice %arg5[%dma_wait3A_26, %dma_wait3A_27] : memref<51200x32xf32, #tpu.memory_space<hbm>> -> memref<50x32xf32, #tpu.memory_space<hbm>>
    %dma_wait3A_29 = arith.constant 0 : i32
    %dma_wait3A_30 = arith.constant 0 : i32
    %dma_wait3A_31 = tpu.memref_slice %arg5[%dma_wait3A_29, %dma_wait3A_30] : memref<51200x32xf32, #tpu.memory_space<hbm>> -> memref<50x32xf32, #tpu.memory_space<hbm>>
    tpu.wait_dma2 semaphore(%arg21 : memref<!tpu.dma_semaphore, #tpu.memory_space<semaphore_mem>>) src(%arg14 : memref<50x32xf32, #tpu.memory_space<vmem>>) dst(%dma_wait3A_31 : memref<50x32xf32, #tpu.memory_space<hbm>>)
    %dma_wait3A_32 = arith.constant 0 : i32
    %dma_wait3A_33 = arith.constant 0 : i32
    %dma_wait3A_34 = tpu.memref_slice %arg6[%dma_wait3A_32, %dma_wait3A_33] : memref<51200x32xf32, #tpu.memory_space<hbm>> -> memref<50x32xf32, #tpu.memory_space<hbm>>
    %dma_wait3A_35 = arith.constant 0 : i32
    %dma_wait3A_36 = arith.constant 0 : i32
    %dma_wait3A_37 = tpu.memref_slice %arg6[%dma_wait3A_35, %dma_wait3A_36] : memref<51200x32xf32, #tpu.memory_space<hbm>> -> memref<50x32xf32, #tpu.memory_space<hbm>>
    tpu.wait_dma2 semaphore(%arg21 : memref<!tpu.dma_semaphore, #tpu.memory_space<semaphore_mem>>) src(%arg16 : memref<50x32xf32, #tpu.memory_space<vmem>>) dst(%dma_wait3A_37 : memref<50x32xf32, #tpu.memory_space<hbm>>)
    %mul3A_38 = arith.constant 1600 : i32
    %mul3A_39 = arith.muli %add3A, %mul3A_38 : i32
    %add3A_40 = arith.constant 0 : i32
    %add3A_41 = arith.addi %mul3A_39, %add3A_40 : i32
    %mul3A_42 = arith.constant 20 : i32
    %mul3A_43 = arith.muli %add3A_41, %mul3A_42 : i32
    "tpu.region"() ({
      %run_scoped3A = tpu.sem_alloc : memref<!tpu.dma_semaphore, #tpu.memory_space<semaphore_mem>>
      %dma_start3A_78 = tpu.memref_slice %arg2[%mul3A_43] : memref<1024000xi32, #tpu.memory_space<hbm>> -> memref<1000xi32, #tpu.memory_space<hbm>>
      %dma_start3A_79 = tpu.memref_slice %arg2[%mul3A_43] : memref<1024000xi32, #tpu.memory_space<hbm>> -> memref<1000xi32, #tpu.memory_space<hbm>>
      tpu.enqueue_dma source(%dma_start3A_79 : memref<1000xi32, #tpu.memory_space<hbm>>) target(%arg9 : memref<1000xi32, #tpu.memory_space<vmem>>) target_semaphore(%run_scoped3A : memref<!tpu.dma_semaphore, #tpu.memory_space<semaphore_mem>>)
      %dma_wait3A_80 = tpu.memref_slice %arg2[%mul3A_43] : memref<1024000xi32, #tpu.memory_space<hbm>> -> memref<1000xi32, #tpu.memory_space<hbm>>
      %dma_wait3A_81 = tpu.memref_slice %arg2[%mul3A_43] : memref<1024000xi32, #tpu.memory_space<hbm>> -> memref<1000xi32, #tpu.memory_space<hbm>>
      tpu.wait_dma2 semaphore(%run_scoped3A : memref<!tpu.dma_semaphore, #tpu.memory_space<semaphore_mem>>) src(%dma_wait3A_81 : memref<1000xi32, #tpu.memory_space<hbm>>) dst(%arg9 : memref<1000xi32, #tpu.memory_space<vmem>>)
      tpu.yield
    }) : () -> ()
    %dma_start3A_44 = arith.constant 0 : i32
    %dma_start3A_45 = arith.constant 0 : i32
    %dma_start3A_46 = tpu.memref_slice %arg4[%dma_start3A_44, %dma_start3A_45] : memref<100000x32xf32, #tpu.memory_space<hbm>> -> memref<100000x32xf32, #tpu.memory_space<hbm>>
    tpu.enqueue_indirect_dma source(%dma_start3A_46 : memref<100000x32xf32, #tpu.memory_space<hbm>>) target(%arg11 : memref<1000x32xf32, #tpu.memory_space<vmem>>) offsets(%arg9 : memref<1000xi32, #tpu.memory_space<vmem>>) semaphore(%arg18 : memref<!tpu.dma_semaphore, #tpu.memory_space<semaphore_mem>>)
    %scan3A_47 = arith.constant 0 : i32
    %scan3A_48 = arith.constant 0 : i32
    %scan3A_49 = arith.constant 16 : i32
    %scan3A_50 = arith.addi %scan3A_48, %scan3A_49 : i32
    %scan3A_51 = arith.constant 1 : i32
    %scan3A_52 = scf.for %scan3A_78 = %scan3A_48 to %scan3A_50 step %scan3A_51 iter_args(%scan3A_79 = %scan3A_47) -> (i32)  : i32 {
      %mul3A_80 = arith.constant 2 : i32
      %mul3A_81 = arith.muli %scan3A_78, %mul3A_80 : i32
      %add3A_82 = arith.constant 0 : i32
      %add3A_83 = arith.addi %mul3A_81, %add3A_82 : i32
      %add3A_84 = arith.constant 1 : i32
      %add3A_85 = arith.addi %add3A_83, %add3A_84 : i32
      %lt3A = arith.constant 32 : i32
      %lt3A_86 = arith.cmpi slt, %add3A_85, %lt3A : i32
      %convert_element_type3A = arith.extui %lt3A_86 : i1 to i32
      %cond3A = arith.constant 0 : i32
      %cond3A_87 = arith.cmpi ne, %convert_element_type3A, %cond3A : i32
      scf.if %cond3A_87 {
        %add3A_155 = arith.constant 1 : i32
        %add3A_156 = arith.addi %add3A_83, %add3A_155 : i32
        %mul3A_157 = arith.constant 1600 : i32
        %mul3A_158 = arith.muli %add3A, %mul3A_157 : i32
        %mul3A_159 = arith.constant 50 : i32
        %mul3A_160 = arith.muli %add3A_156, %mul3A_159 : i32
        %add3A_161 = arith.addi %mul3A_158, %mul3A_160 : i32
        %mul3A_162 = arith.constant 20 : i32
        %mul3A_163 = arith.muli %add3A_161, %mul3A_162 : i32
        "tpu.region"() ({
          %run_scoped3A = tpu.sem_alloc : memref<!tpu.dma_semaphore, #tpu.memory_space<semaphore_mem>>
          %dma_start3A_167 = tpu.memref_slice %arg2[%mul3A_163] : memref<1024000xi32, #tpu.memory_space<hbm>> -> memref<1000xi32, #tpu.memory_space<hbm>>
          %dma_start3A_168 = tpu.memref_slice %arg2[%mul3A_163] : memref<1024000xi32, #tpu.memory_space<hbm>> -> memref<1000xi32, #tpu.memory_space<hbm>>
          tpu.enqueue_dma source(%dma_start3A_168 : memref<1000xi32, #tpu.memory_space<hbm>>) target(%arg10 : memref<1000xi32, #tpu.memory_space<vmem>>) target_semaphore(%run_scoped3A : memref<!tpu.dma_semaphore, #tpu.memory_space<semaphore_mem>>)
          %dma_wait3A_169 = tpu.memref_slice %arg2[%mul3A_163] : memref<1024000xi32, #tpu.memory_space<hbm>> -> memref<1000xi32, #tpu.memory_space<hbm>>
          %dma_wait3A_170 = tpu.memref_slice %arg2[%mul3A_163] : memref<1024000xi32, #tpu.memory_space<hbm>> -> memref<1000xi32, #tpu.memory_space<hbm>>
          tpu.wait_dma2 semaphore(%run_scoped3A : memref<!tpu.dma_semaphore, #tpu.memory_space<semaphore_mem>>) src(%dma_wait3A_170 : memref<1000xi32, #tpu.memory_space<hbm>>) dst(%arg10 : memref<1000xi32, #tpu.memory_space<vmem>>)
          tpu.yield
        }) : () -> ()
        %dma_start3A_164 = arith.constant 0 : i32
        %dma_start3A_165 = arith.constant 0 : i32
        %dma_start3A_166 = tpu.memref_slice %arg4[%dma_start3A_164, %dma_start3A_165] : memref<100000x32xf32, #tpu.memory_space<hbm>> -> memref<100000x32xf32, #tpu.memory_space<hbm>>
        tpu.enqueue_indirect_dma source(%dma_start3A_166 : memref<100000x32xf32, #tpu.memory_space<hbm>>) target(%arg12 : memref<1000x32xf32, #tpu.memory_space<vmem>>) offsets(%arg10 : memref<1000xi32, #tpu.memory_space<vmem>>) semaphore(%arg19 : memref<!tpu.dma_semaphore, #tpu.memory_space<semaphore_mem>>)
      } else {
      }
      %dma_wait3A_88 = arith.constant 0 : i32
      %dma_wait3A_89 = arith.constant 0 : i32
      %dma_wait3A_90 = tpu.memref_slice %arg4[%dma_wait3A_88, %dma_wait3A_89] : memref<100000x32xf32, #tpu.memory_space<hbm>> -> memref<100000x32xf32, #tpu.memory_space<hbm>>
      tpu.wait_indirect_dma semaphore(%arg18 : memref<!tpu.dma_semaphore, #tpu.memory_space<semaphore_mem>>) src(%dma_wait3A_90 : memref<100000x32xf32, #tpu.memory_space<hbm>>) dst(%arg11 : memref<1000x32xf32, #tpu.memory_space<vmem>>)
      %ge3A = arith.constant 2 : i32
      %ge3A_91 = arith.cmpi sge, %add3A_83, %ge3A : i32
      %convert_element_type3A_92 = arith.extui %ge3A_91 : i1 to i32
      %cond3A_93 = arith.constant 0 : i32
      %cond3A_94 = arith.cmpi ne, %convert_element_type3A_92, %cond3A_93 : i32
      scf.if %cond3A_94 {
        %dma_wait3A_155 = arith.constant 0 : i32
        %dma_wait3A_156 = arith.constant 0 : i32
        %dma_wait3A_157 = tpu.memref_slice %arg7[%dma_wait3A_155, %dma_wait3A_156] : memref<51200x32xf32, #tpu.memory_space<hbm>> -> memref<50x32xf32, #tpu.memory_space<hbm>>
        %dma_wait3A_158 = arith.constant 0 : i32
        %dma_wait3A_159 = arith.constant 0 : i32
        %dma_wait3A_160 = tpu.memref_slice %arg7[%dma_wait3A_158, %dma_wait3A_159] : memref<51200x32xf32, #tpu.memory_space<hbm>> -> memref<50x32xf32, #tpu.memory_space<hbm>>
        tpu.wait_dma2 semaphore(%arg20 : memref<!tpu.dma_semaphore, #tpu.memory_space<semaphore_mem>>) src(%arg13 : memref<50x32xf32, #tpu.memory_space<vmem>>) dst(%dma_wait3A_160 : memref<50x32xf32, #tpu.memory_space<hbm>>)
        %dma_wait3A_161 = arith.constant 0 : i32
        %dma_wait3A_162 = arith.constant 0 : i32
        %dma_wait3A_163 = tpu.memref_slice %arg8[%dma_wait3A_161, %dma_wait3A_162] : memref<51200x32xf32, #tpu.memory_space<hbm>> -> memref<50x32xf32, #tpu.memory_space<hbm>>
        %dma_wait3A_164 = arith.constant 0 : i32
        %dma_wait3A_165 = arith.constant 0 : i32
        %dma_wait3A_166 = tpu.memref_slice %arg8[%dma_wait3A_164, %dma_wait3A_165] : memref<51200x32xf32, #tpu.memory_space<hbm>> -> memref<50x32xf32, #tpu.memory_space<hbm>>
        tpu.wait_dma2 semaphore(%arg20 : memref<!tpu.dma_semaphore, #tpu.memory_space<semaphore_mem>>) src(%arg15 : memref<50x32xf32, #tpu.memory_space<vmem>>) dst(%dma_wait3A_166 : memref<50x32xf32, #tpu.memory_space<hbm>>)
      } else {
      }
      %scan3A_95 = arith.constant 0 : i32
      %scan3A_96 = arith.constant 0 : i32
      %scan3A_97 = arith.constant 50 : i32
      %scan3A_98 = arith.addi %scan3A_96, %scan3A_97 : i32
      %scan3A_99 = arith.constant 1 : i32
      %scan3A_100 = scf.for %scan3A_155 = %scan3A_96 to %scan3A_98 step %scan3A_99 iter_args(%scan3A_156 = %scan3A_95) -> (i32)  : i32 {
        %mul3A_157 = arith.constant 20 : i32
        %mul3A_158 = arith.muli %scan3A_155, %mul3A_157 : i32
        %broadcast_in_dim3A = arith.constant 0.000000e+00 : f32
        %broadcast_in_dim3A_159 = vector.broadcast %broadcast_in_dim3A : f32 to vector<16xf32>
        %broadcast_in_dim3A_160 = arith.constant 0.000000e+00 : f32
        %broadcast_in_dim3A_161 = vector.broadcast %broadcast_in_dim3A_160 : f32 to vector<16xf32>
        %broadcast_in_dim3A_162 = arith.constant 0.000000e+00 : f32
        %broadcast_in_dim3A_163 = vector.broadcast %broadcast_in_dim3A_162 : f32 to vector<16xf32>
        %broadcast_in_dim3A_164 = arith.constant 0.000000e+00 : f32
        %broadcast_in_dim3A_165 = vector.broadcast %broadcast_in_dim3A_164 : f32 to vector<16xf32>
        %add3A_166 = arith.constant 0 : i32
        %add3A_167 = arith.addi %mul3A_158, %add3A_166 : i32
        %get3A = arith.index_cast %add3A_167 : i32 to index
        %get3A_168 = arith.constant 0 : index
        %get3A_169 = tpu.vector_load %arg11[%get3A, %get3A_168] {strides = array<i32>} : memref<1000x32xf32, #tpu.memory_space<vmem>>, vector<16xf32>,
        %add3A_170 = arith.constant 0 : i32
        %add3A_171 = arith.addi %mul3A_158, %add3A_170 : i32
        %get3A_172 = arith.index_cast %add3A_171 : i32 to index
        %get3A_173 = arith.constant 16 : index
        %get3A_174 = tpu.vector_load %arg11[%get3A_172, %get3A_173] {strides = array<i32>} : memref<1000x32xf32, #tpu.memory_space<vmem>>, vector<16xf32>,
        %add3A_175 = arith.addf %broadcast_in_dim3A_159, %get3A_169 : vector<16xf32>
        %add3A_176 = arith.addf %broadcast_in_dim3A_161, %get3A_174 : vector<16xf32>
        %mul3A_177 = arith.constant -1.031250e+00 : f32
        %mul3A_178 = vector.broadcast %mul3A_177 : f32 to vector<16xf32>
        %mul3A_179 = arith.mulf %get3A_169, %mul3A_178 : vector<16xf32>
        %add3A_180 = arith.addf %broadcast_in_dim3A_163, %mul3A_179 : vector<16xf32>
        %mul3A_181 = arith.constant -1.031250e+00 : f32
        %mul3A_182 = vector.broadcast %mul3A_181 : f32 to vector<16xf32>
        %mul3A_183 = arith.mulf %get3A_174, %mul3A_182 : vector<16xf32>
        %add3A_184 = arith.addf %broadcast_in_dim3A_165, %mul3A_183 : vector<16xf32>
        %add3A_185 = arith.constant 1 : i32
        %add3A_186 = arith.addi %mul3A_158, %add3A_185 : i32
        %get3A_187 = arith.index_cast %add3A_186 : i32 to index
        %get3A_188 = arith.constant 0 : index
        %get3A_189 = tpu.vector_load %arg11[%get3A_187, %get3A_188] {strides = array<i32>} : memref<1000x32xf32, #tpu.memory_space<vmem>>, vector<16xf32>,
        %add3A_190 = arith.constant 1 : i32
        %add3A_191 = arith.addi %mul3A_158, %add3A_190 : i32
        %get3A_192 = arith.index_cast %add3A_191 : i32 to index
        %get3A_193 = arith.constant 16 : index
        %get3A_194 = tpu.vector_load %arg11[%get3A_192, %get3A_193] {strides = array<i32>} : memref<1000x32xf32, #tpu.memory_space<vmem>>, vector<16xf32>,
        %add3A_195 = arith.addf %add3A_175, %get3A_189 : vector<16xf32>
        %add3A_196 = arith.addf %add3A_176, %get3A_194 : vector<16xf32>
        %mul3A_197 = arith.constant -8.781250e-01 : f32
        %mul3A_198 = vector.broadcast %mul3A_197 : f32 to vector<16xf32>
        %mul3A_199 = arith.mulf %get3A_189, %mul3A_198 : vector<16xf32>
        %add3A_200 = arith.addf %add3A_180, %mul3A_199 : vector<16xf32>
        %mul3A_201 = arith.constant -8.781250e-01 : f32
        %mul3A_202 = vector.broadcast %mul3A_201 : f32 to vector<16xf32>
        %mul3A_203 = arith.mulf %get3A_194, %mul3A_202 : vector<16xf32>
        %add3A_204 = arith.addf %add3A_184, %mul3A_203 : vector<16xf32>
        %add3A_205 = arith.constant 2 : i32
        %add3A_206 = arith.addi %mul3A_158, %add3A_205 : i32
        %get3A_207 = arith.index_cast %add3A_206 : i32 to index
        %get3A_208 = arith.constant 0 : index
        %get3A_209 = tpu.vector_load %arg11[%get3A_207, %get3A_208] {strides = array<i32>} : memref<1000x32xf32, #tpu.memory_space<vmem>>, vector<16xf32>,
        %add3A_210 = arith.constant 2 : i32
        %add3A_211 = arith.addi %mul3A_158, %add3A_210 : i32
        %get3A_212 = arith.index_cast %add3A_211 : i32 to index
        %get3A_213 = arith.constant 16 : index
        %get3A_214 = tpu.vector_load %arg11[%get3A_212, %get3A_213] {strides = array<i32>} : memref<1000x32xf32, #tpu.memory_space<vmem>>, vector<16xf32>,
        %add3A_215 = arith.addf %add3A_195, %get3A_209 : vector<16xf32>
        %add3A_216 = arith.addf %add3A_196, %get3A_214 : vector<16xf32>
        %mul3A_217 = arith.constant -7.250000e-01 : f32
        %mul3A_218 = vector.broadcast %mul3A_217 : f32 to vector<16xf32>
        %mul3A_219 = arith.mulf %get3A_209, %mul3A_218 : vector<16xf32>
        %add3A_220 = arith.addf %add3A_200, %mul3A_219 : vector<16xf32>
        %mul3A_221 = arith.constant -7.250000e-01 : f32
        %mul3A_222 = vector.broadcast %mul3A_221 : f32 to vector<16xf32>
        %mul3A_223 = arith.mulf %get3A_214, %mul3A_222 : vector<16xf32>
        %add3A_224 = arith.addf %add3A_204, %mul3A_223 : vector<16xf32>
        %add3A_225 = arith.constant 3 : i32
        %add3A_226 = arith.addi %mul3A_158, %add3A_225 : i32
        %get3A_227 = arith.index_cast %add3A_226 : i32 to index
        %get3A_228 = arith.constant 0 : index
        %get3A_229 = tpu.vector_load %arg11[%get3A_227, %get3A_228] {strides = array<i32>} : memref<1000x32xf32, #tpu.memory_space<vmem>>, vector<16xf32>,
        %add3A_230 = arith.constant 3 : i32
        %add3A_231 = arith.addi %mul3A_158, %add3A_230 : i32
        %get3A_232 = arith.index_cast %add3A_231 : i32 to index
        %get3A_233 = arith.constant 16 : index
        %get3A_234 = tpu.vector_load %arg11[%get3A_232, %get3A_233] {strides = array<i32>} : memref<1000x32xf32, #tpu.memory_space<vmem>>, vector<16xf32>,
        %add3A_235 = arith.addf %add3A_215, %get3A_229 : vector<16xf32>
        %add3A_236 = arith.addf %add3A_216, %get3A_234 : vector<16xf32>
        %mul3A_237 = arith.constant -5.718750e-01 : f32
        %mul3A_238 = vector.broadcast %mul3A_237 : f32 to vector<16xf32>
        %mul3A_239 = arith.mulf %get3A_229, %mul3A_238 : vector<16xf32>
        %add3A_240 = arith.addf %add3A_220, %mul3A_239 : vector<16xf32>
        %mul3A_241 = arith.constant -5.718750e-01 : f32
        %mul3A_242 = vector.broadcast %mul3A_241 : f32 to vector<16xf32>
        %mul3A_243 = arith.mulf %get3A_234, %mul3A_242 : vector<16xf32>
        %add3A_244 = arith.addf %add3A_224, %mul3A_243 : vector<16xf32>
        %add3A_245 = arith.constant 4 : i32
        %add3A_246 = arith.addi %mul3A_158, %add3A_245 : i32
        %get3A_247 = arith.index_cast %add3A_246 : i32 to index
        %get3A_248 = arith.constant 0 : index
        %get3A_249 = tpu.vector_load %arg11[%get3A_247, %get3A_248] {strides = array<i32>} : memref<1000x32xf32, #tpu.memory_space<vmem>>, vector<16xf32>,
        %add3A_250 = arith.constant 4 : i32
        %add3A_251 = arith.addi %mul3A_158, %add3A_250 : i32
        %get3A_252 = arith.index_cast %add3A_251 : i32 to index
        %get3A_253 = arith.constant 16 : index
        %get3A_254 = tpu.vector_load %arg11[%get3A_252, %get3A_253] {strides = array<i32>} : memref<1000x32xf32, #tpu.memory_space<vmem>>, vector<16xf32>,
        %add3A_255 = arith.addf %add3A_235, %get3A_249 : vector<16xf32>
        %add3A_256 = arith.addf %add3A_236, %get3A_254 : vector<16xf32>
        %mul3A_257 = arith.constant -4.187500e-01 : f32
        %mul3A_258 = vector.broadcast %mul3A_257 : f32 to vector<16xf32>
        %mul3A_259 = arith.mulf %get3A_249, %mul3A_258 : vector<16xf32>
        %add3A_260 = arith.addf %add3A_240, %mul3A_259 : vector<16xf32>
        %mul3A_261 = arith.constant -4.187500e-01 : f32
        %mul3A_262 = vector.broadcast %mul3A_261 : f32 to vector<16xf32>
        %mul3A_263 = arith.mulf %get3A_254, %mul3A_262 : vector<16xf32>
        %add3A_264 = arith.addf %add3A_244, %mul3A_263 : vector<16xf32>
        %add3A_265 = arith.constant 5 : i32
        %add3A_266 = arith.addi %mul3A_158, %add3A_265 : i32
        %get3A_267 = arith.index_cast %add3A_266 : i32 to index
        %get3A_268 = arith.constant 0 : index
        %get3A_269 = tpu.vector_load %arg11[%get3A_267, %get3A_268] {strides = array<i32>} : memref<1000x32xf32, #tpu.memory_space<vmem>>, vector<16xf32>,
        %add3A_270 = arith.constant 5 : i32
        %add3A_271 = arith.addi %mul3A_158, %add3A_270 : i32
        %get3A_272 = arith.index_cast %add3A_271 : i32 to index
        %get3A_273 = arith.constant 16 : index
        %get3A_274 = tpu.vector_load %arg11[%get3A_272, %get3A_273] {strides = array<i32>} : memref<1000x32xf32, #tpu.memory_space<vmem>>, vector<16xf32>,
        %add3A_275 = arith.addf %add3A_255, %get3A_269 : vector<16xf32>
        %add3A_276 = arith.addf %add3A_256, %get3A_274 : vector<16xf32>
        %mul3A_277 = arith.constant -2.656250e-01 : f32
        %mul3A_278 = vector.broadcast %mul3A_277 : f32 to vector<16xf32>
        %mul3A_279 = arith.mulf %get3A_269, %mul3A_278 : vector<16xf32>
        %add3A_280 = arith.addf %add3A_260, %mul3A_279 : vector<16xf32>
        %mul3A_281 = arith.constant -2.656250e-01 : f32
        %mul3A_282 = vector.broadcast %mul3A_281 : f32 to vector<16xf32>
        %mul3A_283 = arith.mulf %get3A_274, %mul3A_282 : vector<16xf32>
        %add3A_284 = arith.addf %add3A_264, %mul3A_283 : vector<16xf32>
        %add3A_285 = arith.constant 6 : i32
        %add3A_286 = arith.addi %mul3A_158, %add3A_285 : i32
        %get3A_287 = arith.index_cast %add3A_286 : i32 to index
        %get3A_288 = arith.constant 0 : index
        %get3A_289 = tpu.vector_load %arg11[%get3A_287, %get3A_288] {strides = array<i32>} : memref<1000x32xf32, #tpu.memory_space<vmem>>, vector<16xf32>,
        %add3A_290 = arith.constant 6 : i32
        %add3A_291 = arith.addi %mul3A_158, %add3A_290 : i32
        %get3A_292 = arith.index_cast %add3A_291 : i32 to index
        %get3A_293 = arith.constant 16 : index
        %get3A_294 = tpu.vector_load %arg11[%get3A_292, %get3A_293] {strides = array<i32>} : memref<1000x32xf32, #tpu.memory_space<vmem>>, vector<16xf32>,
        %add3A_295 = arith.addf %add3A_275, %get3A_289 : vector<16xf32>
        %add3A_296 = arith.addf %add3A_276, %get3A_294 : vector<16xf32>
        %mul3A_297 = arith.constant -1.125000e-01 : f32
        %mul3A_298 = vector.broadcast %mul3A_297 : f32 to vector<16xf32>
        %mul3A_299 = arith.mulf %get3A_289, %mul3A_298 : vector<16xf32>
        %add3A_300 = arith.addf %add3A_280, %mul3A_299 : vector<16xf32>
        %mul3A_301 = arith.constant -1.125000e-01 : f32
        %mul3A_302 = vector.broadcast %mul3A_301 : f32 to vector<16xf32>
        %mul3A_303 = arith.mulf %get3A_294, %mul3A_302 : vector<16xf32>
        %add3A_304 = arith.addf %add3A_284, %mul3A_303 : vector<16xf32>
        %add3A_305 = arith.constant 7 : i32
        %add3A_306 = arith.addi %mul3A_158, %add3A_305 : i32
        %get3A_307 = arith.index_cast %add3A_306 : i32 to index
        %get3A_308 = arith.constant 0 : index
        %get3A_309 = tpu.vector_load %arg11[%get3A_307, %get3A_308] {strides = array<i32>} : memref<1000x32xf32, #tpu.memory_space<vmem>>, vector<16xf32>,
        %add3A_310 = arith.constant 7 : i32
        %add3A_311 = arith.addi %mul3A_158, %add3A_310 : i32
        %get3A_312 = arith.index_cast %add3A_311 : i32 to index
        %get3A_313 = arith.constant 16 : index
        %get3A_314 = tpu.vector_load %arg11[%get3A_312, %get3A_313] {strides = array<i32>} : memref<1000x32xf32, #tpu.memory_space<vmem>>, vector<16xf32>,
        %add3A_315 = arith.addf %add3A_295, %get3A_309 : vector<16xf32>
        %add3A_316 = arith.addf %add3A_296, %get3A_314 : vector<16xf32>
        %mul3A_317 = arith.constant 4.062500e-02 : f32
        %mul3A_318 = vector.broadcast %mul3A_317 : f32 to vector<16xf32>
        %mul3A_319 = arith.mulf %get3A_309, %mul3A_318 : vector<16xf32>
        %add3A_320 = arith.addf %add3A_300, %mul3A_319 : vector<16xf32>
        %mul3A_321 = arith.constant 4.062500e-02 : f32
        %mul3A_322 = vector.broadcast %mul3A_321 : f32 to vector<16xf32>
        %mul3A_323 = arith.mulf %get3A_314, %mul3A_322 : vector<16xf32>
        %add3A_324 = arith.addf %add3A_304, %mul3A_323 : vector<16xf32>
        %add3A_325 = arith.constant 8 : i32
        %add3A_326 = arith.addi %mul3A_158, %add3A_325 : i32
        %get3A_327 = arith.index_cast %add3A_326 : i32 to index
        %get3A_328 = arith.constant 0 : index
        %get3A_329 = tpu.vector_load %arg11[%get3A_327, %get3A_328] {strides = array<i32>} : memref<1000x32xf32, #tpu.memory_space<vmem>>, vector<16xf32>,
        %add3A_330 = arith.constant 8 : i32
        %add3A_331 = arith.addi %mul3A_158, %add3A_330 : i32
        %get3A_332 = arith.index_cast %add3A_331 : i32 to index
        %get3A_333 = arith.constant 16 : index
        %get3A_334 = tpu.vector_load %arg11[%get3A_332, %get3A_333] {strides = array<i32>} : memref<1000x32xf32, #tpu.memory_space<vmem>>, vector<16xf32>,
        %add3A_335 = arith.addf %add3A_315, %get3A_329 : vector<16xf32>
        %add3A_336 = arith.addf %add3A_316, %get3A_334 : vector<16xf32>
        %mul3A_337 = arith.constant 1.937500e-01 : f32
        %mul3A_338 = vector.broadcast %mul3A_337 : f32 to vector<16xf32>
        %mul3A_339 = arith.mulf %get3A_329, %mul3A_338 : vector<16xf32>
        %add3A_340 = arith.addf %add3A_320, %mul3A_339 : vector<16xf32>
        %mul3A_341 = arith.constant 1.937500e-01 : f32
        %mul3A_342 = vector.broadcast %mul3A_341 : f32 to vector<16xf32>
        %mul3A_343 = arith.mulf %get3A_334, %mul3A_342 : vector<16xf32>
        %add3A_344 = arith.addf %add3A_324, %mul3A_343 : vector<16xf32>
        %add3A_345 = arith.constant 9 : i32
        %add3A_346 = arith.addi %mul3A_158, %add3A_345 : i32
        %get3A_347 = arith.index_cast %add3A_346 : i32 to index
        %get3A_348 = arith.constant 0 : index
        %get3A_349 = tpu.vector_load %arg11[%get3A_347, %get3A_348] {strides = array<i32>} : memref<1000x32xf32, #tpu.memory_space<vmem>>, vector<16xf32>,
        %add3A_350 = arith.constant 9 : i32
        %add3A_351 = arith.addi %mul3A_158, %add3A_350 : i32
        %get3A_352 = arith.index_cast %add3A_351 : i32 to index
        %get3A_353 = arith.constant 16 : index
        %get3A_354 = tpu.vector_load %arg11[%get3A_352, %get3A_353] {strides = array<i32>} : memref<1000x32xf32, #tpu.memory_space<vmem>>, vector<16xf32>,
        %add3A_355 = arith.addf %add3A_335, %get3A_349 : vector<16xf32>
        %add3A_356 = arith.addf %add3A_336, %get3A_354 : vector<16xf32>
        %mul3A_357 = arith.constant 3.468750e-01 : f32
        %mul3A_358 = vector.broadcast %mul3A_357 : f32 to vector<16xf32>
        %mul3A_359 = arith.mulf %get3A_349, %mul3A_358 : vector<16xf32>
        %add3A_360 = arith.addf %add3A_340, %mul3A_359 : vector<16xf32>
        %mul3A_361 = arith.constant 3.468750e-01 : f32
        %mul3A_362 = vector.broadcast %mul3A_361 : f32 to vector<16xf32>
        %mul3A_363 = arith.mulf %get3A_354, %mul3A_362 : vector<16xf32>
        %add3A_364 = arith.addf %add3A_344, %mul3A_363 : vector<16xf32>
        %add3A_365 = arith.constant 10 : i32
        %add3A_366 = arith.addi %mul3A_158, %add3A_365 : i32
        %get3A_367 = arith.index_cast %add3A_366 : i32 to index
        %get3A_368 = arith.constant 0 : index
        %get3A_369 = tpu.vector_load %arg11[%get3A_367, %get3A_368] {strides = array<i32>} : memref<1000x32xf32, #tpu.memory_space<vmem>>, vector<16xf32>,
        %add3A_370 = arith.constant 10 : i32
        %add3A_371 = arith.addi %mul3A_158, %add3A_370 : i32
        %get3A_372 = arith.index_cast %add3A_371 : i32 to index
        %get3A_373 = arith.constant 16 : index
        %get3A_374 = tpu.vector_load %arg11[%get3A_372, %get3A_373] {strides = array<i32>} : memref<1000x32xf32, #tpu.memory_space<vmem>>, vector<16xf32>,
        %add3A_375 = arith.addf %add3A_355, %get3A_369 : vector<16xf32>
        %add3A_376 = arith.addf %add3A_356, %get3A_374 : vector<16xf32>
        %mul3A_377 = arith.constant 5.000000e-01 : f32
        %mul3A_378 = vector.broadcast %mul3A_377 : f32 to vector<16xf32>
        %mul3A_379 = arith.mulf %get3A_369, %mul3A_378 : vector<16xf32>
        %add3A_380 = arith.addf %add3A_360, %mul3A_379 : vector<16xf32>
        %mul3A_381 = arith.constant 5.000000e-01 : f32
        %mul3A_382 = vector.broadcast %mul3A_381 : f32 to vector<16xf32>
        %mul3A_383 = arith.mulf %get3A_374, %mul3A_382 : vector<16xf32>
        %add3A_384 = arith.addf %add3A_364, %mul3A_383 : vector<16xf32>
        %add3A_385 = arith.constant 11 : i32
        %add3A_386 = arith.addi %mul3A_158, %add3A_385 : i32
        %get3A_387 = arith.index_cast %add3A_386 : i32 to index
        %get3A_388 = arith.constant 0 : index
        %get3A_389 = tpu.vector_load %arg11[%get3A_387, %get3A_388] {strides = array<i32>} : memref<1000x32xf32, #tpu.memory_space<vmem>>, vector<16xf32>,
        %add3A_390 = arith.constant 11 : i32
        %add3A_391 = arith.addi %mul3A_158, %add3A_390 : i32
        %get3A_392 = arith.index_cast %add3A_391 : i32 to index
        %get3A_393 = arith.constant 16 : index
        %get3A_394 = tpu.vector_load %arg11[%get3A_392, %get3A_393] {strides = array<i32>} : memref<1000x32xf32, #tpu.memory_space<vmem>>, vector<16xf32>,
        %add3A_395 = arith.addf %add3A_375, %get3A_389 : vector<16xf32>
        %add3A_396 = arith.addf %add3A_376, %get3A_394 : vector<16xf32>
        %mul3A_397 = arith.constant 0.653124988 : f32
        %mul3A_398 = vector.broadcast %mul3A_397 : f32 to vector<16xf32>
        %mul3A_399 = arith.mulf %get3A_389, %mul3A_398 : vector<16xf32>
        %add3A_400 = arith.addf %add3A_380, %mul3A_399 : vector<16xf32>
        %mul3A_401 = arith.constant 0.653124988 : f32
        %mul3A_402 = vector.broadcast %mul3A_401 : f32 to vector<16xf32>
        %mul3A_403 = arith.mulf %get3A_394, %mul3A_402 : vector<16xf32>
        %add3A_404 = arith.addf %add3A_384, %mul3A_403 : vector<16xf32>
        %add3A_405 = arith.constant 12 : i32
        %add3A_406 = arith.addi %mul3A_158, %add3A_405 : i32
        %get3A_407 = arith.index_cast %add3A_406 : i32 to index
        %get3A_408 = arith.constant 0 : index
        %get3A_409 = tpu.vector_load %arg11[%get3A_407, %get3A_408] {strides = array<i32>} : memref<1000x32xf32, #tpu.memory_space<vmem>>, vector<16xf32>,
        %add3A_410 = arith.constant 12 : i32
        %add3A_411 = arith.addi %mul3A_158, %add3A_410 : i32
        %get3A_412 = arith.index_cast %add3A_411 : i32 to index
        %get3A_413 = arith.constant 16 : index
        %get3A_414 = tpu.vector_load %arg11[%get3A_412, %get3A_413] {strides = array<i32>} : memref<1000x32xf32, #tpu.memory_space<vmem>>, vector<16xf32>,
        %add3A_415 = arith.addf %add3A_395, %get3A_409 : vector<16xf32>
        %add3A_416 = arith.addf %add3A_396, %get3A_414 : vector<16xf32>
        %mul3A_417 = arith.constant 0.806249976 : f32
        %mul3A_418 = vector.broadcast %mul3A_417 : f32 to vector<16xf32>
        %mul3A_419 = arith.mulf %get3A_409, %mul3A_418 : vector<16xf32>
        %add3A_420 = arith.addf %add3A_400, %mul3A_419 : vector<16xf32>
        %mul3A_421 = arith.constant 0.806249976 : f32
        %mul3A_422 = vector.broadcast %mul3A_421 : f32 to vector<16xf32>
        %mul3A_423 = arith.mulf %get3A_414, %mul3A_422 : vector<16xf32>
        %add3A_424 = arith.addf %add3A_404, %mul3A_423 : vector<16xf32>
        %add3A_425 = arith.constant 13 : i32
        %add3A_426 = arith.addi %mul3A_158, %add3A_425 : i32
        %get3A_427 = arith.index_cast %add3A_426 : i32 to index
        %get3A_428 = arith.constant 0 : index
        %get3A_429 = tpu.vector_load %arg11[%get3A_427, %get3A_428] {strides = array<i32>} : memref<1000x32xf32, #tpu.memory_space<vmem>>, vector<16xf32>,
        %add3A_430 = arith.constant 13 : i32
        %add3A_431 = arith.addi %mul3A_158, %add3A_430 : i32
        %get3A_432 = arith.index_cast %add3A_431 : i32 to index
        %get3A_433 = arith.constant 16 : index
        %get3A_434 = tpu.vector_load %arg11[%get3A_432, %get3A_433] {strides = array<i32>} : memref<1000x32xf32, #tpu.memory_space<vmem>>, vector<16xf32>,
        %add3A_435 = arith.addf %add3A_415, %get3A_429 : vector<16xf32>
        %add3A_436 = arith.addf %add3A_416, %get3A_434 : vector<16xf32>
        %mul3A_437 = arith.constant 9.593750e-01 : f32
        %mul3A_438 = vector.broadcast %mul3A_437 : f32 to vector<16xf32>
        %mul3A_439 = arith.mulf %get3A_429, %mul3A_438 : vector<16xf32>
        %add3A_440 = arith.addf %add3A_420, %mul3A_439 : vector<16xf32>
        %mul3A_441 = arith.constant 9.593750e-01 : f32
        %mul3A_442 = vector.broadcast %mul3A_441 : f32 to vector<16xf32>
        %mul3A_443 = arith.mulf %get3A_434, %mul3A_442 : vector<16xf32>
        %add3A_444 = arith.addf %add3A_424, %mul3A_443 : vector<16xf32>
        %add3A_445 = arith.constant 14 : i32
        %add3A_446 = arith.addi %mul3A_158, %add3A_445 : i32
        %get3A_447 = arith.index_cast %add3A_446 : i32 to index
        %get3A_448 = arith.constant 0 : index
        %get3A_449 = tpu.vector_load %arg11[%get3A_447, %get3A_448] {strides = array<i32>} : memref<1000x32xf32, #tpu.memory_space<vmem>>, vector<16xf32>,
        %add3A_450 = arith.constant 14 : i32
        %add3A_451 = arith.addi %mul3A_158, %add3A_450 : i32
        %get3A_452 = arith.index_cast %add3A_451 : i32 to index
        %get3A_453 = arith.constant 16 : index
        %get3A_454 = tpu.vector_load %arg11[%get3A_452, %get3A_453] {strides = array<i32>} : memref<1000x32xf32, #tpu.memory_space<vmem>>, vector<16xf32>,
        %add3A_455 = arith.addf %add3A_435, %get3A_449 : vector<16xf32>
        %add3A_456 = arith.addf %add3A_436, %get3A_454 : vector<16xf32>
        %mul3A_457 = arith.constant 1.112500e+00 : f32
        %mul3A_458 = vector.broadcast %mul3A_457 : f32 to vector<16xf32>
        %mul3A_459 = arith.mulf %get3A_449, %mul3A_458 : vector<16xf32>
        %add3A_460 = arith.addf %add3A_440, %mul3A_459 : vector<16xf32>
        %mul3A_461 = arith.constant 1.112500e+00 : f32
        %mul3A_462 = vector.broadcast %mul3A_461 : f32 to vector<16xf32>
        %mul3A_463 = arith.mulf %get3A_454, %mul3A_462 : vector<16xf32>
        %add3A_464 = arith.addf %add3A_444, %mul3A_463 : vector<16xf32>
        %add3A_465 = arith.constant 15 : i32
        %add3A_466 = arith.addi %mul3A_158, %add3A_465 : i32
        %get3A_467 = arith.index_cast %add3A_466 : i32 to index
        %get3A_468 = arith.constant 0 : index
        %get3A_469 = tpu.vector_load %arg11[%get3A_467, %get3A_468] {strides = array<i32>} : memref<1000x32xf32, #tpu.memory_space<vmem>>, vector<16xf32>,
        %add3A_470 = arith.constant 15 : i32
        %add3A_471 = arith.addi %mul3A_158, %add3A_470 : i32
        %get3A_472 = arith.index_cast %add3A_471 : i32 to index
        %get3A_473 = arith.constant 16 : index
        %get3A_474 = tpu.vector_load %arg11[%get3A_472, %get3A_473] {strides = array<i32>} : memref<1000x32xf32, #tpu.memory_space<vmem>>, vector<16xf32>,
        %add3A_475 = arith.addf %add3A_455, %get3A_469 : vector<16xf32>
        %add3A_476 = arith.addf %add3A_456, %get3A_474 : vector<16xf32>
        %mul3A_477 = arith.constant 1.265625 : f32
        %mul3A_478 = vector.broadcast %mul3A_477 : f32 to vector<16xf32>
        %mul3A_479 = arith.mulf %get3A_469, %mul3A_478 : vector<16xf32>
        %add3A_480 = arith.addf %add3A_460, %mul3A_479 : vector<16xf32>
        %mul3A_481 = arith.constant 1.265625 : f32
        %mul3A_482 = vector.broadcast %mul3A_481 : f32 to vector<16xf32>
        %mul3A_483 = arith.mulf %get3A_474, %mul3A_482 : vector<16xf32>
        %add3A_484 = arith.addf %add3A_464, %mul3A_483 : vector<16xf32>
        %add3A_485 = arith.constant 16 : i32
        %add3A_486 = arith.addi %mul3A_158, %add3A_485 : i32
        %get3A_487 = arith.index_cast %add3A_486 : i32 to index
        %get3A_488 = arith.constant 0 : index
        %get3A_489 = tpu.vector_load %arg11[%get3A_487, %get3A_488] {strides = array<i32>} : memref<1000x32xf32, #tpu.memory_space<vmem>>, vector<16xf32>,
        %add3A_490 = arith.constant 16 : i32
        %add3A_491 = arith.addi %mul3A_158, %add3A_490 : i32
        %get3A_492 = arith.index_cast %add3A_491 : i32 to index
        %get3A_493 = arith.constant 16 : index
        %get3A_494 = tpu.vector_load %arg11[%get3A_492, %get3A_493] {strides = array<i32>} : memref<1000x32xf32, #tpu.memory_space<vmem>>, vector<16xf32>,
        %add3A_495 = arith.addf %add3A_475, %get3A_489 : vector<16xf32>
        %add3A_496 = arith.addf %add3A_476, %get3A_494 : vector<16xf32>
        %mul3A_497 = arith.constant 1.418750e+00 : f32
        %mul3A_498 = vector.broadcast %mul3A_497 : f32 to vector<16xf32>
        %mul3A_499 = arith.mulf %get3A_489, %mul3A_498 : vector<16xf32>
        %add3A_500 = arith.addf %add3A_480, %mul3A_499 : vector<16xf32>
        %mul3A_501 = arith.constant 1.418750e+00 : f32
        %mul3A_502 = vector.broadcast %mul3A_501 : f32 to vector<16xf32>
        %mul3A_503 = arith.mulf %get3A_494, %mul3A_502 : vector<16xf32>
        %add3A_504 = arith.addf %add3A_484, %mul3A_503 : vector<16xf32>
        %add3A_505 = arith.constant 17 : i32
        %add3A_506 = arith.addi %mul3A_158, %add3A_505 : i32
        %get3A_507 = arith.index_cast %add3A_506 : i32 to index
        %get3A_508 = arith.constant 0 : index
        %get3A_509 = tpu.vector_load %arg11[%get3A_507, %get3A_508] {strides = array<i32>} : memref<1000x32xf32, #tpu.memory_space<vmem>>, vector<16xf32>,
        %add3A_510 = arith.constant 17 : i32
        %add3A_511 = arith.addi %mul3A_158, %add3A_510 : i32
        %get3A_512 = arith.index_cast %add3A_511 : i32 to index
        %get3A_513 = arith.constant 16 : index
        %get3A_514 = tpu.vector_load %arg11[%get3A_512, %get3A_513] {strides = array<i32>} : memref<1000x32xf32, #tpu.memory_space<vmem>>, vector<16xf32>,
        %add3A_515 = arith.addf %add3A_495, %get3A_509 : vector<16xf32>
        %add3A_516 = arith.addf %add3A_496, %get3A_514 : vector<16xf32>
        %mul3A_517 = arith.constant 1.57187498 : f32
        %mul3A_518 = vector.broadcast %mul3A_517 : f32 to vector<16xf32>
        %mul3A_519 = arith.mulf %get3A_509, %mul3A_518 : vector<16xf32>
        %add3A_520 = arith.addf %add3A_500, %mul3A_519 : vector<16xf32>
        %mul3A_521 = arith.constant 1.57187498 : f32
        %mul3A_522 = vector.broadcast %mul3A_521 : f32 to vector<16xf32>
        %mul3A_523 = arith.mulf %get3A_514, %mul3A_522 : vector<16xf32>
        %add3A_524 = arith.addf %add3A_504, %mul3A_523 : vector<16xf32>
        %add3A_525 = arith.constant 18 : i32
        %add3A_526 = arith.addi %mul3A_158, %add3A_525 : i32
        %get3A_527 = arith.index_cast %add3A_526 : i32 to index
        %get3A_528 = arith.constant 0 : index
        %get3A_529 = tpu.vector_load %arg11[%get3A_527, %get3A_528] {strides = array<i32>} : memref<1000x32xf32, #tpu.memory_space<vmem>>, vector<16xf32>,
        %add3A_530 = arith.constant 18 : i32
        %add3A_531 = arith.addi %mul3A_158, %add3A_530 : i32
        %get3A_532 = arith.index_cast %add3A_531 : i32 to index
        %get3A_533 = arith.constant 16 : index
        %get3A_534 = tpu.vector_load %arg11[%get3A_532, %get3A_533] {strides = array<i32>} : memref<1000x32xf32, #tpu.memory_space<vmem>>, vector<16xf32>,
        %add3A_535 = arith.addf %add3A_515, %get3A_529 : vector<16xf32>
        %add3A_536 = arith.addf %add3A_516, %get3A_534 : vector<16xf32>
        %mul3A_537 = arith.constant 1.725000e+00 : f32
        %mul3A_538 = vector.broadcast %mul3A_537 : f32 to vector<16xf32>
        %mul3A_539 = arith.mulf %get3A_529, %mul3A_538 : vector<16xf32>
        %add3A_540 = arith.addf %add3A_520, %mul3A_539 : vector<16xf32>
        %mul3A_541 = arith.constant 1.725000e+00 : f32
        %mul3A_542 = vector.broadcast %mul3A_541 : f32 to vector<16xf32>
        %mul3A_543 = arith.mulf %get3A_534, %mul3A_542 : vector<16xf32>
        %add3A_544 = arith.addf %add3A_524, %mul3A_543 : vector<16xf32>
        %add3A_545 = arith.constant 19 : i32
        %add3A_546 = arith.addi %mul3A_158, %add3A_545 : i32
        %get3A_547 = arith.index_cast %add3A_546 : i32 to index
        %get3A_548 = arith.constant 0 : index
        %get3A_549 = tpu.vector_load %arg11[%get3A_547, %get3A_548] {strides = array<i32>} : memref<1000x32xf32, #tpu.memory_space<vmem>>, vector<16xf32>,
        %add3A_550 = arith.constant 19 : i32
        %add3A_551 = arith.addi %mul3A_158, %add3A_550 : i32
        %get3A_552 = arith.index_cast %add3A_551 : i32 to index
        %get3A_553 = arith.constant 16 : index
        %get3A_554 = tpu.vector_load %arg11[%get3A_552, %get3A_553] {strides = array<i32>} : memref<1000x32xf32, #tpu.memory_space<vmem>>, vector<16xf32>,
        %add3A_555 = arith.addf %add3A_535, %get3A_549 : vector<16xf32>
        %add3A_556 = arith.addf %add3A_536, %get3A_554 : vector<16xf32>
        %mul3A_557 = arith.constant 1.87812495 : f32
        %mul3A_558 = vector.broadcast %mul3A_557 : f32 to vector<16xf32>
        %mul3A_559 = arith.mulf %get3A_549, %mul3A_558 : vector<16xf32>
        %add3A_560 = arith.addf %add3A_540, %mul3A_559 : vector<16xf32>
        %mul3A_561 = arith.constant 1.87812495 : f32
        %mul3A_562 = vector.broadcast %mul3A_561 : f32 to vector<16xf32>
        %mul3A_563 = arith.mulf %get3A_554, %mul3A_562 : vector<16xf32>
        %add3A_564 = arith.addf %add3A_544, %mul3A_563 : vector<16xf32>
        %swap3A = arith.index_cast %scan3A_155 : i32 to index
        %swap3A_565 = arith.constant 0 : index
        %swap3A_566 = tpu.vector_load %arg13[%swap3A, %swap3A_565] {strides = array<i32>} : memref<50x32xf32, #tpu.memory_space<vmem>>, vector<16xf32>,
        tpu.vector_store %arg13[%swap3A, %swap3A_565], %add3A_555 {strides = array<i32>} : memref<50x32xf32, #tpu.memory_space<vmem>>, vector<16xf32>,
        %swap3A_567 = arith.index_cast %scan3A_155 : i32 to index
        %swap3A_568 = arith.constant 16 : index
        %swap3A_569 = tpu.vector_load %arg13[%swap3A_567, %swap3A_568] {strides = array<i32>} : memref<50x32xf32, #tpu.memory_space<vmem>>, vector<16xf32>,
        tpu.vector_store %arg13[%swap3A_567, %swap3A_568], %add3A_556 {strides = array<i32>} : memref<50x32xf32, #tpu.memory_space<vmem>>, vector<16xf32>,
        %swap3A_570 = arith.index_cast %scan3A_155 : i32 to index
        %swap3A_571 = arith.constant 0 : index
        %swap3A_572 = tpu.vector_load %arg15[%swap3A_570, %swap3A_571] {strides = array<i32>} : memref<50x32xf32, #tpu.memory_space<vmem>>, vector<16xf32>,
        tpu.vector_store %arg15[%swap3A_570, %swap3A_571], %add3A_560 {strides = array<i32>} : memref<50x32xf32, #tpu.memory_space<vmem>>, vector<16xf32>,
        %swap3A_573 = arith.index_cast %scan3A_155 : i32 to index
        %swap3A_574 = arith.constant 16 : index
        %swap3A_575 = tpu.vector_load %arg15[%swap3A_573, %swap3A_574] {strides = array<i32>} : memref<50x32xf32, #tpu.memory_space<vmem>>, vector<16xf32>,
        tpu.vector_store %arg15[%swap3A_573, %swap3A_574], %add3A_564 {strides = array<i32>} : memref<50x32xf32, #tpu.memory_space<vmem>>, vector<16xf32>,
        %scan3A_576 = arith.constant 0 : i32
        scf.yield %scan3A_576 : i32
      }
      %scan3A_101 = arith.constant 50 : i32
      %mul3A_102 = arith.constant 1600 : i32
      %mul3A_103 = arith.muli %add3A, %mul3A_102 : i32
      %mul3A_104 = arith.constant 50 : i32
      %mul3A_105 = arith.muli %add3A_83, %mul3A_104 : i32
      %add3A_106 = arith.addi %mul3A_103, %mul3A_105 : i32
      %dma_start3A_107 = arith.constant 0 : i32
      %dma_start3A_108 = tpu.memref_slice %arg7[%add3A_106, %dma_start3A_107] : memref<51200x32xf32, #tpu.memory_space<hbm>> -> memref<50x32xf32, #tpu.memory_space<hbm>>
      %dma_start3A_109 = arith.constant 0 : i32
      %dma_start3A_110 = tpu.memref_slice %arg7[%add3A_106, %dma_start3A_109] : memref<51200x32xf32, #tpu.memory_space<hbm>> -> memref<50x32xf32, #tpu.memory_space<hbm>>
      tpu.enqueue_dma source(%arg13 : memref<50x32xf32, #tpu.memory_space<vmem>>) target(%dma_start3A_110 : memref<50x32xf32, #tpu.memory_space<hbm>>) target_semaphore(%arg20 : memref<!tpu.dma_semaphore, #tpu.memory_space<semaphore_mem>>)
      %dma_start3A_111 = arith.constant 0 : i32
      %dma_start3A_112 = tpu.memref_slice %arg8[%add3A_106, %dma_start3A_111] : memref<51200x32xf32, #tpu.memory_space<hbm>> -> memref<50x32xf32, #tpu.memory_space<hbm>>
      %dma_start3A_113 = arith.constant 0 : i32
      %dma_start3A_114 = tpu.memref_slice %arg8[%add3A_106, %dma_start3A_113] : memref<51200x32xf32, #tpu.memory_space<hbm>> -> memref<50x32xf32, #tpu.memory_space<hbm>>
      tpu.enqueue_dma source(%arg15 : memref<50x32xf32, #tpu.memory_space<vmem>>) target(%dma_start3A_114 : memref<50x32xf32, #tpu.memory_space<hbm>>) target_semaphore(%arg20 : memref<!tpu.dma_semaphore, #tpu.memory_space<semaphore_mem>>)
      %mul3A_115 = arith.constant 2 : i32
      %mul3A_116 = arith.muli %scan3A_78, %mul3A_115 : i32
      %add3A_117 = arith.constant 1 : i32
      %add3A_118 = arith.addi %mul3A_116, %add3A_117 : i32
      %add3A_119 = arith.constant 1 : i32
      %add3A_120 = arith.addi %add3A_118, %add3A_119 : i32
      %lt3A_121 = arith.constant 32 : i32
      %lt3A_122 = arith.cmpi slt, %add3A_120, %lt3A_121 : i32
      %convert_element_type3A_123 = arith.extui %lt3A_122 : i1 to i32
      %cond3A_124 = arith.constant 0 : i32
      %cond3A_125 = arith.cmpi ne, %convert_element_type3A_123, %cond3A_124 : i32
      scf.if %cond3A_125 {
        %add3A_155 = arith.constant 1 : i32
        %add3A_156 = arith.addi %add3A_118, %add3A_155 : i32
        %mul3A_157 = arith.constant 1600 : i32
        %mul3A_158 = arith.muli %add3A, %mul3A_157 : i32
        %mul3A_159 = arith.constant 50 : i32
        %mul3A_160 = arith.muli %add3A_156, %mul3A_159 : i32
        %add3A_161 = arith.addi %mul3A_158, %mul3A_160 : i32
        %mul3A_162 = arith.constant 20 : i32
        %mul3A_163 = arith.muli %add3A_161, %mul3A_162 : i32
        "tpu.region"() ({
          %run_scoped3A = tpu.sem_alloc : memref<!tpu.dma_semaphore, #tpu.memory_space<semaphore_mem>>
          %dma_start3A_167 = tpu.memref_slice %arg2[%mul3A_163] : memref<1024000xi32, #tpu.memory_space<hbm>> -> memref<1000xi32, #tpu.memory_space<hbm>>
          %dma_start3A_168 = tpu.memref_slice %arg2[%mul3A_163] : memref<1024000xi32, #tpu.memory_space<hbm>> -> memref<1000xi32, #tpu.memory_space<hbm>>
          tpu.enqueue_dma source(%dma_start3A_168 : memref<1000xi32, #tpu.memory_space<hbm>>) target(%arg9 : memref<1000xi32, #tpu.memory_space<vmem>>) target_semaphore(%run_scoped3A : memref<!tpu.dma_semaphore, #tpu.memory_space<semaphore_mem>>)
          %dma_wait3A_169 = tpu.memref_slice %arg2[%mul3A_163] : memref<1024000xi32, #tpu.memory_space<hbm>> -> memref<1000xi32, #tpu.memory_space<hbm>>
          %dma_wait3A_170 = tpu.memref_slice %arg2[%mul3A_163] : memref<1024000xi32, #tpu.memory_space<hbm>> -> memref<1000xi32, #tpu.memory_space<hbm>>
          tpu.wait_dma2 semaphore(%run_scoped3A : memref<!tpu.dma_semaphore, #tpu.memory_space<semaphore_mem>>) src(%dma_wait3A_170 : memref<1000xi32, #tpu.memory_space<hbm>>) dst(%arg9 : memref<1000xi32, #tpu.memory_space<vmem>>)
          tpu.yield
        }) : () -> ()
        %dma_start3A_164 = arith.constant 0 : i32
        %dma_start3A_165 = arith.constant 0 : i32
        %dma_start3A_166 = tpu.memref_slice %arg4[%dma_start3A_164, %dma_start3A_165] : memref<100000x32xf32, #tpu.memory_space<hbm>> -> memref<100000x32xf32, #tpu.memory_space<hbm>>
        tpu.enqueue_indirect_dma source(%dma_start3A_166 : memref<100000x32xf32, #tpu.memory_space<hbm>>) target(%arg11 : memref<1000x32xf32, #tpu.memory_space<vmem>>) offsets(%arg9 : memref<1000xi32, #tpu.memory_space<vmem>>) semaphore(%arg18 : memref<!tpu.dma_semaphore, #tpu.memory_space<semaphore_mem>>)
      } else {
      }
      %dma_wait3A_126 = arith.constant 0 : i32
      %dma_wait3A_127 = arith.constant 0 : i32
      %dma_wait3A_128 = tpu.memref_slice %arg4[%dma_wait3A_126, %dma_wait3A_127] : memref<100000x32xf32, #tpu.memory_space<hbm>> -> memref<100000x32xf32, #tpu.memory_space<hbm>>
      tpu.wait_indirect_dma semaphore(%arg19 : memref<!tpu.dma_semaphore, #tpu.memory_space<semaphore_mem>>) src(%dma_wait3A_128 : memref<100000x32xf32, #tpu.memory_space<hbm>>) dst(%arg12 : memref<1000x32xf32, #tpu.memory_space<vmem>>)
      %ge3A_129 = arith.constant 2 : i32
      %ge3A_130 = arith.cmpi sge, %add3A_118, %ge3A_129 : i32
      %convert_element_type3A_131 = arith.extui %ge3A_130 : i1 to i32
      %cond3A_132 = arith.constant 0 : i32
      %cond3A_133 = arith.cmpi ne, %convert_element_type3A_131, %cond3A_132 : i32
      scf.if %cond3A_133 {
        %dma_wait3A_155 = arith.constant 0 : i32
        %dma_wait3A_156 = arith.constant 0 : i32
        %dma_wait3A_157 = tpu.memref_slice %arg7[%dma_wait3A_155, %dma_wait3A_156] : memref<51200x32xf32, #tpu.memory_space<hbm>> -> memref<50x32xf32, #tpu.memory_space<hbm>>
        %dma_wait3A_158 = arith.constant 0 : i32
        %dma_wait3A_159 = arith.constant 0 : i32
        %dma_wait3A_160 = tpu.memref_slice %arg7[%dma_wait3A_158, %dma_wait3A_159] : memref<51200x32xf32, #tpu.memory_space<hbm>> -> memref<50x32xf32, #tpu.memory_space<hbm>>
        tpu.wait_dma2 semaphore(%arg21 : memref<!tpu.dma_semaphore, #tpu.memory_space<semaphore_mem>>) src(%arg14 : memref<50x32xf32, #tpu.memory_space<vmem>>) dst(%dma_wait3A_160 : memref<50x32xf32, #tpu.memory_space<hbm>>)
        %dma_wait3A_161 = arith.constant 0 : i32
        %dma_wait3A_162 = arith.constant 0 : i32
        %dma_wait3A_163 = tpu.memref_slice %arg8[%dma_wait3A_161, %dma_wait3A_162] : memref<51200x32xf32, #tpu.memory_space<hbm>> -> memref<50x32xf32, #tpu.memory_space<hbm>>
        %dma_wait3A_164 = arith.constant 0 : i32
        %dma_wait3A_165 = arith.constant 0 : i32
        %dma_wait3A_166 = tpu.memref_slice %arg8[%dma_wait3A_164, %dma_wait3A_165] : memref<51200x32xf32, #tpu.memory_space<hbm>> -> memref<50x32xf32, #tpu.memory_space<hbm>>
        tpu.wait_dma2 semaphore(%arg21 : memref<!tpu.dma_semaphore, #tpu.memory_space<semaphore_mem>>) src(%arg16 : memref<50x32xf32, #tpu.memory_space<vmem>>) dst(%dma_wait3A_166 : memref<50x32xf32, #tpu.memory_space<hbm>>)
      } else {
      }
      %scan3A_134 = arith.constant 0 : i32
      %scan3A_135 = arith.constant 0 : i32
      %scan3A_136 = arith.constant 50 : i32
      %scan3A_137 = arith.addi %scan3A_135, %scan3A_136 : i32
      %scan3A_138 = arith.constant 1 : i32
      %scan3A_139 = scf.for %scan3A_155 = %scan3A_135 to %scan3A_137 step %scan3A_138 iter_args(%scan3A_156 = %scan3A_134) -> (i32)  : i32 {
        %mul3A_157 = arith.constant 20 : i32
        %mul3A_158 = arith.muli %scan3A_155, %mul3A_157 : i32
        %broadcast_in_dim3A = arith.constant 0.000000e+00 : f32
        %broadcast_in_dim3A_159 = vector.broadcast %broadcast_in_dim3A : f32 to vector<16xf32>
        %broadcast_in_dim3A_160 = arith.constant 0.000000e+00 : f32
        %broadcast_in_dim3A_161 = vector.broadcast %broadcast_in_dim3A_160 : f32 to vector<16xf32>
        %broadcast_in_dim3A_162 = arith.constant 0.000000e+00 : f32
        %broadcast_in_dim3A_163 = vector.broadcast %broadcast_in_dim3A_162 : f32 to vector<16xf32>
        %broadcast_in_dim3A_164 = arith.constant 0.000000e+00 : f32
        %broadcast_in_dim3A_165 = vector.broadcast %broadcast_in_dim3A_164 : f32 to vector<16xf32>
        %add3A_166 = arith.constant 0 : i32
        %add3A_167 = arith.addi %mul3A_158, %add3A_166 : i32
        %get3A = arith.index_cast %add3A_167 : i32 to index
        %get3A_168 = arith.constant 0 : index
        %get3A_169 = tpu.vector_load %arg12[%get3A, %get3A_168] {strides = array<i32>} : memref<1000x32xf32, #tpu.memory_space<vmem>>, vector<16xf32>,
        %add3A_170 = arith.constant 0 : i32
        %add3A_171 = arith.addi %mul3A_158, %add3A_170 : i32
        %get3A_172 = arith.index_cast %add3A_171 : i32 to index
        %get3A_173 = arith.constant 16 : index
        %get3A_174 = tpu.vector_load %arg12[%get3A_172, %get3A_173] {strides = array<i32>} : memref<1000x32xf32, #tpu.memory_space<vmem>>, vector<16xf32>,
        %add3A_175 = arith.addf %broadcast_in_dim3A_159, %get3A_169 : vector<16xf32>
        %add3A_176 = arith.addf %broadcast_in_dim3A_161, %get3A_174 : vector<16xf32>
        %mul3A_177 = arith.constant -1.031250e+00 : f32
        %mul3A_178 = vector.broadcast %mul3A_177 : f32 to vector<16xf32>
        %mul3A_179 = arith.mulf %get3A_169, %mul3A_178 : vector<16xf32>
        %add3A_180 = arith.addf %broadcast_in_dim3A_163, %mul3A_179 : vector<16xf32>
        %mul3A_181 = arith.constant -1.031250e+00 : f32
        %mul3A_182 = vector.broadcast %mul3A_181 : f32 to vector<16xf32>
        %mul3A_183 = arith.mulf %get3A_174, %mul3A_182 : vector<16xf32>
        %add3A_184 = arith.addf %broadcast_in_dim3A_165, %mul3A_183 : vector<16xf32>
        %add3A_185 = arith.constant 1 : i32
        %add3A_186 = arith.addi %mul3A_158, %add3A_185 : i32
        %get3A_187 = arith.index_cast %add3A_186 : i32 to index
        %get3A_188 = arith.constant 0 : index
        %get3A_189 = tpu.vector_load %arg12[%get3A_187, %get3A_188] {strides = array<i32>} : memref<1000x32xf32, #tpu.memory_space<vmem>>, vector<16xf32>,
        %add3A_190 = arith.constant 1 : i32
        %add3A_191 = arith.addi %mul3A_158, %add3A_190 : i32
        %get3A_192 = arith.index_cast %add3A_191 : i32 to index
        %get3A_193 = arith.constant 16 : index
        %get3A_194 = tpu.vector_load %arg12[%get3A_192, %get3A_193] {strides = array<i32>} : memref<1000x32xf32, #tpu.memory_space<vmem>>, vector<16xf32>,
        %add3A_195 = arith.addf %add3A_175, %get3A_189 : vector<16xf32>
        %add3A_196 = arith.addf %add3A_176, %get3A_194 : vector<16xf32>
        %mul3A_197 = arith.constant -8.781250e-01 : f32
        %mul3A_198 = vector.broadcast %mul3A_197 : f32 to vector<16xf32>
        %mul3A_199 = arith.mulf %get3A_189, %mul3A_198 : vector<16xf32>
        %add3A_200 = arith.addf %add3A_180, %mul3A_199 : vector<16xf32>
        %mul3A_201 = arith.constant -8.781250e-01 : f32
        %mul3A_202 = vector.broadcast %mul3A_201 : f32 to vector<16xf32>
        %mul3A_203 = arith.mulf %get3A_194, %mul3A_202 : vector<16xf32>
        %add3A_204 = arith.addf %add3A_184, %mul3A_203 : vector<16xf32>
        %add3A_205 = arith.constant 2 : i32
        %add3A_206 = arith.addi %mul3A_158, %add3A_205 : i32
        %get3A_207 = arith.index_cast %add3A_206 : i32 to index
        %get3A_208 = arith.constant 0 : index
        %get3A_209 = tpu.vector_load %arg12[%get3A_207, %get3A_208] {strides = array<i32>} : memref<1000x32xf32, #tpu.memory_space<vmem>>, vector<16xf32>,
        %add3A_210 = arith.constant 2 : i32
        %add3A_211 = arith.addi %mul3A_158, %add3A_210 : i32
        %get3A_212 = arith.index_cast %add3A_211 : i32 to index
        %get3A_213 = arith.constant 16 : index
        %get3A_214 = tpu.vector_load %arg12[%get3A_212, %get3A_213] {strides = array<i32>} : memref<1000x32xf32, #tpu.memory_space<vmem>>, vector<16xf32>,
        %add3A_215 = arith.addf %add3A_195, %get3A_209 : vector<16xf32>
        %add3A_216 = arith.addf %add3A_196, %get3A_214 : vector<16xf32>
        %mul3A_217 = arith.constant -7.250000e-01 : f32
        %mul3A_218 = vector.broadcast %mul3A_217 : f32 to vector<16xf32>
        %mul3A_219 = arith.mulf %get3A_209, %mul3A_218 : vector<16xf32>
        %add3A_220 = arith.addf %add3A_200, %mul3A_219 : vector<16xf32>
        %mul3A_221 = arith.constant -7.250000e-01 : f32
        %mul3A_222 = vector.broadcast %mul3A_221 : f32 to vector<16xf32>
        %mul3A_223 = arith.mulf %get3A_214, %mul3A_222 : vector<16xf32>
        %add3A_224 = arith.addf %add3A_204, %mul3A_223 : vector<16xf32>
        %add3A_225 = arith.constant 3 : i32
        %add3A_226 = arith.addi %mul3A_158, %add3A_225 : i32
        %get3A_227 = arith.index_cast %add3A_226 : i32 to index
        %get3A_228 = arith.constant 0 : index
        %get3A_229 = tpu.vector_load %arg12[%get3A_227, %get3A_228] {strides = array<i32>} : memref<1000x32xf32, #tpu.memory_space<vmem>>, vector<16xf32>,
        %add3A_230 = arith.constant 3 : i32
        %add3A_231 = arith.addi %mul3A_158, %add3A_230 : i32
        %get3A_232 = arith.index_cast %add3A_231 : i32 to index
        %get3A_233 = arith.constant 16 : index
        %get3A_234 = tpu.vector_load %arg12[%get3A_232, %get3A_233] {strides = array<i32>} : memref<1000x32xf32, #tpu.memory_space<vmem>>, vector<16xf32>,
        %add3A_235 = arith.addf %add3A_215, %get3A_229 : vector<16xf32>
        %add3A_236 = arith.addf %add3A_216, %get3A_234 : vector<16xf32>
        %mul3A_237 = arith.constant -5.718750e-01 : f32
        %mul3A_238 = vector.broadcast %mul3A_237 : f32 to vector<16xf32>
        %mul3A_239 = arith.mulf %get3A_229, %mul3A_238 : vector<16xf32>
        %add3A_240 = arith.addf %add3A_220, %mul3A_239 : vector<16xf32>
        %mul3A_241 = arith.constant -5.718750e-01 : f32
        %mul3A_242 = vector.broadcast %mul3A_241 : f32 to vector<16xf32>
        %mul3A_243 = arith.mulf %get3A_234, %mul3A_242 : vector<16xf32>
        %add3A_244 = arith.addf %add3A_224, %mul3A_243 : vector<16xf32>
        %add3A_245 = arith.constant 4 : i32
        %add3A_246 = arith.addi %mul3A_158, %add3A_245 : i32
        %get3A_247 = arith.index_cast %add3A_246 : i32 to index
        %get3A_248 = arith.constant 0 : index
        %get3A_249 = tpu.vector_load %arg12[%get3A_247, %get3A_248] {strides = array<i32>} : memref<1000x32xf32, #tpu.memory_space<vmem>>, vector<16xf32>,
        %add3A_250 = arith.constant 4 : i32
        %add3A_251 = arith.addi %mul3A_158, %add3A_250 : i32
        %get3A_252 = arith.index_cast %add3A_251 : i32 to index
        %get3A_253 = arith.constant 16 : index
        %get3A_254 = tpu.vector_load %arg12[%get3A_252, %get3A_253] {strides = array<i32>} : memref<1000x32xf32, #tpu.memory_space<vmem>>, vector<16xf32>,
        %add3A_255 = arith.addf %add3A_235, %get3A_249 : vector<16xf32>
        %add3A_256 = arith.addf %add3A_236, %get3A_254 : vector<16xf32>
        %mul3A_257 = arith.constant -4.187500e-01 : f32
        %mul3A_258 = vector.broadcast %mul3A_257 : f32 to vector<16xf32>
        %mul3A_259 = arith.mulf %get3A_249, %mul3A_258 : vector<16xf32>
        %add3A_260 = arith.addf %add3A_240, %mul3A_259 : vector<16xf32>
        %mul3A_261 = arith.constant -4.187500e-01 : f32
        %mul3A_262 = vector.broadcast %mul3A_261 : f32 to vector<16xf32>
        %mul3A_263 = arith.mulf %get3A_254, %mul3A_262 : vector<16xf32>
        %add3A_264 = arith.addf %add3A_244, %mul3A_263 : vector<16xf32>
        %add3A_265 = arith.constant 5 : i32
        %add3A_266 = arith.addi %mul3A_158, %add3A_265 : i32
        %get3A_267 = arith.index_cast %add3A_266 : i32 to index
        %get3A_268 = arith.constant 0 : index
        %get3A_269 = tpu.vector_load %arg12[%get3A_267, %get3A_268] {strides = array<i32>} : memref<1000x32xf32, #tpu.memory_space<vmem>>, vector<16xf32>,
        %add3A_270 = arith.constant 5 : i32
        %add3A_271 = arith.addi %mul3A_158, %add3A_270 : i32
        %get3A_272 = arith.index_cast %add3A_271 : i32 to index
        %get3A_273 = arith.constant 16 : index
        %get3A_274 = tpu.vector_load %arg12[%get3A_272, %get3A_273] {strides = array<i32>} : memref<1000x32xf32, #tpu.memory_space<vmem>>, vector<16xf32>,
        %add3A_275 = arith.addf %add3A_255, %get3A_269 : vector<16xf32>
        %add3A_276 = arith.addf %add3A_256, %get3A_274 : vector<16xf32>
        %mul3A_277 = arith.constant -2.656250e-01 : f32
        %mul3A_278 = vector.broadcast %mul3A_277 : f32 to vector<16xf32>
        %mul3A_279 = arith.mulf %get3A_269, %mul3A_278 : vector<16xf32>
        %add3A_280 = arith.addf %add3A_260, %mul3A_279 : vector<16xf32>
        %mul3A_281 = arith.constant -2.656250e-01 : f32
        %mul3A_282 = vector.broadcast %mul3A_281 : f32 to vector<16xf32>
        %mul3A_283 = arith.mulf %get3A_274, %mul3A_282 : vector<16xf32>
        %add3A_284 = arith.addf %add3A_264, %mul3A_283 : vector<16xf32>
        %add3A_285 = arith.constant 6 : i32
        %add3A_286 = arith.addi %mul3A_158, %add3A_285 : i32
        %get3A_287 = arith.index_cast %add3A_286 : i32 to index
        %get3A_288 = arith.constant 0 : index
        %get3A_289 = tpu.vector_load %arg12[%get3A_287, %get3A_288] {strides = array<i32>} : memref<1000x32xf32, #tpu.memory_space<vmem>>, vector<16xf32>,
        %add3A_290 = arith.constant 6 : i32
        %add3A_291 = arith.addi %mul3A_158, %add3A_290 : i32
        %get3A_292 = arith.index_cast %add3A_291 : i32 to index
        %get3A_293 = arith.constant 16 : index
        %get3A_294 = tpu.vector_load %arg12[%get3A_292, %get3A_293] {strides = array<i32>} : memref<1000x32xf32, #tpu.memory_space<vmem>>, vector<16xf32>,
        %add3A_295 = arith.addf %add3A_275, %get3A_289 : vector<16xf32>
        %add3A_296 = arith.addf %add3A_276, %get3A_294 : vector<16xf32>
        %mul3A_297 = arith.constant -1.125000e-01 : f32
        %mul3A_298 = vector.broadcast %mul3A_297 : f32 to vector<16xf32>
        %mul3A_299 = arith.mulf %get3A_289, %mul3A_298 : vector<16xf32>
        %add3A_300 = arith.addf %add3A_280, %mul3A_299 : vector<16xf32>
        %mul3A_301 = arith.constant -1.125000e-01 : f32
        %mul3A_302 = vector.broadcast %mul3A_301 : f32 to vector<16xf32>
        %mul3A_303 = arith.mulf %get3A_294, %mul3A_302 : vector<16xf32>
        %add3A_304 = arith.addf %add3A_284, %mul3A_303 : vector<16xf32>
        %add3A_305 = arith.constant 7 : i32
        %add3A_306 = arith.addi %mul3A_158, %add3A_305 : i32
        %get3A_307 = arith.index_cast %add3A_306 : i32 to index
        %get3A_308 = arith.constant 0 : index
        %get3A_309 = tpu.vector_load %arg12[%get3A_307, %get3A_308] {strides = array<i32>} : memref<1000x32xf32, #tpu.memory_space<vmem>>, vector<16xf32>,
        %add3A_310 = arith.constant 7 : i32
        %add3A_311 = arith.addi %mul3A_158, %add3A_310 : i32
        %get3A_312 = arith.index_cast %add3A_311 : i32 to index
        %get3A_313 = arith.constant 16 : index
        %get3A_314 = tpu.vector_load %arg12[%get3A_312, %get3A_313] {strides = array<i32>} : memref<1000x32xf32, #tpu.memory_space<vmem>>, vector<16xf32>,
        %add3A_315 = arith.addf %add3A_295, %get3A_309 : vector<16xf32>
        %add3A_316 = arith.addf %add3A_296, %get3A_314 : vector<16xf32>
        %mul3A_317 = arith.constant 4.062500e-02 : f32
        %mul3A_318 = vector.broadcast %mul3A_317 : f32 to vector<16xf32>
        %mul3A_319 = arith.mulf %get3A_309, %mul3A_318 : vector<16xf32>
        %add3A_320 = arith.addf %add3A_300, %mul3A_319 : vector<16xf32>
        %mul3A_321 = arith.constant 4.062500e-02 : f32
        %mul3A_322 = vector.broadcast %mul3A_321 : f32 to vector<16xf32>
        %mul3A_323 = arith.mulf %get3A_314, %mul3A_322 : vector<16xf32>
        %add3A_324 = arith.addf %add3A_304, %mul3A_323 : vector<16xf32>
        %add3A_325 = arith.constant 8 : i32
        %add3A_326 = arith.addi %mul3A_158, %add3A_325 : i32
        %get3A_327 = arith.index_cast %add3A_326 : i32 to index
        %get3A_328 = arith.constant 0 : index
        %get3A_329 = tpu.vector_load %arg12[%get3A_327, %get3A_328] {strides = array<i32>} : memref<1000x32xf32, #tpu.memory_space<vmem>>, vector<16xf32>,
        %add3A_330 = arith.constant 8 : i32
        %add3A_331 = arith.addi %mul3A_158, %add3A_330 : i32
        %get3A_332 = arith.index_cast %add3A_331 : i32 to index
        %get3A_333 = arith.constant 16 : index
        %get3A_334 = tpu.vector_load %arg12[%get3A_332, %get3A_333] {strides = array<i32>} : memref<1000x32xf32, #tpu.memory_space<vmem>>, vector<16xf32>,
        %add3A_335 = arith.addf %add3A_315, %get3A_329 : vector<16xf32>
        %add3A_336 = arith.addf %add3A_316, %get3A_334 : vector<16xf32>
        %mul3A_337 = arith.constant 1.937500e-01 : f32
        %mul3A_338 = vector.broadcast %mul3A_337 : f32 to vector<16xf32>
        %mul3A_339 = arith.mulf %get3A_329, %mul3A_338 : vector<16xf32>
        %add3A_340 = arith.addf %add3A_320, %mul3A_339 : vector<16xf32>
        %mul3A_341 = arith.constant 1.937500e-01 : f32
        %mul3A_342 = vector.broadcast %mul3A_341 : f32 to vector<16xf32>
        %mul3A_343 = arith.mulf %get3A_334, %mul3A_342 : vector<16xf32>
        %add3A_344 = arith.addf %add3A_324, %mul3A_343 : vector<16xf32>
        %add3A_345 = arith.constant 9 : i32
        %add3A_346 = arith.addi %mul3A_158, %add3A_345 : i32
        %get3A_347 = arith.index_cast %add3A_346 : i32 to index
        %get3A_348 = arith.constant 0 : index
        %get3A_349 = tpu.vector_load %arg12[%get3A_347, %get3A_348] {strides = array<i32>} : memref<1000x32xf32, #tpu.memory_space<vmem>>, vector<16xf32>,
        %add3A_350 = arith.constant 9 : i32
        %add3A_351 = arith.addi %mul3A_158, %add3A_350 : i32
        %get3A_352 = arith.index_cast %add3A_351 : i32 to index
        %get3A_353 = arith.constant 16 : index
        %get3A_354 = tpu.vector_load %arg12[%get3A_352, %get3A_353] {strides = array<i32>} : memref<1000x32xf32, #tpu.memory_space<vmem>>, vector<16xf32>,
        %add3A_355 = arith.addf %add3A_335, %get3A_349 : vector<16xf32>
        %add3A_356 = arith.addf %add3A_336, %get3A_354 : vector<16xf32>
        %mul3A_357 = arith.constant 3.468750e-01 : f32
        %mul3A_358 = vector.broadcast %mul3A_357 : f32 to vector<16xf32>
        %mul3A_359 = arith.mulf %get3A_349, %mul3A_358 : vector<16xf32>
        %add3A_360 = arith.addf %add3A_340, %mul3A_359 : vector<16xf32>
        %mul3A_361 = arith.constant 3.468750e-01 : f32
        %mul3A_362 = vector.broadcast %mul3A_361 : f32 to vector<16xf32>
        %mul3A_363 = arith.mulf %get3A_354, %mul3A_362 : vector<16xf32>
        %add3A_364 = arith.addf %add3A_344, %mul3A_363 : vector<16xf32>
        %add3A_365 = arith.constant 10 : i32
        %add3A_366 = arith.addi %mul3A_158, %add3A_365 : i32
        %get3A_367 = arith.index_cast %add3A_366 : i32 to index
        %get3A_368 = arith.constant 0 : index
        %get3A_369 = tpu.vector_load %arg12[%get3A_367, %get3A_368] {strides = array<i32>} : memref<1000x32xf32, #tpu.memory_space<vmem>>, vector<16xf32>,
        %add3A_370 = arith.constant 10 : i32
        %add3A_371 = arith.addi %mul3A_158, %add3A_370 : i32
        %get3A_372 = arith.index_cast %add3A_371 : i32 to index
        %get3A_373 = arith.constant 16 : index
        %get3A_374 = tpu.vector_load %arg12[%get3A_372, %get3A_373] {strides = array<i32>} : memref<1000x32xf32, #tpu.memory_space<vmem>>, vector<16xf32>,
        %add3A_375 = arith.addf %add3A_355, %get3A_369 : vector<16xf32>
        %add3A_376 = arith.addf %add3A_356, %get3A_374 : vector<16xf32>
        %mul3A_377 = arith.constant 5.000000e-01 : f32
        %mul3A_378 = vector.broadcast %mul3A_377 : f32 to vector<16xf32>
        %mul3A_379 = arith.mulf %get3A_369, %mul3A_378 : vector<16xf32>
        %add3A_380 = arith.addf %add3A_360, %mul3A_379 : vector<16xf32>
        %mul3A_381 = arith.constant 5.000000e-01 : f32
        %mul3A_382 = vector.broadcast %mul3A_381 : f32 to vector<16xf32>
        %mul3A_383 = arith.mulf %get3A_374, %mul3A_382 : vector<16xf32>
        %add3A_384 = arith.addf %add3A_364, %mul3A_383 : vector<16xf32>
        %add3A_385 = arith.constant 11 : i32
        %add3A_386 = arith.addi %mul3A_158, %add3A_385 : i32
        %get3A_387 = arith.index_cast %add3A_386 : i32 to index
        %get3A_388 = arith.constant 0 : index
        %get3A_389 = tpu.vector_load %arg12[%get3A_387, %get3A_388] {strides = array<i32>} : memref<1000x32xf32, #tpu.memory_space<vmem>>, vector<16xf32>,
        %add3A_390 = arith.constant 11 : i32
        %add3A_391 = arith.addi %mul3A_158, %add3A_390 : i32
        %get3A_392 = arith.index_cast %add3A_391 : i32 to index
        %get3A_393 = arith.constant 16 : index
        %get3A_394 = tpu.vector_load %arg12[%get3A_392, %get3A_393] {strides = array<i32>} : memref<1000x32xf32, #tpu.memory_space<vmem>>, vector<16xf32>,
        %add3A_395 = arith.addf %add3A_375, %get3A_389 : vector<16xf32>
        %add3A_396 = arith.addf %add3A_376, %get3A_394 : vector<16xf32>
        %mul3A_397 = arith.constant 0.653124988 : f32
        %mul3A_398 = vector.broadcast %mul3A_397 : f32 to vector<16xf32>
        %mul3A_399 = arith.mulf %get3A_389, %mul3A_398 : vector<16xf32>
        %add3A_400 = arith.addf %add3A_380, %mul3A_399 : vector<16xf32>
        %mul3A_401 = arith.constant 0.653124988 : f32
        %mul3A_402 = vector.broadcast %mul3A_401 : f32 to vector<16xf32>
        %mul3A_403 = arith.mulf %get3A_394, %mul3A_402 : vector<16xf32>
        %add3A_404 = arith.addf %add3A_384, %mul3A_403 : vector<16xf32>
        %add3A_405 = arith.constant 12 : i32
        %add3A_406 = arith.addi %mul3A_158, %add3A_405 : i32
        %get3A_407 = arith.index_cast %add3A_406 : i32 to index
        %get3A_408 = arith.constant 0 : index
        %get3A_409 = tpu.vector_load %arg12[%get3A_407, %get3A_408] {strides = array<i32>} : memref<1000x32xf32, #tpu.memory_space<vmem>>, vector<16xf32>,
        %add3A_410 = arith.constant 12 : i32
        %add3A_411 = arith.addi %mul3A_158, %add3A_410 : i32
        %get3A_412 = arith.index_cast %add3A_411 : i32 to index
        %get3A_413 = arith.constant 16 : index
        %get3A_414 = tpu.vector_load %arg12[%get3A_412, %get3A_413] {strides = array<i32>} : memref<1000x32xf32, #tpu.memory_space<vmem>>, vector<16xf32>,
        %add3A_415 = arith.addf %add3A_395, %get3A_409 : vector<16xf32>
        %add3A_416 = arith.addf %add3A_396, %get3A_414 : vector<16xf32>
        %mul3A_417 = arith.constant 0.806249976 : f32
        %mul3A_418 = vector.broadcast %mul3A_417 : f32 to vector<16xf32>
        %mul3A_419 = arith.mulf %get3A_409, %mul3A_418 : vector<16xf32>
        %add3A_420 = arith.addf %add3A_400, %mul3A_419 : vector<16xf32>
        %mul3A_421 = arith.constant 0.806249976 : f32
        %mul3A_422 = vector.broadcast %mul3A_421 : f32 to vector<16xf32>
        %mul3A_423 = arith.mulf %get3A_414, %mul3A_422 : vector<16xf32>
        %add3A_424 = arith.addf %add3A_404, %mul3A_423 : vector<16xf32>
        %add3A_425 = arith.constant 13 : i32
        %add3A_426 = arith.addi %mul3A_158, %add3A_425 : i32
        %get3A_427 = arith.index_cast %add3A_426 : i32 to index
        %get3A_428 = arith.constant 0 : index
        %get3A_429 = tpu.vector_load %arg12[%get3A_427, %get3A_428] {strides = array<i32>} : memref<1000x32xf32, #tpu.memory_space<vmem>>, vector<16xf32>,
        %add3A_430 = arith.constant 13 : i32
        %add3A_431 = arith.addi %mul3A_158, %add3A_430 : i32
        %get3A_432 = arith.index_cast %add3A_431 : i32 to index
        %get3A_433 = arith.constant 16 : index
        %get3A_434 = tpu.vector_load %arg12[%get3A_432, %get3A_433] {strides = array<i32>} : memref<1000x32xf32, #tpu.memory_space<vmem>>, vector<16xf32>,
        %add3A_435 = arith.addf %add3A_415, %get3A_429 : vector<16xf32>
        %add3A_436 = arith.addf %add3A_416, %get3A_434 : vector<16xf32>
        %mul3A_437 = arith.constant 9.593750e-01 : f32
        %mul3A_438 = vector.broadcast %mul3A_437 : f32 to vector<16xf32>
        %mul3A_439 = arith.mulf %get3A_429, %mul3A_438 : vector<16xf32>
        %add3A_440 = arith.addf %add3A_420, %mul3A_439 : vector<16xf32>
        %mul3A_441 = arith.constant 9.593750e-01 : f32
        %mul3A_442 = vector.broadcast %mul3A_441 : f32 to vector<16xf32>
        %mul3A_443 = arith.mulf %get3A_434, %mul3A_442 : vector<16xf32>
        %add3A_444 = arith.addf %add3A_424, %mul3A_443 : vector<16xf32>
        %add3A_445 = arith.constant 14 : i32
        %add3A_446 = arith.addi %mul3A_158, %add3A_445 : i32
        %get3A_447 = arith.index_cast %add3A_446 : i32 to index
        %get3A_448 = arith.constant 0 : index
        %get3A_449 = tpu.vector_load %arg12[%get3A_447, %get3A_448] {strides = array<i32>} : memref<1000x32xf32, #tpu.memory_space<vmem>>, vector<16xf32>,
        %add3A_450 = arith.constant 14 : i32
        %add3A_451 = arith.addi %mul3A_158, %add3A_450 : i32
        %get3A_452 = arith.index_cast %add3A_451 : i32 to index
        %get3A_453 = arith.constant 16 : index
        %get3A_454 = tpu.vector_load %arg12[%get3A_452, %get3A_453] {strides = array<i32>} : memref<1000x32xf32, #tpu.memory_space<vmem>>, vector<16xf32>,
        %add3A_455 = arith.addf %add3A_435, %get3A_449 : vector<16xf32>
        %add3A_456 = arith.addf %add3A_436, %get3A_454 : vector<16xf32>
        %mul3A_457 = arith.constant 1.112500e+00 : f32
        %mul3A_458 = vector.broadcast %mul3A_457 : f32 to vector<16xf32>
        %mul3A_459 = arith.mulf %get3A_449, %mul3A_458 : vector<16xf32>
        %add3A_460 = arith.addf %add3A_440, %mul3A_459 : vector<16xf32>
        %mul3A_461 = arith.constant 1.112500e+00 : f32
        %mul3A_462 = vector.broadcast %mul3A_461 : f32 to vector<16xf32>
        %mul3A_463 = arith.mulf %get3A_454, %mul3A_462 : vector<16xf32>
        %add3A_464 = arith.addf %add3A_444, %mul3A_463 : vector<16xf32>
        %add3A_465 = arith.constant 15 : i32
        %add3A_466 = arith.addi %mul3A_158, %add3A_465 : i32
        %get3A_467 = arith.index_cast %add3A_466 : i32 to index
        %get3A_468 = arith.constant 0 : index
        %get3A_469 = tpu.vector_load %arg12[%get3A_467, %get3A_468] {strides = array<i32>} : memref<1000x32xf32, #tpu.memory_space<vmem>>, vector<16xf32>,
        %add3A_470 = arith.constant 15 : i32
        %add3A_471 = arith.addi %mul3A_158, %add3A_470 : i32
        %get3A_472 = arith.index_cast %add3A_471 : i32 to index
        %get3A_473 = arith.constant 16 : index
        %get3A_474 = tpu.vector_load %arg12[%get3A_472, %get3A_473] {strides = array<i32>} : memref<1000x32xf32, #tpu.memory_space<vmem>>, vector<16xf32>,
        %add3A_475 = arith.addf %add3A_455, %get3A_469 : vector<16xf32>
        %add3A_476 = arith.addf %add3A_456, %get3A_474 : vector<16xf32>
        %mul3A_477 = arith.constant 1.265625 : f32
        %mul3A_478 = vector.broadcast %mul3A_477 : f32 to vector<16xf32>
        %mul3A_479 = arith.mulf %get3A_469, %mul3A_478 : vector<16xf32>
        %add3A_480 = arith.addf %add3A_460, %mul3A_479 : vector<16xf32>
        %mul3A_481 = arith.constant 1.265625 : f32
        %mul3A_482 = vector.broadcast %mul3A_481 : f32 to vector<16xf32>
        %mul3A_483 = arith.mulf %get3A_474, %mul3A_482 : vector<16xf32>
        %add3A_484 = arith.addf %add3A_464, %mul3A_483 : vector<16xf32>
        %add3A_485 = arith.constant 16 : i32
        %add3A_486 = arith.addi %mul3A_158, %add3A_485 : i32
        %get3A_487 = arith.index_cast %add3A_486 : i32 to index
        %get3A_488 = arith.constant 0 : index
        %get3A_489 = tpu.vector_load %arg12[%get3A_487, %get3A_488] {strides = array<i32>} : memref<1000x32xf32, #tpu.memory_space<vmem>>, vector<16xf32>,
        %add3A_490 = arith.constant 16 : i32
        %add3A_491 = arith.addi %mul3A_158, %add3A_490 : i32
        %get3A_492 = arith.index_cast %add3A_491 : i32 to index
        %get3A_493 = arith.constant 16 : index
        %get3A_494 = tpu.vector_load %arg12[%get3A_492, %get3A_493] {strides = array<i32>} : memref<1000x32xf32, #tpu.memory_space<vmem>>, vector<16xf32>,
        %add3A_495 = arith.addf %add3A_475, %get3A_489 : vector<16xf32>
        %add3A_496 = arith.addf %add3A_476, %get3A_494 : vector<16xf32>
        %mul3A_497 = arith.constant 1.418750e+00 : f32
        %mul3A_498 = vector.broadcast %mul3A_497 : f32 to vector<16xf32>
        %mul3A_499 = arith.mulf %get3A_489, %mul3A_498 : vector<16xf32>
        %add3A_500 = arith.addf %add3A_480, %mul3A_499 : vector<16xf32>
        %mul3A_501 = arith.constant 1.418750e+00 : f32
        %mul3A_502 = vector.broadcast %mul3A_501 : f32 to vector<16xf32>
        %mul3A_503 = arith.mulf %get3A_494, %mul3A_502 : vector<16xf32>
        %add3A_504 = arith.addf %add3A_484, %mul3A_503 : vector<16xf32>
        %add3A_505 = arith.constant 17 : i32
        %add3A_506 = arith.addi %mul3A_158, %add3A_505 : i32
        %get3A_507 = arith.index_cast %add3A_506 : i32 to index
        %get3A_508 = arith.constant 0 : index
        %get3A_509 = tpu.vector_load %arg12[%get3A_507, %get3A_508] {strides = array<i32>} : memref<1000x32xf32, #tpu.memory_space<vmem>>, vector<16xf32>,
        %add3A_510 = arith.constant 17 : i32
        %add3A_511 = arith.addi %mul3A_158, %add3A_510 : i32
        %get3A_512 = arith.index_cast %add3A_511 : i32 to index
        %get3A_513 = arith.constant 16 : index
        %get3A_514 = tpu.vector_load %arg12[%get3A_512, %get3A_513] {strides = array<i32>} : memref<1000x32xf32, #tpu.memory_space<vmem>>, vector<16xf32>,
        %add3A_515 = arith.addf %add3A_495, %get3A_509 : vector<16xf32>
        %add3A_516 = arith.addf %add3A_496, %get3A_514 : vector<16xf32>
        %mul3A_517 = arith.constant 1.57187498 : f32
        %mul3A_518 = vector.broadcast %mul3A_517 : f32 to vector<16xf32>
        %mul3A_519 = arith.mulf %get3A_509, %mul3A_518 : vector<16xf32>
        %add3A_520 = arith.addf %add3A_500, %mul3A_519 : vector<16xf32>
        %mul3A_521 = arith.constant 1.57187498 : f32
        %mul3A_522 = vector.broadcast %mul3A_521 : f32 to vector<16xf32>
        %mul3A_523 = arith.mulf %get3A_514, %mul3A_522 : vector<16xf32>
        %add3A_524 = arith.addf %add3A_504, %mul3A_523 : vector<16xf32>
        %add3A_525 = arith.constant 18 : i32
        %add3A_526 = arith.addi %mul3A_158, %add3A_525 : i32
        %get3A_527 = arith.index_cast %add3A_526 : i32 to index
        %get3A_528 = arith.constant 0 : index
        %get3A_529 = tpu.vector_load %arg12[%get3A_527, %get3A_528] {strides = array<i32>} : memref<1000x32xf32, #tpu.memory_space<vmem>>, vector<16xf32>,
        %add3A_530 = arith.constant 18 : i32
        %add3A_531 = arith.addi %mul3A_158, %add3A_530 : i32
        %get3A_532 = arith.index_cast %add3A_531 : i32 to index
        %get3A_533 = arith.constant 16 : index
        %get3A_534 = tpu.vector_load %arg12[%get3A_532, %get3A_533] {strides = array<i32>} : memref<1000x32xf32, #tpu.memory_space<vmem>>, vector<16xf32>,
        %add3A_535 = arith.addf %add3A_515, %get3A_529 : vector<16xf32>
        %add3A_536 = arith.addf %add3A_516, %get3A_534 : vector<16xf32>
        %mul3A_537 = arith.constant 1.725000e+00 : f32
        %mul3A_538 = vector.broadcast %mul3A_537 : f32 to vector<16xf32>
        %mul3A_539 = arith.mulf %get3A_529, %mul3A_538 : vector<16xf32>
        %add3A_540 = arith.addf %add3A_520, %mul3A_539 : vector<16xf32>
        %mul3A_541 = arith.constant 1.725000e+00 : f32
        %mul3A_542 = vector.broadcast %mul3A_541 : f32 to vector<16xf32>
        %mul3A_543 = arith.mulf %get3A_534, %mul3A_542 : vector<16xf32>
        %add3A_544 = arith.addf %add3A_524, %mul3A_543 : vector<16xf32>
        %add3A_545 = arith.constant 19 : i32
        %add3A_546 = arith.addi %mul3A_158, %add3A_545 : i32
        %get3A_547 = arith.index_cast %add3A_546 : i32 to index
        %get3A_548 = arith.constant 0 : index
        %get3A_549 = tpu.vector_load %arg12[%get3A_547, %get3A_548] {strides = array<i32>} : memref<1000x32xf32, #tpu.memory_space<vmem>>, vector<16xf32>,
        %add3A_550 = arith.constant 19 : i32
        %add3A_551 = arith.addi %mul3A_158, %add3A_550 : i32
        %get3A_552 = arith.index_cast %add3A_551 : i32 to index
        %get3A_553 = arith.constant 16 : index
        %get3A_554 = tpu.vector_load %arg12[%get3A_552, %get3A_553] {strides = array<i32>} : memref<1000x32xf32, #tpu.memory_space<vmem>>, vector<16xf32>,
        %add3A_555 = arith.addf %add3A_535, %get3A_549 : vector<16xf32>
        %add3A_556 = arith.addf %add3A_536, %get3A_554 : vector<16xf32>
        %mul3A_557 = arith.constant 1.87812495 : f32
        %mul3A_558 = vector.broadcast %mul3A_557 : f32 to vector<16xf32>
        %mul3A_559 = arith.mulf %get3A_549, %mul3A_558 : vector<16xf32>
        %add3A_560 = arith.addf %add3A_540, %mul3A_559 : vector<16xf32>
        %mul3A_561 = arith.constant 1.87812495 : f32
        %mul3A_562 = vector.broadcast %mul3A_561 : f32 to vector<16xf32>
        %mul3A_563 = arith.mulf %get3A_554, %mul3A_562 : vector<16xf32>
        %add3A_564 = arith.addf %add3A_544, %mul3A_563 : vector<16xf32>
        %swap3A = arith.index_cast %scan3A_155 : i32 to index
        %swap3A_565 = arith.constant 0 : index
        %swap3A_566 = tpu.vector_load %arg14[%swap3A, %swap3A_565] {strides = array<i32>} : memref<50x32xf32, #tpu.memory_space<vmem>>, vector<16xf32>,
        tpu.vector_store %arg14[%swap3A, %swap3A_565], %add3A_555 {strides = array<i32>} : memref<50x32xf32, #tpu.memory_space<vmem>>, vector<16xf32>,
        %swap3A_567 = arith.index_cast %scan3A_155 : i32 to index
        %swap3A_568 = arith.constant 16 : index
        %swap3A_569 = tpu.vector_load %arg14[%swap3A_567, %swap3A_568] {strides = array<i32>} : memref<50x32xf32, #tpu.memory_space<vmem>>, vector<16xf32>,
        tpu.vector_store %arg14[%swap3A_567, %swap3A_568], %add3A_556 {strides = array<i32>} : memref<50x32xf32, #tpu.memory_space<vmem>>, vector<16xf32>,
        %swap3A_570 = arith.index_cast %scan3A_155 : i32 to index
        %swap3A_571 = arith.constant 0 : index
        %swap3A_572 = tpu.vector_load %arg16[%swap3A_570, %swap3A_571] {strides = array<i32>} : memref<50x32xf32, #tpu.memory_space<vmem>>, vector<16xf32>,
        tpu.vector_store %arg16[%swap3A_570, %swap3A_571], %add3A_560 {strides = array<i32>} : memref<50x32xf32, #tpu.memory_space<vmem>>, vector<16xf32>,
        %swap3A_573 = arith.index_cast %scan3A_155 : i32 to index
        %swap3A_574 = arith.constant 16 : index
        %swap3A_575 = tpu.vector_load %arg16[%swap3A_573, %swap3A_574] {strides = array<i32>} : memref<50x32xf32, #tpu.memory_space<vmem>>, vector<16xf32>,
        tpu.vector_store %arg16[%swap3A_573, %swap3A_574], %add3A_564 {strides = array<i32>} : memref<50x32xf32, #tpu.memory_space<vmem>>, vector<16xf32>,
        %scan3A_576 = arith.constant 0 : i32
        scf.yield %scan3A_576 : i32
      }
      %scan3A_140 = arith.constant 50 : i32
      %mul3A_141 = arith.constant 1600 : i32
      %mul3A_142 = arith.muli %add3A, %mul3A_141 : i32
      %mul3A_143 = arith.constant 50 : i32
      %mul3A_144 = arith.muli %add3A_118, %mul3A_143 : i32
      %add3A_145 = arith.addi %mul3A_142, %mul3A_144 : i32
      %dma_start3A_146 = arith.constant 0 : i32
      %dma_start3A_147 = tpu.memref_slice %arg7[%add3A_145, %dma_start3A_146] : memref<51200x32xf32, #tpu.memory_space<hbm>> -> memref<50x32xf32, #tpu.memory_space<hbm>>
      %dma_start3A_148 = arith.constant 0 : i32
      %dma_start3A_149 = tpu.memref_slice %arg7[%add3A_145, %dma_start3A_148] : memref<51200x32xf32, #tpu.memory_space<hbm>> -> memref<50x32xf32, #tpu.memory_space<hbm>>
      tpu.enqueue_dma source(%arg14 : memref<50x32xf32, #tpu.memory_space<vmem>>) target(%dma_start3A_149 : memref<50x32xf32, #tpu.memory_space<hbm>>) target_semaphore(%arg21 : memref<!tpu.dma_semaphore, #tpu.memory_space<semaphore_mem>>)
      %dma_start3A_150 = arith.constant 0 : i32
      %dma_start3A_151 = tpu.memref_slice %arg8[%add3A_145, %dma_start3A_150] : memref<51200x32xf32, #tpu.memory_space<hbm>> -> memref<50x32xf32, #tpu.memory_space<hbm>>
      %dma_start3A_152 = arith.constant 0 : i32
      %dma_start3A_153 = tpu.memref_slice %arg8[%add3A_145, %dma_start3A_152] : memref<51200x32xf32, #tpu.memory_space<hbm>> -> memref<50x32xf32, #tpu.memory_space<hbm>>
      tpu.enqueue_dma source(%arg16 : memref<50x32xf32, #tpu.memory_space<vmem>>) target(%dma_start3A_153 : memref<50x32xf32, #tpu.memory_space<hbm>>) target_semaphore(%arg21 : memref<!tpu.dma_semaphore, #tpu.memory_space<semaphore_mem>>)
      %scan3A_154 = arith.constant 0 : i32
      scf.yield %scan3A_154 : i32
    }
    %scan3A_53 = arith.constant 16 : i32
    %dma_wait3A_54 = arith.constant 0 : i32
    %dma_wait3A_55 = arith.constant 0 : i32
    %dma_wait3A_56 = tpu.memref_slice %arg7[%dma_wait3A_54, %dma_wait3A_55] : memref<51200x32xf32, #tpu.memory_space<hbm>> -> memref<50x32xf32, #tpu.memory_space<hbm>>
    %dma_wait3A_57 = arith.constant 0 : i32
    %dma_wait3A_58 = arith.constant 0 : i32
    %dma_wait3A_59 = tpu.memref_slice %arg7[%dma_wait3A_57, %dma_wait3A_58] : memref<51200x32xf32, #tpu.memory_space<hbm>> -> memref<50x32xf32, #tpu.memory_space<hbm>>
    tpu.wait_dma2 semaphore(%arg20 : memref<!tpu.dma_semaphore, #tpu.memory_space<semaphore_mem>>) src(%arg13 : memref<50x32xf32, #tpu.memory_space<vmem>>) dst(%dma_wait3A_59 : memref<50x32xf32, #tpu.memory_space<hbm>>)
    %dma_wait3A_60 = arith.constant 0 : i32
    %dma_wait3A_61 = arith.constant 0 : i32
    %dma_wait3A_62 = tpu.memref_slice %arg8[%dma_wait3A_60, %dma_wait3A_61] : memref<51200x32xf32, #tpu.memory_space<hbm>> -> memref<50x32xf32, #tpu.memory_space<hbm>>
    %dma_wait3A_63 = arith.constant 0 : i32
    %dma_wait3A_64 = arith.constant 0 : i32
    %dma_wait3A_65 = tpu.memref_slice %arg8[%dma_wait3A_63, %dma_wait3A_64] : memref<51200x32xf32, #tpu.memory_space<hbm>> -> memref<50x32xf32, #tpu.memory_space<hbm>>
    tpu.wait_dma2 semaphore(%arg20 : memref<!tpu.dma_semaphore, #tpu.memory_space<semaphore_mem>>) src(%arg15 : memref<50x32xf32, #tpu.memory_space<vmem>>) dst(%dma_wait3A_65 : memref<50x32xf32, #tpu.memory_space<hbm>>)
    %dma_wait3A_66 = arith.constant 0 : i32
    %dma_wait3A_67 = arith.constant 0 : i32
    %dma_wait3A_68 = tpu.memref_slice %arg7[%dma_wait3A_66, %dma_wait3A_67] : memref<51200x32xf32, #tpu.memory_space<hbm>> -> memref<50x32xf32, #tpu.memory_space<hbm>>
    %dma_wait3A_69 = arith.constant 0 : i32
    %dma_wait3A_70 = arith.constant 0 : i32
    %dma_wait3A_71 = tpu.memref_slice %arg7[%dma_wait3A_69, %dma_wait3A_70] : memref<51200x32xf32, #tpu.memory_space<hbm>> -> memref<50x32xf32, #tpu.memory_space<hbm>>
    tpu.wait_dma2 semaphore(%arg21 : memref<!tpu.dma_semaphore, #tpu.memory_space<semaphore_mem>>) src(%arg14 : memref<50x32xf32, #tpu.memory_space<vmem>>) dst(%dma_wait3A_71 : memref<50x32xf32, #tpu.memory_space<hbm>>)
    %dma_wait3A_72 = arith.constant 0 : i32
    %dma_wait3A_73 = arith.constant 0 : i32
    %dma_wait3A_74 = tpu.memref_slice %arg8[%dma_wait3A_72, %dma_wait3A_73] : memref<51200x32xf32, #tpu.memory_space<hbm>> -> memref<50x32xf32, #tpu.memory_space<hbm>>
    %dma_wait3A_75 = arith.constant 0 : i32
    %dma_wait3A_76 = arith.constant 0 : i32
    %dma_wait3A_77 = tpu.memref_slice %arg8[%dma_wait3A_75, %dma_wait3A_76] : memref<51200x32xf32, #tpu.memory_space<hbm>> -> memref<50x32xf32, #tpu.memory_space<hbm>>
    tpu.wait_dma2 semaphore(%arg21 : memref<!tpu.dma_semaphore, #tpu.memory_space<semaphore_mem>>) src(%arg16 : memref<50x32xf32, #tpu.memory_space<vmem>>) dst(%dma_wait3A_77 : memref<50x32xf32, #tpu.memory_space<hbm>>)
    return
  }
}

#map = affine_map<(d0, d1) -> (0)>
#map1 = affine_map<(d0, d1) -> (0, 0)>
module attributes {stable_mosaic.version = 14 : i64} {
  func.func @_bags_body(%arg0: i32, %arg1: i32, %arg2: memref<1024000xi32, #tpu.memory_space<hbm>>, %arg3: memref<20480xi32, #tpu.memory_space<hbm>>, %arg4: memref<100000x32xf32, #tpu.memory_space<hbm>>, %arg5: memref<100000x32xf32, #tpu.memory_space<hbm>>, %arg6: memref<1024x32xf32, #tpu.memory_space<hbm>>, %arg7: memref<51200x32xf32, #tpu.memory_space<hbm>>, %arg8: memref<51200x32xf32, #tpu.memory_space<hbm>>, %arg9: memref<1000xi32, #tpu.memory_space<vmem>>, %arg10: memref<1000xi32, #tpu.memory_space<vmem>>, %arg11: memref<1000x32xf32, #tpu.memory_space<vmem>>, %arg12: memref<1000x32xf32, #tpu.memory_space<vmem>>, %arg13: memref<50x32xf32, #tpu.memory_space<vmem>>, %arg14: memref<50x32xf32, #tpu.memory_space<vmem>>, %arg15: memref<50x32xf32, #tpu.memory_space<vmem>>, %arg16: memref<50x32xf32, #tpu.memory_space<vmem>>, %arg17: memref<640xi32, #tpu.memory_space<vmem>>, %arg18: memref<!tpu.dma_semaphore, #tpu.memory_space<semaphore_mem>>, %arg19: memref<!tpu.dma_semaphore, #tpu.memory_space<semaphore_mem>>, %arg20: memref<!tpu.dma_semaphore, #tpu.memory_space<semaphore_mem>>, %arg21: memref<!tpu.dma_semaphore, #tpu.memory_space<semaphore_mem>>) attributes {dimension_semantics = [#tpu.dimension_semantics<core_parallel>, #tpu.dimension_semantics<subcore_parallel>], iteration_bounds = array<i64: 2, 16>, scalar_prefetch = 0 : i64, scratch_operands = 13 : i64, tpu.core_type = #tpu.core_type<sc_vector_subcore>, window_params = [{transform_indices = #map}, {transform_indices = #map}, {transform_indices = #map1}, {transform_indices = #map1}, {transform_indices = #map1}, {transform_indices = #map1}, {transform_indices = #map1}]} {
    %mul3A = arith.constant 2 : i32
    %mul3A_0 = arith.muli %arg1, %mul3A : i32
    %add3A = arith.addi %mul3A_0, %arg0 : i32
    %mul3A_1 = arith.constant 32 : i32
    %mul3A_2 = arith.muli %add3A, %mul3A_1 : i32
    %mul3A_3 = arith.constant 20 : i32
    %mul3A_4 = arith.muli %mul3A_2, %mul3A_3 : i32
    "tpu.region"() ({
      %run_scoped3A = tpu.sem_alloc : memref<!tpu.dma_semaphore, #tpu.memory_space<semaphore_mem>>
      %dma_start3A_77 = tpu.memref_slice %arg3[%mul3A_4] : memref<20480xi32, #tpu.memory_space<hbm>> -> memref<640xi32, #tpu.memory_space<hbm>>
      %dma_start3A_78 = tpu.memref_slice %arg3[%mul3A_4] : memref<20480xi32, #tpu.memory_space<hbm>> -> memref<640xi32, #tpu.memory_space<hbm>>
      tpu.enqueue_dma source(%dma_start3A_78 : memref<640xi32, #tpu.memory_space<hbm>>) target(%arg17 : memref<640xi32, #tpu.memory_space<vmem>>) target_semaphore(%run_scoped3A : memref<!tpu.dma_semaphore, #tpu.memory_space<semaphore_mem>>)
      %dma_wait3A_79 = tpu.memref_slice %arg3[%mul3A_4] : memref<20480xi32, #tpu.memory_space<hbm>> -> memref<640xi32, #tpu.memory_space<hbm>>
      %dma_wait3A_80 = tpu.memref_slice %arg3[%mul3A_4] : memref<20480xi32, #tpu.memory_space<hbm>> -> memref<640xi32, #tpu.memory_space<hbm>>
      tpu.wait_dma2 semaphore(%run_scoped3A : memref<!tpu.dma_semaphore, #tpu.memory_space<semaphore_mem>>) src(%dma_wait3A_80 : memref<640xi32, #tpu.memory_space<hbm>>) dst(%arg17 : memref<640xi32, #tpu.memory_space<vmem>>)
      tpu.yield
    }) : () -> ()
    %dma_start3A = arith.constant 0 : i32
    %dma_start3A_5 = arith.constant 0 : i32
    %dma_start3A_6 = tpu.memref_slice %arg11[%dma_start3A, %dma_start3A_5] : memref<1000x32xf32, #tpu.memory_space<vmem>> -> memref<640x32xf32, #tpu.memory_space<vmem>>
    %dma_start3A_7 = arith.constant 0 : i32
    %dma_start3A_8 = arith.constant 0 : i32
    %dma_start3A_9 = tpu.memref_slice %arg4[%dma_start3A_7, %dma_start3A_8] : memref<100000x32xf32, #tpu.memory_space<hbm>> -> memref<100000x32xf32, #tpu.memory_space<hbm>>
    tpu.enqueue_indirect_dma source(%dma_start3A_9 : memref<100000x32xf32, #tpu.memory_space<hbm>>) target(%dma_start3A_6 : memref<640x32xf32, #tpu.memory_space<vmem>>) offsets(%arg17 : memref<640xi32, #tpu.memory_space<vmem>>) semaphore(%arg18 : memref<!tpu.dma_semaphore, #tpu.memory_space<semaphore_mem>>)
    %dma_wait3A = arith.constant 0 : i32
    %dma_wait3A_10 = arith.constant 0 : i32
    %dma_wait3A_11 = tpu.memref_slice %arg11[%dma_wait3A, %dma_wait3A_10] : memref<1000x32xf32, #tpu.memory_space<vmem>> -> memref<640x32xf32, #tpu.memory_space<vmem>>
    %dma_wait3A_12 = arith.constant 0 : i32
    %dma_wait3A_13 = arith.constant 0 : i32
    %dma_wait3A_14 = tpu.memref_slice %arg4[%dma_wait3A_12, %dma_wait3A_13] : memref<100000x32xf32, #tpu.memory_space<hbm>> -> memref<100000x32xf32, #tpu.memory_space<hbm>>
    tpu.wait_indirect_dma semaphore(%arg18 : memref<!tpu.dma_semaphore, #tpu.memory_space<semaphore_mem>>) src(%dma_wait3A_14 : memref<100000x32xf32, #tpu.memory_space<hbm>>) dst(%dma_wait3A_11 : memref<640x32xf32, #tpu.memory_space<vmem>>)
    %scan3A = arith.constant 0 : i32
    %scan3A_15 = arith.constant 0 : i32
    %scan3A_16 = arith.constant 32 : i32
    %scan3A_17 = arith.addi %scan3A_15, %scan3A_16 : i32
    %scan3A_18 = arith.constant 1 : i32
    %scan3A_19 = scf.for %scan3A_77 = %scan3A_15 to %scan3A_17 step %scan3A_18 iter_args(%scan3A_78 = %scan3A) -> (i32)  : i32 {
      %mul3A_79 = arith.constant 20 : i32
      %mul3A_80 = arith.muli %scan3A_77, %mul3A_79 : i32
      %broadcast_in_dim3A = arith.constant 0.000000e+00 : f32
      %broadcast_in_dim3A_81 = vector.broadcast %broadcast_in_dim3A : f32 to vector<16xf32>
      %broadcast_in_dim3A_82 = arith.constant 0.000000e+00 : f32
      %broadcast_in_dim3A_83 = vector.broadcast %broadcast_in_dim3A_82 : f32 to vector<16xf32>
      %broadcast_in_dim3A_84 = arith.constant 0.000000e+00 : f32
      %broadcast_in_dim3A_85 = vector.broadcast %broadcast_in_dim3A_84 : f32 to vector<16xf32>
      %broadcast_in_dim3A_86 = arith.constant 0.000000e+00 : f32
      %broadcast_in_dim3A_87 = vector.broadcast %broadcast_in_dim3A_86 : f32 to vector<16xf32>
      %add3A_88 = arith.constant 0 : i32
      %add3A_89 = arith.addi %mul3A_80, %add3A_88 : i32
      %get3A = arith.index_cast %add3A_89 : i32 to index
      %get3A_90 = arith.constant 0 : index
      %get3A_91 = tpu.vector_load %arg11[%get3A, %get3A_90] {strides = array<i32>} : memref<1000x32xf32, #tpu.memory_space<vmem>>, vector<16xf32>,
      %add3A_92 = arith.constant 0 : i32
      %add3A_93 = arith.addi %mul3A_80, %add3A_92 : i32
      %get3A_94 = arith.index_cast %add3A_93 : i32 to index
      %get3A_95 = arith.constant 16 : index
      %get3A_96 = tpu.vector_load %arg11[%get3A_94, %get3A_95] {strides = array<i32>} : memref<1000x32xf32, #tpu.memory_space<vmem>>, vector<16xf32>,
      %add3A_97 = arith.addf %broadcast_in_dim3A_81, %get3A_91 : vector<16xf32>
      %add3A_98 = arith.addf %broadcast_in_dim3A_83, %get3A_96 : vector<16xf32>
      %add3A_99 = arith.constant 1 : i32
      %add3A_100 = arith.addi %mul3A_80, %add3A_99 : i32
      %get3A_101 = arith.index_cast %add3A_100 : i32 to index
      %get3A_102 = arith.constant 0 : index
      %get3A_103 = tpu.vector_load %arg11[%get3A_101, %get3A_102] {strides = array<i32>} : memref<1000x32xf32, #tpu.memory_space<vmem>>, vector<16xf32>,
      %add3A_104 = arith.constant 1 : i32
      %add3A_105 = arith.addi %mul3A_80, %add3A_104 : i32
      %get3A_106 = arith.index_cast %add3A_105 : i32 to index
      %get3A_107 = arith.constant 16 : index
      %get3A_108 = tpu.vector_load %arg11[%get3A_106, %get3A_107] {strides = array<i32>} : memref<1000x32xf32, #tpu.memory_space<vmem>>, vector<16xf32>,
      %add3A_109 = arith.addf %add3A_97, %get3A_103 : vector<16xf32>
      %add3A_110 = arith.addf %add3A_98, %get3A_108 : vector<16xf32>
      %add3A_111 = arith.constant 2 : i32
      %add3A_112 = arith.addi %mul3A_80, %add3A_111 : i32
      %get3A_113 = arith.index_cast %add3A_112 : i32 to index
      %get3A_114 = arith.constant 0 : index
      %get3A_115 = tpu.vector_load %arg11[%get3A_113, %get3A_114] {strides = array<i32>} : memref<1000x32xf32, #tpu.memory_space<vmem>>, vector<16xf32>,
      %add3A_116 = arith.constant 2 : i32
      %add3A_117 = arith.addi %mul3A_80, %add3A_116 : i32
      %get3A_118 = arith.index_cast %add3A_117 : i32 to index
      %get3A_119 = arith.constant 16 : index
      %get3A_120 = tpu.vector_load %arg11[%get3A_118, %get3A_119] {strides = array<i32>} : memref<1000x32xf32, #tpu.memory_space<vmem>>, vector<16xf32>,
      %add3A_121 = arith.addf %add3A_109, %get3A_115 : vector<16xf32>
      %add3A_122 = arith.addf %add3A_110, %get3A_120 : vector<16xf32>
      %add3A_123 = arith.constant 3 : i32
      %add3A_124 = arith.addi %mul3A_80, %add3A_123 : i32
      %get3A_125 = arith.index_cast %add3A_124 : i32 to index
      %get3A_126 = arith.constant 0 : index
      %get3A_127 = tpu.vector_load %arg11[%get3A_125, %get3A_126] {strides = array<i32>} : memref<1000x32xf32, #tpu.memory_space<vmem>>, vector<16xf32>,
      %add3A_128 = arith.constant 3 : i32
      %add3A_129 = arith.addi %mul3A_80, %add3A_128 : i32
      %get3A_130 = arith.index_cast %add3A_129 : i32 to index
      %get3A_131 = arith.constant 16 : index
      %get3A_132 = tpu.vector_load %arg11[%get3A_130, %get3A_131] {strides = array<i32>} : memref<1000x32xf32, #tpu.memory_space<vmem>>, vector<16xf32>,
      %add3A_133 = arith.addf %add3A_121, %get3A_127 : vector<16xf32>
      %add3A_134 = arith.addf %add3A_122, %get3A_132 : vector<16xf32>
      %add3A_135 = arith.constant 4 : i32
      %add3A_136 = arith.addi %mul3A_80, %add3A_135 : i32
      %get3A_137 = arith.index_cast %add3A_136 : i32 to index
      %get3A_138 = arith.constant 0 : index
      %get3A_139 = tpu.vector_load %arg11[%get3A_137, %get3A_138] {strides = array<i32>} : memref<1000x32xf32, #tpu.memory_space<vmem>>, vector<16xf32>,
      %add3A_140 = arith.constant 4 : i32
      %add3A_141 = arith.addi %mul3A_80, %add3A_140 : i32
      %get3A_142 = arith.index_cast %add3A_141 : i32 to index
      %get3A_143 = arith.constant 16 : index
      %get3A_144 = tpu.vector_load %arg11[%get3A_142, %get3A_143] {strides = array<i32>} : memref<1000x32xf32, #tpu.memory_space<vmem>>, vector<16xf32>,
      %add3A_145 = arith.addf %add3A_133, %get3A_139 : vector<16xf32>
      %add3A_146 = arith.addf %add3A_134, %get3A_144 : vector<16xf32>
      %add3A_147 = arith.constant 5 : i32
      %add3A_148 = arith.addi %mul3A_80, %add3A_147 : i32
      %get3A_149 = arith.index_cast %add3A_148 : i32 to index
      %get3A_150 = arith.constant 0 : index
      %get3A_151 = tpu.vector_load %arg11[%get3A_149, %get3A_150] {strides = array<i32>} : memref<1000x32xf32, #tpu.memory_space<vmem>>, vector<16xf32>,
      %add3A_152 = arith.constant 5 : i32
      %add3A_153 = arith.addi %mul3A_80, %add3A_152 : i32
      %get3A_154 = arith.index_cast %add3A_153 : i32 to index
      %get3A_155 = arith.constant 16 : index
      %get3A_156 = tpu.vector_load %arg11[%get3A_154, %get3A_155] {strides = array<i32>} : memref<1000x32xf32, #tpu.memory_space<vmem>>, vector<16xf32>,
      %add3A_157 = arith.addf %add3A_145, %get3A_151 : vector<16xf32>
      %add3A_158 = arith.addf %add3A_146, %get3A_156 : vector<16xf32>
      %add3A_159 = arith.constant 6 : i32
      %add3A_160 = arith.addi %mul3A_80, %add3A_159 : i32
      %get3A_161 = arith.index_cast %add3A_160 : i32 to index
      %get3A_162 = arith.constant 0 : index
      %get3A_163 = tpu.vector_load %arg11[%get3A_161, %get3A_162] {strides = array<i32>} : memref<1000x32xf32, #tpu.memory_space<vmem>>, vector<16xf32>,
      %add3A_164 = arith.constant 6 : i32
      %add3A_165 = arith.addi %mul3A_80, %add3A_164 : i32
      %get3A_166 = arith.index_cast %add3A_165 : i32 to index
      %get3A_167 = arith.constant 16 : index
      %get3A_168 = tpu.vector_load %arg11[%get3A_166, %get3A_167] {strides = array<i32>} : memref<1000x32xf32, #tpu.memory_space<vmem>>, vector<16xf32>,
      %add3A_169 = arith.addf %add3A_157, %get3A_163 : vector<16xf32>
      %add3A_170 = arith.addf %add3A_158, %get3A_168 : vector<16xf32>
      %add3A_171 = arith.constant 7 : i32
      %add3A_172 = arith.addi %mul3A_80, %add3A_171 : i32
      %get3A_173 = arith.index_cast %add3A_172 : i32 to index
      %get3A_174 = arith.constant 0 : index
      %get3A_175 = tpu.vector_load %arg11[%get3A_173, %get3A_174] {strides = array<i32>} : memref<1000x32xf32, #tpu.memory_space<vmem>>, vector<16xf32>,
      %add3A_176 = arith.constant 7 : i32
      %add3A_177 = arith.addi %mul3A_80, %add3A_176 : i32
      %get3A_178 = arith.index_cast %add3A_177 : i32 to index
      %get3A_179 = arith.constant 16 : index
      %get3A_180 = tpu.vector_load %arg11[%get3A_178, %get3A_179] {strides = array<i32>} : memref<1000x32xf32, #tpu.memory_space<vmem>>, vector<16xf32>,
      %add3A_181 = arith.addf %add3A_169, %get3A_175 : vector<16xf32>
      %add3A_182 = arith.addf %add3A_170, %get3A_180 : vector<16xf32>
      %add3A_183 = arith.constant 8 : i32
      %add3A_184 = arith.addi %mul3A_80, %add3A_183 : i32
      %get3A_185 = arith.index_cast %add3A_184 : i32 to index
      %get3A_186 = arith.constant 0 : index
      %get3A_187 = tpu.vector_load %arg11[%get3A_185, %get3A_186] {strides = array<i32>} : memref<1000x32xf32, #tpu.memory_space<vmem>>, vector<16xf32>,
      %add3A_188 = arith.constant 8 : i32
      %add3A_189 = arith.addi %mul3A_80, %add3A_188 : i32
      %get3A_190 = arith.index_cast %add3A_189 : i32 to index
      %get3A_191 = arith.constant 16 : index
      %get3A_192 = tpu.vector_load %arg11[%get3A_190, %get3A_191] {strides = array<i32>} : memref<1000x32xf32, #tpu.memory_space<vmem>>, vector<16xf32>,
      %add3A_193 = arith.addf %add3A_181, %get3A_187 : vector<16xf32>
      %add3A_194 = arith.addf %add3A_182, %get3A_192 : vector<16xf32>
      %add3A_195 = arith.constant 9 : i32
      %add3A_196 = arith.addi %mul3A_80, %add3A_195 : i32
      %get3A_197 = arith.index_cast %add3A_196 : i32 to index
      %get3A_198 = arith.constant 0 : index
      %get3A_199 = tpu.vector_load %arg11[%get3A_197, %get3A_198] {strides = array<i32>} : memref<1000x32xf32, #tpu.memory_space<vmem>>, vector<16xf32>,
      %add3A_200 = arith.constant 9 : i32
      %add3A_201 = arith.addi %mul3A_80, %add3A_200 : i32
      %get3A_202 = arith.index_cast %add3A_201 : i32 to index
      %get3A_203 = arith.constant 16 : index
      %get3A_204 = tpu.vector_load %arg11[%get3A_202, %get3A_203] {strides = array<i32>} : memref<1000x32xf32, #tpu.memory_space<vmem>>, vector<16xf32>,
      %add3A_205 = arith.addf %add3A_193, %get3A_199 : vector<16xf32>
      %add3A_206 = arith.addf %add3A_194, %get3A_204 : vector<16xf32>
      %add3A_207 = arith.constant 10 : i32
      %add3A_208 = arith.addi %mul3A_80, %add3A_207 : i32
      %get3A_209 = arith.index_cast %add3A_208 : i32 to index
      %get3A_210 = arith.constant 0 : index
      %get3A_211 = tpu.vector_load %arg11[%get3A_209, %get3A_210] {strides = array<i32>} : memref<1000x32xf32, #tpu.memory_space<vmem>>, vector<16xf32>,
      %add3A_212 = arith.constant 10 : i32
      %add3A_213 = arith.addi %mul3A_80, %add3A_212 : i32
      %get3A_214 = arith.index_cast %add3A_213 : i32 to index
      %get3A_215 = arith.constant 16 : index
      %get3A_216 = tpu.vector_load %arg11[%get3A_214, %get3A_215] {strides = array<i32>} : memref<1000x32xf32, #tpu.memory_space<vmem>>, vector<16xf32>,
      %add3A_217 = arith.addf %add3A_205, %get3A_211 : vector<16xf32>
      %add3A_218 = arith.addf %add3A_206, %get3A_216 : vector<16xf32>
      %add3A_219 = arith.constant 11 : i32
      %add3A_220 = arith.addi %mul3A_80, %add3A_219 : i32
      %get3A_221 = arith.index_cast %add3A_220 : i32 to index
      %get3A_222 = arith.constant 0 : index
      %get3A_223 = tpu.vector_load %arg11[%get3A_221, %get3A_222] {strides = array<i32>} : memref<1000x32xf32, #tpu.memory_space<vmem>>, vector<16xf32>,
      %add3A_224 = arith.constant 11 : i32
      %add3A_225 = arith.addi %mul3A_80, %add3A_224 : i32
      %get3A_226 = arith.index_cast %add3A_225 : i32 to index
      %get3A_227 = arith.constant 16 : index
      %get3A_228 = tpu.vector_load %arg11[%get3A_226, %get3A_227] {strides = array<i32>} : memref<1000x32xf32, #tpu.memory_space<vmem>>, vector<16xf32>,
      %add3A_229 = arith.addf %add3A_217, %get3A_223 : vector<16xf32>
      %add3A_230 = arith.addf %add3A_218, %get3A_228 : vector<16xf32>
      %add3A_231 = arith.constant 12 : i32
      %add3A_232 = arith.addi %mul3A_80, %add3A_231 : i32
      %get3A_233 = arith.index_cast %add3A_232 : i32 to index
      %get3A_234 = arith.constant 0 : index
      %get3A_235 = tpu.vector_load %arg11[%get3A_233, %get3A_234] {strides = array<i32>} : memref<1000x32xf32, #tpu.memory_space<vmem>>, vector<16xf32>,
      %add3A_236 = arith.constant 12 : i32
      %add3A_237 = arith.addi %mul3A_80, %add3A_236 : i32
      %get3A_238 = arith.index_cast %add3A_237 : i32 to index
      %get3A_239 = arith.constant 16 : index
      %get3A_240 = tpu.vector_load %arg11[%get3A_238, %get3A_239] {strides = array<i32>} : memref<1000x32xf32, #tpu.memory_space<vmem>>, vector<16xf32>,
      %add3A_241 = arith.addf %add3A_229, %get3A_235 : vector<16xf32>
      %add3A_242 = arith.addf %add3A_230, %get3A_240 : vector<16xf32>
      %add3A_243 = arith.constant 13 : i32
      %add3A_244 = arith.addi %mul3A_80, %add3A_243 : i32
      %get3A_245 = arith.index_cast %add3A_244 : i32 to index
      %get3A_246 = arith.constant 0 : index
      %get3A_247 = tpu.vector_load %arg11[%get3A_245, %get3A_246] {strides = array<i32>} : memref<1000x32xf32, #tpu.memory_space<vmem>>, vector<16xf32>,
      %add3A_248 = arith.constant 13 : i32
      %add3A_249 = arith.addi %mul3A_80, %add3A_248 : i32
      %get3A_250 = arith.index_cast %add3A_249 : i32 to index
      %get3A_251 = arith.constant 16 : index
      %get3A_252 = tpu.vector_load %arg11[%get3A_250, %get3A_251] {strides = array<i32>} : memref<1000x32xf32, #tpu.memory_space<vmem>>, vector<16xf32>,
      %add3A_253 = arith.addf %add3A_241, %get3A_247 : vector<16xf32>
      %add3A_254 = arith.addf %add3A_242, %get3A_252 : vector<16xf32>
      %add3A_255 = arith.constant 14 : i32
      %add3A_256 = arith.addi %mul3A_80, %add3A_255 : i32
      %get3A_257 = arith.index_cast %add3A_256 : i32 to index
      %get3A_258 = arith.constant 0 : index
      %get3A_259 = tpu.vector_load %arg11[%get3A_257, %get3A_258] {strides = array<i32>} : memref<1000x32xf32, #tpu.memory_space<vmem>>, vector<16xf32>,
      %add3A_260 = arith.constant 14 : i32
      %add3A_261 = arith.addi %mul3A_80, %add3A_260 : i32
      %get3A_262 = arith.index_cast %add3A_261 : i32 to index
      %get3A_263 = arith.constant 16 : index
      %get3A_264 = tpu.vector_load %arg11[%get3A_262, %get3A_263] {strides = array<i32>} : memref<1000x32xf32, #tpu.memory_space<vmem>>, vector<16xf32>,
      %add3A_265 = arith.addf %add3A_253, %get3A_259 : vector<16xf32>
      %add3A_266 = arith.addf %add3A_254, %get3A_264 : vector<16xf32>
      %add3A_267 = arith.constant 15 : i32
      %add3A_268 = arith.addi %mul3A_80, %add3A_267 : i32
      %get3A_269 = arith.index_cast %add3A_268 : i32 to index
      %get3A_270 = arith.constant 0 : index
      %get3A_271 = tpu.vector_load %arg11[%get3A_269, %get3A_270] {strides = array<i32>} : memref<1000x32xf32, #tpu.memory_space<vmem>>, vector<16xf32>,
      %add3A_272 = arith.constant 15 : i32
      %add3A_273 = arith.addi %mul3A_80, %add3A_272 : i32
      %get3A_274 = arith.index_cast %add3A_273 : i32 to index
      %get3A_275 = arith.constant 16 : index
      %get3A_276 = tpu.vector_load %arg11[%get3A_274, %get3A_275] {strides = array<i32>} : memref<1000x32xf32, #tpu.memory_space<vmem>>, vector<16xf32>,
      %add3A_277 = arith.addf %add3A_265, %get3A_271 : vector<16xf32>
      %add3A_278 = arith.addf %add3A_266, %get3A_276 : vector<16xf32>
      %add3A_279 = arith.constant 16 : i32
      %add3A_280 = arith.addi %mul3A_80, %add3A_279 : i32
      %get3A_281 = arith.index_cast %add3A_280 : i32 to index
      %get3A_282 = arith.constant 0 : index
      %get3A_283 = tpu.vector_load %arg11[%get3A_281, %get3A_282] {strides = array<i32>} : memref<1000x32xf32, #tpu.memory_space<vmem>>, vector<16xf32>,
      %add3A_284 = arith.constant 16 : i32
      %add3A_285 = arith.addi %mul3A_80, %add3A_284 : i32
      %get3A_286 = arith.index_cast %add3A_285 : i32 to index
      %get3A_287 = arith.constant 16 : index
      %get3A_288 = tpu.vector_load %arg11[%get3A_286, %get3A_287] {strides = array<i32>} : memref<1000x32xf32, #tpu.memory_space<vmem>>, vector<16xf32>,
      %add3A_289 = arith.addf %add3A_277, %get3A_283 : vector<16xf32>
      %add3A_290 = arith.addf %add3A_278, %get3A_288 : vector<16xf32>
      %add3A_291 = arith.constant 17 : i32
      %add3A_292 = arith.addi %mul3A_80, %add3A_291 : i32
      %get3A_293 = arith.index_cast %add3A_292 : i32 to index
      %get3A_294 = arith.constant 0 : index
      %get3A_295 = tpu.vector_load %arg11[%get3A_293, %get3A_294] {strides = array<i32>} : memref<1000x32xf32, #tpu.memory_space<vmem>>, vector<16xf32>,
      %add3A_296 = arith.constant 17 : i32
      %add3A_297 = arith.addi %mul3A_80, %add3A_296 : i32
      %get3A_298 = arith.index_cast %add3A_297 : i32 to index
      %get3A_299 = arith.constant 16 : index
      %get3A_300 = tpu.vector_load %arg11[%get3A_298, %get3A_299] {strides = array<i32>} : memref<1000x32xf32, #tpu.memory_space<vmem>>, vector<16xf32>,
      %add3A_301 = arith.addf %add3A_289, %get3A_295 : vector<16xf32>
      %add3A_302 = arith.addf %add3A_290, %get3A_300 : vector<16xf32>
      %add3A_303 = arith.constant 18 : i32
      %add3A_304 = arith.addi %mul3A_80, %add3A_303 : i32
      %get3A_305 = arith.index_cast %add3A_304 : i32 to index
      %get3A_306 = arith.constant 0 : index
      %get3A_307 = tpu.vector_load %arg11[%get3A_305, %get3A_306] {strides = array<i32>} : memref<1000x32xf32, #tpu.memory_space<vmem>>, vector<16xf32>,
      %add3A_308 = arith.constant 18 : i32
      %add3A_309 = arith.addi %mul3A_80, %add3A_308 : i32
      %get3A_310 = arith.index_cast %add3A_309 : i32 to index
      %get3A_311 = arith.constant 16 : index
      %get3A_312 = tpu.vector_load %arg11[%get3A_310, %get3A_311] {strides = array<i32>} : memref<1000x32xf32, #tpu.memory_space<vmem>>, vector<16xf32>,
      %add3A_313 = arith.addf %add3A_301, %get3A_307 : vector<16xf32>
      %add3A_314 = arith.addf %add3A_302, %get3A_312 : vector<16xf32>
      %add3A_315 = arith.constant 19 : i32
      %add3A_316 = arith.addi %mul3A_80, %add3A_315 : i32
      %get3A_317 = arith.index_cast %add3A_316 : i32 to index
      %get3A_318 = arith.constant 0 : index
      %get3A_319 = tpu.vector_load %arg11[%get3A_317, %get3A_318] {strides = array<i32>} : memref<1000x32xf32, #tpu.memory_space<vmem>>, vector<16xf32>,
      %add3A_320 = arith.constant 19 : i32
      %add3A_321 = arith.addi %mul3A_80, %add3A_320 : i32
      %get3A_322 = arith.index_cast %add3A_321 : i32 to index
      %get3A_323 = arith.constant 16 : index
      %get3A_324 = tpu.vector_load %arg11[%get3A_322, %get3A_323] {strides = array<i32>} : memref<1000x32xf32, #tpu.memory_space<vmem>>, vector<16xf32>,
      %add3A_325 = arith.addf %add3A_313, %get3A_319 : vector<16xf32>
      %add3A_326 = arith.addf %add3A_314, %get3A_324 : vector<16xf32>
      %swap3A = arith.index_cast %scan3A_77 : i32 to index
      %swap3A_327 = arith.constant 0 : index
      %swap3A_328 = tpu.vector_load %arg13[%swap3A, %swap3A_327] {strides = array<i32>} : memref<50x32xf32, #tpu.memory_space<vmem>>, vector<16xf32>,
      tpu.vector_store %arg13[%swap3A, %swap3A_327], %add3A_325 {strides = array<i32>} : memref<50x32xf32, #tpu.memory_space<vmem>>, vector<16xf32>,
      %swap3A_329 = arith.index_cast %scan3A_77 : i32 to index
      %swap3A_330 = arith.constant 16 : index
      %swap3A_331 = tpu.vector_load %arg13[%swap3A_329, %swap3A_330] {strides = array<i32>} : memref<50x32xf32, #tpu.memory_space<vmem>>, vector<16xf32>,
      tpu.vector_store %arg13[%swap3A_329, %swap3A_330], %add3A_326 {strides = array<i32>} : memref<50x32xf32, #tpu.memory_space<vmem>>, vector<16xf32>,
      %scan3A_332 = arith.constant 0 : i32
      scf.yield %scan3A_332 : i32
    }
    %scan3A_20 = arith.constant 32 : i32
    "tpu.region"() ({
      %run_scoped3A = tpu.sem_alloc : memref<!tpu.dma_semaphore, #tpu.memory_space<semaphore_mem>>
      %dma_start3A_77 = arith.constant 0 : i32
      %dma_start3A_78 = arith.constant 0 : i32
      %dma_start3A_79 = tpu.memref_slice %arg13[%dma_start3A_77, %dma_start3A_78] : memref<50x32xf32, #tpu.memory_space<vmem>> -> memref<32x32xf32, #tpu.memory_space<vmem>>
      %dma_start3A_80 = arith.constant 0 : i32
      %dma_start3A_81 = tpu.memref_slice %arg6[%mul3A_2, %dma_start3A_80] : memref<1024x32xf32, #tpu.memory_space<hbm>> -> memref<32x32xf32, #tpu.memory_space<hbm>>
      %dma_start3A_82 = arith.constant 0 : i32
      %dma_start3A_83 = tpu.memref_slice %arg6[%mul3A_2, %dma_start3A_82] : memref<1024x32xf32, #tpu.memory_space<hbm>> -> memref<32x32xf32, #tpu.memory_space<hbm>>
      %dma_start3A_84 = arith.constant 0 : i32
      %dma_start3A_85 = arith.constant 0 : i32
      %dma_start3A_86 = tpu.memref_slice %arg13[%dma_start3A_84, %dma_start3A_85] : memref<50x32xf32, #tpu.memory_space<vmem>> -> memref<32x32xf32, #tpu.memory_space<vmem>>
      tpu.enqueue_dma source(%dma_start3A_86 : memref<32x32xf32, #tpu.memory_space<vmem>>) target(%dma_start3A_83 : memref<32x32xf32, #tpu.memory_space<hbm>>) target_semaphore(%run_scoped3A : memref<!tpu.dma_semaphore, #tpu.memory_space<semaphore_mem>>)
      %dma_wait3A_87 = arith.constant 0 : i32
      %dma_wait3A_88 = arith.constant 0 : i32
      %dma_wait3A_89 = tpu.memref_slice %arg13[%dma_wait3A_87, %dma_wait3A_88] : memref<50x32xf32, #tpu.memory_space<vmem>> -> memref<32x32xf32, #tpu.memory_space<vmem>>
      %dma_wait3A_90 = arith.constant 0 : i32
      %dma_wait3A_91 = tpu.memref_slice %arg6[%mul3A_2, %dma_wait3A_90] : memref<1024x32xf32, #tpu.memory_space<hbm>> -> memref<32x32xf32, #tpu.memory_space<hbm>>
      %dma_wait3A_92 = arith.constant 0 : i32
      %dma_wait3A_93 = tpu.memref_slice %arg6[%mul3A_2, %dma_wait3A_92] : memref<1024x32xf32, #tpu.memory_space<hbm>> -> memref<32x32xf32, #tpu.memory_space<hbm>>
      %dma_wait3A_94 = arith.constant 0 : i32
      %dma_wait3A_95 = arith.constant 0 : i32
      %dma_wait3A_96 = tpu.memref_slice %arg13[%dma_wait3A_94, %dma_wait3A_95] : memref<50x32xf32, #tpu.memory_space<vmem>> -> memref<32x32xf32, #tpu.memory_space<vmem>>
      tpu.wait_dma2 semaphore(%run_scoped3A : memref<!tpu.dma_semaphore, #tpu.memory_space<semaphore_mem>>) src(%dma_wait3A_96 : memref<32x32xf32, #tpu.memory_space<vmem>>) dst(%dma_wait3A_93 : memref<32x32xf32, #tpu.memory_space<hbm>>)
      tpu.yield
    }) : () -> ()
    %mul3A_21 = arith.constant 1600 : i32
    %mul3A_22 = arith.muli %add3A, %mul3A_21 : i32
    %add3A_23 = arith.constant 0 : i32
    %add3A_24 = arith.addi %mul3A_22, %add3A_23 : i32
    %mul3A_25 = arith.constant 20 : i32
    %mul3A_26 = arith.muli %add3A_24, %mul3A_25 : i32
    "tpu.region"() ({
      %run_scoped3A = tpu.sem_alloc : memref<!tpu.dma_semaphore, #tpu.memory_space<semaphore_mem>>
      %dma_start3A_77 = tpu.memref_slice %arg2[%mul3A_26] : memref<1024000xi32, #tpu.memory_space<hbm>> -> memref<1000xi32, #tpu.memory_space<hbm>>
      %dma_start3A_78 = tpu.memref_slice %arg2[%mul3A_26] : memref<1024000xi32, #tpu.memory_space<hbm>> -> memref<1000xi32, #tpu.memory_space<hbm>>
      tpu.enqueue_dma source(%dma_start3A_78 : memref<1000xi32, #tpu.memory_space<hbm>>) target(%arg9 : memref<1000xi32, #tpu.memory_space<vmem>>) target_semaphore(%run_scoped3A : memref<!tpu.dma_semaphore, #tpu.memory_space<semaphore_mem>>)
      %dma_wait3A_79 = tpu.memref_slice %arg2[%mul3A_26] : memref<1024000xi32, #tpu.memory_space<hbm>> -> memref<1000xi32, #tpu.memory_space<hbm>>
      %dma_wait3A_80 = tpu.memref_slice %arg2[%mul3A_26] : memref<1024000xi32, #tpu.memory_space<hbm>> -> memref<1000xi32, #tpu.memory_space<hbm>>
      tpu.wait_dma2 semaphore(%run_scoped3A : memref<!tpu.dma_semaphore, #tpu.memory_space<semaphore_mem>>) src(%dma_wait3A_80 : memref<1000xi32, #tpu.memory_space<hbm>>) dst(%arg9 : memref<1000xi32, #tpu.memory_space<vmem>>)
      tpu.yield
    }) : () -> ()
    %dma_start3A_27 = arith.constant 0 : i32
    %dma_start3A_28 = arith.constant 0 : i32
    %dma_start3A_29 = tpu.memref_slice %arg4[%dma_start3A_27, %dma_start3A_28] : memref<100000x32xf32, #tpu.memory_space<hbm>> -> memref<100000x32xf32, #tpu.memory_space<hbm>>
    tpu.enqueue_indirect_dma source(%dma_start3A_29 : memref<100000x32xf32, #tpu.memory_space<hbm>>) target(%arg11 : memref<1000x32xf32, #tpu.memory_space<vmem>>) offsets(%arg9 : memref<1000xi32, #tpu.memory_space<vmem>>) semaphore(%arg18 : memref<!tpu.dma_semaphore, #tpu.memory_space<semaphore_mem>>)
    %scan3A_30 = arith.constant 0 : i32
    %scan3A_31 = arith.constant 0 : i32
    %scan3A_32 = arith.constant 16 : i32
    %scan3A_33 = arith.addi %scan3A_31, %scan3A_32 : i32
    %scan3A_34 = arith.constant 1 : i32
    %scan3A_35 = scf.for %scan3A_77 = %scan3A_31 to %scan3A_33 step %scan3A_34 iter_args(%scan3A_78 = %scan3A_30) -> (i32)  : i32 {
      %mul3A_79 = arith.constant 2 : i32
      %mul3A_80 = arith.muli %scan3A_77, %mul3A_79 : i32
      %add3A_81 = arith.constant 0 : i32
      %add3A_82 = arith.addi %mul3A_80, %add3A_81 : i32
      %add3A_83 = arith.constant 1 : i32
      %add3A_84 = arith.addi %add3A_82, %add3A_83 : i32
      %lt3A = arith.constant 32 : i32
      %lt3A_85 = arith.cmpi slt, %add3A_84, %lt3A : i32
      %convert_element_type3A = arith.extui %lt3A_85 : i1 to i32
      %cond3A = arith.constant 0 : i32
      %cond3A_86 = arith.cmpi ne, %convert_element_type3A, %cond3A : i32
      scf.if %cond3A_86 {
        %add3A_146 = arith.constant 1 : i32
        %add3A_147 = arith.addi %add3A_82, %add3A_146 : i32
        %mul3A_148 = arith.constant 1600 : i32
        %mul3A_149 = arith.muli %add3A, %mul3A_148 : i32
        %mul3A_150 = arith.constant 50 : i32
        %mul3A_151 = arith.muli %add3A_147, %mul3A_150 : i32
        %add3A_152 = arith.addi %mul3A_149, %mul3A_151 : i32
        %mul3A_153 = arith.constant 20 : i32
        %mul3A_154 = arith.muli %add3A_152, %mul3A_153 : i32
        "tpu.region"() ({
          %run_scoped3A = tpu.sem_alloc : memref<!tpu.dma_semaphore, #tpu.memory_space<semaphore_mem>>
          %dma_start3A_158 = tpu.memref_slice %arg2[%mul3A_154] : memref<1024000xi32, #tpu.memory_space<hbm>> -> memref<1000xi32, #tpu.memory_space<hbm>>
          %dma_start3A_159 = tpu.memref_slice %arg2[%mul3A_154] : memref<1024000xi32, #tpu.memory_space<hbm>> -> memref<1000xi32, #tpu.memory_space<hbm>>
          tpu.enqueue_dma source(%dma_start3A_159 : memref<1000xi32, #tpu.memory_space<hbm>>) target(%arg10 : memref<1000xi32, #tpu.memory_space<vmem>>) target_semaphore(%run_scoped3A : memref<!tpu.dma_semaphore, #tpu.memory_space<semaphore_mem>>)
          %dma_wait3A_160 = tpu.memref_slice %arg2[%mul3A_154] : memref<1024000xi32, #tpu.memory_space<hbm>> -> memref<1000xi32, #tpu.memory_space<hbm>>
          %dma_wait3A_161 = tpu.memref_slice %arg2[%mul3A_154] : memref<1024000xi32, #tpu.memory_space<hbm>> -> memref<1000xi32, #tpu.memory_space<hbm>>
          tpu.wait_dma2 semaphore(%run_scoped3A : memref<!tpu.dma_semaphore, #tpu.memory_space<semaphore_mem>>) src(%dma_wait3A_161 : memref<1000xi32, #tpu.memory_space<hbm>>) dst(%arg10 : memref<1000xi32, #tpu.memory_space<vmem>>)
          tpu.yield
        }) : () -> ()
        %dma_start3A_155 = arith.constant 0 : i32
        %dma_start3A_156 = arith.constant 0 : i32
        %dma_start3A_157 = tpu.memref_slice %arg4[%dma_start3A_155, %dma_start3A_156] : memref<100000x32xf32, #tpu.memory_space<hbm>> -> memref<100000x32xf32, #tpu.memory_space<hbm>>
        tpu.enqueue_indirect_dma source(%dma_start3A_157 : memref<100000x32xf32, #tpu.memory_space<hbm>>) target(%arg12 : memref<1000x32xf32, #tpu.memory_space<vmem>>) offsets(%arg10 : memref<1000xi32, #tpu.memory_space<vmem>>) semaphore(%arg19 : memref<!tpu.dma_semaphore, #tpu.memory_space<semaphore_mem>>)
      } else {
      }
      %dma_wait3A_87 = arith.constant 0 : i32
      %dma_wait3A_88 = arith.constant 0 : i32
      %dma_wait3A_89 = tpu.memref_slice %arg4[%dma_wait3A_87, %dma_wait3A_88] : memref<100000x32xf32, #tpu.memory_space<hbm>> -> memref<100000x32xf32, #tpu.memory_space<hbm>>
      tpu.wait_indirect_dma semaphore(%arg18 : memref<!tpu.dma_semaphore, #tpu.memory_space<semaphore_mem>>) src(%dma_wait3A_89 : memref<100000x32xf32, #tpu.memory_space<hbm>>) dst(%arg11 : memref<1000x32xf32, #tpu.memory_space<vmem>>)
      %ge3A = arith.constant 2 : i32
      %ge3A_90 = arith.cmpi sge, %add3A_82, %ge3A : i32
      %convert_element_type3A_91 = arith.extui %ge3A_90 : i1 to i32
      %cond3A_92 = arith.constant 0 : i32
      %cond3A_93 = arith.cmpi ne, %convert_element_type3A_91, %cond3A_92 : i32
      scf.if %cond3A_93 {
        %dma_wait3A_146 = arith.constant 0 : i32
        %dma_wait3A_147 = arith.constant 0 : i32
        %dma_wait3A_148 = tpu.memref_slice %arg7[%dma_wait3A_146, %dma_wait3A_147] : memref<51200x32xf32, #tpu.memory_space<hbm>> -> memref<50x32xf32, #tpu.memory_space<hbm>>
        %dma_wait3A_149 = arith.constant 0 : i32
        %dma_wait3A_150 = arith.constant 0 : i32
        %dma_wait3A_151 = tpu.memref_slice %arg7[%dma_wait3A_149, %dma_wait3A_150] : memref<51200x32xf32, #tpu.memory_space<hbm>> -> memref<50x32xf32, #tpu.memory_space<hbm>>
        tpu.wait_dma2 semaphore(%arg20 : memref<!tpu.dma_semaphore, #tpu.memory_space<semaphore_mem>>) src(%arg15 : memref<50x32xf32, #tpu.memory_space<vmem>>) dst(%dma_wait3A_151 : memref<50x32xf32, #tpu.memory_space<hbm>>)
      } else {
      }
      %scan3A_94 = arith.constant 0 : i32
      %scan3A_95 = arith.constant 0 : i32
      %scan3A_96 = arith.constant 50 : i32
      %scan3A_97 = arith.addi %scan3A_95, %scan3A_96 : i32
      %scan3A_98 = arith.constant 1 : i32
      %scan3A_99 = scf.for %scan3A_146 = %scan3A_95 to %scan3A_97 step %scan3A_98 iter_args(%scan3A_147 = %scan3A_94) -> (i32)  : i32 {
        %mul3A_148 = arith.constant 20 : i32
        %mul3A_149 = arith.muli %scan3A_146, %mul3A_148 : i32
        %broadcast_in_dim3A = arith.constant 0.000000e+00 : f32
        %broadcast_in_dim3A_150 = vector.broadcast %broadcast_in_dim3A : f32 to vector<16xf32>
        %broadcast_in_dim3A_151 = arith.constant 0.000000e+00 : f32
        %broadcast_in_dim3A_152 = vector.broadcast %broadcast_in_dim3A_151 : f32 to vector<16xf32>
        %broadcast_in_dim3A_153 = arith.constant 0.000000e+00 : f32
        %broadcast_in_dim3A_154 = vector.broadcast %broadcast_in_dim3A_153 : f32 to vector<16xf32>
        %broadcast_in_dim3A_155 = arith.constant 0.000000e+00 : f32
        %broadcast_in_dim3A_156 = vector.broadcast %broadcast_in_dim3A_155 : f32 to vector<16xf32>
        %add3A_157 = arith.constant 0 : i32
        %add3A_158 = arith.addi %mul3A_149, %add3A_157 : i32
        %get3A = arith.index_cast %add3A_158 : i32 to index
        %get3A_159 = arith.constant 0 : index
        %get3A_160 = tpu.vector_load %arg11[%get3A, %get3A_159] {strides = array<i32>} : memref<1000x32xf32, #tpu.memory_space<vmem>>, vector<16xf32>,
        %add3A_161 = arith.constant 0 : i32
        %add3A_162 = arith.addi %mul3A_149, %add3A_161 : i32
        %get3A_163 = arith.index_cast %add3A_162 : i32 to index
        %get3A_164 = arith.constant 16 : index
        %get3A_165 = tpu.vector_load %arg11[%get3A_163, %get3A_164] {strides = array<i32>} : memref<1000x32xf32, #tpu.memory_space<vmem>>, vector<16xf32>,
        %mul3A_166 = arith.constant 9.687500e-01 : f32
        %mul3A_167 = vector.broadcast %mul3A_166 : f32 to vector<16xf32>
        %mul3A_168 = arith.mulf %get3A_160, %mul3A_167 : vector<16xf32>
        %add3A_169 = arith.addf %broadcast_in_dim3A_154, %mul3A_168 : vector<16xf32>
        %mul3A_170 = arith.constant 9.687500e-01 : f32
        %mul3A_171 = vector.broadcast %mul3A_170 : f32 to vector<16xf32>
        %mul3A_172 = arith.mulf %get3A_165, %mul3A_171 : vector<16xf32>
        %add3A_173 = arith.addf %broadcast_in_dim3A_156, %mul3A_172 : vector<16xf32>
        %add3A_174 = arith.constant 1 : i32
        %add3A_175 = arith.addi %mul3A_149, %add3A_174 : i32
        %get3A_176 = arith.index_cast %add3A_175 : i32 to index
        %get3A_177 = arith.constant 0 : index
        %get3A_178 = tpu.vector_load %arg11[%get3A_176, %get3A_177] {strides = array<i32>} : memref<1000x32xf32, #tpu.memory_space<vmem>>, vector<16xf32>,
        %add3A_179 = arith.constant 1 : i32
        %add3A_180 = arith.addi %mul3A_149, %add3A_179 : i32
        %get3A_181 = arith.index_cast %add3A_180 : i32 to index
        %get3A_182 = arith.constant 16 : index
        %get3A_183 = tpu.vector_load %arg11[%get3A_181, %get3A_182] {strides = array<i32>} : memref<1000x32xf32, #tpu.memory_space<vmem>>, vector<16xf32>,
        %mul3A_184 = arith.constant 9.218750e-01 : f32
        %mul3A_185 = vector.broadcast %mul3A_184 : f32 to vector<16xf32>
        %mul3A_186 = arith.mulf %get3A_178, %mul3A_185 : vector<16xf32>
        %add3A_187 = arith.addf %add3A_169, %mul3A_186 : vector<16xf32>
        %mul3A_188 = arith.constant 9.218750e-01 : f32
        %mul3A_189 = vector.broadcast %mul3A_188 : f32 to vector<16xf32>
        %mul3A_190 = arith.mulf %get3A_183, %mul3A_189 : vector<16xf32>
        %add3A_191 = arith.addf %add3A_173, %mul3A_190 : vector<16xf32>
        %add3A_192 = arith.constant 2 : i32
        %add3A_193 = arith.addi %mul3A_149, %add3A_192 : i32
        %get3A_194 = arith.index_cast %add3A_193 : i32 to index
        %get3A_195 = arith.constant 0 : index
        %get3A_196 = tpu.vector_load %arg11[%get3A_194, %get3A_195] {strides = array<i32>} : memref<1000x32xf32, #tpu.memory_space<vmem>>, vector<16xf32>,
        %add3A_197 = arith.constant 2 : i32
        %add3A_198 = arith.addi %mul3A_149, %add3A_197 : i32
        %get3A_199 = arith.index_cast %add3A_198 : i32 to index
        %get3A_200 = arith.constant 16 : index
        %get3A_201 = tpu.vector_load %arg11[%get3A_199, %get3A_200] {strides = array<i32>} : memref<1000x32xf32, #tpu.memory_space<vmem>>, vector<16xf32>,
        %mul3A_202 = arith.constant 8.750000e-01 : f32
        %mul3A_203 = vector.broadcast %mul3A_202 : f32 to vector<16xf32>
        %mul3A_204 = arith.mulf %get3A_196, %mul3A_203 : vector<16xf32>
        %add3A_205 = arith.addf %add3A_187, %mul3A_204 : vector<16xf32>
        %mul3A_206 = arith.constant 8.750000e-01 : f32
        %mul3A_207 = vector.broadcast %mul3A_206 : f32 to vector<16xf32>
        %mul3A_208 = arith.mulf %get3A_201, %mul3A_207 : vector<16xf32>
        %add3A_209 = arith.addf %add3A_191, %mul3A_208 : vector<16xf32>
        %add3A_210 = arith.constant 3 : i32
        %add3A_211 = arith.addi %mul3A_149, %add3A_210 : i32
        %get3A_212 = arith.index_cast %add3A_211 : i32 to index
        %get3A_213 = arith.constant 0 : index
        %get3A_214 = tpu.vector_load %arg11[%get3A_212, %get3A_213] {strides = array<i32>} : memref<1000x32xf32, #tpu.memory_space<vmem>>, vector<16xf32>,
        %add3A_215 = arith.constant 3 : i32
        %add3A_216 = arith.addi %mul3A_149, %add3A_215 : i32
        %get3A_217 = arith.index_cast %add3A_216 : i32 to index
        %get3A_218 = arith.constant 16 : index
        %get3A_219 = tpu.vector_load %arg11[%get3A_217, %get3A_218] {strides = array<i32>} : memref<1000x32xf32, #tpu.memory_space<vmem>>, vector<16xf32>,
        %mul3A_220 = arith.constant 8.281250e-01 : f32
        %mul3A_221 = vector.broadcast %mul3A_220 : f32 to vector<16xf32>
        %mul3A_222 = arith.mulf %get3A_214, %mul3A_221 : vector<16xf32>
        %add3A_223 = arith.addf %add3A_205, %mul3A_222 : vector<16xf32>
        %mul3A_224 = arith.constant 8.281250e-01 : f32
        %mul3A_225 = vector.broadcast %mul3A_224 : f32 to vector<16xf32>
        %mul3A_226 = arith.mulf %get3A_219, %mul3A_225 : vector<16xf32>
        %add3A_227 = arith.addf %add3A_209, %mul3A_226 : vector<16xf32>
        %add3A_228 = arith.constant 4 : i32
        %add3A_229 = arith.addi %mul3A_149, %add3A_228 : i32
        %get3A_230 = arith.index_cast %add3A_229 : i32 to index
        %get3A_231 = arith.constant 0 : index
        %get3A_232 = tpu.vector_load %arg11[%get3A_230, %get3A_231] {strides = array<i32>} : memref<1000x32xf32, #tpu.memory_space<vmem>>, vector<16xf32>,
        %add3A_233 = arith.constant 4 : i32
        %add3A_234 = arith.addi %mul3A_149, %add3A_233 : i32
        %get3A_235 = arith.index_cast %add3A_234 : i32 to index
        %get3A_236 = arith.constant 16 : index
        %get3A_237 = tpu.vector_load %arg11[%get3A_235, %get3A_236] {strides = array<i32>} : memref<1000x32xf32, #tpu.memory_space<vmem>>, vector<16xf32>,
        %mul3A_238 = arith.constant 7.812500e-01 : f32
        %mul3A_239 = vector.broadcast %mul3A_238 : f32 to vector<16xf32>
        %mul3A_240 = arith.mulf %get3A_232, %mul3A_239 : vector<16xf32>
        %add3A_241 = arith.addf %add3A_223, %mul3A_240 : vector<16xf32>
        %mul3A_242 = arith.constant 7.812500e-01 : f32
        %mul3A_243 = vector.broadcast %mul3A_242 : f32 to vector<16xf32>
        %mul3A_244 = arith.mulf %get3A_237, %mul3A_243 : vector<16xf32>
        %add3A_245 = arith.addf %add3A_227, %mul3A_244 : vector<16xf32>
        %add3A_246 = arith.constant 5 : i32
        %add3A_247 = arith.addi %mul3A_149, %add3A_246 : i32
        %get3A_248 = arith.index_cast %add3A_247 : i32 to index
        %get3A_249 = arith.constant 0 : index
        %get3A_250 = tpu.vector_load %arg11[%get3A_248, %get3A_249] {strides = array<i32>} : memref<1000x32xf32, #tpu.memory_space<vmem>>, vector<16xf32>,
        %add3A_251 = arith.constant 5 : i32
        %add3A_252 = arith.addi %mul3A_149, %add3A_251 : i32
        %get3A_253 = arith.index_cast %add3A_252 : i32 to index
        %get3A_254 = arith.constant 16 : index
        %get3A_255 = tpu.vector_load %arg11[%get3A_253, %get3A_254] {strides = array<i32>} : memref<1000x32xf32, #tpu.memory_space<vmem>>, vector<16xf32>,
        %mul3A_256 = arith.constant 7.343750e-01 : f32
        %mul3A_257 = vector.broadcast %mul3A_256 : f32 to vector<16xf32>
        %mul3A_258 = arith.mulf %get3A_250, %mul3A_257 : vector<16xf32>
        %add3A_259 = arith.addf %add3A_241, %mul3A_258 : vector<16xf32>
        %mul3A_260 = arith.constant 7.343750e-01 : f32
        %mul3A_261 = vector.broadcast %mul3A_260 : f32 to vector<16xf32>
        %mul3A_262 = arith.mulf %get3A_255, %mul3A_261 : vector<16xf32>
        %add3A_263 = arith.addf %add3A_245, %mul3A_262 : vector<16xf32>
        %add3A_264 = arith.constant 6 : i32
        %add3A_265 = arith.addi %mul3A_149, %add3A_264 : i32
        %get3A_266 = arith.index_cast %add3A_265 : i32 to index
        %get3A_267 = arith.constant 0 : index
        %get3A_268 = tpu.vector_load %arg11[%get3A_266, %get3A_267] {strides = array<i32>} : memref<1000x32xf32, #tpu.memory_space<vmem>>, vector<16xf32>,
        %add3A_269 = arith.constant 6 : i32
        %add3A_270 = arith.addi %mul3A_149, %add3A_269 : i32
        %get3A_271 = arith.index_cast %add3A_270 : i32 to index
        %get3A_272 = arith.constant 16 : index
        %get3A_273 = tpu.vector_load %arg11[%get3A_271, %get3A_272] {strides = array<i32>} : memref<1000x32xf32, #tpu.memory_space<vmem>>, vector<16xf32>,
        %mul3A_274 = arith.constant 6.875000e-01 : f32
        %mul3A_275 = vector.broadcast %mul3A_274 : f32 to vector<16xf32>
        %mul3A_276 = arith.mulf %get3A_268, %mul3A_275 : vector<16xf32>
        %add3A_277 = arith.addf %add3A_259, %mul3A_276 : vector<16xf32>
        %mul3A_278 = arith.constant 6.875000e-01 : f32
        %mul3A_279 = vector.broadcast %mul3A_278 : f32 to vector<16xf32>
        %mul3A_280 = arith.mulf %get3A_273, %mul3A_279 : vector<16xf32>
        %add3A_281 = arith.addf %add3A_263, %mul3A_280 : vector<16xf32>
        %add3A_282 = arith.constant 7 : i32
        %add3A_283 = arith.addi %mul3A_149, %add3A_282 : i32
        %get3A_284 = arith.index_cast %add3A_283 : i32 to index
        %get3A_285 = arith.constant 0 : index
        %get3A_286 = tpu.vector_load %arg11[%get3A_284, %get3A_285] {strides = array<i32>} : memref<1000x32xf32, #tpu.memory_space<vmem>>, vector<16xf32>,
        %add3A_287 = arith.constant 7 : i32
        %add3A_288 = arith.addi %mul3A_149, %add3A_287 : i32
        %get3A_289 = arith.index_cast %add3A_288 : i32 to index
        %get3A_290 = arith.constant 16 : index
        %get3A_291 = tpu.vector_load %arg11[%get3A_289, %get3A_290] {strides = array<i32>} : memref<1000x32xf32, #tpu.memory_space<vmem>>, vector<16xf32>,
        %mul3A_292 = arith.constant 6.406250e-01 : f32
        %mul3A_293 = vector.broadcast %mul3A_292 : f32 to vector<16xf32>
        %mul3A_294 = arith.mulf %get3A_286, %mul3A_293 : vector<16xf32>
        %add3A_295 = arith.addf %add3A_277, %mul3A_294 : vector<16xf32>
        %mul3A_296 = arith.constant 6.406250e-01 : f32
        %mul3A_297 = vector.broadcast %mul3A_296 : f32 to vector<16xf32>
        %mul3A_298 = arith.mulf %get3A_291, %mul3A_297 : vector<16xf32>
        %add3A_299 = arith.addf %add3A_281, %mul3A_298 : vector<16xf32>
        %add3A_300 = arith.constant 8 : i32
        %add3A_301 = arith.addi %mul3A_149, %add3A_300 : i32
        %get3A_302 = arith.index_cast %add3A_301 : i32 to index
        %get3A_303 = arith.constant 0 : index
        %get3A_304 = tpu.vector_load %arg11[%get3A_302, %get3A_303] {strides = array<i32>} : memref<1000x32xf32, #tpu.memory_space<vmem>>, vector<16xf32>,
        %add3A_305 = arith.constant 8 : i32
        %add3A_306 = arith.addi %mul3A_149, %add3A_305 : i32
        %get3A_307 = arith.index_cast %add3A_306 : i32 to index
        %get3A_308 = arith.constant 16 : index
        %get3A_309 = tpu.vector_load %arg11[%get3A_307, %get3A_308] {strides = array<i32>} : memref<1000x32xf32, #tpu.memory_space<vmem>>, vector<16xf32>,
        %mul3A_310 = arith.constant 5.937500e-01 : f32
        %mul3A_311 = vector.broadcast %mul3A_310 : f32 to vector<16xf32>
        %mul3A_312 = arith.mulf %get3A_304, %mul3A_311 : vector<16xf32>
        %add3A_313 = arith.addf %add3A_295, %mul3A_312 : vector<16xf32>
        %mul3A_314 = arith.constant 5.937500e-01 : f32
        %mul3A_315 = vector.broadcast %mul3A_314 : f32 to vector<16xf32>
        %mul3A_316 = arith.mulf %get3A_309, %mul3A_315 : vector<16xf32>
        %add3A_317 = arith.addf %add3A_299, %mul3A_316 : vector<16xf32>
        %add3A_318 = arith.constant 9 : i32
        %add3A_319 = arith.addi %mul3A_149, %add3A_318 : i32
        %get3A_320 = arith.index_cast %add3A_319 : i32 to index
        %get3A_321 = arith.constant 0 : index
        %get3A_322 = tpu.vector_load %arg11[%get3A_320, %get3A_321] {strides = array<i32>} : memref<1000x32xf32, #tpu.memory_space<vmem>>, vector<16xf32>,
        %add3A_323 = arith.constant 9 : i32
        %add3A_324 = arith.addi %mul3A_149, %add3A_323 : i32
        %get3A_325 = arith.index_cast %add3A_324 : i32 to index
        %get3A_326 = arith.constant 16 : index
        %get3A_327 = tpu.vector_load %arg11[%get3A_325, %get3A_326] {strides = array<i32>} : memref<1000x32xf32, #tpu.memory_space<vmem>>, vector<16xf32>,
        %mul3A_328 = arith.constant 5.468750e-01 : f32
        %mul3A_329 = vector.broadcast %mul3A_328 : f32 to vector<16xf32>
        %mul3A_330 = arith.mulf %get3A_322, %mul3A_329 : vector<16xf32>
        %add3A_331 = arith.addf %add3A_313, %mul3A_330 : vector<16xf32>
        %mul3A_332 = arith.constant 5.468750e-01 : f32
        %mul3A_333 = vector.broadcast %mul3A_332 : f32 to vector<16xf32>
        %mul3A_334 = arith.mulf %get3A_327, %mul3A_333 : vector<16xf32>
        %add3A_335 = arith.addf %add3A_317, %mul3A_334 : vector<16xf32>
        %add3A_336 = arith.constant 10 : i32
        %add3A_337 = arith.addi %mul3A_149, %add3A_336 : i32
        %get3A_338 = arith.index_cast %add3A_337 : i32 to index
        %get3A_339 = arith.constant 0 : index
        %get3A_340 = tpu.vector_load %arg11[%get3A_338, %get3A_339] {strides = array<i32>} : memref<1000x32xf32, #tpu.memory_space<vmem>>, vector<16xf32>,
        %add3A_341 = arith.constant 10 : i32
        %add3A_342 = arith.addi %mul3A_149, %add3A_341 : i32
        %get3A_343 = arith.index_cast %add3A_342 : i32 to index
        %get3A_344 = arith.constant 16 : index
        %get3A_345 = tpu.vector_load %arg11[%get3A_343, %get3A_344] {strides = array<i32>} : memref<1000x32xf32, #tpu.memory_space<vmem>>, vector<16xf32>,
        %mul3A_346 = arith.constant 5.000000e-01 : f32
        %mul3A_347 = vector.broadcast %mul3A_346 : f32 to vector<16xf32>
        %mul3A_348 = arith.mulf %get3A_340, %mul3A_347 : vector<16xf32>
        %add3A_349 = arith.addf %add3A_331, %mul3A_348 : vector<16xf32>
        %mul3A_350 = arith.constant 5.000000e-01 : f32
        %mul3A_351 = vector.broadcast %mul3A_350 : f32 to vector<16xf32>
        %mul3A_352 = arith.mulf %get3A_345, %mul3A_351 : vector<16xf32>
        %add3A_353 = arith.addf %add3A_335, %mul3A_352 : vector<16xf32>
        %add3A_354 = arith.constant 11 : i32
        %add3A_355 = arith.addi %mul3A_149, %add3A_354 : i32
        %get3A_356 = arith.index_cast %add3A_355 : i32 to index
        %get3A_357 = arith.constant 0 : index
        %get3A_358 = tpu.vector_load %arg11[%get3A_356, %get3A_357] {strides = array<i32>} : memref<1000x32xf32, #tpu.memory_space<vmem>>, vector<16xf32>,
        %add3A_359 = arith.constant 11 : i32
        %add3A_360 = arith.addi %mul3A_149, %add3A_359 : i32
        %get3A_361 = arith.index_cast %add3A_360 : i32 to index
        %get3A_362 = arith.constant 16 : index
        %get3A_363 = tpu.vector_load %arg11[%get3A_361, %get3A_362] {strides = array<i32>} : memref<1000x32xf32, #tpu.memory_space<vmem>>, vector<16xf32>,
        %mul3A_364 = arith.constant 4.531250e-01 : f32
        %mul3A_365 = vector.broadcast %mul3A_364 : f32 to vector<16xf32>
        %mul3A_366 = arith.mulf %get3A_358, %mul3A_365 : vector<16xf32>
        %add3A_367 = arith.addf %add3A_349, %mul3A_366 : vector<16xf32>
        %mul3A_368 = arith.constant 4.531250e-01 : f32
        %mul3A_369 = vector.broadcast %mul3A_368 : f32 to vector<16xf32>
        %mul3A_370 = arith.mulf %get3A_363, %mul3A_369 : vector<16xf32>
        %add3A_371 = arith.addf %add3A_353, %mul3A_370 : vector<16xf32>
        %add3A_372 = arith.constant 12 : i32
        %add3A_373 = arith.addi %mul3A_149, %add3A_372 : i32
        %get3A_374 = arith.index_cast %add3A_373 : i32 to index
        %get3A_375 = arith.constant 0 : index
        %get3A_376 = tpu.vector_load %arg11[%get3A_374, %get3A_375] {strides = array<i32>} : memref<1000x32xf32, #tpu.memory_space<vmem>>, vector<16xf32>,
        %add3A_377 = arith.constant 12 : i32
        %add3A_378 = arith.addi %mul3A_149, %add3A_377 : i32
        %get3A_379 = arith.index_cast %add3A_378 : i32 to index
        %get3A_380 = arith.constant 16 : index
        %get3A_381 = tpu.vector_load %arg11[%get3A_379, %get3A_380] {strides = array<i32>} : memref<1000x32xf32, #tpu.memory_space<vmem>>, vector<16xf32>,
        %mul3A_382 = arith.constant 4.062500e-01 : f32
        %mul3A_383 = vector.broadcast %mul3A_382 : f32 to vector<16xf32>
        %mul3A_384 = arith.mulf %get3A_376, %mul3A_383 : vector<16xf32>
        %add3A_385 = arith.addf %add3A_367, %mul3A_384 : vector<16xf32>
        %mul3A_386 = arith.constant 4.062500e-01 : f32
        %mul3A_387 = vector.broadcast %mul3A_386 : f32 to vector<16xf32>
        %mul3A_388 = arith.mulf %get3A_381, %mul3A_387 : vector<16xf32>
        %add3A_389 = arith.addf %add3A_371, %mul3A_388 : vector<16xf32>
        %add3A_390 = arith.constant 13 : i32
        %add3A_391 = arith.addi %mul3A_149, %add3A_390 : i32
        %get3A_392 = arith.index_cast %add3A_391 : i32 to index
        %get3A_393 = arith.constant 0 : index
        %get3A_394 = tpu.vector_load %arg11[%get3A_392, %get3A_393] {strides = array<i32>} : memref<1000x32xf32, #tpu.memory_space<vmem>>, vector<16xf32>,
        %add3A_395 = arith.constant 13 : i32
        %add3A_396 = arith.addi %mul3A_149, %add3A_395 : i32
        %get3A_397 = arith.index_cast %add3A_396 : i32 to index
        %get3A_398 = arith.constant 16 : index
        %get3A_399 = tpu.vector_load %arg11[%get3A_397, %get3A_398] {strides = array<i32>} : memref<1000x32xf32, #tpu.memory_space<vmem>>, vector<16xf32>,
        %mul3A_400 = arith.constant 3.593750e-01 : f32
        %mul3A_401 = vector.broadcast %mul3A_400 : f32 to vector<16xf32>
        %mul3A_402 = arith.mulf %get3A_394, %mul3A_401 : vector<16xf32>
        %add3A_403 = arith.addf %add3A_385, %mul3A_402 : vector<16xf32>
        %mul3A_404 = arith.constant 3.593750e-01 : f32
        %mul3A_405 = vector.broadcast %mul3A_404 : f32 to vector<16xf32>
        %mul3A_406 = arith.mulf %get3A_399, %mul3A_405 : vector<16xf32>
        %add3A_407 = arith.addf %add3A_389, %mul3A_406 : vector<16xf32>
        %add3A_408 = arith.constant 14 : i32
        %add3A_409 = arith.addi %mul3A_149, %add3A_408 : i32
        %get3A_410 = arith.index_cast %add3A_409 : i32 to index
        %get3A_411 = arith.constant 0 : index
        %get3A_412 = tpu.vector_load %arg11[%get3A_410, %get3A_411] {strides = array<i32>} : memref<1000x32xf32, #tpu.memory_space<vmem>>, vector<16xf32>,
        %add3A_413 = arith.constant 14 : i32
        %add3A_414 = arith.addi %mul3A_149, %add3A_413 : i32
        %get3A_415 = arith.index_cast %add3A_414 : i32 to index
        %get3A_416 = arith.constant 16 : index
        %get3A_417 = tpu.vector_load %arg11[%get3A_415, %get3A_416] {strides = array<i32>} : memref<1000x32xf32, #tpu.memory_space<vmem>>, vector<16xf32>,
        %mul3A_418 = arith.constant 3.125000e-01 : f32
        %mul3A_419 = vector.broadcast %mul3A_418 : f32 to vector<16xf32>
        %mul3A_420 = arith.mulf %get3A_412, %mul3A_419 : vector<16xf32>
        %add3A_421 = arith.addf %add3A_403, %mul3A_420 : vector<16xf32>
        %mul3A_422 = arith.constant 3.125000e-01 : f32
        %mul3A_423 = vector.broadcast %mul3A_422 : f32 to vector<16xf32>
        %mul3A_424 = arith.mulf %get3A_417, %mul3A_423 : vector<16xf32>
        %add3A_425 = arith.addf %add3A_407, %mul3A_424 : vector<16xf32>
        %add3A_426 = arith.constant 15 : i32
        %add3A_427 = arith.addi %mul3A_149, %add3A_426 : i32
        %get3A_428 = arith.index_cast %add3A_427 : i32 to index
        %get3A_429 = arith.constant 0 : index
        %get3A_430 = tpu.vector_load %arg11[%get3A_428, %get3A_429] {strides = array<i32>} : memref<1000x32xf32, #tpu.memory_space<vmem>>, vector<16xf32>,
        %add3A_431 = arith.constant 15 : i32
        %add3A_432 = arith.addi %mul3A_149, %add3A_431 : i32
        %get3A_433 = arith.index_cast %add3A_432 : i32 to index
        %get3A_434 = arith.constant 16 : index
        %get3A_435 = tpu.vector_load %arg11[%get3A_433, %get3A_434] {strides = array<i32>} : memref<1000x32xf32, #tpu.memory_space<vmem>>, vector<16xf32>,
        %mul3A_436 = arith.constant 2.656250e-01 : f32
        %mul3A_437 = vector.broadcast %mul3A_436 : f32 to vector<16xf32>
        %mul3A_438 = arith.mulf %get3A_430, %mul3A_437 : vector<16xf32>
        %add3A_439 = arith.addf %add3A_421, %mul3A_438 : vector<16xf32>
        %mul3A_440 = arith.constant 2.656250e-01 : f32
        %mul3A_441 = vector.broadcast %mul3A_440 : f32 to vector<16xf32>
        %mul3A_442 = arith.mulf %get3A_435, %mul3A_441 : vector<16xf32>
        %add3A_443 = arith.addf %add3A_425, %mul3A_442 : vector<16xf32>
        %add3A_444 = arith.constant 16 : i32
        %add3A_445 = arith.addi %mul3A_149, %add3A_444 : i32
        %get3A_446 = arith.index_cast %add3A_445 : i32 to index
        %get3A_447 = arith.constant 0 : index
        %get3A_448 = tpu.vector_load %arg11[%get3A_446, %get3A_447] {strides = array<i32>} : memref<1000x32xf32, #tpu.memory_space<vmem>>, vector<16xf32>,
        %add3A_449 = arith.constant 16 : i32
        %add3A_450 = arith.addi %mul3A_149, %add3A_449 : i32
        %get3A_451 = arith.index_cast %add3A_450 : i32 to index
        %get3A_452 = arith.constant 16 : index
        %get3A_453 = tpu.vector_load %arg11[%get3A_451, %get3A_452] {strides = array<i32>} : memref<1000x32xf32, #tpu.memory_space<vmem>>, vector<16xf32>,
        %mul3A_454 = arith.constant 2.187500e-01 : f32
        %mul3A_455 = vector.broadcast %mul3A_454 : f32 to vector<16xf32>
        %mul3A_456 = arith.mulf %get3A_448, %mul3A_455 : vector<16xf32>
        %add3A_457 = arith.addf %add3A_439, %mul3A_456 : vector<16xf32>
        %mul3A_458 = arith.constant 2.187500e-01 : f32
        %mul3A_459 = vector.broadcast %mul3A_458 : f32 to vector<16xf32>
        %mul3A_460 = arith.mulf %get3A_453, %mul3A_459 : vector<16xf32>
        %add3A_461 = arith.addf %add3A_443, %mul3A_460 : vector<16xf32>
        %add3A_462 = arith.constant 17 : i32
        %add3A_463 = arith.addi %mul3A_149, %add3A_462 : i32
        %get3A_464 = arith.index_cast %add3A_463 : i32 to index
        %get3A_465 = arith.constant 0 : index
        %get3A_466 = tpu.vector_load %arg11[%get3A_464, %get3A_465] {strides = array<i32>} : memref<1000x32xf32, #tpu.memory_space<vmem>>, vector<16xf32>,
        %add3A_467 = arith.constant 17 : i32
        %add3A_468 = arith.addi %mul3A_149, %add3A_467 : i32
        %get3A_469 = arith.index_cast %add3A_468 : i32 to index
        %get3A_470 = arith.constant 16 : index
        %get3A_471 = tpu.vector_load %arg11[%get3A_469, %get3A_470] {strides = array<i32>} : memref<1000x32xf32, #tpu.memory_space<vmem>>, vector<16xf32>,
        %mul3A_472 = arith.constant 1.718750e-01 : f32
        %mul3A_473 = vector.broadcast %mul3A_472 : f32 to vector<16xf32>
        %mul3A_474 = arith.mulf %get3A_466, %mul3A_473 : vector<16xf32>
        %add3A_475 = arith.addf %add3A_457, %mul3A_474 : vector<16xf32>
        %mul3A_476 = arith.constant 1.718750e-01 : f32
        %mul3A_477 = vector.broadcast %mul3A_476 : f32 to vector<16xf32>
        %mul3A_478 = arith.mulf %get3A_471, %mul3A_477 : vector<16xf32>
        %add3A_479 = arith.addf %add3A_461, %mul3A_478 : vector<16xf32>
        %add3A_480 = arith.constant 18 : i32
        %add3A_481 = arith.addi %mul3A_149, %add3A_480 : i32
        %get3A_482 = arith.index_cast %add3A_481 : i32 to index
        %get3A_483 = arith.constant 0 : index
        %get3A_484 = tpu.vector_load %arg11[%get3A_482, %get3A_483] {strides = array<i32>} : memref<1000x32xf32, #tpu.memory_space<vmem>>, vector<16xf32>,
        %add3A_485 = arith.constant 18 : i32
        %add3A_486 = arith.addi %mul3A_149, %add3A_485 : i32
        %get3A_487 = arith.index_cast %add3A_486 : i32 to index
        %get3A_488 = arith.constant 16 : index
        %get3A_489 = tpu.vector_load %arg11[%get3A_487, %get3A_488] {strides = array<i32>} : memref<1000x32xf32, #tpu.memory_space<vmem>>, vector<16xf32>,
        %mul3A_490 = arith.constant 1.250000e-01 : f32
        %mul3A_491 = vector.broadcast %mul3A_490 : f32 to vector<16xf32>
        %mul3A_492 = arith.mulf %get3A_484, %mul3A_491 : vector<16xf32>
        %add3A_493 = arith.addf %add3A_475, %mul3A_492 : vector<16xf32>
        %mul3A_494 = arith.constant 1.250000e-01 : f32
        %mul3A_495 = vector.broadcast %mul3A_494 : f32 to vector<16xf32>
        %mul3A_496 = arith.mulf %get3A_489, %mul3A_495 : vector<16xf32>
        %add3A_497 = arith.addf %add3A_479, %mul3A_496 : vector<16xf32>
        %add3A_498 = arith.constant 19 : i32
        %add3A_499 = arith.addi %mul3A_149, %add3A_498 : i32
        %get3A_500 = arith.index_cast %add3A_499 : i32 to index
        %get3A_501 = arith.constant 0 : index
        %get3A_502 = tpu.vector_load %arg11[%get3A_500, %get3A_501] {strides = array<i32>} : memref<1000x32xf32, #tpu.memory_space<vmem>>, vector<16xf32>,
        %add3A_503 = arith.constant 19 : i32
        %add3A_504 = arith.addi %mul3A_149, %add3A_503 : i32
        %get3A_505 = arith.index_cast %add3A_504 : i32 to index
        %get3A_506 = arith.constant 16 : index
        %get3A_507 = tpu.vector_load %arg11[%get3A_505, %get3A_506] {strides = array<i32>} : memref<1000x32xf32, #tpu.memory_space<vmem>>, vector<16xf32>,
        %mul3A_508 = arith.constant 7.812500e-02 : f32
        %mul3A_509 = vector.broadcast %mul3A_508 : f32 to vector<16xf32>
        %mul3A_510 = arith.mulf %get3A_502, %mul3A_509 : vector<16xf32>
        %add3A_511 = arith.addf %add3A_493, %mul3A_510 : vector<16xf32>
        %mul3A_512 = arith.constant 7.812500e-02 : f32
        %mul3A_513 = vector.broadcast %mul3A_512 : f32 to vector<16xf32>
        %mul3A_514 = arith.mulf %get3A_507, %mul3A_513 : vector<16xf32>
        %add3A_515 = arith.addf %add3A_497, %mul3A_514 : vector<16xf32>
        %swap3A = arith.index_cast %scan3A_146 : i32 to index
        %swap3A_516 = arith.constant 0 : index
        %swap3A_517 = tpu.vector_load %arg15[%swap3A, %swap3A_516] {strides = array<i32>} : memref<50x32xf32, #tpu.memory_space<vmem>>, vector<16xf32>,
        tpu.vector_store %arg15[%swap3A, %swap3A_516], %add3A_511 {strides = array<i32>} : memref<50x32xf32, #tpu.memory_space<vmem>>, vector<16xf32>,
        %swap3A_518 = arith.index_cast %scan3A_146 : i32 to index
        %swap3A_519 = arith.constant 16 : index
        %swap3A_520 = tpu.vector_load %arg15[%swap3A_518, %swap3A_519] {strides = array<i32>} : memref<50x32xf32, #tpu.memory_space<vmem>>, vector<16xf32>,
        tpu.vector_store %arg15[%swap3A_518, %swap3A_519], %add3A_515 {strides = array<i32>} : memref<50x32xf32, #tpu.memory_space<vmem>>, vector<16xf32>,
        %scan3A_521 = arith.constant 0 : i32
        scf.yield %scan3A_521 : i32
      }
      %scan3A_100 = arith.constant 50 : i32
      %mul3A_101 = arith.constant 1600 : i32
      %mul3A_102 = arith.muli %add3A, %mul3A_101 : i32
      %mul3A_103 = arith.constant 50 : i32
      %mul3A_104 = arith.muli %add3A_82, %mul3A_103 : i32
      %add3A_105 = arith.addi %mul3A_102, %mul3A_104 : i32
      %dma_start3A_106 = arith.constant 0 : i32
      %dma_start3A_107 = tpu.memref_slice %arg7[%add3A_105, %dma_start3A_106] : memref<51200x32xf32, #tpu.memory_space<hbm>> -> memref<50x32xf32, #tpu.memory_space<hbm>>
      %dma_start3A_108 = arith.constant 0 : i32
      %dma_start3A_109 = tpu.memref_slice %arg7[%add3A_105, %dma_start3A_108] : memref<51200x32xf32, #tpu.memory_space<hbm>> -> memref<50x32xf32, #tpu.memory_space<hbm>>
      tpu.enqueue_dma source(%arg15 : memref<50x32xf32, #tpu.memory_space<vmem>>) target(%dma_start3A_109 : memref<50x32xf32, #tpu.memory_space<hbm>>) target_semaphore(%arg20 : memref<!tpu.dma_semaphore, #tpu.memory_space<semaphore_mem>>)
      %mul3A_110 = arith.constant 2 : i32
      %mul3A_111 = arith.muli %scan3A_77, %mul3A_110 : i32
      %add3A_112 = arith.constant 1 : i32
      %add3A_113 = arith.addi %mul3A_111, %add3A_112 : i32
      %add3A_114 = arith.constant 1 : i32
      %add3A_115 = arith.addi %add3A_113, %add3A_114 : i32
      %lt3A_116 = arith.constant 32 : i32
      %lt3A_117 = arith.cmpi slt, %add3A_115, %lt3A_116 : i32
      %convert_element_type3A_118 = arith.extui %lt3A_117 : i1 to i32
      %cond3A_119 = arith.constant 0 : i32
      %cond3A_120 = arith.cmpi ne, %convert_element_type3A_118, %cond3A_119 : i32
      scf.if %cond3A_120 {
        %add3A_146 = arith.constant 1 : i32
        %add3A_147 = arith.addi %add3A_113, %add3A_146 : i32
        %mul3A_148 = arith.constant 1600 : i32
        %mul3A_149 = arith.muli %add3A, %mul3A_148 : i32
        %mul3A_150 = arith.constant 50 : i32
        %mul3A_151 = arith.muli %add3A_147, %mul3A_150 : i32
        %add3A_152 = arith.addi %mul3A_149, %mul3A_151 : i32
        %mul3A_153 = arith.constant 20 : i32
        %mul3A_154 = arith.muli %add3A_152, %mul3A_153 : i32
        "tpu.region"() ({
          %run_scoped3A = tpu.sem_alloc : memref<!tpu.dma_semaphore, #tpu.memory_space<semaphore_mem>>
          %dma_start3A_158 = tpu.memref_slice %arg2[%mul3A_154] : memref<1024000xi32, #tpu.memory_space<hbm>> -> memref<1000xi32, #tpu.memory_space<hbm>>
          %dma_start3A_159 = tpu.memref_slice %arg2[%mul3A_154] : memref<1024000xi32, #tpu.memory_space<hbm>> -> memref<1000xi32, #tpu.memory_space<hbm>>
          tpu.enqueue_dma source(%dma_start3A_159 : memref<1000xi32, #tpu.memory_space<hbm>>) target(%arg9 : memref<1000xi32, #tpu.memory_space<vmem>>) target_semaphore(%run_scoped3A : memref<!tpu.dma_semaphore, #tpu.memory_space<semaphore_mem>>)
          %dma_wait3A_160 = tpu.memref_slice %arg2[%mul3A_154] : memref<1024000xi32, #tpu.memory_space<hbm>> -> memref<1000xi32, #tpu.memory_space<hbm>>
          %dma_wait3A_161 = tpu.memref_slice %arg2[%mul3A_154] : memref<1024000xi32, #tpu.memory_space<hbm>> -> memref<1000xi32, #tpu.memory_space<hbm>>
          tpu.wait_dma2 semaphore(%run_scoped3A : memref<!tpu.dma_semaphore, #tpu.memory_space<semaphore_mem>>) src(%dma_wait3A_161 : memref<1000xi32, #tpu.memory_space<hbm>>) dst(%arg9 : memref<1000xi32, #tpu.memory_space<vmem>>)
          tpu.yield
        }) : () -> ()
        %dma_start3A_155 = arith.constant 0 : i32
        %dma_start3A_156 = arith.constant 0 : i32
        %dma_start3A_157 = tpu.memref_slice %arg4[%dma_start3A_155, %dma_start3A_156] : memref<100000x32xf32, #tpu.memory_space<hbm>> -> memref<100000x32xf32, #tpu.memory_space<hbm>>
        tpu.enqueue_indirect_dma source(%dma_start3A_157 : memref<100000x32xf32, #tpu.memory_space<hbm>>) target(%arg11 : memref<1000x32xf32, #tpu.memory_space<vmem>>) offsets(%arg9 : memref<1000xi32, #tpu.memory_space<vmem>>) semaphore(%arg18 : memref<!tpu.dma_semaphore, #tpu.memory_space<semaphore_mem>>)
      } else {
      }
      %dma_wait3A_121 = arith.constant 0 : i32
      %dma_wait3A_122 = arith.constant 0 : i32
      %dma_wait3A_123 = tpu.memref_slice %arg4[%dma_wait3A_121, %dma_wait3A_122] : memref<100000x32xf32, #tpu.memory_space<hbm>> -> memref<100000x32xf32, #tpu.memory_space<hbm>>
      tpu.wait_indirect_dma semaphore(%arg19 : memref<!tpu.dma_semaphore, #tpu.memory_space<semaphore_mem>>) src(%dma_wait3A_123 : memref<100000x32xf32, #tpu.memory_space<hbm>>) dst(%arg12 : memref<1000x32xf32, #tpu.memory_space<vmem>>)
      %ge3A_124 = arith.constant 2 : i32
      %ge3A_125 = arith.cmpi sge, %add3A_113, %ge3A_124 : i32
      %convert_element_type3A_126 = arith.extui %ge3A_125 : i1 to i32
      %cond3A_127 = arith.constant 0 : i32
      %cond3A_128 = arith.cmpi ne, %convert_element_type3A_126, %cond3A_127 : i32
      scf.if %cond3A_128 {
        %dma_wait3A_146 = arith.constant 0 : i32
        %dma_wait3A_147 = arith.constant 0 : i32
        %dma_wait3A_148 = tpu.memref_slice %arg7[%dma_wait3A_146, %dma_wait3A_147] : memref<51200x32xf32, #tpu.memory_space<hbm>> -> memref<50x32xf32, #tpu.memory_space<hbm>>
        %dma_wait3A_149 = arith.constant 0 : i32
        %dma_wait3A_150 = arith.constant 0 : i32
        %dma_wait3A_151 = tpu.memref_slice %arg7[%dma_wait3A_149, %dma_wait3A_150] : memref<51200x32xf32, #tpu.memory_space<hbm>> -> memref<50x32xf32, #tpu.memory_space<hbm>>
        tpu.wait_dma2 semaphore(%arg21 : memref<!tpu.dma_semaphore, #tpu.memory_space<semaphore_mem>>) src(%arg16 : memref<50x32xf32, #tpu.memory_space<vmem>>) dst(%dma_wait3A_151 : memref<50x32xf32, #tpu.memory_space<hbm>>)
      } else {
      }
      %scan3A_129 = arith.constant 0 : i32
      %scan3A_130 = arith.constant 0 : i32
      %scan3A_131 = arith.constant 50 : i32
      %scan3A_132 = arith.addi %scan3A_130, %scan3A_131 : i32
      %scan3A_133 = arith.constant 1 : i32
      %scan3A_134 = scf.for %scan3A_146 = %scan3A_130 to %scan3A_132 step %scan3A_133 iter_args(%scan3A_147 = %scan3A_129) -> (i32)  : i32 {
        %mul3A_148 = arith.constant 20 : i32
        %mul3A_149 = arith.muli %scan3A_146, %mul3A_148 : i32
        %broadcast_in_dim3A = arith.constant 0.000000e+00 : f32
        %broadcast_in_dim3A_150 = vector.broadcast %broadcast_in_dim3A : f32 to vector<16xf32>
        %broadcast_in_dim3A_151 = arith.constant 0.000000e+00 : f32
        %broadcast_in_dim3A_152 = vector.broadcast %broadcast_in_dim3A_151 : f32 to vector<16xf32>
        %broadcast_in_dim3A_153 = arith.constant 0.000000e+00 : f32
        %broadcast_in_dim3A_154 = vector.broadcast %broadcast_in_dim3A_153 : f32 to vector<16xf32>
        %broadcast_in_dim3A_155 = arith.constant 0.000000e+00 : f32
        %broadcast_in_dim3A_156 = vector.broadcast %broadcast_in_dim3A_155 : f32 to vector<16xf32>
        %add3A_157 = arith.constant 0 : i32
        %add3A_158 = arith.addi %mul3A_149, %add3A_157 : i32
        %get3A = arith.index_cast %add3A_158 : i32 to index
        %get3A_159 = arith.constant 0 : index
        %get3A_160 = tpu.vector_load %arg12[%get3A, %get3A_159] {strides = array<i32>} : memref<1000x32xf32, #tpu.memory_space<vmem>>, vector<16xf32>,
        %add3A_161 = arith.constant 0 : i32
        %add3A_162 = arith.addi %mul3A_149, %add3A_161 : i32
        %get3A_163 = arith.index_cast %add3A_162 : i32 to index
        %get3A_164 = arith.constant 16 : index
        %get3A_165 = tpu.vector_load %arg12[%get3A_163, %get3A_164] {strides = array<i32>} : memref<1000x32xf32, #tpu.memory_space<vmem>>, vector<16xf32>,
        %mul3A_166 = arith.constant 9.687500e-01 : f32
        %mul3A_167 = vector.broadcast %mul3A_166 : f32 to vector<16xf32>
        %mul3A_168 = arith.mulf %get3A_160, %mul3A_167 : vector<16xf32>
        %add3A_169 = arith.addf %broadcast_in_dim3A_154, %mul3A_168 : vector<16xf32>
        %mul3A_170 = arith.constant 9.687500e-01 : f32
        %mul3A_171 = vector.broadcast %mul3A_170 : f32 to vector<16xf32>
        %mul3A_172 = arith.mulf %get3A_165, %mul3A_171 : vector<16xf32>
        %add3A_173 = arith.addf %broadcast_in_dim3A_156, %mul3A_172 : vector<16xf32>
        %add3A_174 = arith.constant 1 : i32
        %add3A_175 = arith.addi %mul3A_149, %add3A_174 : i32
        %get3A_176 = arith.index_cast %add3A_175 : i32 to index
        %get3A_177 = arith.constant 0 : index
        %get3A_178 = tpu.vector_load %arg12[%get3A_176, %get3A_177] {strides = array<i32>} : memref<1000x32xf32, #tpu.memory_space<vmem>>, vector<16xf32>,
        %add3A_179 = arith.constant 1 : i32
        %add3A_180 = arith.addi %mul3A_149, %add3A_179 : i32
        %get3A_181 = arith.index_cast %add3A_180 : i32 to index
        %get3A_182 = arith.constant 16 : index
        %get3A_183 = tpu.vector_load %arg12[%get3A_181, %get3A_182] {strides = array<i32>} : memref<1000x32xf32, #tpu.memory_space<vmem>>, vector<16xf32>,
        %mul3A_184 = arith.constant 9.218750e-01 : f32
        %mul3A_185 = vector.broadcast %mul3A_184 : f32 to vector<16xf32>
        %mul3A_186 = arith.mulf %get3A_178, %mul3A_185 : vector<16xf32>
        %add3A_187 = arith.addf %add3A_169, %mul3A_186 : vector<16xf32>
        %mul3A_188 = arith.constant 9.218750e-01 : f32
        %mul3A_189 = vector.broadcast %mul3A_188 : f32 to vector<16xf32>
        %mul3A_190 = arith.mulf %get3A_183, %mul3A_189 : vector<16xf32>
        %add3A_191 = arith.addf %add3A_173, %mul3A_190 : vector<16xf32>
        %add3A_192 = arith.constant 2 : i32
        %add3A_193 = arith.addi %mul3A_149, %add3A_192 : i32
        %get3A_194 = arith.index_cast %add3A_193 : i32 to index
        %get3A_195 = arith.constant 0 : index
        %get3A_196 = tpu.vector_load %arg12[%get3A_194, %get3A_195] {strides = array<i32>} : memref<1000x32xf32, #tpu.memory_space<vmem>>, vector<16xf32>,
        %add3A_197 = arith.constant 2 : i32
        %add3A_198 = arith.addi %mul3A_149, %add3A_197 : i32
        %get3A_199 = arith.index_cast %add3A_198 : i32 to index
        %get3A_200 = arith.constant 16 : index
        %get3A_201 = tpu.vector_load %arg12[%get3A_199, %get3A_200] {strides = array<i32>} : memref<1000x32xf32, #tpu.memory_space<vmem>>, vector<16xf32>,
        %mul3A_202 = arith.constant 8.750000e-01 : f32
        %mul3A_203 = vector.broadcast %mul3A_202 : f32 to vector<16xf32>
        %mul3A_204 = arith.mulf %get3A_196, %mul3A_203 : vector<16xf32>
        %add3A_205 = arith.addf %add3A_187, %mul3A_204 : vector<16xf32>
        %mul3A_206 = arith.constant 8.750000e-01 : f32
        %mul3A_207 = vector.broadcast %mul3A_206 : f32 to vector<16xf32>
        %mul3A_208 = arith.mulf %get3A_201, %mul3A_207 : vector<16xf32>
        %add3A_209 = arith.addf %add3A_191, %mul3A_208 : vector<16xf32>
        %add3A_210 = arith.constant 3 : i32
        %add3A_211 = arith.addi %mul3A_149, %add3A_210 : i32
        %get3A_212 = arith.index_cast %add3A_211 : i32 to index
        %get3A_213 = arith.constant 0 : index
        %get3A_214 = tpu.vector_load %arg12[%get3A_212, %get3A_213] {strides = array<i32>} : memref<1000x32xf32, #tpu.memory_space<vmem>>, vector<16xf32>,
        %add3A_215 = arith.constant 3 : i32
        %add3A_216 = arith.addi %mul3A_149, %add3A_215 : i32
        %get3A_217 = arith.index_cast %add3A_216 : i32 to index
        %get3A_218 = arith.constant 16 : index
        %get3A_219 = tpu.vector_load %arg12[%get3A_217, %get3A_218] {strides = array<i32>} : memref<1000x32xf32, #tpu.memory_space<vmem>>, vector<16xf32>,
        %mul3A_220 = arith.constant 8.281250e-01 : f32
        %mul3A_221 = vector.broadcast %mul3A_220 : f32 to vector<16xf32>
        %mul3A_222 = arith.mulf %get3A_214, %mul3A_221 : vector<16xf32>
        %add3A_223 = arith.addf %add3A_205, %mul3A_222 : vector<16xf32>
        %mul3A_224 = arith.constant 8.281250e-01 : f32
        %mul3A_225 = vector.broadcast %mul3A_224 : f32 to vector<16xf32>
        %mul3A_226 = arith.mulf %get3A_219, %mul3A_225 : vector<16xf32>
        %add3A_227 = arith.addf %add3A_209, %mul3A_226 : vector<16xf32>
        %add3A_228 = arith.constant 4 : i32
        %add3A_229 = arith.addi %mul3A_149, %add3A_228 : i32
        %get3A_230 = arith.index_cast %add3A_229 : i32 to index
        %get3A_231 = arith.constant 0 : index
        %get3A_232 = tpu.vector_load %arg12[%get3A_230, %get3A_231] {strides = array<i32>} : memref<1000x32xf32, #tpu.memory_space<vmem>>, vector<16xf32>,
        %add3A_233 = arith.constant 4 : i32
        %add3A_234 = arith.addi %mul3A_149, %add3A_233 : i32
        %get3A_235 = arith.index_cast %add3A_234 : i32 to index
        %get3A_236 = arith.constant 16 : index
        %get3A_237 = tpu.vector_load %arg12[%get3A_235, %get3A_236] {strides = array<i32>} : memref<1000x32xf32, #tpu.memory_space<vmem>>, vector<16xf32>,
        %mul3A_238 = arith.constant 7.812500e-01 : f32
        %mul3A_239 = vector.broadcast %mul3A_238 : f32 to vector<16xf32>
        %mul3A_240 = arith.mulf %get3A_232, %mul3A_239 : vector<16xf32>
        %add3A_241 = arith.addf %add3A_223, %mul3A_240 : vector<16xf32>
        %mul3A_242 = arith.constant 7.812500e-01 : f32
        %mul3A_243 = vector.broadcast %mul3A_242 : f32 to vector<16xf32>
        %mul3A_244 = arith.mulf %get3A_237, %mul3A_243 : vector<16xf32>
        %add3A_245 = arith.addf %add3A_227, %mul3A_244 : vector<16xf32>
        %add3A_246 = arith.constant 5 : i32
        %add3A_247 = arith.addi %mul3A_149, %add3A_246 : i32
        %get3A_248 = arith.index_cast %add3A_247 : i32 to index
        %get3A_249 = arith.constant 0 : index
        %get3A_250 = tpu.vector_load %arg12[%get3A_248, %get3A_249] {strides = array<i32>} : memref<1000x32xf32, #tpu.memory_space<vmem>>, vector<16xf32>,
        %add3A_251 = arith.constant 5 : i32
        %add3A_252 = arith.addi %mul3A_149, %add3A_251 : i32
        %get3A_253 = arith.index_cast %add3A_252 : i32 to index
        %get3A_254 = arith.constant 16 : index
        %get3A_255 = tpu.vector_load %arg12[%get3A_253, %get3A_254] {strides = array<i32>} : memref<1000x32xf32, #tpu.memory_space<vmem>>, vector<16xf32>,
        %mul3A_256 = arith.constant 7.343750e-01 : f32
        %mul3A_257 = vector.broadcast %mul3A_256 : f32 to vector<16xf32>
        %mul3A_258 = arith.mulf %get3A_250, %mul3A_257 : vector<16xf32>
        %add3A_259 = arith.addf %add3A_241, %mul3A_258 : vector<16xf32>
        %mul3A_260 = arith.constant 7.343750e-01 : f32
        %mul3A_261 = vector.broadcast %mul3A_260 : f32 to vector<16xf32>
        %mul3A_262 = arith.mulf %get3A_255, %mul3A_261 : vector<16xf32>
        %add3A_263 = arith.addf %add3A_245, %mul3A_262 : vector<16xf32>
        %add3A_264 = arith.constant 6 : i32
        %add3A_265 = arith.addi %mul3A_149, %add3A_264 : i32
        %get3A_266 = arith.index_cast %add3A_265 : i32 to index
        %get3A_267 = arith.constant 0 : index
        %get3A_268 = tpu.vector_load %arg12[%get3A_266, %get3A_267] {strides = array<i32>} : memref<1000x32xf32, #tpu.memory_space<vmem>>, vector<16xf32>,
        %add3A_269 = arith.constant 6 : i32
        %add3A_270 = arith.addi %mul3A_149, %add3A_269 : i32
        %get3A_271 = arith.index_cast %add3A_270 : i32 to index
        %get3A_272 = arith.constant 16 : index
        %get3A_273 = tpu.vector_load %arg12[%get3A_271, %get3A_272] {strides = array<i32>} : memref<1000x32xf32, #tpu.memory_space<vmem>>, vector<16xf32>,
        %mul3A_274 = arith.constant 6.875000e-01 : f32
        %mul3A_275 = vector.broadcast %mul3A_274 : f32 to vector<16xf32>
        %mul3A_276 = arith.mulf %get3A_268, %mul3A_275 : vector<16xf32>
        %add3A_277 = arith.addf %add3A_259, %mul3A_276 : vector<16xf32>
        %mul3A_278 = arith.constant 6.875000e-01 : f32
        %mul3A_279 = vector.broadcast %mul3A_278 : f32 to vector<16xf32>
        %mul3A_280 = arith.mulf %get3A_273, %mul3A_279 : vector<16xf32>
        %add3A_281 = arith.addf %add3A_263, %mul3A_280 : vector<16xf32>
        %add3A_282 = arith.constant 7 : i32
        %add3A_283 = arith.addi %mul3A_149, %add3A_282 : i32
        %get3A_284 = arith.index_cast %add3A_283 : i32 to index
        %get3A_285 = arith.constant 0 : index
        %get3A_286 = tpu.vector_load %arg12[%get3A_284, %get3A_285] {strides = array<i32>} : memref<1000x32xf32, #tpu.memory_space<vmem>>, vector<16xf32>,
        %add3A_287 = arith.constant 7 : i32
        %add3A_288 = arith.addi %mul3A_149, %add3A_287 : i32
        %get3A_289 = arith.index_cast %add3A_288 : i32 to index
        %get3A_290 = arith.constant 16 : index
        %get3A_291 = tpu.vector_load %arg12[%get3A_289, %get3A_290] {strides = array<i32>} : memref<1000x32xf32, #tpu.memory_space<vmem>>, vector<16xf32>,
        %mul3A_292 = arith.constant 6.406250e-01 : f32
        %mul3A_293 = vector.broadcast %mul3A_292 : f32 to vector<16xf32>
        %mul3A_294 = arith.mulf %get3A_286, %mul3A_293 : vector<16xf32>
        %add3A_295 = arith.addf %add3A_277, %mul3A_294 : vector<16xf32>
        %mul3A_296 = arith.constant 6.406250e-01 : f32
        %mul3A_297 = vector.broadcast %mul3A_296 : f32 to vector<16xf32>
        %mul3A_298 = arith.mulf %get3A_291, %mul3A_297 : vector<16xf32>
        %add3A_299 = arith.addf %add3A_281, %mul3A_298 : vector<16xf32>
        %add3A_300 = arith.constant 8 : i32
        %add3A_301 = arith.addi %mul3A_149, %add3A_300 : i32
        %get3A_302 = arith.index_cast %add3A_301 : i32 to index
        %get3A_303 = arith.constant 0 : index
        %get3A_304 = tpu.vector_load %arg12[%get3A_302, %get3A_303] {strides = array<i32>} : memref<1000x32xf32, #tpu.memory_space<vmem>>, vector<16xf32>,
        %add3A_305 = arith.constant 8 : i32
        %add3A_306 = arith.addi %mul3A_149, %add3A_305 : i32
        %get3A_307 = arith.index_cast %add3A_306 : i32 to index
        %get3A_308 = arith.constant 16 : index
        %get3A_309 = tpu.vector_load %arg12[%get3A_307, %get3A_308] {strides = array<i32>} : memref<1000x32xf32, #tpu.memory_space<vmem>>, vector<16xf32>,
        %mul3A_310 = arith.constant 5.937500e-01 : f32
        %mul3A_311 = vector.broadcast %mul3A_310 : f32 to vector<16xf32>
        %mul3A_312 = arith.mulf %get3A_304, %mul3A_311 : vector<16xf32>
        %add3A_313 = arith.addf %add3A_295, %mul3A_312 : vector<16xf32>
        %mul3A_314 = arith.constant 5.937500e-01 : f32
        %mul3A_315 = vector.broadcast %mul3A_314 : f32 to vector<16xf32>
        %mul3A_316 = arith.mulf %get3A_309, %mul3A_315 : vector<16xf32>
        %add3A_317 = arith.addf %add3A_299, %mul3A_316 : vector<16xf32>
        %add3A_318 = arith.constant 9 : i32
        %add3A_319 = arith.addi %mul3A_149, %add3A_318 : i32
        %get3A_320 = arith.index_cast %add3A_319 : i32 to index
        %get3A_321 = arith.constant 0 : index
        %get3A_322 = tpu.vector_load %arg12[%get3A_320, %get3A_321] {strides = array<i32>} : memref<1000x32xf32, #tpu.memory_space<vmem>>, vector<16xf32>,
        %add3A_323 = arith.constant 9 : i32
        %add3A_324 = arith.addi %mul3A_149, %add3A_323 : i32
        %get3A_325 = arith.index_cast %add3A_324 : i32 to index
        %get3A_326 = arith.constant 16 : index
        %get3A_327 = tpu.vector_load %arg12[%get3A_325, %get3A_326] {strides = array<i32>} : memref<1000x32xf32, #tpu.memory_space<vmem>>, vector<16xf32>,
        %mul3A_328 = arith.constant 5.468750e-01 : f32
        %mul3A_329 = vector.broadcast %mul3A_328 : f32 to vector<16xf32>
        %mul3A_330 = arith.mulf %get3A_322, %mul3A_329 : vector<16xf32>
        %add3A_331 = arith.addf %add3A_313, %mul3A_330 : vector<16xf32>
        %mul3A_332 = arith.constant 5.468750e-01 : f32
        %mul3A_333 = vector.broadcast %mul3A_332 : f32 to vector<16xf32>
        %mul3A_334 = arith.mulf %get3A_327, %mul3A_333 : vector<16xf32>
        %add3A_335 = arith.addf %add3A_317, %mul3A_334 : vector<16xf32>
        %add3A_336 = arith.constant 10 : i32
        %add3A_337 = arith.addi %mul3A_149, %add3A_336 : i32
        %get3A_338 = arith.index_cast %add3A_337 : i32 to index
        %get3A_339 = arith.constant 0 : index
        %get3A_340 = tpu.vector_load %arg12[%get3A_338, %get3A_339] {strides = array<i32>} : memref<1000x32xf32, #tpu.memory_space<vmem>>, vector<16xf32>,
        %add3A_341 = arith.constant 10 : i32
        %add3A_342 = arith.addi %mul3A_149, %add3A_341 : i32
        %get3A_343 = arith.index_cast %add3A_342 : i32 to index
        %get3A_344 = arith.constant 16 : index
        %get3A_345 = tpu.vector_load %arg12[%get3A_343, %get3A_344] {strides = array<i32>} : memref<1000x32xf32, #tpu.memory_space<vmem>>, vector<16xf32>,
        %mul3A_346 = arith.constant 5.000000e-01 : f32
        %mul3A_347 = vector.broadcast %mul3A_346 : f32 to vector<16xf32>
        %mul3A_348 = arith.mulf %get3A_340, %mul3A_347 : vector<16xf32>
        %add3A_349 = arith.addf %add3A_331, %mul3A_348 : vector<16xf32>
        %mul3A_350 = arith.constant 5.000000e-01 : f32
        %mul3A_351 = vector.broadcast %mul3A_350 : f32 to vector<16xf32>
        %mul3A_352 = arith.mulf %get3A_345, %mul3A_351 : vector<16xf32>
        %add3A_353 = arith.addf %add3A_335, %mul3A_352 : vector<16xf32>
        %add3A_354 = arith.constant 11 : i32
        %add3A_355 = arith.addi %mul3A_149, %add3A_354 : i32
        %get3A_356 = arith.index_cast %add3A_355 : i32 to index
        %get3A_357 = arith.constant 0 : index
        %get3A_358 = tpu.vector_load %arg12[%get3A_356, %get3A_357] {strides = array<i32>} : memref<1000x32xf32, #tpu.memory_space<vmem>>, vector<16xf32>,
        %add3A_359 = arith.constant 11 : i32
        %add3A_360 = arith.addi %mul3A_149, %add3A_359 : i32
        %get3A_361 = arith.index_cast %add3A_360 : i32 to index
        %get3A_362 = arith.constant 16 : index
        %get3A_363 = tpu.vector_load %arg12[%get3A_361, %get3A_362] {strides = array<i32>} : memref<1000x32xf32, #tpu.memory_space<vmem>>, vector<16xf32>,
        %mul3A_364 = arith.constant 4.531250e-01 : f32
        %mul3A_365 = vector.broadcast %mul3A_364 : f32 to vector<16xf32>
        %mul3A_366 = arith.mulf %get3A_358, %mul3A_365 : vector<16xf32>
        %add3A_367 = arith.addf %add3A_349, %mul3A_366 : vector<16xf32>
        %mul3A_368 = arith.constant 4.531250e-01 : f32
        %mul3A_369 = vector.broadcast %mul3A_368 : f32 to vector<16xf32>
        %mul3A_370 = arith.mulf %get3A_363, %mul3A_369 : vector<16xf32>
        %add3A_371 = arith.addf %add3A_353, %mul3A_370 : vector<16xf32>
        %add3A_372 = arith.constant 12 : i32
        %add3A_373 = arith.addi %mul3A_149, %add3A_372 : i32
        %get3A_374 = arith.index_cast %add3A_373 : i32 to index
        %get3A_375 = arith.constant 0 : index
        %get3A_376 = tpu.vector_load %arg12[%get3A_374, %get3A_375] {strides = array<i32>} : memref<1000x32xf32, #tpu.memory_space<vmem>>, vector<16xf32>,
        %add3A_377 = arith.constant 12 : i32
        %add3A_378 = arith.addi %mul3A_149, %add3A_377 : i32
        %get3A_379 = arith.index_cast %add3A_378 : i32 to index
        %get3A_380 = arith.constant 16 : index
        %get3A_381 = tpu.vector_load %arg12[%get3A_379, %get3A_380] {strides = array<i32>} : memref<1000x32xf32, #tpu.memory_space<vmem>>, vector<16xf32>,
        %mul3A_382 = arith.constant 4.062500e-01 : f32
        %mul3A_383 = vector.broadcast %mul3A_382 : f32 to vector<16xf32>
        %mul3A_384 = arith.mulf %get3A_376, %mul3A_383 : vector<16xf32>
        %add3A_385 = arith.addf %add3A_367, %mul3A_384 : vector<16xf32>
        %mul3A_386 = arith.constant 4.062500e-01 : f32
        %mul3A_387 = vector.broadcast %mul3A_386 : f32 to vector<16xf32>
        %mul3A_388 = arith.mulf %get3A_381, %mul3A_387 : vector<16xf32>
        %add3A_389 = arith.addf %add3A_371, %mul3A_388 : vector<16xf32>
        %add3A_390 = arith.constant 13 : i32
        %add3A_391 = arith.addi %mul3A_149, %add3A_390 : i32
        %get3A_392 = arith.index_cast %add3A_391 : i32 to index
        %get3A_393 = arith.constant 0 : index
        %get3A_394 = tpu.vector_load %arg12[%get3A_392, %get3A_393] {strides = array<i32>} : memref<1000x32xf32, #tpu.memory_space<vmem>>, vector<16xf32>,
        %add3A_395 = arith.constant 13 : i32
        %add3A_396 = arith.addi %mul3A_149, %add3A_395 : i32
        %get3A_397 = arith.index_cast %add3A_396 : i32 to index
        %get3A_398 = arith.constant 16 : index
        %get3A_399 = tpu.vector_load %arg12[%get3A_397, %get3A_398] {strides = array<i32>} : memref<1000x32xf32, #tpu.memory_space<vmem>>, vector<16xf32>,
        %mul3A_400 = arith.constant 3.593750e-01 : f32
        %mul3A_401 = vector.broadcast %mul3A_400 : f32 to vector<16xf32>
        %mul3A_402 = arith.mulf %get3A_394, %mul3A_401 : vector<16xf32>
        %add3A_403 = arith.addf %add3A_385, %mul3A_402 : vector<16xf32>
        %mul3A_404 = arith.constant 3.593750e-01 : f32
        %mul3A_405 = vector.broadcast %mul3A_404 : f32 to vector<16xf32>
        %mul3A_406 = arith.mulf %get3A_399, %mul3A_405 : vector<16xf32>
        %add3A_407 = arith.addf %add3A_389, %mul3A_406 : vector<16xf32>
        %add3A_408 = arith.constant 14 : i32
        %add3A_409 = arith.addi %mul3A_149, %add3A_408 : i32
        %get3A_410 = arith.index_cast %add3A_409 : i32 to index
        %get3A_411 = arith.constant 0 : index
        %get3A_412 = tpu.vector_load %arg12[%get3A_410, %get3A_411] {strides = array<i32>} : memref<1000x32xf32, #tpu.memory_space<vmem>>, vector<16xf32>,
        %add3A_413 = arith.constant 14 : i32
        %add3A_414 = arith.addi %mul3A_149, %add3A_413 : i32
        %get3A_415 = arith.index_cast %add3A_414 : i32 to index
        %get3A_416 = arith.constant 16 : index
        %get3A_417 = tpu.vector_load %arg12[%get3A_415, %get3A_416] {strides = array<i32>} : memref<1000x32xf32, #tpu.memory_space<vmem>>, vector<16xf32>,
        %mul3A_418 = arith.constant 3.125000e-01 : f32
        %mul3A_419 = vector.broadcast %mul3A_418 : f32 to vector<16xf32>
        %mul3A_420 = arith.mulf %get3A_412, %mul3A_419 : vector<16xf32>
        %add3A_421 = arith.addf %add3A_403, %mul3A_420 : vector<16xf32>
        %mul3A_422 = arith.constant 3.125000e-01 : f32
        %mul3A_423 = vector.broadcast %mul3A_422 : f32 to vector<16xf32>
        %mul3A_424 = arith.mulf %get3A_417, %mul3A_423 : vector<16xf32>
        %add3A_425 = arith.addf %add3A_407, %mul3A_424 : vector<16xf32>
        %add3A_426 = arith.constant 15 : i32
        %add3A_427 = arith.addi %mul3A_149, %add3A_426 : i32
        %get3A_428 = arith.index_cast %add3A_427 : i32 to index
        %get3A_429 = arith.constant 0 : index
        %get3A_430 = tpu.vector_load %arg12[%get3A_428, %get3A_429] {strides = array<i32>} : memref<1000x32xf32, #tpu.memory_space<vmem>>, vector<16xf32>,
        %add3A_431 = arith.constant 15 : i32
        %add3A_432 = arith.addi %mul3A_149, %add3A_431 : i32
        %get3A_433 = arith.index_cast %add3A_432 : i32 to index
        %get3A_434 = arith.constant 16 : index
        %get3A_435 = tpu.vector_load %arg12[%get3A_433, %get3A_434] {strides = array<i32>} : memref<1000x32xf32, #tpu.memory_space<vmem>>, vector<16xf32>,
        %mul3A_436 = arith.constant 2.656250e-01 : f32
        %mul3A_437 = vector.broadcast %mul3A_436 : f32 to vector<16xf32>
        %mul3A_438 = arith.mulf %get3A_430, %mul3A_437 : vector<16xf32>
        %add3A_439 = arith.addf %add3A_421, %mul3A_438 : vector<16xf32>
        %mul3A_440 = arith.constant 2.656250e-01 : f32
        %mul3A_441 = vector.broadcast %mul3A_440 : f32 to vector<16xf32>
        %mul3A_442 = arith.mulf %get3A_435, %mul3A_441 : vector<16xf32>
        %add3A_443 = arith.addf %add3A_425, %mul3A_442 : vector<16xf32>
        %add3A_444 = arith.constant 16 : i32
        %add3A_445 = arith.addi %mul3A_149, %add3A_444 : i32
        %get3A_446 = arith.index_cast %add3A_445 : i32 to index
        %get3A_447 = arith.constant 0 : index
        %get3A_448 = tpu.vector_load %arg12[%get3A_446, %get3A_447] {strides = array<i32>} : memref<1000x32xf32, #tpu.memory_space<vmem>>, vector<16xf32>,
        %add3A_449 = arith.constant 16 : i32
        %add3A_450 = arith.addi %mul3A_149, %add3A_449 : i32
        %get3A_451 = arith.index_cast %add3A_450 : i32 to index
        %get3A_452 = arith.constant 16 : index
        %get3A_453 = tpu.vector_load %arg12[%get3A_451, %get3A_452] {strides = array<i32>} : memref<1000x32xf32, #tpu.memory_space<vmem>>, vector<16xf32>,
        %mul3A_454 = arith.constant 2.187500e-01 : f32
        %mul3A_455 = vector.broadcast %mul3A_454 : f32 to vector<16xf32>
        %mul3A_456 = arith.mulf %get3A_448, %mul3A_455 : vector<16xf32>
        %add3A_457 = arith.addf %add3A_439, %mul3A_456 : vector<16xf32>
        %mul3A_458 = arith.constant 2.187500e-01 : f32
        %mul3A_459 = vector.broadcast %mul3A_458 : f32 to vector<16xf32>
        %mul3A_460 = arith.mulf %get3A_453, %mul3A_459 : vector<16xf32>
        %add3A_461 = arith.addf %add3A_443, %mul3A_460 : vector<16xf32>
        %add3A_462 = arith.constant 17 : i32
        %add3A_463 = arith.addi %mul3A_149, %add3A_462 : i32
        %get3A_464 = arith.index_cast %add3A_463 : i32 to index
        %get3A_465 = arith.constant 0 : index
        %get3A_466 = tpu.vector_load %arg12[%get3A_464, %get3A_465] {strides = array<i32>} : memref<1000x32xf32, #tpu.memory_space<vmem>>, vector<16xf32>,
        %add3A_467 = arith.constant 17 : i32
        %add3A_468 = arith.addi %mul3A_149, %add3A_467 : i32
        %get3A_469 = arith.index_cast %add3A_468 : i32 to index
        %get3A_470 = arith.constant 16 : index
        %get3A_471 = tpu.vector_load %arg12[%get3A_469, %get3A_470] {strides = array<i32>} : memref<1000x32xf32, #tpu.memory_space<vmem>>, vector<16xf32>,
        %mul3A_472 = arith.constant 1.718750e-01 : f32
        %mul3A_473 = vector.broadcast %mul3A_472 : f32 to vector<16xf32>
        %mul3A_474 = arith.mulf %get3A_466, %mul3A_473 : vector<16xf32>
        %add3A_475 = arith.addf %add3A_457, %mul3A_474 : vector<16xf32>
        %mul3A_476 = arith.constant 1.718750e-01 : f32
        %mul3A_477 = vector.broadcast %mul3A_476 : f32 to vector<16xf32>
        %mul3A_478 = arith.mulf %get3A_471, %mul3A_477 : vector<16xf32>
        %add3A_479 = arith.addf %add3A_461, %mul3A_478 : vector<16xf32>
        %add3A_480 = arith.constant 18 : i32
        %add3A_481 = arith.addi %mul3A_149, %add3A_480 : i32
        %get3A_482 = arith.index_cast %add3A_481 : i32 to index
        %get3A_483 = arith.constant 0 : index
        %get3A_484 = tpu.vector_load %arg12[%get3A_482, %get3A_483] {strides = array<i32>} : memref<1000x32xf32, #tpu.memory_space<vmem>>, vector<16xf32>,
        %add3A_485 = arith.constant 18 : i32
        %add3A_486 = arith.addi %mul3A_149, %add3A_485 : i32
        %get3A_487 = arith.index_cast %add3A_486 : i32 to index
        %get3A_488 = arith.constant 16 : index
        %get3A_489 = tpu.vector_load %arg12[%get3A_487, %get3A_488] {strides = array<i32>} : memref<1000x32xf32, #tpu.memory_space<vmem>>, vector<16xf32>,
        %mul3A_490 = arith.constant 1.250000e-01 : f32
        %mul3A_491 = vector.broadcast %mul3A_490 : f32 to vector<16xf32>
        %mul3A_492 = arith.mulf %get3A_484, %mul3A_491 : vector<16xf32>
        %add3A_493 = arith.addf %add3A_475, %mul3A_492 : vector<16xf32>
        %mul3A_494 = arith.constant 1.250000e-01 : f32
        %mul3A_495 = vector.broadcast %mul3A_494 : f32 to vector<16xf32>
        %mul3A_496 = arith.mulf %get3A_489, %mul3A_495 : vector<16xf32>
        %add3A_497 = arith.addf %add3A_479, %mul3A_496 : vector<16xf32>
        %add3A_498 = arith.constant 19 : i32
        %add3A_499 = arith.addi %mul3A_149, %add3A_498 : i32
        %get3A_500 = arith.index_cast %add3A_499 : i32 to index
        %get3A_501 = arith.constant 0 : index
        %get3A_502 = tpu.vector_load %arg12[%get3A_500, %get3A_501] {strides = array<i32>} : memref<1000x32xf32, #tpu.memory_space<vmem>>, vector<16xf32>,
        %add3A_503 = arith.constant 19 : i32
        %add3A_504 = arith.addi %mul3A_149, %add3A_503 : i32
        %get3A_505 = arith.index_cast %add3A_504 : i32 to index
        %get3A_506 = arith.constant 16 : index
        %get3A_507 = tpu.vector_load %arg12[%get3A_505, %get3A_506] {strides = array<i32>} : memref<1000x32xf32, #tpu.memory_space<vmem>>, vector<16xf32>,
        %mul3A_508 = arith.constant 7.812500e-02 : f32
        %mul3A_509 = vector.broadcast %mul3A_508 : f32 to vector<16xf32>
        %mul3A_510 = arith.mulf %get3A_502, %mul3A_509 : vector<16xf32>
        %add3A_511 = arith.addf %add3A_493, %mul3A_510 : vector<16xf32>
        %mul3A_512 = arith.constant 7.812500e-02 : f32
        %mul3A_513 = vector.broadcast %mul3A_512 : f32 to vector<16xf32>
        %mul3A_514 = arith.mulf %get3A_507, %mul3A_513 : vector<16xf32>
        %add3A_515 = arith.addf %add3A_497, %mul3A_514 : vector<16xf32>
        %swap3A = arith.index_cast %scan3A_146 : i32 to index
        %swap3A_516 = arith.constant 0 : index
        %swap3A_517 = tpu.vector_load %arg16[%swap3A, %swap3A_516] {strides = array<i32>} : memref<50x32xf32, #tpu.memory_space<vmem>>, vector<16xf32>,
        tpu.vector_store %arg16[%swap3A, %swap3A_516], %add3A_511 {strides = array<i32>} : memref<50x32xf32, #tpu.memory_space<vmem>>, vector<16xf32>,
        %swap3A_518 = arith.index_cast %scan3A_146 : i32 to index
        %swap3A_519 = arith.constant 16 : index
        %swap3A_520 = tpu.vector_load %arg16[%swap3A_518, %swap3A_519] {strides = array<i32>} : memref<50x32xf32, #tpu.memory_space<vmem>>, vector<16xf32>,
        tpu.vector_store %arg16[%swap3A_518, %swap3A_519], %add3A_515 {strides = array<i32>} : memref<50x32xf32, #tpu.memory_space<vmem>>, vector<16xf32>,
        %scan3A_521 = arith.constant 0 : i32
        scf.yield %scan3A_521 : i32
      }
      %scan3A_135 = arith.constant 50 : i32
      %mul3A_136 = arith.constant 1600 : i32
      %mul3A_137 = arith.muli %add3A, %mul3A_136 : i32
      %mul3A_138 = arith.constant 50 : i32
      %mul3A_139 = arith.muli %add3A_113, %mul3A_138 : i32
      %add3A_140 = arith.addi %mul3A_137, %mul3A_139 : i32
      %dma_start3A_141 = arith.constant 0 : i32
      %dma_start3A_142 = tpu.memref_slice %arg7[%add3A_140, %dma_start3A_141] : memref<51200x32xf32, #tpu.memory_space<hbm>> -> memref<50x32xf32, #tpu.memory_space<hbm>>
      %dma_start3A_143 = arith.constant 0 : i32
      %dma_start3A_144 = tpu.memref_slice %arg7[%add3A_140, %dma_start3A_143] : memref<51200x32xf32, #tpu.memory_space<hbm>> -> memref<50x32xf32, #tpu.memory_space<hbm>>
      tpu.enqueue_dma source(%arg16 : memref<50x32xf32, #tpu.memory_space<vmem>>) target(%dma_start3A_144 : memref<50x32xf32, #tpu.memory_space<hbm>>) target_semaphore(%arg21 : memref<!tpu.dma_semaphore, #tpu.memory_space<semaphore_mem>>)
      %scan3A_145 = arith.constant 0 : i32
      scf.yield %scan3A_145 : i32
    }
    %scan3A_36 = arith.constant 16 : i32
    %dma_wait3A_37 = arith.constant 0 : i32
    %dma_wait3A_38 = arith.constant 0 : i32
    %dma_wait3A_39 = tpu.memref_slice %arg7[%dma_wait3A_37, %dma_wait3A_38] : memref<51200x32xf32, #tpu.memory_space<hbm>> -> memref<50x32xf32, #tpu.memory_space<hbm>>
    %dma_wait3A_40 = arith.constant 0 : i32
    %dma_wait3A_41 = arith.constant 0 : i32
    %dma_wait3A_42 = tpu.memref_slice %arg7[%dma_wait3A_40, %dma_wait3A_41] : memref<51200x32xf32, #tpu.memory_space<hbm>> -> memref<50x32xf32, #tpu.memory_space<hbm>>
    tpu.wait_dma2 semaphore(%arg20 : memref<!tpu.dma_semaphore, #tpu.memory_space<semaphore_mem>>) src(%arg15 : memref<50x32xf32, #tpu.memory_space<vmem>>) dst(%dma_wait3A_42 : memref<50x32xf32, #tpu.memory_space<hbm>>)
    %dma_wait3A_43 = arith.constant 0 : i32
    %dma_wait3A_44 = arith.constant 0 : i32
    %dma_wait3A_45 = tpu.memref_slice %arg7[%dma_wait3A_43, %dma_wait3A_44] : memref<51200x32xf32, #tpu.memory_space<hbm>> -> memref<50x32xf32, #tpu.memory_space<hbm>>
    %dma_wait3A_46 = arith.constant 0 : i32
    %dma_wait3A_47 = arith.constant 0 : i32
    %dma_wait3A_48 = tpu.memref_slice %arg7[%dma_wait3A_46, %dma_wait3A_47] : memref<51200x32xf32, #tpu.memory_space<hbm>> -> memref<50x32xf32, #tpu.memory_space<hbm>>
    tpu.wait_dma2 semaphore(%arg21 : memref<!tpu.dma_semaphore, #tpu.memory_space<semaphore_mem>>) src(%arg16 : memref<50x32xf32, #tpu.memory_space<vmem>>) dst(%dma_wait3A_48 : memref<50x32xf32, #tpu.memory_space<hbm>>)
    %mul3A_49 = arith.constant 1600 : i32
    %mul3A_50 = arith.muli %add3A, %mul3A_49 : i32
    %add3A_51 = arith.constant 0 : i32
    %add3A_52 = arith.addi %mul3A_50, %add3A_51 : i32
    %mul3A_53 = arith.constant 20 : i32
    %mul3A_54 = arith.muli %add3A_52, %mul3A_53 : i32
    "tpu.region"() ({
      %run_scoped3A = tpu.sem_alloc : memref<!tpu.dma_semaphore, #tpu.memory_space<semaphore_mem>>
      %dma_start3A_77 = tpu.memref_slice %arg2[%mul3A_54] : memref<1024000xi32, #tpu.memory_space<hbm>> -> memref<1000xi32, #tpu.memory_space<hbm>>
      %dma_start3A_78 = tpu.memref_slice %arg2[%mul3A_54] : memref<1024000xi32, #tpu.memory_space<hbm>> -> memref<1000xi32, #tpu.memory_space<hbm>>
      tpu.enqueue_dma source(%dma_start3A_78 : memref<1000xi32, #tpu.memory_space<hbm>>) target(%arg9 : memref<1000xi32, #tpu.memory_space<vmem>>) target_semaphore(%run_scoped3A : memref<!tpu.dma_semaphore, #tpu.memory_space<semaphore_mem>>)
      %dma_wait3A_79 = tpu.memref_slice %arg2[%mul3A_54] : memref<1024000xi32, #tpu.memory_space<hbm>> -> memref<1000xi32, #tpu.memory_space<hbm>>
      %dma_wait3A_80 = tpu.memref_slice %arg2[%mul3A_54] : memref<1024000xi32, #tpu.memory_space<hbm>> -> memref<1000xi32, #tpu.memory_space<hbm>>
      tpu.wait_dma2 semaphore(%run_scoped3A : memref<!tpu.dma_semaphore, #tpu.memory_space<semaphore_mem>>) src(%dma_wait3A_80 : memref<1000xi32, #tpu.memory_space<hbm>>) dst(%arg9 : memref<1000xi32, #tpu.memory_space<vmem>>)
      tpu.yield
    }) : () -> ()
    %dma_start3A_55 = arith.constant 0 : i32
    %dma_start3A_56 = arith.constant 0 : i32
    %dma_start3A_57 = tpu.memref_slice %arg5[%dma_start3A_55, %dma_start3A_56] : memref<100000x32xf32, #tpu.memory_space<hbm>> -> memref<100000x32xf32, #tpu.memory_space<hbm>>
    tpu.enqueue_indirect_dma source(%dma_start3A_57 : memref<100000x32xf32, #tpu.memory_space<hbm>>) target(%arg11 : memref<1000x32xf32, #tpu.memory_space<vmem>>) offsets(%arg9 : memref<1000xi32, #tpu.memory_space<vmem>>) semaphore(%arg18 : memref<!tpu.dma_semaphore, #tpu.memory_space<semaphore_mem>>)
    %scan3A_58 = arith.constant 0 : i32
    %scan3A_59 = arith.constant 0 : i32
    %scan3A_60 = arith.constant 16 : i32
    %scan3A_61 = arith.addi %scan3A_59, %scan3A_60 : i32
    %scan3A_62 = arith.constant 1 : i32
    %scan3A_63 = scf.for %scan3A_77 = %scan3A_59 to %scan3A_61 step %scan3A_62 iter_args(%scan3A_78 = %scan3A_58) -> (i32)  : i32 {
      %mul3A_79 = arith.constant 2 : i32
      %mul3A_80 = arith.muli %scan3A_77, %mul3A_79 : i32
      %add3A_81 = arith.constant 0 : i32
      %add3A_82 = arith.addi %mul3A_80, %add3A_81 : i32
      %add3A_83 = arith.constant 1 : i32
      %add3A_84 = arith.addi %add3A_82, %add3A_83 : i32
      %lt3A = arith.constant 32 : i32
      %lt3A_85 = arith.cmpi slt, %add3A_84, %lt3A : i32
      %convert_element_type3A = arith.extui %lt3A_85 : i1 to i32
      %cond3A = arith.constant 0 : i32
      %cond3A_86 = arith.cmpi ne, %convert_element_type3A, %cond3A : i32
      scf.if %cond3A_86 {
        %add3A_146 = arith.constant 1 : i32
        %add3A_147 = arith.addi %add3A_82, %add3A_146 : i32
        %mul3A_148 = arith.constant 1600 : i32
        %mul3A_149 = arith.muli %add3A, %mul3A_148 : i32
        %mul3A_150 = arith.constant 50 : i32
        %mul3A_151 = arith.muli %add3A_147, %mul3A_150 : i32
        %add3A_152 = arith.addi %mul3A_149, %mul3A_151 : i32
        %mul3A_153 = arith.constant 20 : i32
        %mul3A_154 = arith.muli %add3A_152, %mul3A_153 : i32
        "tpu.region"() ({
          %run_scoped3A = tpu.sem_alloc : memref<!tpu.dma_semaphore, #tpu.memory_space<semaphore_mem>>
          %dma_start3A_158 = tpu.memref_slice %arg2[%mul3A_154] : memref<1024000xi32, #tpu.memory_space<hbm>> -> memref<1000xi32, #tpu.memory_space<hbm>>
          %dma_start3A_159 = tpu.memref_slice %arg2[%mul3A_154] : memref<1024000xi32, #tpu.memory_space<hbm>> -> memref<1000xi32, #tpu.memory_space<hbm>>
          tpu.enqueue_dma source(%dma_start3A_159 : memref<1000xi32, #tpu.memory_space<hbm>>) target(%arg10 : memref<1000xi32, #tpu.memory_space<vmem>>) target_semaphore(%run_scoped3A : memref<!tpu.dma_semaphore, #tpu.memory_space<semaphore_mem>>)
          %dma_wait3A_160 = tpu.memref_slice %arg2[%mul3A_154] : memref<1024000xi32, #tpu.memory_space<hbm>> -> memref<1000xi32, #tpu.memory_space<hbm>>
          %dma_wait3A_161 = tpu.memref_slice %arg2[%mul3A_154] : memref<1024000xi32, #tpu.memory_space<hbm>> -> memref<1000xi32, #tpu.memory_space<hbm>>
          tpu.wait_dma2 semaphore(%run_scoped3A : memref<!tpu.dma_semaphore, #tpu.memory_space<semaphore_mem>>) src(%dma_wait3A_161 : memref<1000xi32, #tpu.memory_space<hbm>>) dst(%arg10 : memref<1000xi32, #tpu.memory_space<vmem>>)
          tpu.yield
        }) : () -> ()
        %dma_start3A_155 = arith.constant 0 : i32
        %dma_start3A_156 = arith.constant 0 : i32
        %dma_start3A_157 = tpu.memref_slice %arg5[%dma_start3A_155, %dma_start3A_156] : memref<100000x32xf32, #tpu.memory_space<hbm>> -> memref<100000x32xf32, #tpu.memory_space<hbm>>
        tpu.enqueue_indirect_dma source(%dma_start3A_157 : memref<100000x32xf32, #tpu.memory_space<hbm>>) target(%arg12 : memref<1000x32xf32, #tpu.memory_space<vmem>>) offsets(%arg10 : memref<1000xi32, #tpu.memory_space<vmem>>) semaphore(%arg19 : memref<!tpu.dma_semaphore, #tpu.memory_space<semaphore_mem>>)
      } else {
      }
      %dma_wait3A_87 = arith.constant 0 : i32
      %dma_wait3A_88 = arith.constant 0 : i32
      %dma_wait3A_89 = tpu.memref_slice %arg5[%dma_wait3A_87, %dma_wait3A_88] : memref<100000x32xf32, #tpu.memory_space<hbm>> -> memref<100000x32xf32, #tpu.memory_space<hbm>>
      tpu.wait_indirect_dma semaphore(%arg18 : memref<!tpu.dma_semaphore, #tpu.memory_space<semaphore_mem>>) src(%dma_wait3A_89 : memref<100000x32xf32, #tpu.memory_space<hbm>>) dst(%arg11 : memref<1000x32xf32, #tpu.memory_space<vmem>>)
      %ge3A = arith.constant 2 : i32
      %ge3A_90 = arith.cmpi sge, %add3A_82, %ge3A : i32
      %convert_element_type3A_91 = arith.extui %ge3A_90 : i1 to i32
      %cond3A_92 = arith.constant 0 : i32
      %cond3A_93 = arith.cmpi ne, %convert_element_type3A_91, %cond3A_92 : i32
      scf.if %cond3A_93 {
        %dma_wait3A_146 = arith.constant 0 : i32
        %dma_wait3A_147 = arith.constant 0 : i32
        %dma_wait3A_148 = tpu.memref_slice %arg8[%dma_wait3A_146, %dma_wait3A_147] : memref<51200x32xf32, #tpu.memory_space<hbm>> -> memref<50x32xf32, #tpu.memory_space<hbm>>
        %dma_wait3A_149 = arith.constant 0 : i32
        %dma_wait3A_150 = arith.constant 0 : i32
        %dma_wait3A_151 = tpu.memref_slice %arg8[%dma_wait3A_149, %dma_wait3A_150] : memref<51200x32xf32, #tpu.memory_space<hbm>> -> memref<50x32xf32, #tpu.memory_space<hbm>>
        tpu.wait_dma2 semaphore(%arg20 : memref<!tpu.dma_semaphore, #tpu.memory_space<semaphore_mem>>) src(%arg13 : memref<50x32xf32, #tpu.memory_space<vmem>>) dst(%dma_wait3A_151 : memref<50x32xf32, #tpu.memory_space<hbm>>)
      } else {
      }
      %scan3A_94 = arith.constant 0 : i32
      %scan3A_95 = arith.constant 0 : i32
      %scan3A_96 = arith.constant 50 : i32
      %scan3A_97 = arith.addi %scan3A_95, %scan3A_96 : i32
      %scan3A_98 = arith.constant 1 : i32
      %scan3A_99 = scf.for %scan3A_146 = %scan3A_95 to %scan3A_97 step %scan3A_98 iter_args(%scan3A_147 = %scan3A_94) -> (i32)  : i32 {
        %mul3A_148 = arith.constant 20 : i32
        %mul3A_149 = arith.muli %scan3A_146, %mul3A_148 : i32
        %broadcast_in_dim3A = arith.constant 0.000000e+00 : f32
        %broadcast_in_dim3A_150 = vector.broadcast %broadcast_in_dim3A : f32 to vector<16xf32>
        %broadcast_in_dim3A_151 = arith.constant 0.000000e+00 : f32
        %broadcast_in_dim3A_152 = vector.broadcast %broadcast_in_dim3A_151 : f32 to vector<16xf32>
        %broadcast_in_dim3A_153 = arith.constant 0.000000e+00 : f32
        %broadcast_in_dim3A_154 = vector.broadcast %broadcast_in_dim3A_153 : f32 to vector<16xf32>
        %broadcast_in_dim3A_155 = arith.constant 0.000000e+00 : f32
        %broadcast_in_dim3A_156 = vector.broadcast %broadcast_in_dim3A_155 : f32 to vector<16xf32>
        %add3A_157 = arith.constant 0 : i32
        %add3A_158 = arith.addi %mul3A_149, %add3A_157 : i32
        %get3A = arith.index_cast %add3A_158 : i32 to index
        %get3A_159 = arith.constant 0 : index
        %get3A_160 = tpu.vector_load %arg11[%get3A, %get3A_159] {strides = array<i32>} : memref<1000x32xf32, #tpu.memory_space<vmem>>, vector<16xf32>,
        %add3A_161 = arith.constant 0 : i32
        %add3A_162 = arith.addi %mul3A_149, %add3A_161 : i32
        %get3A_163 = arith.index_cast %add3A_162 : i32 to index
        %get3A_164 = arith.constant 16 : index
        %get3A_165 = tpu.vector_load %arg11[%get3A_163, %get3A_164] {strides = array<i32>} : memref<1000x32xf32, #tpu.memory_space<vmem>>, vector<16xf32>,
        %add3A_166 = arith.addf %broadcast_in_dim3A_150, %get3A_160 : vector<16xf32>
        %add3A_167 = arith.addf %broadcast_in_dim3A_152, %get3A_165 : vector<16xf32>
        %add3A_168 = arith.constant 1 : i32
        %add3A_169 = arith.addi %mul3A_149, %add3A_168 : i32
        %get3A_170 = arith.index_cast %add3A_169 : i32 to index
        %get3A_171 = arith.constant 0 : index
        %get3A_172 = tpu.vector_load %arg11[%get3A_170, %get3A_171] {strides = array<i32>} : memref<1000x32xf32, #tpu.memory_space<vmem>>, vector<16xf32>,
        %add3A_173 = arith.constant 1 : i32
        %add3A_174 = arith.addi %mul3A_149, %add3A_173 : i32
        %get3A_175 = arith.index_cast %add3A_174 : i32 to index
        %get3A_176 = arith.constant 16 : index
        %get3A_177 = tpu.vector_load %arg11[%get3A_175, %get3A_176] {strides = array<i32>} : memref<1000x32xf32, #tpu.memory_space<vmem>>, vector<16xf32>,
        %add3A_178 = arith.addf %add3A_166, %get3A_172 : vector<16xf32>
        %add3A_179 = arith.addf %add3A_167, %get3A_177 : vector<16xf32>
        %add3A_180 = arith.constant 2 : i32
        %add3A_181 = arith.addi %mul3A_149, %add3A_180 : i32
        %get3A_182 = arith.index_cast %add3A_181 : i32 to index
        %get3A_183 = arith.constant 0 : index
        %get3A_184 = tpu.vector_load %arg11[%get3A_182, %get3A_183] {strides = array<i32>} : memref<1000x32xf32, #tpu.memory_space<vmem>>, vector<16xf32>,
        %add3A_185 = arith.constant 2 : i32
        %add3A_186 = arith.addi %mul3A_149, %add3A_185 : i32
        %get3A_187 = arith.index_cast %add3A_186 : i32 to index
        %get3A_188 = arith.constant 16 : index
        %get3A_189 = tpu.vector_load %arg11[%get3A_187, %get3A_188] {strides = array<i32>} : memref<1000x32xf32, #tpu.memory_space<vmem>>, vector<16xf32>,
        %add3A_190 = arith.addf %add3A_178, %get3A_184 : vector<16xf32>
        %add3A_191 = arith.addf %add3A_179, %get3A_189 : vector<16xf32>
        %add3A_192 = arith.constant 3 : i32
        %add3A_193 = arith.addi %mul3A_149, %add3A_192 : i32
        %get3A_194 = arith.index_cast %add3A_193 : i32 to index
        %get3A_195 = arith.constant 0 : index
        %get3A_196 = tpu.vector_load %arg11[%get3A_194, %get3A_195] {strides = array<i32>} : memref<1000x32xf32, #tpu.memory_space<vmem>>, vector<16xf32>,
        %add3A_197 = arith.constant 3 : i32
        %add3A_198 = arith.addi %mul3A_149, %add3A_197 : i32
        %get3A_199 = arith.index_cast %add3A_198 : i32 to index
        %get3A_200 = arith.constant 16 : index
        %get3A_201 = tpu.vector_load %arg11[%get3A_199, %get3A_200] {strides = array<i32>} : memref<1000x32xf32, #tpu.memory_space<vmem>>, vector<16xf32>,
        %add3A_202 = arith.addf %add3A_190, %get3A_196 : vector<16xf32>
        %add3A_203 = arith.addf %add3A_191, %get3A_201 : vector<16xf32>
        %add3A_204 = arith.constant 4 : i32
        %add3A_205 = arith.addi %mul3A_149, %add3A_204 : i32
        %get3A_206 = arith.index_cast %add3A_205 : i32 to index
        %get3A_207 = arith.constant 0 : index
        %get3A_208 = tpu.vector_load %arg11[%get3A_206, %get3A_207] {strides = array<i32>} : memref<1000x32xf32, #tpu.memory_space<vmem>>, vector<16xf32>,
        %add3A_209 = arith.constant 4 : i32
        %add3A_210 = arith.addi %mul3A_149, %add3A_209 : i32
        %get3A_211 = arith.index_cast %add3A_210 : i32 to index
        %get3A_212 = arith.constant 16 : index
        %get3A_213 = tpu.vector_load %arg11[%get3A_211, %get3A_212] {strides = array<i32>} : memref<1000x32xf32, #tpu.memory_space<vmem>>, vector<16xf32>,
        %add3A_214 = arith.addf %add3A_202, %get3A_208 : vector<16xf32>
        %add3A_215 = arith.addf %add3A_203, %get3A_213 : vector<16xf32>
        %add3A_216 = arith.constant 5 : i32
        %add3A_217 = arith.addi %mul3A_149, %add3A_216 : i32
        %get3A_218 = arith.index_cast %add3A_217 : i32 to index
        %get3A_219 = arith.constant 0 : index
        %get3A_220 = tpu.vector_load %arg11[%get3A_218, %get3A_219] {strides = array<i32>} : memref<1000x32xf32, #tpu.memory_space<vmem>>, vector<16xf32>,
        %add3A_221 = arith.constant 5 : i32
        %add3A_222 = arith.addi %mul3A_149, %add3A_221 : i32
        %get3A_223 = arith.index_cast %add3A_222 : i32 to index
        %get3A_224 = arith.constant 16 : index
        %get3A_225 = tpu.vector_load %arg11[%get3A_223, %get3A_224] {strides = array<i32>} : memref<1000x32xf32, #tpu.memory_space<vmem>>, vector<16xf32>,
        %add3A_226 = arith.addf %add3A_214, %get3A_220 : vector<16xf32>
        %add3A_227 = arith.addf %add3A_215, %get3A_225 : vector<16xf32>
        %add3A_228 = arith.constant 6 : i32
        %add3A_229 = arith.addi %mul3A_149, %add3A_228 : i32
        %get3A_230 = arith.index_cast %add3A_229 : i32 to index
        %get3A_231 = arith.constant 0 : index
        %get3A_232 = tpu.vector_load %arg11[%get3A_230, %get3A_231] {strides = array<i32>} : memref<1000x32xf32, #tpu.memory_space<vmem>>, vector<16xf32>,
        %add3A_233 = arith.constant 6 : i32
        %add3A_234 = arith.addi %mul3A_149, %add3A_233 : i32
        %get3A_235 = arith.index_cast %add3A_234 : i32 to index
        %get3A_236 = arith.constant 16 : index
        %get3A_237 = tpu.vector_load %arg11[%get3A_235, %get3A_236] {strides = array<i32>} : memref<1000x32xf32, #tpu.memory_space<vmem>>, vector<16xf32>,
        %add3A_238 = arith.addf %add3A_226, %get3A_232 : vector<16xf32>
        %add3A_239 = arith.addf %add3A_227, %get3A_237 : vector<16xf32>
        %add3A_240 = arith.constant 7 : i32
        %add3A_241 = arith.addi %mul3A_149, %add3A_240 : i32
        %get3A_242 = arith.index_cast %add3A_241 : i32 to index
        %get3A_243 = arith.constant 0 : index
        %get3A_244 = tpu.vector_load %arg11[%get3A_242, %get3A_243] {strides = array<i32>} : memref<1000x32xf32, #tpu.memory_space<vmem>>, vector<16xf32>,
        %add3A_245 = arith.constant 7 : i32
        %add3A_246 = arith.addi %mul3A_149, %add3A_245 : i32
        %get3A_247 = arith.index_cast %add3A_246 : i32 to index
        %get3A_248 = arith.constant 16 : index
        %get3A_249 = tpu.vector_load %arg11[%get3A_247, %get3A_248] {strides = array<i32>} : memref<1000x32xf32, #tpu.memory_space<vmem>>, vector<16xf32>,
        %add3A_250 = arith.addf %add3A_238, %get3A_244 : vector<16xf32>
        %add3A_251 = arith.addf %add3A_239, %get3A_249 : vector<16xf32>
        %add3A_252 = arith.constant 8 : i32
        %add3A_253 = arith.addi %mul3A_149, %add3A_252 : i32
        %get3A_254 = arith.index_cast %add3A_253 : i32 to index
        %get3A_255 = arith.constant 0 : index
        %get3A_256 = tpu.vector_load %arg11[%get3A_254, %get3A_255] {strides = array<i32>} : memref<1000x32xf32, #tpu.memory_space<vmem>>, vector<16xf32>,
        %add3A_257 = arith.constant 8 : i32
        %add3A_258 = arith.addi %mul3A_149, %add3A_257 : i32
        %get3A_259 = arith.index_cast %add3A_258 : i32 to index
        %get3A_260 = arith.constant 16 : index
        %get3A_261 = tpu.vector_load %arg11[%get3A_259, %get3A_260] {strides = array<i32>} : memref<1000x32xf32, #tpu.memory_space<vmem>>, vector<16xf32>,
        %add3A_262 = arith.addf %add3A_250, %get3A_256 : vector<16xf32>
        %add3A_263 = arith.addf %add3A_251, %get3A_261 : vector<16xf32>
        %add3A_264 = arith.constant 9 : i32
        %add3A_265 = arith.addi %mul3A_149, %add3A_264 : i32
        %get3A_266 = arith.index_cast %add3A_265 : i32 to index
        %get3A_267 = arith.constant 0 : index
        %get3A_268 = tpu.vector_load %arg11[%get3A_266, %get3A_267] {strides = array<i32>} : memref<1000x32xf32, #tpu.memory_space<vmem>>, vector<16xf32>,
        %add3A_269 = arith.constant 9 : i32
        %add3A_270 = arith.addi %mul3A_149, %add3A_269 : i32
        %get3A_271 = arith.index_cast %add3A_270 : i32 to index
        %get3A_272 = arith.constant 16 : index
        %get3A_273 = tpu.vector_load %arg11[%get3A_271, %get3A_272] {strides = array<i32>} : memref<1000x32xf32, #tpu.memory_space<vmem>>, vector<16xf32>,
        %add3A_274 = arith.addf %add3A_262, %get3A_268 : vector<16xf32>
        %add3A_275 = arith.addf %add3A_263, %get3A_273 : vector<16xf32>
        %add3A_276 = arith.constant 10 : i32
        %add3A_277 = arith.addi %mul3A_149, %add3A_276 : i32
        %get3A_278 = arith.index_cast %add3A_277 : i32 to index
        %get3A_279 = arith.constant 0 : index
        %get3A_280 = tpu.vector_load %arg11[%get3A_278, %get3A_279] {strides = array<i32>} : memref<1000x32xf32, #tpu.memory_space<vmem>>, vector<16xf32>,
        %add3A_281 = arith.constant 10 : i32
        %add3A_282 = arith.addi %mul3A_149, %add3A_281 : i32
        %get3A_283 = arith.index_cast %add3A_282 : i32 to index
        %get3A_284 = arith.constant 16 : index
        %get3A_285 = tpu.vector_load %arg11[%get3A_283, %get3A_284] {strides = array<i32>} : memref<1000x32xf32, #tpu.memory_space<vmem>>, vector<16xf32>,
        %add3A_286 = arith.addf %add3A_274, %get3A_280 : vector<16xf32>
        %add3A_287 = arith.addf %add3A_275, %get3A_285 : vector<16xf32>
        %add3A_288 = arith.constant 11 : i32
        %add3A_289 = arith.addi %mul3A_149, %add3A_288 : i32
        %get3A_290 = arith.index_cast %add3A_289 : i32 to index
        %get3A_291 = arith.constant 0 : index
        %get3A_292 = tpu.vector_load %arg11[%get3A_290, %get3A_291] {strides = array<i32>} : memref<1000x32xf32, #tpu.memory_space<vmem>>, vector<16xf32>,
        %add3A_293 = arith.constant 11 : i32
        %add3A_294 = arith.addi %mul3A_149, %add3A_293 : i32
        %get3A_295 = arith.index_cast %add3A_294 : i32 to index
        %get3A_296 = arith.constant 16 : index
        %get3A_297 = tpu.vector_load %arg11[%get3A_295, %get3A_296] {strides = array<i32>} : memref<1000x32xf32, #tpu.memory_space<vmem>>, vector<16xf32>,
        %add3A_298 = arith.addf %add3A_286, %get3A_292 : vector<16xf32>
        %add3A_299 = arith.addf %add3A_287, %get3A_297 : vector<16xf32>
        %add3A_300 = arith.constant 12 : i32
        %add3A_301 = arith.addi %mul3A_149, %add3A_300 : i32
        %get3A_302 = arith.index_cast %add3A_301 : i32 to index
        %get3A_303 = arith.constant 0 : index
        %get3A_304 = tpu.vector_load %arg11[%get3A_302, %get3A_303] {strides = array<i32>} : memref<1000x32xf32, #tpu.memory_space<vmem>>, vector<16xf32>,
        %add3A_305 = arith.constant 12 : i32
        %add3A_306 = arith.addi %mul3A_149, %add3A_305 : i32
        %get3A_307 = arith.index_cast %add3A_306 : i32 to index
        %get3A_308 = arith.constant 16 : index
        %get3A_309 = tpu.vector_load %arg11[%get3A_307, %get3A_308] {strides = array<i32>} : memref<1000x32xf32, #tpu.memory_space<vmem>>, vector<16xf32>,
        %add3A_310 = arith.addf %add3A_298, %get3A_304 : vector<16xf32>
        %add3A_311 = arith.addf %add3A_299, %get3A_309 : vector<16xf32>
        %add3A_312 = arith.constant 13 : i32
        %add3A_313 = arith.addi %mul3A_149, %add3A_312 : i32
        %get3A_314 = arith.index_cast %add3A_313 : i32 to index
        %get3A_315 = arith.constant 0 : index
        %get3A_316 = tpu.vector_load %arg11[%get3A_314, %get3A_315] {strides = array<i32>} : memref<1000x32xf32, #tpu.memory_space<vmem>>, vector<16xf32>,
        %add3A_317 = arith.constant 13 : i32
        %add3A_318 = arith.addi %mul3A_149, %add3A_317 : i32
        %get3A_319 = arith.index_cast %add3A_318 : i32 to index
        %get3A_320 = arith.constant 16 : index
        %get3A_321 = tpu.vector_load %arg11[%get3A_319, %get3A_320] {strides = array<i32>} : memref<1000x32xf32, #tpu.memory_space<vmem>>, vector<16xf32>,
        %add3A_322 = arith.addf %add3A_310, %get3A_316 : vector<16xf32>
        %add3A_323 = arith.addf %add3A_311, %get3A_321 : vector<16xf32>
        %add3A_324 = arith.constant 14 : i32
        %add3A_325 = arith.addi %mul3A_149, %add3A_324 : i32
        %get3A_326 = arith.index_cast %add3A_325 : i32 to index
        %get3A_327 = arith.constant 0 : index
        %get3A_328 = tpu.vector_load %arg11[%get3A_326, %get3A_327] {strides = array<i32>} : memref<1000x32xf32, #tpu.memory_space<vmem>>, vector<16xf32>,
        %add3A_329 = arith.constant 14 : i32
        %add3A_330 = arith.addi %mul3A_149, %add3A_329 : i32
        %get3A_331 = arith.index_cast %add3A_330 : i32 to index
        %get3A_332 = arith.constant 16 : index
        %get3A_333 = tpu.vector_load %arg11[%get3A_331, %get3A_332] {strides = array<i32>} : memref<1000x32xf32, #tpu.memory_space<vmem>>, vector<16xf32>,
        %add3A_334 = arith.addf %add3A_322, %get3A_328 : vector<16xf32>
        %add3A_335 = arith.addf %add3A_323, %get3A_333 : vector<16xf32>
        %add3A_336 = arith.constant 15 : i32
        %add3A_337 = arith.addi %mul3A_149, %add3A_336 : i32
        %get3A_338 = arith.index_cast %add3A_337 : i32 to index
        %get3A_339 = arith.constant 0 : index
        %get3A_340 = tpu.vector_load %arg11[%get3A_338, %get3A_339] {strides = array<i32>} : memref<1000x32xf32, #tpu.memory_space<vmem>>, vector<16xf32>,
        %add3A_341 = arith.constant 15 : i32
        %add3A_342 = arith.addi %mul3A_149, %add3A_341 : i32
        %get3A_343 = arith.index_cast %add3A_342 : i32 to index
        %get3A_344 = arith.constant 16 : index
        %get3A_345 = tpu.vector_load %arg11[%get3A_343, %get3A_344] {strides = array<i32>} : memref<1000x32xf32, #tpu.memory_space<vmem>>, vector<16xf32>,
        %add3A_346 = arith.addf %add3A_334, %get3A_340 : vector<16xf32>
        %add3A_347 = arith.addf %add3A_335, %get3A_345 : vector<16xf32>
        %add3A_348 = arith.constant 16 : i32
        %add3A_349 = arith.addi %mul3A_149, %add3A_348 : i32
        %get3A_350 = arith.index_cast %add3A_349 : i32 to index
        %get3A_351 = arith.constant 0 : index
        %get3A_352 = tpu.vector_load %arg11[%get3A_350, %get3A_351] {strides = array<i32>} : memref<1000x32xf32, #tpu.memory_space<vmem>>, vector<16xf32>,
        %add3A_353 = arith.constant 16 : i32
        %add3A_354 = arith.addi %mul3A_149, %add3A_353 : i32
        %get3A_355 = arith.index_cast %add3A_354 : i32 to index
        %get3A_356 = arith.constant 16 : index
        %get3A_357 = tpu.vector_load %arg11[%get3A_355, %get3A_356] {strides = array<i32>} : memref<1000x32xf32, #tpu.memory_space<vmem>>, vector<16xf32>,
        %add3A_358 = arith.addf %add3A_346, %get3A_352 : vector<16xf32>
        %add3A_359 = arith.addf %add3A_347, %get3A_357 : vector<16xf32>
        %add3A_360 = arith.constant 17 : i32
        %add3A_361 = arith.addi %mul3A_149, %add3A_360 : i32
        %get3A_362 = arith.index_cast %add3A_361 : i32 to index
        %get3A_363 = arith.constant 0 : index
        %get3A_364 = tpu.vector_load %arg11[%get3A_362, %get3A_363] {strides = array<i32>} : memref<1000x32xf32, #tpu.memory_space<vmem>>, vector<16xf32>,
        %add3A_365 = arith.constant 17 : i32
        %add3A_366 = arith.addi %mul3A_149, %add3A_365 : i32
        %get3A_367 = arith.index_cast %add3A_366 : i32 to index
        %get3A_368 = arith.constant 16 : index
        %get3A_369 = tpu.vector_load %arg11[%get3A_367, %get3A_368] {strides = array<i32>} : memref<1000x32xf32, #tpu.memory_space<vmem>>, vector<16xf32>,
        %add3A_370 = arith.addf %add3A_358, %get3A_364 : vector<16xf32>
        %add3A_371 = arith.addf %add3A_359, %get3A_369 : vector<16xf32>
        %add3A_372 = arith.constant 18 : i32
        %add3A_373 = arith.addi %mul3A_149, %add3A_372 : i32
        %get3A_374 = arith.index_cast %add3A_373 : i32 to index
        %get3A_375 = arith.constant 0 : index
        %get3A_376 = tpu.vector_load %arg11[%get3A_374, %get3A_375] {strides = array<i32>} : memref<1000x32xf32, #tpu.memory_space<vmem>>, vector<16xf32>,
        %add3A_377 = arith.constant 18 : i32
        %add3A_378 = arith.addi %mul3A_149, %add3A_377 : i32
        %get3A_379 = arith.index_cast %add3A_378 : i32 to index
        %get3A_380 = arith.constant 16 : index
        %get3A_381 = tpu.vector_load %arg11[%get3A_379, %get3A_380] {strides = array<i32>} : memref<1000x32xf32, #tpu.memory_space<vmem>>, vector<16xf32>,
        %add3A_382 = arith.addf %add3A_370, %get3A_376 : vector<16xf32>
        %add3A_383 = arith.addf %add3A_371, %get3A_381 : vector<16xf32>
        %add3A_384 = arith.constant 19 : i32
        %add3A_385 = arith.addi %mul3A_149, %add3A_384 : i32
        %get3A_386 = arith.index_cast %add3A_385 : i32 to index
        %get3A_387 = arith.constant 0 : index
        %get3A_388 = tpu.vector_load %arg11[%get3A_386, %get3A_387] {strides = array<i32>} : memref<1000x32xf32, #tpu.memory_space<vmem>>, vector<16xf32>,
        %add3A_389 = arith.constant 19 : i32
        %add3A_390 = arith.addi %mul3A_149, %add3A_389 : i32
        %get3A_391 = arith.index_cast %add3A_390 : i32 to index
        %get3A_392 = arith.constant 16 : index
        %get3A_393 = tpu.vector_load %arg11[%get3A_391, %get3A_392] {strides = array<i32>} : memref<1000x32xf32, #tpu.memory_space<vmem>>, vector<16xf32>,
        %add3A_394 = arith.addf %add3A_382, %get3A_388 : vector<16xf32>
        %add3A_395 = arith.addf %add3A_383, %get3A_393 : vector<16xf32>
        %swap3A = arith.index_cast %scan3A_146 : i32 to index
        %swap3A_396 = arith.constant 0 : index
        %swap3A_397 = tpu.vector_load %arg13[%swap3A, %swap3A_396] {strides = array<i32>} : memref<50x32xf32, #tpu.memory_space<vmem>>, vector<16xf32>,
        tpu.vector_store %arg13[%swap3A, %swap3A_396], %add3A_394 {strides = array<i32>} : memref<50x32xf32, #tpu.memory_space<vmem>>, vector<16xf32>,
        %swap3A_398 = arith.index_cast %scan3A_146 : i32 to index
        %swap3A_399 = arith.constant 16 : index
        %swap3A_400 = tpu.vector_load %arg13[%swap3A_398, %swap3A_399] {strides = array<i32>} : memref<50x32xf32, #tpu.memory_space<vmem>>, vector<16xf32>,
        tpu.vector_store %arg13[%swap3A_398, %swap3A_399], %add3A_395 {strides = array<i32>} : memref<50x32xf32, #tpu.memory_space<vmem>>, vector<16xf32>,
        %scan3A_401 = arith.constant 0 : i32
        scf.yield %scan3A_401 : i32
      }
      %scan3A_100 = arith.constant 50 : i32
      %mul3A_101 = arith.constant 1600 : i32
      %mul3A_102 = arith.muli %add3A, %mul3A_101 : i32
      %mul3A_103 = arith.constant 50 : i32
      %mul3A_104 = arith.muli %add3A_82, %mul3A_103 : i32
      %add3A_105 = arith.addi %mul3A_102, %mul3A_104 : i32
      %dma_start3A_106 = arith.constant 0 : i32
      %dma_start3A_107 = tpu.memref_slice %arg8[%add3A_105, %dma_start3A_106] : memref<51200x32xf32, #tpu.memory_space<hbm>> -> memref<50x32xf32, #tpu.memory_space<hbm>>
      %dma_start3A_108 = arith.constant 0 : i32
      %dma_start3A_109 = tpu.memref_slice %arg8[%add3A_105, %dma_start3A_108] : memref<51200x32xf32, #tpu.memory_space<hbm>> -> memref<50x32xf32, #tpu.memory_space<hbm>>
      tpu.enqueue_dma source(%arg13 : memref<50x32xf32, #tpu.memory_space<vmem>>) target(%dma_start3A_109 : memref<50x32xf32, #tpu.memory_space<hbm>>) target_semaphore(%arg20 : memref<!tpu.dma_semaphore, #tpu.memory_space<semaphore_mem>>)
      %mul3A_110 = arith.constant 2 : i32
      %mul3A_111 = arith.muli %scan3A_77, %mul3A_110 : i32
      %add3A_112 = arith.constant 1 : i32
      %add3A_113 = arith.addi %mul3A_111, %add3A_112 : i32
      %add3A_114 = arith.constant 1 : i32
      %add3A_115 = arith.addi %add3A_113, %add3A_114 : i32
      %lt3A_116 = arith.constant 32 : i32
      %lt3A_117 = arith.cmpi slt, %add3A_115, %lt3A_116 : i32
      %convert_element_type3A_118 = arith.extui %lt3A_117 : i1 to i32
      %cond3A_119 = arith.constant 0 : i32
      %cond3A_120 = arith.cmpi ne, %convert_element_type3A_118, %cond3A_119 : i32
      scf.if %cond3A_120 {
        %add3A_146 = arith.constant 1 : i32
        %add3A_147 = arith.addi %add3A_113, %add3A_146 : i32
        %mul3A_148 = arith.constant 1600 : i32
        %mul3A_149 = arith.muli %add3A, %mul3A_148 : i32
        %mul3A_150 = arith.constant 50 : i32
        %mul3A_151 = arith.muli %add3A_147, %mul3A_150 : i32
        %add3A_152 = arith.addi %mul3A_149, %mul3A_151 : i32
        %mul3A_153 = arith.constant 20 : i32
        %mul3A_154 = arith.muli %add3A_152, %mul3A_153 : i32
        "tpu.region"() ({
          %run_scoped3A = tpu.sem_alloc : memref<!tpu.dma_semaphore, #tpu.memory_space<semaphore_mem>>
          %dma_start3A_158 = tpu.memref_slice %arg2[%mul3A_154] : memref<1024000xi32, #tpu.memory_space<hbm>> -> memref<1000xi32, #tpu.memory_space<hbm>>
          %dma_start3A_159 = tpu.memref_slice %arg2[%mul3A_154] : memref<1024000xi32, #tpu.memory_space<hbm>> -> memref<1000xi32, #tpu.memory_space<hbm>>
          tpu.enqueue_dma source(%dma_start3A_159 : memref<1000xi32, #tpu.memory_space<hbm>>) target(%arg9 : memref<1000xi32, #tpu.memory_space<vmem>>) target_semaphore(%run_scoped3A : memref<!tpu.dma_semaphore, #tpu.memory_space<semaphore_mem>>)
          %dma_wait3A_160 = tpu.memref_slice %arg2[%mul3A_154] : memref<1024000xi32, #tpu.memory_space<hbm>> -> memref<1000xi32, #tpu.memory_space<hbm>>
          %dma_wait3A_161 = tpu.memref_slice %arg2[%mul3A_154] : memref<1024000xi32, #tpu.memory_space<hbm>> -> memref<1000xi32, #tpu.memory_space<hbm>>
          tpu.wait_dma2 semaphore(%run_scoped3A : memref<!tpu.dma_semaphore, #tpu.memory_space<semaphore_mem>>) src(%dma_wait3A_161 : memref<1000xi32, #tpu.memory_space<hbm>>) dst(%arg9 : memref<1000xi32, #tpu.memory_space<vmem>>)
          tpu.yield
        }) : () -> ()
        %dma_start3A_155 = arith.constant 0 : i32
        %dma_start3A_156 = arith.constant 0 : i32
        %dma_start3A_157 = tpu.memref_slice %arg5[%dma_start3A_155, %dma_start3A_156] : memref<100000x32xf32, #tpu.memory_space<hbm>> -> memref<100000x32xf32, #tpu.memory_space<hbm>>
        tpu.enqueue_indirect_dma source(%dma_start3A_157 : memref<100000x32xf32, #tpu.memory_space<hbm>>) target(%arg11 : memref<1000x32xf32, #tpu.memory_space<vmem>>) offsets(%arg9 : memref<1000xi32, #tpu.memory_space<vmem>>) semaphore(%arg18 : memref<!tpu.dma_semaphore, #tpu.memory_space<semaphore_mem>>)
      } else {
      }
      %dma_wait3A_121 = arith.constant 0 : i32
      %dma_wait3A_122 = arith.constant 0 : i32
      %dma_wait3A_123 = tpu.memref_slice %arg5[%dma_wait3A_121, %dma_wait3A_122] : memref<100000x32xf32, #tpu.memory_space<hbm>> -> memref<100000x32xf32, #tpu.memory_space<hbm>>
      tpu.wait_indirect_dma semaphore(%arg19 : memref<!tpu.dma_semaphore, #tpu.memory_space<semaphore_mem>>) src(%dma_wait3A_123 : memref<100000x32xf32, #tpu.memory_space<hbm>>) dst(%arg12 : memref<1000x32xf32, #tpu.memory_space<vmem>>)
      %ge3A_124 = arith.constant 2 : i32
      %ge3A_125 = arith.cmpi sge, %add3A_113, %ge3A_124 : i32
      %convert_element_type3A_126 = arith.extui %ge3A_125 : i1 to i32
      %cond3A_127 = arith.constant 0 : i32
      %cond3A_128 = arith.cmpi ne, %convert_element_type3A_126, %cond3A_127 : i32
      scf.if %cond3A_128 {
        %dma_wait3A_146 = arith.constant 0 : i32
        %dma_wait3A_147 = arith.constant 0 : i32
        %dma_wait3A_148 = tpu.memref_slice %arg8[%dma_wait3A_146, %dma_wait3A_147] : memref<51200x32xf32, #tpu.memory_space<hbm>> -> memref<50x32xf32, #tpu.memory_space<hbm>>
        %dma_wait3A_149 = arith.constant 0 : i32
        %dma_wait3A_150 = arith.constant 0 : i32
        %dma_wait3A_151 = tpu.memref_slice %arg8[%dma_wait3A_149, %dma_wait3A_150] : memref<51200x32xf32, #tpu.memory_space<hbm>> -> memref<50x32xf32, #tpu.memory_space<hbm>>
        tpu.wait_dma2 semaphore(%arg21 : memref<!tpu.dma_semaphore, #tpu.memory_space<semaphore_mem>>) src(%arg14 : memref<50x32xf32, #tpu.memory_space<vmem>>) dst(%dma_wait3A_151 : memref<50x32xf32, #tpu.memory_space<hbm>>)
      } else {
      }
      %scan3A_129 = arith.constant 0 : i32
      %scan3A_130 = arith.constant 0 : i32
      %scan3A_131 = arith.constant 50 : i32
      %scan3A_132 = arith.addi %scan3A_130, %scan3A_131 : i32
      %scan3A_133 = arith.constant 1 : i32
      %scan3A_134 = scf.for %scan3A_146 = %scan3A_130 to %scan3A_132 step %scan3A_133 iter_args(%scan3A_147 = %scan3A_129) -> (i32)  : i32 {
        %mul3A_148 = arith.constant 20 : i32
        %mul3A_149 = arith.muli %scan3A_146, %mul3A_148 : i32
        %broadcast_in_dim3A = arith.constant 0.000000e+00 : f32
        %broadcast_in_dim3A_150 = vector.broadcast %broadcast_in_dim3A : f32 to vector<16xf32>
        %broadcast_in_dim3A_151 = arith.constant 0.000000e+00 : f32
        %broadcast_in_dim3A_152 = vector.broadcast %broadcast_in_dim3A_151 : f32 to vector<16xf32>
        %broadcast_in_dim3A_153 = arith.constant 0.000000e+00 : f32
        %broadcast_in_dim3A_154 = vector.broadcast %broadcast_in_dim3A_153 : f32 to vector<16xf32>
        %broadcast_in_dim3A_155 = arith.constant 0.000000e+00 : f32
        %broadcast_in_dim3A_156 = vector.broadcast %broadcast_in_dim3A_155 : f32 to vector<16xf32>
        %add3A_157 = arith.constant 0 : i32
        %add3A_158 = arith.addi %mul3A_149, %add3A_157 : i32
        %get3A = arith.index_cast %add3A_158 : i32 to index
        %get3A_159 = arith.constant 0 : index
        %get3A_160 = tpu.vector_load %arg12[%get3A, %get3A_159] {strides = array<i32>} : memref<1000x32xf32, #tpu.memory_space<vmem>>, vector<16xf32>,
        %add3A_161 = arith.constant 0 : i32
        %add3A_162 = arith.addi %mul3A_149, %add3A_161 : i32
        %get3A_163 = arith.index_cast %add3A_162 : i32 to index
        %get3A_164 = arith.constant 16 : index
        %get3A_165 = tpu.vector_load %arg12[%get3A_163, %get3A_164] {strides = array<i32>} : memref<1000x32xf32, #tpu.memory_space<vmem>>, vector<16xf32>,
        %add3A_166 = arith.addf %broadcast_in_dim3A_150, %get3A_160 : vector<16xf32>
        %add3A_167 = arith.addf %broadcast_in_dim3A_152, %get3A_165 : vector<16xf32>
        %add3A_168 = arith.constant 1 : i32
        %add3A_169 = arith.addi %mul3A_149, %add3A_168 : i32
        %get3A_170 = arith.index_cast %add3A_169 : i32 to index
        %get3A_171 = arith.constant 0 : index
        %get3A_172 = tpu.vector_load %arg12[%get3A_170, %get3A_171] {strides = array<i32>} : memref<1000x32xf32, #tpu.memory_space<vmem>>, vector<16xf32>,
        %add3A_173 = arith.constant 1 : i32
        %add3A_174 = arith.addi %mul3A_149, %add3A_173 : i32
        %get3A_175 = arith.index_cast %add3A_174 : i32 to index
        %get3A_176 = arith.constant 16 : index
        %get3A_177 = tpu.vector_load %arg12[%get3A_175, %get3A_176] {strides = array<i32>} : memref<1000x32xf32, #tpu.memory_space<vmem>>, vector<16xf32>,
        %add3A_178 = arith.addf %add3A_166, %get3A_172 : vector<16xf32>
        %add3A_179 = arith.addf %add3A_167, %get3A_177 : vector<16xf32>
        %add3A_180 = arith.constant 2 : i32
        %add3A_181 = arith.addi %mul3A_149, %add3A_180 : i32
        %get3A_182 = arith.index_cast %add3A_181 : i32 to index
        %get3A_183 = arith.constant 0 : index
        %get3A_184 = tpu.vector_load %arg12[%get3A_182, %get3A_183] {strides = array<i32>} : memref<1000x32xf32, #tpu.memory_space<vmem>>, vector<16xf32>,
        %add3A_185 = arith.constant 2 : i32
        %add3A_186 = arith.addi %mul3A_149, %add3A_185 : i32
        %get3A_187 = arith.index_cast %add3A_186 : i32 to index
        %get3A_188 = arith.constant 16 : index
        %get3A_189 = tpu.vector_load %arg12[%get3A_187, %get3A_188] {strides = array<i32>} : memref<1000x32xf32, #tpu.memory_space<vmem>>, vector<16xf32>,
        %add3A_190 = arith.addf %add3A_178, %get3A_184 : vector<16xf32>
        %add3A_191 = arith.addf %add3A_179, %get3A_189 : vector<16xf32>
        %add3A_192 = arith.constant 3 : i32
        %add3A_193 = arith.addi %mul3A_149, %add3A_192 : i32
        %get3A_194 = arith.index_cast %add3A_193 : i32 to index
        %get3A_195 = arith.constant 0 : index
        %get3A_196 = tpu.vector_load %arg12[%get3A_194, %get3A_195] {strides = array<i32>} : memref<1000x32xf32, #tpu.memory_space<vmem>>, vector<16xf32>,
        %add3A_197 = arith.constant 3 : i32
        %add3A_198 = arith.addi %mul3A_149, %add3A_197 : i32
        %get3A_199 = arith.index_cast %add3A_198 : i32 to index
        %get3A_200 = arith.constant 16 : index
        %get3A_201 = tpu.vector_load %arg12[%get3A_199, %get3A_200] {strides = array<i32>} : memref<1000x32xf32, #tpu.memory_space<vmem>>, vector<16xf32>,
        %add3A_202 = arith.addf %add3A_190, %get3A_196 : vector<16xf32>
        %add3A_203 = arith.addf %add3A_191, %get3A_201 : vector<16xf32>
        %add3A_204 = arith.constant 4 : i32
        %add3A_205 = arith.addi %mul3A_149, %add3A_204 : i32
        %get3A_206 = arith.index_cast %add3A_205 : i32 to index
        %get3A_207 = arith.constant 0 : index
        %get3A_208 = tpu.vector_load %arg12[%get3A_206, %get3A_207] {strides = array<i32>} : memref<1000x32xf32, #tpu.memory_space<vmem>>, vector<16xf32>,
        %add3A_209 = arith.constant 4 : i32
        %add3A_210 = arith.addi %mul3A_149, %add3A_209 : i32
        %get3A_211 = arith.index_cast %add3A_210 : i32 to index
        %get3A_212 = arith.constant 16 : index
        %get3A_213 = tpu.vector_load %arg12[%get3A_211, %get3A_212] {strides = array<i32>} : memref<1000x32xf32, #tpu.memory_space<vmem>>, vector<16xf32>,
        %add3A_214 = arith.addf %add3A_202, %get3A_208 : vector<16xf32>
        %add3A_215 = arith.addf %add3A_203, %get3A_213 : vector<16xf32>
        %add3A_216 = arith.constant 5 : i32
        %add3A_217 = arith.addi %mul3A_149, %add3A_216 : i32
        %get3A_218 = arith.index_cast %add3A_217 : i32 to index
        %get3A_219 = arith.constant 0 : index
        %get3A_220 = tpu.vector_load %arg12[%get3A_218, %get3A_219] {strides = array<i32>} : memref<1000x32xf32, #tpu.memory_space<vmem>>, vector<16xf32>,
        %add3A_221 = arith.constant 5 : i32
        %add3A_222 = arith.addi %mul3A_149, %add3A_221 : i32
        %get3A_223 = arith.index_cast %add3A_222 : i32 to index
        %get3A_224 = arith.constant 16 : index
        %get3A_225 = tpu.vector_load %arg12[%get3A_223, %get3A_224] {strides = array<i32>} : memref<1000x32xf32, #tpu.memory_space<vmem>>, vector<16xf32>,
        %add3A_226 = arith.addf %add3A_214, %get3A_220 : vector<16xf32>
        %add3A_227 = arith.addf %add3A_215, %get3A_225 : vector<16xf32>
        %add3A_228 = arith.constant 6 : i32
        %add3A_229 = arith.addi %mul3A_149, %add3A_228 : i32
        %get3A_230 = arith.index_cast %add3A_229 : i32 to index
        %get3A_231 = arith.constant 0 : index
        %get3A_232 = tpu.vector_load %arg12[%get3A_230, %get3A_231] {strides = array<i32>} : memref<1000x32xf32, #tpu.memory_space<vmem>>, vector<16xf32>,
        %add3A_233 = arith.constant 6 : i32
        %add3A_234 = arith.addi %mul3A_149, %add3A_233 : i32
        %get3A_235 = arith.index_cast %add3A_234 : i32 to index
        %get3A_236 = arith.constant 16 : index
        %get3A_237 = tpu.vector_load %arg12[%get3A_235, %get3A_236] {strides = array<i32>} : memref<1000x32xf32, #tpu.memory_space<vmem>>, vector<16xf32>,
        %add3A_238 = arith.addf %add3A_226, %get3A_232 : vector<16xf32>
        %add3A_239 = arith.addf %add3A_227, %get3A_237 : vector<16xf32>
        %add3A_240 = arith.constant 7 : i32
        %add3A_241 = arith.addi %mul3A_149, %add3A_240 : i32
        %get3A_242 = arith.index_cast %add3A_241 : i32 to index
        %get3A_243 = arith.constant 0 : index
        %get3A_244 = tpu.vector_load %arg12[%get3A_242, %get3A_243] {strides = array<i32>} : memref<1000x32xf32, #tpu.memory_space<vmem>>, vector<16xf32>,
        %add3A_245 = arith.constant 7 : i32
        %add3A_246 = arith.addi %mul3A_149, %add3A_245 : i32
        %get3A_247 = arith.index_cast %add3A_246 : i32 to index
        %get3A_248 = arith.constant 16 : index
        %get3A_249 = tpu.vector_load %arg12[%get3A_247, %get3A_248] {strides = array<i32>} : memref<1000x32xf32, #tpu.memory_space<vmem>>, vector<16xf32>,
        %add3A_250 = arith.addf %add3A_238, %get3A_244 : vector<16xf32>
        %add3A_251 = arith.addf %add3A_239, %get3A_249 : vector<16xf32>
        %add3A_252 = arith.constant 8 : i32
        %add3A_253 = arith.addi %mul3A_149, %add3A_252 : i32
        %get3A_254 = arith.index_cast %add3A_253 : i32 to index
        %get3A_255 = arith.constant 0 : index
        %get3A_256 = tpu.vector_load %arg12[%get3A_254, %get3A_255] {strides = array<i32>} : memref<1000x32xf32, #tpu.memory_space<vmem>>, vector<16xf32>,
        %add3A_257 = arith.constant 8 : i32
        %add3A_258 = arith.addi %mul3A_149, %add3A_257 : i32
        %get3A_259 = arith.index_cast %add3A_258 : i32 to index
        %get3A_260 = arith.constant 16 : index
        %get3A_261 = tpu.vector_load %arg12[%get3A_259, %get3A_260] {strides = array<i32>} : memref<1000x32xf32, #tpu.memory_space<vmem>>, vector<16xf32>,
        %add3A_262 = arith.addf %add3A_250, %get3A_256 : vector<16xf32>
        %add3A_263 = arith.addf %add3A_251, %get3A_261 : vector<16xf32>
        %add3A_264 = arith.constant 9 : i32
        %add3A_265 = arith.addi %mul3A_149, %add3A_264 : i32
        %get3A_266 = arith.index_cast %add3A_265 : i32 to index
        %get3A_267 = arith.constant 0 : index
        %get3A_268 = tpu.vector_load %arg12[%get3A_266, %get3A_267] {strides = array<i32>} : memref<1000x32xf32, #tpu.memory_space<vmem>>, vector<16xf32>,
        %add3A_269 = arith.constant 9 : i32
        %add3A_270 = arith.addi %mul3A_149, %add3A_269 : i32
        %get3A_271 = arith.index_cast %add3A_270 : i32 to index
        %get3A_272 = arith.constant 16 : index
        %get3A_273 = tpu.vector_load %arg12[%get3A_271, %get3A_272] {strides = array<i32>} : memref<1000x32xf32, #tpu.memory_space<vmem>>, vector<16xf32>,
        %add3A_274 = arith.addf %add3A_262, %get3A_268 : vector<16xf32>
        %add3A_275 = arith.addf %add3A_263, %get3A_273 : vector<16xf32>
        %add3A_276 = arith.constant 10 : i32
        %add3A_277 = arith.addi %mul3A_149, %add3A_276 : i32
        %get3A_278 = arith.index_cast %add3A_277 : i32 to index
        %get3A_279 = arith.constant 0 : index
        %get3A_280 = tpu.vector_load %arg12[%get3A_278, %get3A_279] {strides = array<i32>} : memref<1000x32xf32, #tpu.memory_space<vmem>>, vector<16xf32>,
        %add3A_281 = arith.constant 10 : i32
        %add3A_282 = arith.addi %mul3A_149, %add3A_281 : i32
        %get3A_283 = arith.index_cast %add3A_282 : i32 to index
        %get3A_284 = arith.constant 16 : index
        %get3A_285 = tpu.vector_load %arg12[%get3A_283, %get3A_284] {strides = array<i32>} : memref<1000x32xf32, #tpu.memory_space<vmem>>, vector<16xf32>,
        %add3A_286 = arith.addf %add3A_274, %get3A_280 : vector<16xf32>
        %add3A_287 = arith.addf %add3A_275, %get3A_285 : vector<16xf32>
        %add3A_288 = arith.constant 11 : i32
        %add3A_289 = arith.addi %mul3A_149, %add3A_288 : i32
        %get3A_290 = arith.index_cast %add3A_289 : i32 to index
        %get3A_291 = arith.constant 0 : index
        %get3A_292 = tpu.vector_load %arg12[%get3A_290, %get3A_291] {strides = array<i32>} : memref<1000x32xf32, #tpu.memory_space<vmem>>, vector<16xf32>,
        %add3A_293 = arith.constant 11 : i32
        %add3A_294 = arith.addi %mul3A_149, %add3A_293 : i32
        %get3A_295 = arith.index_cast %add3A_294 : i32 to index
        %get3A_296 = arith.constant 16 : index
        %get3A_297 = tpu.vector_load %arg12[%get3A_295, %get3A_296] {strides = array<i32>} : memref<1000x32xf32, #tpu.memory_space<vmem>>, vector<16xf32>,
        %add3A_298 = arith.addf %add3A_286, %get3A_292 : vector<16xf32>
        %add3A_299 = arith.addf %add3A_287, %get3A_297 : vector<16xf32>
        %add3A_300 = arith.constant 12 : i32
        %add3A_301 = arith.addi %mul3A_149, %add3A_300 : i32
        %get3A_302 = arith.index_cast %add3A_301 : i32 to index
        %get3A_303 = arith.constant 0 : index
        %get3A_304 = tpu.vector_load %arg12[%get3A_302, %get3A_303] {strides = array<i32>} : memref<1000x32xf32, #tpu.memory_space<vmem>>, vector<16xf32>,
        %add3A_305 = arith.constant 12 : i32
        %add3A_306 = arith.addi %mul3A_149, %add3A_305 : i32
        %get3A_307 = arith.index_cast %add3A_306 : i32 to index
        %get3A_308 = arith.constant 16 : index
        %get3A_309 = tpu.vector_load %arg12[%get3A_307, %get3A_308] {strides = array<i32>} : memref<1000x32xf32, #tpu.memory_space<vmem>>, vector<16xf32>,
        %add3A_310 = arith.addf %add3A_298, %get3A_304 : vector<16xf32>
        %add3A_311 = arith.addf %add3A_299, %get3A_309 : vector<16xf32>
        %add3A_312 = arith.constant 13 : i32
        %add3A_313 = arith.addi %mul3A_149, %add3A_312 : i32
        %get3A_314 = arith.index_cast %add3A_313 : i32 to index
        %get3A_315 = arith.constant 0 : index
        %get3A_316 = tpu.vector_load %arg12[%get3A_314, %get3A_315] {strides = array<i32>} : memref<1000x32xf32, #tpu.memory_space<vmem>>, vector<16xf32>,
        %add3A_317 = arith.constant 13 : i32
        %add3A_318 = arith.addi %mul3A_149, %add3A_317 : i32
        %get3A_319 = arith.index_cast %add3A_318 : i32 to index
        %get3A_320 = arith.constant 16 : index
        %get3A_321 = tpu.vector_load %arg12[%get3A_319, %get3A_320] {strides = array<i32>} : memref<1000x32xf32, #tpu.memory_space<vmem>>, vector<16xf32>,
        %add3A_322 = arith.addf %add3A_310, %get3A_316 : vector<16xf32>
        %add3A_323 = arith.addf %add3A_311, %get3A_321 : vector<16xf32>
        %add3A_324 = arith.constant 14 : i32
        %add3A_325 = arith.addi %mul3A_149, %add3A_324 : i32
        %get3A_326 = arith.index_cast %add3A_325 : i32 to index
        %get3A_327 = arith.constant 0 : index
        %get3A_328 = tpu.vector_load %arg12[%get3A_326, %get3A_327] {strides = array<i32>} : memref<1000x32xf32, #tpu.memory_space<vmem>>, vector<16xf32>,
        %add3A_329 = arith.constant 14 : i32
        %add3A_330 = arith.addi %mul3A_149, %add3A_329 : i32
        %get3A_331 = arith.index_cast %add3A_330 : i32 to index
        %get3A_332 = arith.constant 16 : index
        %get3A_333 = tpu.vector_load %arg12[%get3A_331, %get3A_332] {strides = array<i32>} : memref<1000x32xf32, #tpu.memory_space<vmem>>, vector<16xf32>,
        %add3A_334 = arith.addf %add3A_322, %get3A_328 : vector<16xf32>
        %add3A_335 = arith.addf %add3A_323, %get3A_333 : vector<16xf32>
        %add3A_336 = arith.constant 15 : i32
        %add3A_337 = arith.addi %mul3A_149, %add3A_336 : i32
        %get3A_338 = arith.index_cast %add3A_337 : i32 to index
        %get3A_339 = arith.constant 0 : index
        %get3A_340 = tpu.vector_load %arg12[%get3A_338, %get3A_339] {strides = array<i32>} : memref<1000x32xf32, #tpu.memory_space<vmem>>, vector<16xf32>,
        %add3A_341 = arith.constant 15 : i32
        %add3A_342 = arith.addi %mul3A_149, %add3A_341 : i32
        %get3A_343 = arith.index_cast %add3A_342 : i32 to index
        %get3A_344 = arith.constant 16 : index
        %get3A_345 = tpu.vector_load %arg12[%get3A_343, %get3A_344] {strides = array<i32>} : memref<1000x32xf32, #tpu.memory_space<vmem>>, vector<16xf32>,
        %add3A_346 = arith.addf %add3A_334, %get3A_340 : vector<16xf32>
        %add3A_347 = arith.addf %add3A_335, %get3A_345 : vector<16xf32>
        %add3A_348 = arith.constant 16 : i32
        %add3A_349 = arith.addi %mul3A_149, %add3A_348 : i32
        %get3A_350 = arith.index_cast %add3A_349 : i32 to index
        %get3A_351 = arith.constant 0 : index
        %get3A_352 = tpu.vector_load %arg12[%get3A_350, %get3A_351] {strides = array<i32>} : memref<1000x32xf32, #tpu.memory_space<vmem>>, vector<16xf32>,
        %add3A_353 = arith.constant 16 : i32
        %add3A_354 = arith.addi %mul3A_149, %add3A_353 : i32
        %get3A_355 = arith.index_cast %add3A_354 : i32 to index
        %get3A_356 = arith.constant 16 : index
        %get3A_357 = tpu.vector_load %arg12[%get3A_355, %get3A_356] {strides = array<i32>} : memref<1000x32xf32, #tpu.memory_space<vmem>>, vector<16xf32>,
        %add3A_358 = arith.addf %add3A_346, %get3A_352 : vector<16xf32>
        %add3A_359 = arith.addf %add3A_347, %get3A_357 : vector<16xf32>
        %add3A_360 = arith.constant 17 : i32
        %add3A_361 = arith.addi %mul3A_149, %add3A_360 : i32
        %get3A_362 = arith.index_cast %add3A_361 : i32 to index
        %get3A_363 = arith.constant 0 : index
        %get3A_364 = tpu.vector_load %arg12[%get3A_362, %get3A_363] {strides = array<i32>} : memref<1000x32xf32, #tpu.memory_space<vmem>>, vector<16xf32>,
        %add3A_365 = arith.constant 17 : i32
        %add3A_366 = arith.addi %mul3A_149, %add3A_365 : i32
        %get3A_367 = arith.index_cast %add3A_366 : i32 to index
        %get3A_368 = arith.constant 16 : index
        %get3A_369 = tpu.vector_load %arg12[%get3A_367, %get3A_368] {strides = array<i32>} : memref<1000x32xf32, #tpu.memory_space<vmem>>, vector<16xf32>,
        %add3A_370 = arith.addf %add3A_358, %get3A_364 : vector<16xf32>
        %add3A_371 = arith.addf %add3A_359, %get3A_369 : vector<16xf32>
        %add3A_372 = arith.constant 18 : i32
        %add3A_373 = arith.addi %mul3A_149, %add3A_372 : i32
        %get3A_374 = arith.index_cast %add3A_373 : i32 to index
        %get3A_375 = arith.constant 0 : index
        %get3A_376 = tpu.vector_load %arg12[%get3A_374, %get3A_375] {strides = array<i32>} : memref<1000x32xf32, #tpu.memory_space<vmem>>, vector<16xf32>,
        %add3A_377 = arith.constant 18 : i32
        %add3A_378 = arith.addi %mul3A_149, %add3A_377 : i32
        %get3A_379 = arith.index_cast %add3A_378 : i32 to index
        %get3A_380 = arith.constant 16 : index
        %get3A_381 = tpu.vector_load %arg12[%get3A_379, %get3A_380] {strides = array<i32>} : memref<1000x32xf32, #tpu.memory_space<vmem>>, vector<16xf32>,
        %add3A_382 = arith.addf %add3A_370, %get3A_376 : vector<16xf32>
        %add3A_383 = arith.addf %add3A_371, %get3A_381 : vector<16xf32>
        %add3A_384 = arith.constant 19 : i32
        %add3A_385 = arith.addi %mul3A_149, %add3A_384 : i32
        %get3A_386 = arith.index_cast %add3A_385 : i32 to index
        %get3A_387 = arith.constant 0 : index
        %get3A_388 = tpu.vector_load %arg12[%get3A_386, %get3A_387] {strides = array<i32>} : memref<1000x32xf32, #tpu.memory_space<vmem>>, vector<16xf32>,
        %add3A_389 = arith.constant 19 : i32
        %add3A_390 = arith.addi %mul3A_149, %add3A_389 : i32
        %get3A_391 = arith.index_cast %add3A_390 : i32 to index
        %get3A_392 = arith.constant 16 : index
        %get3A_393 = tpu.vector_load %arg12[%get3A_391, %get3A_392] {strides = array<i32>} : memref<1000x32xf32, #tpu.memory_space<vmem>>, vector<16xf32>,
        %add3A_394 = arith.addf %add3A_382, %get3A_388 : vector<16xf32>
        %add3A_395 = arith.addf %add3A_383, %get3A_393 : vector<16xf32>
        %swap3A = arith.index_cast %scan3A_146 : i32 to index
        %swap3A_396 = arith.constant 0 : index
        %swap3A_397 = tpu.vector_load %arg14[%swap3A, %swap3A_396] {strides = array<i32>} : memref<50x32xf32, #tpu.memory_space<vmem>>, vector<16xf32>,
        tpu.vector_store %arg14[%swap3A, %swap3A_396], %add3A_394 {strides = array<i32>} : memref<50x32xf32, #tpu.memory_space<vmem>>, vector<16xf32>,
        %swap3A_398 = arith.index_cast %scan3A_146 : i32 to index
        %swap3A_399 = arith.constant 16 : index
        %swap3A_400 = tpu.vector_load %arg14[%swap3A_398, %swap3A_399] {strides = array<i32>} : memref<50x32xf32, #tpu.memory_space<vmem>>, vector<16xf32>,
        tpu.vector_store %arg14[%swap3A_398, %swap3A_399], %add3A_395 {strides = array<i32>} : memref<50x32xf32, #tpu.memory_space<vmem>>, vector<16xf32>,
        %scan3A_401 = arith.constant 0 : i32
        scf.yield %scan3A_401 : i32
      }
      %scan3A_135 = arith.constant 50 : i32
      %mul3A_136 = arith.constant 1600 : i32
      %mul3A_137 = arith.muli %add3A, %mul3A_136 : i32
      %mul3A_138 = arith.constant 50 : i32
      %mul3A_139 = arith.muli %add3A_113, %mul3A_138 : i32
      %add3A_140 = arith.addi %mul3A_137, %mul3A_139 : i32
      %dma_start3A_141 = arith.constant 0 : i32
      %dma_start3A_142 = tpu.memref_slice %arg8[%add3A_140, %dma_start3A_141] : memref<51200x32xf32, #tpu.memory_space<hbm>> -> memref<50x32xf32, #tpu.memory_space<hbm>>
      %dma_start3A_143 = arith.constant 0 : i32
      %dma_start3A_144 = tpu.memref_slice %arg8[%add3A_140, %dma_start3A_143] : memref<51200x32xf32, #tpu.memory_space<hbm>> -> memref<50x32xf32, #tpu.memory_space<hbm>>
      tpu.enqueue_dma source(%arg14 : memref<50x32xf32, #tpu.memory_space<vmem>>) target(%dma_start3A_144 : memref<50x32xf32, #tpu.memory_space<hbm>>) target_semaphore(%arg21 : memref<!tpu.dma_semaphore, #tpu.memory_space<semaphore_mem>>)
      %scan3A_145 = arith.constant 0 : i32
      scf.yield %scan3A_145 : i32
    }
    %scan3A_64 = arith.constant 16 : i32
    %dma_wait3A_65 = arith.constant 0 : i32
    %dma_wait3A_66 = arith.constant 0 : i32
    %dma_wait3A_67 = tpu.memref_slice %arg8[%dma_wait3A_65, %dma_wait3A_66] : memref<51200x32xf32, #tpu.memory_space<hbm>> -> memref<50x32xf32, #tpu.memory_space<hbm>>
    %dma_wait3A_68 = arith.constant 0 : i32
    %dma_wait3A_69 = arith.constant 0 : i32
    %dma_wait3A_70 = tpu.memref_slice %arg8[%dma_wait3A_68, %dma_wait3A_69] : memref<51200x32xf32, #tpu.memory_space<hbm>> -> memref<50x32xf32, #tpu.memory_space<hbm>>
    tpu.wait_dma2 semaphore(%arg20 : memref<!tpu.dma_semaphore, #tpu.memory_space<semaphore_mem>>) src(%arg13 : memref<50x32xf32, #tpu.memory_space<vmem>>) dst(%dma_wait3A_70 : memref<50x32xf32, #tpu.memory_space<hbm>>)
    %dma_wait3A_71 = arith.constant 0 : i32
    %dma_wait3A_72 = arith.constant 0 : i32
    %dma_wait3A_73 = tpu.memref_slice %arg8[%dma_wait3A_71, %dma_wait3A_72] : memref<51200x32xf32, #tpu.memory_space<hbm>> -> memref<50x32xf32, #tpu.memory_space<hbm>>
    %dma_wait3A_74 = arith.constant 0 : i32
    %dma_wait3A_75 = arith.constant 0 : i32
    %dma_wait3A_76 = tpu.memref_slice %arg8[%dma_wait3A_74, %dma_wait3A_75] : memref<51200x32xf32, #tpu.memory_space<hbm>> -> memref<50x32xf32, #tpu.memory_space<hbm>>
    tpu.wait_dma2 semaphore(%arg21 : memref<!tpu.dma_semaphore, #tpu.memory_space<semaphore_mem>>) src(%arg14 : memref<50x32xf32, #tpu.memory_space<vmem>>) dst(%dma_wait3A_76 : memref<50x32xf32, #tpu.memory_space<hbm>>)
    return
  }
}

module attributes {stable_mosaic.version = 14 : i64} {
  func.func @_hops_body(%arg0: i32, %arg1: memref<64x32xf32, #tpu.memory_space<vmem>>, %arg2: memref<50x64x32xf32, #tpu.memory_space<vmem>>, %arg3: memref<50x64x32xf32, #tpu.memory_space<vmem>>, %arg4: memref<50x64x32xf32, #tpu.memory_space<vmem>>, %arg5: memref<50x64x32xf32, #tpu.memory_space<vmem>>, %arg6: memref<50x64x32xf32, #tpu.memory_space<vmem>>, %arg7: memref<50x64x32xf32, #tpu.memory_space<vmem>>, %arg8: memref<50x1xf32, #tpu.memory_space<vmem>>, %arg9: memref<50x1xf32, #tpu.memory_space<vmem>>, %arg10: memref<64x32xf32, #tpu.memory_space<vmem>>) attributes {dimension_semantics = [#tpu.dimension_semantics<arbitrary>], iteration_bounds = array<i64: 16>, scalar_prefetch = 0 : i64, scratch_operands = 0 : i64, tpu.core_type = #tpu.core_type<tc>, window_params = [{transform_indices = @transform_0, window_bounds = array<i64: 64, 32>}, {transform_indices = @transform_1, window_bounds = array<i64: 50, 64, 32>}, {transform_indices = @transform_2, window_bounds = array<i64: 50, 64, 32>}, {transform_indices = @transform_3, window_bounds = array<i64: 50, 64, 32>}, {transform_indices = @transform_4, window_bounds = array<i64: 50, 64, 32>}, {transform_indices = @transform_5, window_bounds = array<i64: 50, 64, 32>}, {transform_indices = @transform_6, window_bounds = array<i64: 50, 64, 32>}, {pipeline_mode = #tpu.pipeline_mode<synchronous>, transform_indices = @transform_7, window_bounds = array<i64: 50, 1>}, {pipeline_mode = #tpu.pipeline_mode<synchronous>, transform_indices = @transform_8, window_bounds = array<i64: 50, 1>}, {transform_indices = @transform_9, window_bounds = array<i64: 64, 32>}]} {
    %get3A = arith.constant 0 : index
    %get3A_0 = arith.constant 0 : index
    %get3A_1 = vector.load %arg8[%get3A, %get3A_0] : memref<50x1xf32, #tpu.memory_space<vmem>>, vector<50x1xf32>
    %broadcast_in_dim3A = vector.shape_cast %get3A_1 : vector<50x1xf32> to vector<50x1x1xf32>
    %get3A_2 = arith.constant 0 : index
    %get3A_3 = arith.constant 0 : index
    %get3A_4 = vector.load %arg9[%get3A_2, %get3A_3] : memref<50x1xf32, #tpu.memory_space<vmem>>, vector<50x1xf32>
    %broadcast_in_dim3A_5 = vector.shape_cast %get3A_4 : vector<50x1xf32> to vector<50x1x1xf32>
    %get3A_6 = arith.constant 0 : index
    %get3A_7 = arith.constant 0 : index
    %get3A_8 = vector.load %arg1[%get3A_6, %get3A_7] : memref<64x32xf32, #tpu.memory_space<vmem>>, vector<64x32xf32>
    %get3A_9 = arith.constant 0 : index
    %get3A_10 = arith.constant 0 : index
    %get3A_11 = arith.constant 0 : index
    %get3A_12 = vector.load %arg2[%get3A_9, %get3A_10, %get3A_11] : memref<50x64x32xf32, #tpu.memory_space<vmem>>, vector<50x64x32xf32>
    %add3A = vector.broadcast %broadcast_in_dim3A : vector<50x1x1xf32> to vector<50x64x32xf32>
    %add3A_13 = arith.addf %get3A_12, %add3A : vector<50x64x32xf32>
    %get3A_14 = arith.constant 0 : index
    %get3A_15 = arith.constant 0 : index
    %get3A_16 = arith.constant 0 : index
    %get3A_17 = vector.load %arg3[%get3A_14, %get3A_15, %get3A_16] : memref<50x64x32xf32, #tpu.memory_space<vmem>>, vector<50x64x32xf32>
    %add3A_18 = vector.broadcast %broadcast_in_dim3A_5 : vector<50x1x1xf32> to vector<50x64x32xf32>
    %add3A_19 = arith.addf %get3A_17, %add3A_18 : vector<50x64x32xf32>
    %broadcast_in_dim3A_20 = vector.shape_cast %get3A_8 : vector<64x32xf32> to vector<1x64x32xf32>
    %mul3A = vector.broadcast %broadcast_in_dim3A_20 : vector<1x64x32xf32> to vector<50x64x32xf32>
    %mul3A_21 = arith.mulf %add3A_13, %mul3A : vector<50x64x32xf32>
    %reduce_sum3A = arith.constant dense<0.000000e+00> : vector<50x64xf32>
    %reduce_sum3A_22 = vector.multi_reduction <add>, %mul3A_21, %reduce_sum3A [2] : vector<50x64x32xf32> to vector<50x64xf32>
    %reduce_max3A = arith.constant dense<0xFF800000> : vector<64xf32>
    %reduce_max3A_23 = vector.multi_reduction <maximumf>, %reduce_sum3A_22, %reduce_max3A [0] : vector<50x64xf32> to vector<64xf32>
    %broadcast_in_dim3A_24 = vector.shape_cast %reduce_max3A_23 : vector<64xf32> to vector<1x64xf32>
    %sub3A = vector.broadcast %broadcast_in_dim3A_24 : vector<1x64xf32> to vector<50x64xf32>
    %sub3A_25 = arith.subf %reduce_sum3A_22, %sub3A : vector<50x64xf32>
    %exp3A = math.exp %sub3A_25 : vector<50x64xf32>
    %reduce_sum3A_26 = arith.constant dense<0.000000e+00> : vector<64xf32>
    %reduce_sum3A_27 = vector.multi_reduction <add>, %exp3A, %reduce_sum3A_26 [0] : vector<50x64xf32> to vector<64xf32>
    %broadcast_in_dim3A_28 = vector.shape_cast %reduce_sum3A_27 : vector<64xf32> to vector<1x64xf32>
    %div3A = vector.broadcast %broadcast_in_dim3A_28 : vector<1x64xf32> to vector<50x64xf32>
    %div3A_29 = arith.divf %exp3A, %div3A : vector<50x64xf32>
    %broadcast_in_dim3A_30 = vector.shape_cast %div3A_29 : vector<50x64xf32> to vector<50x64x1xf32>
    %mul3A_31 = vector.broadcast %broadcast_in_dim3A_30 : vector<50x64x1xf32> to vector<50x64x32xf32>
    %mul3A_32 = arith.mulf %add3A_19, %mul3A_31 : vector<50x64x32xf32>
    %reduce_sum3A_33 = arith.constant dense<0.000000e+00> : vector<64x32xf32>
    %reduce_sum3A_34 = vector.multi_reduction <add>, %mul3A_32, %reduce_sum3A_33 [0] : vector<50x64x32xf32> to vector<64x32xf32>
    %add3A_35 = arith.addf %get3A_8, %reduce_sum3A_34 : vector<64x32xf32>
    %get3A_36 = arith.constant 0 : index
    %get3A_37 = arith.constant 0 : index
    %get3A_38 = arith.constant 0 : index
    %get3A_39 = vector.load %arg4[%get3A_36, %get3A_37, %get3A_38] : memref<50x64x32xf32, #tpu.memory_space<vmem>>, vector<50x64x32xf32>
    %add3A_40 = vector.broadcast %broadcast_in_dim3A : vector<50x1x1xf32> to vector<50x64x32xf32>
    %add3A_41 = arith.addf %get3A_39, %add3A_40 : vector<50x64x32xf32>
    %get3A_42 = arith.constant 0 : index
    %get3A_43 = arith.constant 0 : index
    %get3A_44 = arith.constant 0 : index
    %get3A_45 = vector.load %arg5[%get3A_42, %get3A_43, %get3A_44] : memref<50x64x32xf32, #tpu.memory_space<vmem>>, vector<50x64x32xf32>
    %add3A_46 = vector.broadcast %broadcast_in_dim3A_5 : vector<50x1x1xf32> to vector<50x64x32xf32>
    %add3A_47 = arith.addf %get3A_45, %add3A_46 : vector<50x64x32xf32>
    %broadcast_in_dim3A_48 = vector.shape_cast %add3A_35 : vector<64x32xf32> to vector<1x64x32xf32>
    %mul3A_49 = vector.broadcast %broadcast_in_dim3A_48 : vector<1x64x32xf32> to vector<50x64x32xf32>
    %mul3A_50 = arith.mulf %add3A_41, %mul3A_49 : vector<50x64x32xf32>
    %reduce_sum3A_51 = arith.constant dense<0.000000e+00> : vector<50x64xf32>
    %reduce_sum3A_52 = vector.multi_reduction <add>, %mul3A_50, %reduce_sum3A_51 [2] : vector<50x64x32xf32> to vector<50x64xf32>
    %reduce_max3A_53 = arith.constant dense<0xFF800000> : vector<64xf32>
    %reduce_max3A_54 = vector.multi_reduction <maximumf>, %reduce_sum3A_52, %reduce_max3A_53 [0] : vector<50x64xf32> to vector<64xf32>
    %broadcast_in_dim3A_55 = vector.shape_cast %reduce_max3A_54 : vector<64xf32> to vector<1x64xf32>
    %sub3A_56 = vector.broadcast %broadcast_in_dim3A_55 : vector<1x64xf32> to vector<50x64xf32>
    %sub3A_57 = arith.subf %reduce_sum3A_52, %sub3A_56 : vector<50x64xf32>
    %exp3A_58 = math.exp %sub3A_57 : vector<50x64xf32>
    %reduce_sum3A_59 = arith.constant dense<0.000000e+00> : vector<64xf32>
    %reduce_sum3A_60 = vector.multi_reduction <add>, %exp3A_58, %reduce_sum3A_59 [0] : vector<50x64xf32> to vector<64xf32>
    %broadcast_in_dim3A_61 = vector.shape_cast %reduce_sum3A_60 : vector<64xf32> to vector<1x64xf32>
    %div3A_62 = vector.broadcast %broadcast_in_dim3A_61 : vector<1x64xf32> to vector<50x64xf32>
    %div3A_63 = arith.divf %exp3A_58, %div3A_62 : vector<50x64xf32>
    %broadcast_in_dim3A_64 = vector.shape_cast %div3A_63 : vector<50x64xf32> to vector<50x64x1xf32>
    %mul3A_65 = vector.broadcast %broadcast_in_dim3A_64 : vector<50x64x1xf32> to vector<50x64x32xf32>
    %mul3A_66 = arith.mulf %add3A_47, %mul3A_65 : vector<50x64x32xf32>
    %reduce_sum3A_67 = arith.constant dense<0.000000e+00> : vector<64x32xf32>
    %reduce_sum3A_68 = vector.multi_reduction <add>, %mul3A_66, %reduce_sum3A_67 [0] : vector<50x64x32xf32> to vector<64x32xf32>
    %add3A_69 = arith.addf %add3A_35, %reduce_sum3A_68 : vector<64x32xf32>
    %get3A_70 = arith.constant 0 : index
    %get3A_71 = arith.constant 0 : index
    %get3A_72 = arith.constant 0 : index
    %get3A_73 = vector.load %arg6[%get3A_70, %get3A_71, %get3A_72] : memref<50x64x32xf32, #tpu.memory_space<vmem>>, vector<50x64x32xf32>
    %add3A_74 = vector.broadcast %broadcast_in_dim3A : vector<50x1x1xf32> to vector<50x64x32xf32>
    %add3A_75 = arith.addf %get3A_73, %add3A_74 : vector<50x64x32xf32>
    %get3A_76 = arith.constant 0 : index
    %get3A_77 = arith.constant 0 : index
    %get3A_78 = arith.constant 0 : index
    %get3A_79 = vector.load %arg7[%get3A_76, %get3A_77, %get3A_78] : memref<50x64x32xf32, #tpu.memory_space<vmem>>, vector<50x64x32xf32>
    %add3A_80 = vector.broadcast %broadcast_in_dim3A_5 : vector<50x1x1xf32> to vector<50x64x32xf32>
    %add3A_81 = arith.addf %get3A_79, %add3A_80 : vector<50x64x32xf32>
    %broadcast_in_dim3A_82 = vector.shape_cast %add3A_69 : vector<64x32xf32> to vector<1x64x32xf32>
    %mul3A_83 = vector.broadcast %broadcast_in_dim3A_82 : vector<1x64x32xf32> to vector<50x64x32xf32>
    %mul3A_84 = arith.mulf %add3A_75, %mul3A_83 : vector<50x64x32xf32>
    %reduce_sum3A_85 = arith.constant dense<0.000000e+00> : vector<50x64xf32>
    %reduce_sum3A_86 = vector.multi_reduction <add>, %mul3A_84, %reduce_sum3A_85 [2] : vector<50x64x32xf32> to vector<50x64xf32>
    %reduce_max3A_87 = arith.constant dense<0xFF800000> : vector<64xf32>
    %reduce_max3A_88 = vector.multi_reduction <maximumf>, %reduce_sum3A_86, %reduce_max3A_87 [0] : vector<50x64xf32> to vector<64xf32>
    %broadcast_in_dim3A_89 = vector.shape_cast %reduce_max3A_88 : vector<64xf32> to vector<1x64xf32>
    %sub3A_90 = vector.broadcast %broadcast_in_dim3A_89 : vector<1x64xf32> to vector<50x64xf32>
    %sub3A_91 = arith.subf %reduce_sum3A_86, %sub3A_90 : vector<50x64xf32>
    %exp3A_92 = math.exp %sub3A_91 : vector<50x64xf32>
    %reduce_sum3A_93 = arith.constant dense<0.000000e+00> : vector<64xf32>
    %reduce_sum3A_94 = vector.multi_reduction <add>, %exp3A_92, %reduce_sum3A_93 [0] : vector<50x64xf32> to vector<64xf32>
    %broadcast_in_dim3A_95 = vector.shape_cast %reduce_sum3A_94 : vector<64xf32> to vector<1x64xf32>
    %div3A_96 = vector.broadcast %broadcast_in_dim3A_95 : vector<1x64xf32> to vector<50x64xf32>
    %div3A_97 = arith.divf %exp3A_92, %div3A_96 : vector<50x64xf32>
    %broadcast_in_dim3A_98 = vector.shape_cast %div3A_97 : vector<50x64xf32> to vector<50x64x1xf32>
    %mul3A_99 = vector.broadcast %broadcast_in_dim3A_98 : vector<50x64x1xf32> to vector<50x64x32xf32>
    %mul3A_100 = arith.mulf %add3A_81, %mul3A_99 : vector<50x64x32xf32>
    %reduce_sum3A_101 = arith.constant dense<0.000000e+00> : vector<64x32xf32>
    %reduce_sum3A_102 = vector.multi_reduction <add>, %mul3A_100, %reduce_sum3A_101 [0] : vector<50x64x32xf32> to vector<64x32xf32>
    %add3A_103 = arith.addf %add3A_69, %reduce_sum3A_102 : vector<64x32xf32>
    %swap3A = arith.constant 0 : index
    %swap3A_104 = arith.constant 0 : index
    %swap3A_105 = vector.load %arg10[%swap3A, %swap3A_104] : memref<64x32xf32, #tpu.memory_space<vmem>>, vector<64x32xf32>
    tpu.vector_store %arg10[%swap3A, %swap3A_104], %add3A_103 {strides = array<i32>} : memref<64x32xf32, #tpu.memory_space<vmem>>, vector<64x32xf32>,
    return
  }
  func.func @transform_0(%arg0: i32) -> (i32, i32) {
    %c0_i32 = arith.constant 0 : i32
    %c0_i32_0 = arith.constant 0 : i32
    return %arg0, %c0_i32 : i32, i32
  }
  func.func @transform_1(%arg0: i32) -> (i32, i32, i32) {
    %c0_i32 = arith.constant 0 : i32
    %c0_i32_0 = arith.constant 0 : i32
    %c0_i32_1 = arith.constant 0 : i32
    return %c0_i32, %arg0, %c0_i32_0 : i32, i32, i32
  }
  func.func @transform_2(%arg0: i32) -> (i32, i32, i32) {
    %c0_i32 = arith.constant 0 : i32
    %c0_i32_0 = arith.constant 0 : i32
    %c0_i32_1 = arith.constant 0 : i32
    return %c0_i32, %arg0, %c0_i32_0 : i32, i32, i32
  }
  func.func @transform_3(%arg0: i32) -> (i32, i32, i32) {
    %c0_i32 = arith.constant 0 : i32
    %c0_i32_0 = arith.constant 0 : i32
    %c0_i32_1 = arith.constant 0 : i32
    return %c0_i32, %arg0, %c0_i32_0 : i32, i32, i32
  }
  func.func @transform_4(%arg0: i32) -> (i32, i32, i32) {
    %c0_i32 = arith.constant 0 : i32
    %c0_i32_0 = arith.constant 0 : i32
    %c0_i32_1 = arith.constant 0 : i32
    return %c0_i32, %arg0, %c0_i32_0 : i32, i32, i32
  }
  func.func @transform_5(%arg0: i32) -> (i32, i32, i32) {
    %c0_i32 = arith.constant 0 : i32
    %c0_i32_0 = arith.constant 0 : i32
    %c0_i32_1 = arith.constant 0 : i32
    return %c0_i32, %arg0, %c0_i32_0 : i32, i32, i32
  }
  func.func @transform_6(%arg0: i32) -> (i32, i32, i32) {
    %c0_i32 = arith.constant 0 : i32
    %c0_i32_0 = arith.constant 0 : i32
    %c0_i32_1 = arith.constant 0 : i32
    return %c0_i32, %arg0, %c0_i32_0 : i32, i32, i32
  }
  func.func @transform_7(%arg0: i32) -> (i32, i32) {
    %c0_i32 = arith.constant 0 : i32
    %c0_i32_0 = arith.constant 0 : i32
    %c0_i32_1 = arith.constant 0 : i32
    return %c0_i32, %c0_i32_0 : i32, i32
  }
  func.func @transform_8(%arg0: i32) -> (i32, i32) {
    %c0_i32 = arith.constant 0 : i32
    %c0_i32_0 = arith.constant 0 : i32
    %c0_i32_1 = arith.constant 0 : i32
    return %c0_i32, %c0_i32_0 : i32, i32
  }
  func.func @transform_9(%arg0: i32) -> (i32, i32) {
    %c0_i32 = arith.constant 0 : i32
    %c0_i32_0 = arith.constant 0 : i32
    return %arg0, %c0_i32 : i32, i32
  }
}

module attributes {stable_mosaic.version = 14 : i64} {
  func.func @_proj_body(%arg0: i32, %arg1: i32, %arg2: memref<1024x32xf32, #tpu.memory_space<vmem>>, %arg3: memref<2048x32xf32, #tpu.memory_space<vmem>>, %arg4: memref<1024x2048xf32, #tpu.memory_space<vmem>>, %arg5: memref<1024x1xf32, #tpu.memory_space<vmem>>, %arg6: memref<1024x1xf32, #tpu.memory_space<vmem>>) attributes {dimension_semantics = [#tpu.dimension_semantics<arbitrary>, #tpu.dimension_semantics<arbitrary>], iteration_bounds = array<i64: 2, 49>, scalar_prefetch = 0 : i64, scratch_operands = 2 : i64, tpu.core_type = #tpu.core_type<tc>, window_params = [{pipeline_mode = #tpu.pipeline_mode<synchronous>, transform_indices = @transform_0, window_bounds = array<i64: 1024, 32>}, {transform_indices = @transform_1, window_bounds = array<i64: 2048, 32>}, {transform_indices = @transform_2, window_bounds = array<i64: 1024, 2048>}]} {
    %get3A = arith.constant 0 : index
    %get3A_0 = arith.constant 0 : index
    %get3A_1 = vector.load %arg2[%get3A, %get3A_0] : memref<1024x32xf32, #tpu.memory_space<vmem>>, vector<1024x32xf32>
    %convert_element_type3A = arith.truncf %get3A_1 : vector<1024x32xf32> to vector<1024x32xbf16>
    %get3A_2 = arith.constant 0 : index
    %get3A_3 = arith.constant 0 : index
    %get3A_4 = vector.load %arg3[%get3A_2, %get3A_3] : memref<2048x32xf32, #tpu.memory_space<vmem>>, vector<2048x32xf32>
    %convert_element_type3A_5 = arith.truncf %get3A_4 : vector<2048x32xf32> to vector<2048x32xbf16>
    %dot_general3A = arith.constant dense<0.000000e+00> : vector<1024x2048xf32>
    %dot_general3A_6 = tpu.matmul %convert_element_type3A, %convert_element_type3A_5, %dot_general3A {dimension_numbers = #tpu.dot_dimension_numbers<[1], [1], [0], [0], [0, 0, 1, 0], [], []>, transpose_lhs_hint = false} : vector<1024x32xbf16>, vector<2048x32xbf16>, vector<1024x2048xf32> -> vector<1024x2048xf32>
    %iota3A = tpu.iota {dimensions = array<i32: 1>} : vector<1024x2048xi32>
    %mul3A = arith.constant 2048 : i32
    %mul3A_7 = arith.muli %arg1, %mul3A : i32
    %add3A = vector.broadcast %mul3A_7 : i32 to vector<1024x2048xi32>
    %add3A_8 = arith.addi %iota3A, %add3A : vector<1024x2048xi32>
    %lt3A = arith.constant 100000 : i32
    %lt3A_9 = vector.broadcast %lt3A : i32 to vector<1024x2048xi32>
    %lt3A_10 = arith.cmpi slt, %add3A_8, %lt3A_9 : vector<1024x2048xi32>
    %jit3A = arith.constant 0xFF800000 : f32
    %broadcast_in_dim3A = vector.broadcast %jit3A : f32 to vector<1024x2048xf32>
    %select_n3A = arith.select %lt3A_10, %dot_general3A_6, %broadcast_in_dim3A : vector<1024x2048xi1>, vector<1024x2048xf32>
    %eq3A = arith.constant 0 : i32
    %eq3A_11 = arith.cmpi eq, %arg0, %eq3A : i32
    %convert_element_type3A_12 = arith.extui %eq3A_11 : i1 to i32
    %cond3A = arith.constant 0 : i32
    %cond3A_13 = arith.cmpi ne, %convert_element_type3A_12, %cond3A : i32
    scf.if %cond3A_13 {
      %eq3A_19 = arith.constant 0 : i32
      %eq3A_20 = arith.cmpi eq, %arg1, %eq3A_19 : i32
      %convert_element_type3A_21 = arith.extui %eq3A_20 : i1 to i32
      %cond3A_22 = arith.constant 0 : i32
      %cond3A_23 = arith.cmpi ne, %convert_element_type3A_21, %cond3A_22 : i32
      scf.if %cond3A_23 {
        %reduce_max3A = arith.constant dense<0xFF800000> : vector<1024xf32>
        %reduce_max3A_36 = vector.multi_reduction <maximumf>, %select_n3A, %reduce_max3A [1] : vector<1024x2048xf32> to vector<1024xf32>
        %broadcast_in_dim3A_37 = vector.shape_cast %reduce_max3A_36 : vector<1024xf32> to vector<1024x1xf32>
        %swap3A_38 = arith.constant 0 : index
        %swap3A_39 = arith.constant 0 : index
        %swap3A_40 = vector.load %arg5[%swap3A_38, %swap3A_39] : memref<1024x1xf32, #tpu.memory_space<vmem>>, vector<1024x1xf32>
        tpu.vector_store %arg5[%swap3A_38, %swap3A_39], %broadcast_in_dim3A_37 {strides = array<i32>} : memref<1024x1xf32, #tpu.memory_space<vmem>>, vector<1024x1xf32>,
        %broadcast_in_dim3A_41 = arith.constant 0.000000e+00 : f32
        %broadcast_in_dim3A_42 = vector.broadcast %broadcast_in_dim3A_41 : f32 to vector<1024x1xf32>
        %swap3A_43 = arith.constant 0 : index
        %swap3A_44 = arith.constant 0 : index
        %swap3A_45 = vector.load %arg6[%swap3A_43, %swap3A_44] : memref<1024x1xf32, #tpu.memory_space<vmem>>, vector<1024x1xf32>
        tpu.vector_store %arg6[%swap3A_43, %swap3A_44], %broadcast_in_dim3A_42 {strides = array<i32>} : memref<1024x1xf32, #tpu.memory_space<vmem>>, vector<1024x1xf32>,
      } else {
      }
      %get3A_24 = arith.constant 0 : index
      %get3A_25 = arith.constant 0 : index
      %get3A_26 = vector.load %arg6[%get3A_24, %get3A_25] : memref<1024x1xf32, #tpu.memory_space<vmem>>, vector<1024x1xf32>
      %get3A_27 = arith.constant 0 : index
      %get3A_28 = arith.constant 0 : index
      %get3A_29 = vector.load %arg5[%get3A_27, %get3A_28] : memref<1024x1xf32, #tpu.memory_space<vmem>>, vector<1024x1xf32>
      %sub3A = vector.broadcast %get3A_29 : vector<1024x1xf32> to vector<1024x2048xf32>
      %sub3A_30 = arith.subf %select_n3A, %sub3A : vector<1024x2048xf32>
      %exp3A = math.exp %sub3A_30 : vector<1024x2048xf32>
      %reduce_sum3A = arith.constant dense<0.000000e+00> : vector<1024xf32>
      %reduce_sum3A_31 = vector.multi_reduction <add>, %exp3A, %reduce_sum3A [1] : vector<1024x2048xf32> to vector<1024xf32>
      %broadcast_in_dim3A_32 = vector.shape_cast %reduce_sum3A_31 : vector<1024xf32> to vector<1024x1xf32>
      %add3A_33 = arith.addf %get3A_26, %broadcast_in_dim3A_32 : vector<1024x1xf32>
      %swap3A = arith.constant 0 : index
      %swap3A_34 = arith.constant 0 : index
      %swap3A_35 = vector.load %arg6[%swap3A, %swap3A_34] : memref<1024x1xf32, #tpu.memory_space<vmem>>, vector<1024x1xf32>
      tpu.vector_store %arg6[%swap3A, %swap3A_34], %add3A_33 {strides = array<i32>} : memref<1024x1xf32, #tpu.memory_space<vmem>>, vector<1024x1xf32>,
    } else {
    }
    %eq3A_14 = arith.constant 1 : i32
    %eq3A_15 = arith.cmpi eq, %arg0, %eq3A_14 : i32
    %convert_element_type3A_16 = arith.extui %eq3A_15 : i1 to i32
    %cond3A_17 = arith.constant 0 : i32
    %cond3A_18 = arith.cmpi ne, %convert_element_type3A_16, %cond3A_17 : i32
    scf.if %cond3A_18 {
      %get3A_19 = arith.constant 0 : index
      %get3A_20 = arith.constant 0 : index
      %get3A_21 = vector.load %arg5[%get3A_19, %get3A_20] : memref<1024x1xf32, #tpu.memory_space<vmem>>, vector<1024x1xf32>
      %sub3A = vector.broadcast %get3A_21 : vector<1024x1xf32> to vector<1024x2048xf32>
      %sub3A_22 = arith.subf %select_n3A, %sub3A : vector<1024x2048xf32>
      %get3A_23 = arith.constant 0 : index
      %get3A_24 = arith.constant 0 : index
      %get3A_25 = vector.load %arg6[%get3A_23, %get3A_24] : memref<1024x1xf32, #tpu.memory_space<vmem>>, vector<1024x1xf32>
      %log3A = math.log %get3A_25 : vector<1024x1xf32>
      %sub3A_26 = vector.broadcast %log3A : vector<1024x1xf32> to vector<1024x2048xf32>
      %sub3A_27 = arith.subf %sub3A_22, %sub3A_26 : vector<1024x2048xf32>
      %swap3A = arith.constant 0 : index
      %swap3A_28 = arith.constant 0 : index
      %swap3A_29 = vector.load %arg4[%swap3A, %swap3A_28] : memref<1024x2048xf32, #tpu.memory_space<vmem>>, vector<1024x2048xf32>
      tpu.vector_store %arg4[%swap3A, %swap3A_28], %sub3A_27 {strides = array<i32>} : memref<1024x2048xf32, #tpu.memory_space<vmem>>, vector<1024x2048xf32>,
    } else {
    }
    return
  }
  func.func @transform_0(%arg0: i32, %arg1: i32) -> (i32, i32) {
    %c0_i32 = arith.constant 0 : i32
    %c0_i32_0 = arith.constant 0 : i32
    %c0_i32_1 = arith.constant 0 : i32
    return %c0_i32, %c0_i32_0 : i32, i32
  }
  func.func @transform_1(%arg0: i32, %arg1: i32) -> (i32, i32) {
    %c0_i32 = arith.constant 0 : i32
    %c0_i32_0 = arith.constant 0 : i32
    return %arg1, %c0_i32 : i32, i32
  }
  func.func @transform_2(%arg0: i32, %arg1: i32) -> (i32, i32) {
    %mul3A = arith.muli %arg1, %arg0 : i32
    %c0_i32 = arith.constant 0 : i32
    %c0_i32_0 = arith.constant 0 : i32
    return %c0_i32, %mul3A : i32, i32
  }
}

</mosaic_0001>

<sc_bundles>
// kernel: kernel.6.cloned.1.call-start
scs
__scs_entry_jumppad:
0x0: {  	(pc) =	sbr.rel $0x88, $3  }
0x1: {  	(tag) =	ssettag $0x0;
	lr =	simm.s32 $0x1  }
0x2: {  	[smem:$0x3F99] =	sst lr;
	_ =	strace $0xD0000000  }
0x3: {  	_ = 	snop  }
0x4: {  	_ = 	snop  }
0x5: {  	_ = 	snop  }
0x6: {  	_ = 	snop  }
0x7: {  	_ = 	snop  }
__scs_overlays_trampoline_lowered:
0x8: {  	[smem:$0x3FA8] =	sst s0  }
0x9: {  	[smem:$0x3FA9] =	sst s1  }
0xa: {  	[smem:$0x3FAA] =	sst s2  }
0xb: {  	[smem:$0x3FAB] =	sst s3  }
0xc: {  	[smem:$0x3FAC] =	sst s4  }
0xd: {  	[smem:$0x3FAD] =	sst s5  }
0xe: {  	[smem:$0x3FAE] =	sst s6  }
0xf: {  	[smem:$0x3FAF] =	sst s7  }
0x10: {  	[smem:$0x3FB0] =	sst s8  }
0x11: {  	[smem:$0x3FB1] =	sst s9;
	s0 =	simm.s32 @!p0 $0x0  }
0x12: {  	s1 =	sld [smem:$0x3F97];
	s0 =	simm.s32 @p0 $0x1  }
0x13: {  	[smem:$0x3FB2] =	sst s0;
	s0 =	simm.s32 @!p1 $0x0  }
0x14: {  	s2 =	sld [smem:$0x3F96];
	s0 =	simm.s32 @p1 $0x1  }
0x15: {  	[smem:$0x3FB3] =	sst s0;
	s0 =	simm.s32 @!p2 $0x0  }
0x16: {  	s3 =	sld [smem:$0x3FDB];
	s0 =	simm.s32 @p2 $0x1  }
0x17: {  	s4 =	simm.s32 $0x1BF5;
	[smem:$0x3FB5] =	sst s0  }
0x18: {  	s0 =	sld [smem:$0x3F98];
	_ =	swait.ge [sflag:s4], $0x0  }
0x19: {  	s7 =	sld [smem:$0x3F99]  }
0x1a: {  	s8 =	sadd.s32 $0xFFFFE003, lr  }
0x1b: {  	s9 =	sadd.s32 $0xFFFFFEF7, lr;
	s5 =	simm.s32 $0xFFFFFFFF;
	p2 =	slt.u32 s8, $0xFFFFF086  }
0x1c: {  	p1 =	slt.u32 s9, $0xF7A;
	s5 =	simm.s32 @!p2 $0x0  }
0x1d: {  	s5 =	simm.s32 @p1 $0x1;
	p0 =	seq.s32 s7, s2  }
0x1e: {  	s7 =	smul.u32 @!p0 $0xF7A, s2;
	p2 =	seq.s32 @!p0 s5, $0x0  }
0x1f: {  	s9 =	smul.u32 $0xF7A, s1;
	s8 =	simm.s32 @!p0 $0x1BF5;
	p2 =	por !p2, p0  }
0x20: {  	[sflag:s8] =	ssyncset.s32 @!p0 $0xFFFFF086;
	s6 =	sadd.s32 @!p0 s3, s7;
	s7 =	simm.s32 @!p0 $0x108  }
0x21: {  	s3 =	sadd.s32 s3, s9;
	s6 =	sadd.s32 @!p0 $0x88, s6;
	s7 =	simm.s32 @p2 $0x1082  }
0x22: {  	[simem:s7], [sflag:s8] =	dma.local @!p0 [hbm:s6], $0xF7A  }
0x23: {  	s9 =	sor.u32 $0xD0000000, s2;
	s6 =	simm.s32 $0x108;
	_ =	swait.ge @!p0 [sflag:s8], $0x0  }
0x24: {  	s3 =	sadd.s32 $0x88, s3;
	s6 =	simm.s32 @!p1 $0x1082;
	[sflag:s4] =	ssyncset.s32 $0xFFFFF086  }
0x25: {  	[simem:s6], [sflag:s4] =	dma.local [hbm:s3], $0xF7A  }
0x26: {  	[smem:$0x3F99] =	sst s1;
	(tag) =	ssettag s2;
	_ =	strace s9  }
0x27: {  	s1 =	sld [smem:$0x3FA9]  }
0x28: {  	s2 =	sld [smem:$0x3FAA]  }
0x29: {  	s4 =	sld [smem:$0x3FAC]  }
0x2a: {  	p0 =	seq.s32 s5, $0x0;
	s5 =	sld [smem:$0x3FAD]  }
0x2b: {  	s6 =	sld [smem:$0x3FAE]  }
0x2c: {  	s7 =	sld [smem:$0x3FAF]  }
0x2d: {  	s3 =	simm.s32 $0x108;
	s8 =	sld [smem:$0x3FB0]  }
0x2e: {  	s3 =	simm.s32 @!p0 $0x1082;
	s9 =	sld [smem:$0x3FB1]  }
0x2f: {  	lr =	sadd.s32 s0, s3;
	s0 =	sld [smem:$0x3FA8]  }
0x30: {  	s3 =	sld [smem:$0x3FAB]  }
0x31: {  	[smem:$0x3FB4] =	sst s10  }
0x32: {  	s10 =	sld [smem:$0x3FB2];
	_ =	sdelay $0x3  }
0x33: {  	p0 =	seq.s32 s10, $0x1;
	s10 =	sld [smem:$0x3FB4];
	_ =	sdelay $0x3  }
0x34: {  	[smem:$0x3FB4] =	sst s10  }
0x35: {  	s10 =	sld [smem:$0x3FB3];
	_ =	sdelay $0x3  }
0x36: {  	p1 =	seq.s32 s10, $0x1;
	s10 =	sld [smem:$0x3FB4];
	_ =	sdelay $0x3  }
0x37: {  	[smem:$0x3FB4] =	sst s10  }
0x38: {  	s10 =	sld [smem:$0x3FB5]  }
0x39: {  	_ = 	snop;
	(pc) =	sbr.ind lr, $3  }
0x3a: {  	_ = 	snop  }
0x3b: {  	_ = 	snop  }
0x3c: {  	p2 =	seq.s32 s10, $0x1;
	s10 =	sld [smem:$0x3FB4]  }
0x3d: {  	_ =	shalt  }
0x3e: {  	_ =	shalt  }
0x3f: {  	_ =	shalt  }
0x40: {  	_ =	shalt  }
0x41: {  	_ =	shalt  }
0x42: {  	_ =	shalt  }
0x43: {  	_ =	shalt  }
0x44: {  	_ =	shalt  }
0x45: {  	_ =	shalt  }
0x46: {  	_ =	shalt  }
0x47: {  	_ =	shalt  }
0x48: {  	_ =	shalt  }
0x49: {  	_ =	shalt  }
0x4a: {  	_ =	shalt  }
0x4b: {  	_ =	shalt  }
0x4c: {  	_ =	shalt  }
0x4d: {  	_ =	shalt  }
0x4e: {  	_ =	shalt  }
0x4f: {  	_ =	shalt  }
0x50: {  	_ =	shalt  }
0x51: {  	_ =	shalt  }
0x52: {  	_ =	shalt  }
0x53: {  	_ =	shalt  }
0x54: {  	_ =	shalt  }
0x55: {  	_ =	shalt  }
0x56: {  	_ =	shalt  }
0x57: {  	_ =	shalt  }
0x58: {  	_ =	shalt  }
0x59: {  	_ =	shalt  }
0x5a: {  	_ =	shalt  }
0x5b: {  	_ =	shalt  }
0x5c: {  	_ =	shalt  }
0x5d: {  	_ =	shalt  }
0x5e: {  	_ =	shalt  }
0x5f: {  	_ =	shalt  }
0x60: {  	_ =	shalt  }
0x61: {  	_ =	shalt  }
0x62: {  	_ =	shalt  }
0x63: {  	_ =	shalt  }
0x64: {  	_ =	shalt  }
0x65: {  	_ =	shalt  }
0x66: {  	_ =	shalt  }
0x67: {  	_ =	shalt  }
0x68: {  	_ =	shalt  }
0x69: {  	_ =	shalt  }
0x6a: {  	_ =	shalt  }
0x6b: {  	_ =	shalt  }
0x6c: {  	_ =	shalt  }
0x6d: {  	_ =	shalt  }
0x6e: {  	_ =	shalt  }
0x6f: {  	_ =	shalt  }
0x70: {  	_ =	shalt  }
0x71: {  	_ =	shalt  }
0x72: {  	_ =	shalt  }
0x73: {  	_ =	shalt  }
0x74: {  	_ =	shalt  }
0x75: {  	_ =	shalt  }
0x76: {  	_ =	shalt  }
0x77: {  	_ =	shalt  }
0x78: {  	_ =	shalt  }
0x79: {  	_ =	shalt  }
0x7a: {  	_ =	shalt  }
0x7b: {  	_ =	shalt  }
0x7c: {  	_ =	shalt  }
0x7d: {  	_ =	shalt  }
0x7e: {  	_ =	shalt  }
0x7f: {  	_ =	shalt  }
0x80: {  	_ =	shalt  }
0x81: {  	_ =	shalt  }
0x82: {  	_ =	shalt  }
0x83: {  	_ =	shalt  }
0x84: {  	_ =	shalt  }
0x85: {  	_ =	shalt  }
0x86: {  	_ =	shalt  }
0x87: {  	_ =	shalt  }
.Lfunc_end0:
.L_simem_size_0:
called_computation_lowered:
.L_overlay_start_0:
0x88: {  	s2 =	sld [smem:$0x3FD9]  }
0x89: {  	s3 =	sld [smem:$0x3FFE];
	_ =	sdelay $0x1  }
0x8a: {  	s1 =	srdreg.scid  }
0x8b: {  	s0 =	sand.u32 $0x1, s1  }
0x8c: {  	s17 =	sshll.u32 s0, $0xA;
	s2 =	sadd.s32 s3, s2  }
0x8d: {  	s2 =	sadd.s32 s2, s17  }
0x8e: {  	[smem:$0x3FC0] =	sst s2  }
0x8f: {  	_ = 	snop  }
0x90: {  	(tm) =	ssettm $0x1  }
0x91: {  	s18 =	sld [smem:$0x3FFB];
	_ =	sdelay $0x3  }
0x92: {  	_ =	strace s18  }
0x93: {  	s2 =	sld [smem:$0x3FFC];
	_ =	sdelay $0x3  }
0x94: {  	_ =	strace s2  }
0x95: {  	s2 =	sld [smem:$0x3FFD];
	_ =	sdelay $0x3  }
0x96: {  	_ =	strace s2  }
0x97: {  	_ =	strace $0x8FFFFFFF  }
0x98: {  	s19 =	sld [smem:$0x3FDB];
	_ =	sdelay $0x1  }
0x99: {  	s20 =	simm.s32 $_scs_section_size  }
0x9a: {  	s4 =	simm.s32 $_size__tile_overlayer_lowered;
	s5 =	simm.s32 $_tile_overlayer_lowered  }
0x9b: {  	s6 =	simm.s32 $0x1BFF;
	s21 =	sshll.u32 s5, $0x1;
	s3 =	sadd.s32 s20, s19  }
0x9c: {  	s22 =	simm.s32 $0x0;
	s4 =	sshll.u32 s4, $0x1;
	s5 =	sadd.s32 s21, s3  }
0x9d: {  	[timem:s22], [sflag:s6] =	dma.local [hbm:s5], s4  }
0x9e: {  	_ =	swait.ge [sflag:s6], s4  }
0x9f: {  	s4 =	ssub.s32 $0x0, s4;
	[sflag:s6] =	ssyncset.done $0x0  }
0xa0: {  	[sflag:s6] =	ssyncadd.s32 s4;
	_ =	sdelay $0x1  }
0xa1: {  	s23 =	simm.s32 $0x1B8B  }
0xa2: {  	_ =	swait.ge [sflag:s23], $0x1  }
0xa3: {  	[sflag:s23] =	ssyncset.done $0x0  }
0xa4: {  	[sflag:s23] =	ssyncadd.s32 $0xFFFFFFFF  }
0xa5: {  	s4 =	sld [smem:$0x0]  }
0xa6: {  	s5 =	sand.u32 $0xFFFFFFFE, s1  }
0xa7: {  	p0 =	sne.s32 s1, s5  }
0xa8: {  	s5 =	sshll.u32 @p0 s5, $0xE  }
0xa9: {  	s5 =	sadd.s32 @p0 $0x11B8D, s5;
	s6 =	sshll.u32 @p0 s4, $0x11  }
0xaa: {  	s5 =	sor.u32 @p0 s6, s5  }
0xab: {  	[sflag:s5] =	ssyncadd.remote.s32 @p0 $0x1;
	_ =	sdelay $0x1  }
0xac: {  	s5 =	simm.s32 @p0 $0x1B8D  }
0xad: {  	_ =	swait.eq @p0 [sflag:s5], $0x1  }
0xae: {  	[sflag:s5] =	ssyncadd.s32 @p0 $0xFFFFFFFF  }
0xaf: {  	s6 =	sshll.u32 @!p0 s1, $0xE  }
0xb0: {  	s6 =	sor.u32 @!p0 $0x4000, s6;
	s5 =	simm.s32 @!p0 $0x1B8D  }
0xb1: {  	s4 =	sshll.u32 @!p0 s4, $0x11;
	s6 =	sadd.s32 @!p0 $0x11B8D, s6;
	_ =	swait.eq @!p0 [sflag:s5], $0x1  }
0xb2: {  	s4 =	sor.u32 @!p0 s4, s6;
	[sflag:s5] =	ssyncadd.s32 @!p0 $0xFFFFFFFF  }
0xb3: {  	s25 =	simm.s32 $0x1B8E;
	s24 =	sld [smem:$0x3FFE];
	[sflag:s4] =	ssyncadd.remote.s32 @!p0 $0x1  }
0xb4: {  	s26 =	simm.s32 $execute0_lowered;
	[smem:$0x3FD2] =	sst s25  }
0xb5: {  	s5 =	sshll.u32 s26, $0x1;
	_ =	strace $0x80000049;
	[dreg:$0x1] =	wrdreg $0xFFFFFFFF  }
0xb6: {  	s28 =	simm.s32 $_size_execute0_lowered;
	s3 =	sadd.s32 s3, s5;
	[dreg:$0x0] =	wrdreg $0x0  }
0xb7: {  	s5 =	sshll.u32 s28, $0x1;
	[dreg:$0x2] =	wrdreg s3  }
0xb8: {  	[dreg:$0x3] =	wrdreg s5  }
0xb9: {  	[dreg:$0x4] =	wrdreg $0xC0  }
0xba: {  	_ =	task [dreg:s22], $0x5FFFF  }
0xbb: {  	[dreg:$0x1] =	wrdreg $0xFFFFFFFF  }
0xbc: {  	[dreg:$0x0] =	wrdreg $0x60  }
0xbd: {  	[dreg:$0x2] =	wrdreg s24  }
0xbe: {  	[dreg:$0x3] =	wrdreg $0x9  }
0xbf: {  	_ =	task.clear_ibuf [dreg:s22], $0x4FFFF;
	_ =	strace $0x90000049  }
0xc0: {  	s29 =	simm.s32 $0x9;
	_ =	strace $0x8000004B  }
0xc1: {  	_ =	swait.ge [sflag:s29], $0x1  }
0xc2: {  	[sflag:s29] =	ssyncadd.s32 $0xFFFFFFFF  }
0xc3: {  	_ =	strace $0x9000004B  }
0xc4: {  	_ =	sfence  }
0xc5: {  	s30 =	sld [smem:$0x0];
	_ =	sdelay $0x2  }
0xc6: {  	s31 =	sshll.u32 s1, $0xD;
	s1 =	sshrl.u32 s1, $0x2  }
0xc7: {  	s4 =	sand.u32 $0x4000, s31;
	s1 =	sadd.s32 s1, s30  }
0xc8: {  	s0 =	sor.u32 s4, s0;
	s1 =	sshll.u32 s1, $0x11  }
0xc9: {  	s0 =	sor.u32 s1, s0  }
0xca: {  	s0 =	sadd.s32 $0x8F2B, s0  }
0xcb: {  	[sflag:s0] =	ssyncadd.remote.s32 $0x1  }
0xcc: {  	_ =	sfence.sel $0xFFFF  }
0xcd: {  	[dreg:$0x0] =	wrdreg $0xFFFFFFFF;
	(pc) =	sbr.abs _section_cstart, $3  }
0xce: {  	[dreg:$0x1] =	wrdreg $0xFFFFFFFF  }
0xcf: {  	_ =	task.clear_ibuf [dreg:s22], $0x2FFFF;
	_ =	strace $0x9FFFFFFF  }
0xd0: {  	(tm) =	ssettm $0x7FFFFFFF  }
0xd1: {  	_ =	shalt  }
tec
execute0_lowered:
.L_overlay_start_1:
0x0: {  	(tag) =	ssettag $0x1  }
0x1: {  	s0 =	rddreg [dreg:$0x0];
	s2 =	simm.s32 $0x0;
	s1 =	srdreg.scid  }
0x2: {  	s3 =	stileid.u32;
	s15 =	simm.s32 $0x5;
	s16 =	simm.s32 $0x3E8  }
0x3: {  	s17 =	simm.s32 $0x7D0;
	s18 =	simm.s32 $0x84D0;
	s19 =	simm.s32 $0x1  }
0x4: {  	s20 =	simm.s32 $0x101D0;
	s21 =	simm.s32 $0x10E50;
	s22 =	simm.s32 $0x2  }
0x5: {  	s23 =	simm.s32 $0x4;
	s24 =	simm.s32 $0x10810;
	s25 =	simm.s32 $0x11490  }
0x6: {  	s26 =	simm.s32 $0x3;
	s28 =	simm.s32 $0x0;
	[smem:$0x7FF] =	sst s2  }
0x7: {  	s5 =	sshll.u32 s3, $0x1;
	s3 =	sadd.s32 $0x2D3C00, s0;
	s4 =	sadd.s32 $0x335800, s0  }
0x8: {  	s1 =	sand.u32 $0x1, s1;
	s6 =	sadd.s32 $0x3C9400, s0;
	s7 =	sadd.s32 $0x397400, s0  }
0x9: {  	s9 =	sadd.s32 $0x3FB400, s0;
	s8 =	sor.u32 s1, s5;
	s1 =	ssub.s32 $0x2, s1  }
0xa: {  	s10 =	sadd.s32 $0x42D400, s0;
	s11 =	smul.u32 $0xFA0, s8;
	s31 =	sshrl.u32 s1, $0x1  }
0xb: {  	s5 =	sadd.s32 $0x5600, s0;
	s8 =	smul.u32 $0x640, s8;
	s0 =	ssub.s32 s1, s31  }
0xc: {  	_ =	strace $0x8000004A;
	s11 =	sadd.s32 s5, s11;
	s0 =	smax.u32 s0, $0x1  }
0xd: {  	s12 =	sor.u32 $0x32, s8;
	s13 =	sadd.s32 $0x64, s8;
	[dreg:$0x2] =	wrdreg s0  }
.LBB2_1:
0xe: {  	[tilespmem:s2], [sflag:$0x5] =	stream.linear.gather [hbm4b:s11+s2], $0x3E8, $0x38;
	[tilespmem:$0x11AD0] =	vst v63  }
0xf: {  	_ =	swait.ge [sflag:s15], $0x3E8  }
0x10: {  	[sflag:s15] =	ssyncset.done $0x0  }
0x11: {  	s29 =	simm.s32 $0x0;
	[sflag:s15] =	ssyncadd.s32 $0xFFFFFC18  }
0x12: {  	[tilespmem:s17], [sflag:$0x1] =	stream.indirect.gather [hbm4b:s3+s16], $0x20, s2, s16, $0xb8;
	[tilespmem:$0x11AD0] =	vst v63  }
.LBB2_2:
0x13: {  	s31 =	smul.u32 $0x64, s29;
	_ =	sdelay $0x1  }
0x14: {  	s30 =	sadd.s32 s31, s12  }
0x15: {  	s0 =	smul.u32 $0x14, s30;
	_ =	sdelay $0x1  }
0x16: {  	s0 =	sshrl.u32 s0, $0x3  }
0x17: {  	s0 =	sadd.s32 s5, s0  }
0x18: {  	[tilespmem:s16], [sflag:$0x5] =	stream.linear.gather [hbm4b:s0+s2], $0x3E8, $0x38;
	[tilespmem:$0x11AD0] =	vst v63  }
0x19: {  	_ =	swait.ge [sflag:s15], $0x3E8  }
0x1a: {  	[sflag:s15] =	ssyncset.done $0x0  }
0x1b: {  	[sflag:s15] =	ssyncadd.s32 $0xFFFFFC18  }
0x1c: {  	[tilespmem:s18], [sflag:$0x2] =	stream.indirect.gather [hbm4b:s3+s16], $0x20, s16, s16, $0xb8;
	[tilespmem:$0x11AD0] =	vst v63  }
0x1d: {  	_ =	swait.ge [sflag:s19], $0x7D00  }
0x1e: {  	p0 =	seq.s32 s29, $0x0;
	[sflag:s19] =	ssyncset.done $0x0  }
0x1f: {  	s0 =	simm.s32 @!p0 $0x3;
	[sflag:s19] =	ssyncadd.s32 $0xFFFF8300  }
0x20: {  	_ =	swait.ge @!p0 [sflag:s0], $0x640  }
0x21: {  	[sflag:s0] =	ssyncset.done @!p0 $0x0  }
0x22: {  	[sflag:s0] =	ssyncadd.s32 @!p0 $0xFFFFF9C0  }
0x23: {  	_ =	swait.ge @!p0 [sflag:s0], $0x640  }
0x24: {  	[sflag:s0] =	ssyncset.done @!p0 $0x0  }
0x25: {  	[sflag:s0] =	ssyncadd.s32 @!p0 $0xFFFFF9C0;
	s0 =	simm.s32 $0x910  }
0x26: {  	v0 =	vld [tilespmem:s0+$0xFFFFFEC0]  }
0x27: {  	v1 =	vld [tilespmem:s0+$0xFFFFFED0]  }
0x28: {  	v2 =	vld [tilespmem:s0+$0xFFFFFEE0]  }
0x29: {  	v3 =	vld [tilespmem:s0+$0xFFFFFEF0]  }
0x2a: {  	v4 =	vld [tilespmem:s0+$0xFFFFFF00]  }
0x2b: {  	v6 =	vld [tilespmem:s0+$0xFFFFFF10];
	v5 =	vadd.f32 $0.0e+00, v0;
	v0 =	vmul.f32 $3.125000000e-02, v0  }
0x2c: {  	v8 =	vld [tilespmem:s0+$0xFFFFFF20];
	v7 =	vadd.f32 $0.0e+00, v1;
	v1 =	vmul.f32 $3.125000000e-02, v1  }
0x2d: {  	v9 =	vld [tilespmem:s0+$0xFFFFFF30];
	v0 =	vsub.f32 $0.0e+00, v0;
	v5 =	vadd.f32 v2, v5;
	v2 =	vmul.f32 $2.187499960e-02, v2  }
0x2e: {  	v10 =	vld [tilespmem:s0+$0xFFFFFF40];
	v1 =	vsub.f32 $0.0e+00, v1;
	v7 =	vadd.f32 v3, v7;
	v3 =	vmul.f32 $2.187499960e-02, v3  }
0x2f: {  	v52 =	vld [tilespmem:s0+$0xFFFFFF50];
	v0 =	vadd.f32 v2, v0;
	v2 =	vadd.f32 v4, v5;
	v4 =	vmul.f32 $7.500000300e-02, v4  }
0x30: {  	v53 =	vld [tilespmem:s0+$0xFFFFFF60];
	v1 =	vadd.f32 v3, v1;
	v3 =	vadd.f32 v6, v7;
	v6 =	vmul.f32 $7.500000300e-02, v6  }
0x31: {  	v55 =	vld [tilespmem:s0+$0xFFFFFF70];
	v54 =	vmul.f32 $1.281249970e-01, v8;
	v0 =	vadd.f32 v4, v0;
	v2 =	vadd.f32 v8, v2  }
0x32: {  	v57 =	vld [tilespmem:s0+$0xFFFFFF80];
	v56 =	vmul.f32 $1.281249970e-01, v9;
	v1 =	vadd.f32 v6, v1;
	v3 =	vadd.f32 v9, v3  }
0x33: {  	v59 =	vld [tilespmem:s0+$0xFFFFFF90];
	v58 =	vmul.f32 $1.812500060e-01, v10;
	v0 =	vadd.f32 v54, v0;
	v2 =	vadd.f32 v10, v2  }
0x34: {  	v60 =	vld [tilespmem:s0+$0xFFFFFFA0];
	v5 =	vmul.f32 $1.812500060e-01, v52;
	v1 =	vadd.f32 v56, v1;
	v3 =	vadd.f32 v52, v3  }
0x35: {  	v62 =	vld [tilespmem:s0+$0xFFFFFFB0];
	v61 =	vmul.f32 $2.343750000e-01, v53;
	v0 =	vadd.f32 v58, v0;
	v2 =	vadd.f32 v53, v2  }
0x36: {  	v12 =	vld [tilespmem:s0+$0xFFFFFFC0];
	v63 =	vmul.f32 $2.343750000e-01, v55;
	v1 =	vadd.f32 v5, v1;
	v3 =	vadd.f32 v55, v3  }
0x37: {  	v14 =	vld [tilespmem:s0+$0xFFFFFFD0];
	v13 =	vmul.f32 $2.874999940e-01, v57;
	v0 =	vadd.f32 v61, v0;
	v2 =	vadd.f32 v57, v2  }
0x38: {  	v16 =	vld [tilespmem:s0+$0xFFFFFFE0];
	v15 =	vmul.f32 $2.874999940e-01, v59;
	v1 =	vadd.f32 v63, v1;
	v3 =	vadd.f32 v59, v3  }
0x39: {  	v18 =	vld [tilespmem:s0+$0xFFFFFFF0];
	v17 =	vmul.f32 $3.406249880e-01, v60;
	v0 =	vadd.f32 v13, v0;
	v2 =	vadd.f32 v60, v2  }
0x3a: {  	v20 =	vld [tilespmem:s0+$0x0];
	v19 =	vmul.f32 $3.406249880e-01, v62;
	v1 =	vadd.f32 v15, v1;
	v3 =	vadd.f32 v62, v3  }
0x3b: {  	v22 =	vld [tilespmem:s0+$0x10];
	v21 =	vmul.f32 $3.937500120e-01, v12;
	v0 =	vadd.f32 v17, v0;
	v2 =	vadd.f32 v12, v2  }
0x3c: {  	v24 =	vld [tilespmem:s0+$0x20];
	v23 =	vmul.f32 $3.937500120e-01, v14;
	v1 =	vadd.f32 v19, v1;
	v3 =	vadd.f32 v14, v3  }
0x3d: {  	v26 =	vld [tilespmem:s0+$0x30];
	v25 =	vmul.f32 $4.468750060e-01, v16;
	v0 =	vadd.f32 v21, v0;
	v2 =	vadd.f32 v16, v2  }
0x3e: {  	v28 =	vld [tilespmem:s0+$0x40];
	v27 =	vmul.f32 $4.468750060e-01, v18;
	v1 =	vadd.f32 v23, v1;
	v3 =	vadd.f32 v18, v3  }
0x3f: {  	v30 =	vld [tilespmem:s0+$0x50];
	v29 =	vmul.f32 $5.000000000e-01, v20;
	v0 =	vadd.f32 v25, v0;
	v2 =	vadd.f32 v20, v2  }
0x40: {  	v32 =	vld [tilespmem:s0+$0x60];
	v31 =	vmul.f32 $5.000000000e-01, v22;
	v1 =	vadd.f32 v27, v1;
	v3 =	vadd.f32 v22, v3  }
0x41: {  	v34 =	vld [tilespmem:s0+$0x70];
	v33 =	vmul.f32 $5.531250240e-01, v24;
	v0 =	vadd.f32 v29, v0;
	v2 =	vadd.f32 v24, v2  }
0x42: {  	v36 =	vld [tilespmem:s0+$0x80];
	v35 =	vmul.f32 $5.531250240e-01, v26;
	v1 =	vadd.f32 v31, v1;
	v3 =	vadd.f32 v26, v3  }
0x43: {  	v38 =	vld [tilespmem:s0+$0x90];
	v37 =	vmul.f32 $6.062499880e-01, v28;
	v0 =	vadd.f32 v33, v0;
	v2 =	vadd.f32 v28, v2  }
0x44: {  	v40 =	vld [tilespmem:s0+$0xA0];
	v39 =	vmul.f32 $6.062499880e-01, v30;
	v1 =	vadd.f32 v35, v1;
	v3 =	vadd.f32 v30, v3  }
0x45: {  	v42 =	vld [tilespmem:s0+$0xB0];
	v41 =	vmul.f32 $6.593750110e-01, v32;
	v0 =	vadd.f32 v37, v0;
	v2 =	vadd.f32 v32, v2  }
0x46: {  	v44 =	vld [tilespmem:s0+$0xC0];
	v43 =	vmul.f32 $6.593750110e-01, v34;
	v1 =	vadd.f32 v39, v1;
	v3 =	vadd.f32 v34, v3  }
0x47: {  	v46 =	vld [tilespmem:s0+$0xD0];
	v45 =	vmul.f32 $7.124999760e-01, v36;
	v0 =	vadd.f32 v41, v0;
	v2 =	vadd.f32 v36, v2  }
0x48: {  	v48 =	vld [tilespmem:s0+$0xE0];
	v47 =	vmul.f32 $7.124999760e-01, v38;
	v1 =	vadd.f32 v43, v1;
	v3 =	vadd.f32 v38, v3  }
0x49: {  	v50 =	vld [tilespmem:s0+$0xF0];
	v49 =	vmul.f32 $7.656250000e-01, v40;
	v0 =	vadd.f32 v45, v0;
	v2 =	vadd.f32 v40, v2  }
0x4a: {  	v51 =	vmul.f32 $7.656250000e-01, v42;
	v52 =	vld [tilespmem:s0+$0x100];
	v1 =	vadd.f32 v47, v1;
	v3 =	vadd.f32 v42, v3  }
0x4b: {  	v54 =	vld [tilespmem:s0+$0x110];
	v53 =	vmul.f32 $8.187500230e-01, v44;
	v0 =	vadd.f32 v49, v0;
	v2 =	vadd.f32 v44, v2  }
0x4c: {  	v56 =	vld [tilespmem:s0+$0x120];
	v55 =	vmul.f32 $8.187500230e-01, v46;
	v1 =	vadd.f32 v51, v1;
	v3 =	vadd.f32 v46, v3  }
0x4d: {  	v58 =	vld [tilespmem:s0+$0x130];
	v57 =	vmul.f32 $8.718749880e-01, v48;
	v0 =	vadd.f32 v53, v0;
	v2 =	vadd.f32 v48, v2  }
0x4e: {  	v59 =	vmul.f32 $8.718749880e-01, v50;
	v1 =	vadd.f32 v55, v1;
	v3 =	vadd.f32 v50, v3  }
0x4f: {  	v60 =	vmul.f32 $9.250000110e-01, v52;
	v0 =	vadd.f32 v57, v0;
	v2 =	vadd.f32 v52, v2  }
0x50: {  	v61 =	vmul.f32 $9.250000110e-01, v54;
	v1 =	vadd.f32 v59, v1;
	v3 =	vadd.f32 v54, v3  }
0x51: {  	v62 =	vmul.f32 $9.781249760e-01, v56;
	v0 =	vadd.f32 v60, v0;
	v2 =	vadd.f32 v56, v2  }
0x52: {  	s14 =	simm.s32 $0x0;
	v3 =	vadd.f32 v58, v3  }
0x53: {  	v63 =	vmul.f32 $9.781249760e-01, v58;
	v1 =	vadd.f32 v61, v1;
	v4 =	vadd.f32 v62, v0;
	[tilespmem:s14+$0x101D0] =	vst v2  }
0x54: {  	[tilespmem:s14+$0x101E0] =	vst v3  }
0x55: {  	s1 =	simm.s32 $0x80;
	v0 =	vadd.f32 v63, v1;
	[tilespmem:s14+$0x10E50] =	vst v4  }
.LBB2_3:
0x56: {  	p1 =	sne.s32 s1, $0x1880  }
0x57: {  	[tilespmem:s14+$0x10E60] =	vst v0;
	s0 =	sadd.s32 $0x280, s0;
	s14 =	smov.u32 s1;
	s1 =	sadd.s32 $0x80, s1  }
0x58: {  	v0 =	vld [tilespmem:s0+$0xFFFFFEC0]  }
0x59: {  	v1 =	vld [tilespmem:s0+$0xFFFFFED0]  }
0x5a: {  	v2 =	vld [tilespmem:s0+$0xFFFFFEE0]  }
0x5b: {  	v3 =	vld [tilespmem:s0+$0xFFFFFEF0]  }
0x5c: {  	v4 =	vld [tilespmem:s0+$0xFFFFFF00]  }
0x5d: {  	v5 =	vadd.f32 $0.0e+00, v0;
	v0 =	vmul.f32 $3.125000000e-02, v0;
	v6 =	vld [tilespmem:s0+$0xFFFFFF10]  }
0x5e: {  	v7 =	vadd.f32 $0.0e+00, v1;
	v1 =	vmul.f32 $3.125000000e-02, v1;
	v8 =	vld [tilespmem:s0+$0xFFFFFF20]  }
0x5f: {  	v0 =	vsub.f32 $0.0e+00, v0;
	v5 =	vadd.f32 v2, v5;
	v2 =	vmul.f32 $2.187499960e-02, v2;
	v9 =	vld [tilespmem:s0+$0xFFFFFF30]  }
0x60: {  	v1 =	vsub.f32 $0.0e+00, v1;
	v7 =	vadd.f32 v3, v7;
	v3 =	vmul.f32 $2.187499960e-02, v3;
	v10 =	vld [tilespmem:s0+$0xFFFFFF40]  }
0x61: {  	v0 =	vadd.f32 v2, v0;
	v2 =	vadd.f32 v4, v5;
	v4 =	vmul.f32 $7.500000300e-02, v4;
	v5 =	vld [tilespmem:s0+$0xFFFFFF50]  }
0x62: {  	v1 =	vadd.f32 v3, v1;
	v3 =	vadd.f32 v6, v7;
	v6 =	vmul.f32 $7.500000300e-02, v6;
	v7 =	vld [tilespmem:s0+$0xFFFFFF60]  }
0x63: {  	v0 =	vadd.f32 v4, v0;
	v2 =	vadd.f32 v8, v2;
	v4 =	vmul.f32 $1.281249970e-01, v8;
	v8 =	vld [tilespmem:s0+$0xFFFFFF70]  }
0x64: {  	v1 =	vadd.f32 v6, v1;
	v3 =	vadd.f32 v9, v3;
	v6 =	vmul.f32 $1.281249970e-01, v9;
	v9 =	vld [tilespmem:s0+$0xFFFFFF80]  }
0x65: {  	v0 =	vadd.f32 v4, v0;
	v2 =	vadd.f32 v10, v2;
	v4 =	vmul.f32 $1.812500060e-01, v10;
	v10 =	vld [tilespmem:s0+$0xFFFFFF90]  }
0x66: {  	v1 =	vadd.f32 v6, v1;
	v3 =	vadd.f32 v5, v3;
	v5 =	vmul.f32 $1.812500060e-01, v5;
	v6 =	vld [tilespmem:s0+$0xFFFFFFA0]  }
0x67: {  	v0 =	vadd.f32 v4, v0;
	v2 =	vadd.f32 v7, v2;
	v4 =	vmul.f32 $2.343750000e-01, v7;
	v7 =	vld [tilespmem:s0+$0xFFFFFFB0]  }
0x68: {  	v1 =	vadd.f32 v5, v1;
	v3 =	vadd.f32 v8, v3;
	v5 =	vmul.f32 $2.343750000e-01, v8;
	v8 =	vld [tilespmem:s0+$0xFFFFFFC0]  }
0x69: {  	v0 =	vadd.f32 v4, v0;
	v2 =	vadd.f32 v9, v2;
	v4 =	vmul.f32 $2.874999940e-01, v9;
	v9 =	vld [tilespmem:s0+$0xFFFFFFD0]  }
0x6a: {  	v1 =	vadd.f32 v5, v1;
	v3 =	vadd.f32 v10, v3;
	v5 =	vmul.f32 $2.874999940e-01, v10;
	v10 =	vld [tilespmem:s0+$0xFFFFFFE0]  }
0x6b: {  	v0 =	vadd.f32 v4, v0;
	v2 =	vadd.f32 v6, v2;
	v4 =	vmul.f32 $3.406249880e-01, v6;
	v6 =	vld [tilespmem:s0+$0xFFFFFFF0]  }
0x6c: {  	v1 =	vadd.f32 v5, v1;
	v3 =	vadd.f32 v7, v3;
	v5 =	vmul.f32 $3.406249880e-01, v7;
	v7 =	vld [tilespmem:s0+$0x0]  }
0x6d: {  	v0 =	vadd.f32 v4, v0;
	v2 =	vadd.f32 v8, v2;
	v4 =	vmul.f32 $3.937500120e-01, v8;
	v8 =	vld [tilespmem:s0+$0x10]  }
0x6e: {  	v1 =	vadd.f32 v5, v1;
	v3 =	vadd.f32 v9, v3;
	v5 =	vmul.f32 $3.937500120e-01, v9;
	v9 =	vld [tilespmem:s0+$0x20]  }
0x6f: {  	v0 =	vadd.f32 v4, v0;
	v2 =	vadd.f32 v10, v2;
	v4 =	vmul.f32 $4.468750060e-01, v10;
	v10 =	vld [tilespmem:s0+$0x30]  }
0x70: {  	v1 =	vadd.f32 v5, v1;
	v3 =	vadd.f32 v6, v3;
	v5 =	vmul.f32 $4.468750060e-01, v6;
	v6 =	vld [tilespmem:s0+$0x40]  }
0x71: {  	v0 =	vadd.f32 v4, v0;
	v2 =	vadd.f32 v7, v2;
	v4 =	vmul.f32 $5.000000000e-01, v7;
	v7 =	vld [tilespmem:s0+$0x50]  }
0x72: {  	v1 =	vadd.f32 v5, v1;
	v3 =	vadd.f32 v8, v3;
	v5 =	vmul.f32 $5.000000000e-01, v8;
	v8 =	vld [tilespmem:s0+$0x60]  }
0x73: {  	v0 =	vadd.f32 v4, v0;
	v2 =	vadd.f32 v9, v2;
	v4 =	vmul.f32 $5.531250240e-01, v9;
	v9 =	vld [tilespmem:s0+$0x70]  }
0x74: {  	v1 =	vadd.f32 v5, v1;
	v3 =	vadd.f32 v10, v3;
	v5 =	vmul.f32 $5.531250240e-01, v10;
	v10 =	vld [tilespmem:s0+$0x80]  }
0x75: {  	v0 =	vadd.f32 v4, v0;
	v2 =	vadd.f32 v6, v2;
	v4 =	vmul.f32 $6.062499880e-01, v6;
	v6 =	vld [tilespmem:s0+$0x90]  }
0x76: {  	v1 =	vadd.f32 v5, v1;
	v3 =	vadd.f32 v7, v3;
	v5 =	vmul.f32 $6.062499880e-01, v7;
	v7 =	vld [tilespmem:s0+$0xA0]  }
0x77: {  	v0 =	vadd.f32 v4, v0;
	v2 =	vadd.f32 v8, v2;
	v4 =	vmul.f32 $6.593750110e-01, v8;
	v8 =	vld [tilespmem:s0+$0xB0]  }
0x78: {  	v1 =	vadd.f32 v5, v1;
	v3 =	vadd.f32 v9, v3;
	v5 =	vmul.f32 $6.593750110e-01, v9;
	v9 =	vld [tilespmem:s0+$0xC0]  }
0x79: {  	v0 =	vadd.f32 v4, v0;
	v2 =	vadd.f32 v10, v2;
	v4 =	vmul.f32 $7.124999760e-01, v10;
	v10 =	vld [tilespmem:s0+$0xD0]  }
0x7a: {  	v1 =	vadd.f32 v5, v1;
	v3 =	vadd.f32 v6, v3;
	v5 =	vmul.f32 $7.124999760e-01, v6;
	v6 =	vld [tilespmem:s0+$0xE0]  }
0x7b: {  	v0 =	vadd.f32 v4, v0;
	v2 =	vadd.f32 v7, v2;
	v4 =	vmul.f32 $7.656250000e-01, v7;
	v7 =	vld [tilespmem:s0+$0xF0]  }
0x7c: {  	v1 =	vadd.f32 v5, v1;
	v3 =	vadd.f32 v8, v3;
	v5 =	vmul.f32 $7.656250000e-01, v8;
	v8 =	vld [tilespmem:s0+$0x100]  }
0x7d: {  	v0 =	vadd.f32 v4, v0;
	v2 =	vadd.f32 v9, v2;
	v4 =	vmul.f32 $8.187500230e-01, v9;
	v9 =	vld [tilespmem:s0+$0x110]  }
0x7e: {  	v1 =	vadd.f32 v5, v1;
	v3 =	vadd.f32 v10, v3;
	v5 =	vmul.f32 $8.187500230e-01, v10;
	v10 =	vld [tilespmem:s0+$0x120]  }
0x7f: {  	v0 =	vadd.f32 v4, v0;
	v2 =	vadd.f32 v6, v2;
	v4 =	vmul.f32 $8.718749880e-01, v6;
	v6 =	vld [tilespmem:s0+$0x130]  }
0x80: {  	v1 =	vadd.f32 v5, v1;
	v3 =	vadd.f32 v7, v3;
	v5 =	vmul.f32 $8.718749880e-01, v7  }
0x81: {  	v0 =	vadd.f32 v4, v0;
	v2 =	vadd.f32 v8, v2;
	v4 =	vmul.f32 $9.250000110e-01, v8  }
0x82: {  	v1 =	vadd.f32 v5, v1;
	v3 =	vadd.f32 v9, v3;
	v5 =	vmul.f32 $9.250000110e-01, v9  }
.Ltmp0:
0x83: {  	v0 =	vadd.f32 v4, v0;
	v2 =	vadd.f32 v10, v2;
	v4 =	vmul.f32 $9.781249760e-01, v10;
	(pc) =	sbr.rel @p1 .LBB2_3-.Ltmp0, $4  }
0x84: {  	s14 =	sshra.s32 s14, $0x2;
	v1 =	vadd.f32 v5, v1;
	v3 =	vadd.f32 v6, v3;
	v5 =	vmul.f32 $9.781249760e-01, v6  }
0x85: {  	v4 =	vadd.f32 v4, v0;
	[tilespmem:s14+$0x101D0] =	vst v2  }
0x86: {  	v0 =	vadd.f32 v5, v1;
	[tilespmem:s14+$0x101E0] =	vst v3  }
0x87: {  	[tilespmem:s14+$0x10E50] =	vst v4  }
0x88: {  	s0 =	sadd.s32 s8, s31;
	p1 =	sne.s32 s29, $0xF  }
.Ltmp1:
0x89: {  	s0 =	sshll.u32 s0, $0x2;
	(pc) =	sbr.rel @p1 .LBB2_6-.Ltmp1, $4  }
0x8a: {  	[tilespmem:s14+$0x10E60] =	vst v0;
	s1 =	sadd.s32 s6, s0  }
0x8b: {  	[hbm4b:s1+s2] =	stream.linear.scatter [tilespmem:s20], [sflag:$0x3], $0x640, $0x38;
	[tilespmem:$0x11AD0] =	vst v63  }
0x8c: {  	s0 =	sadd.s32 s7, s0  }
0x8d: {  	[hbm4b:s0+s2] =	stream.linear.scatter [tilespmem:s21], [sflag:$0x3], $0x640, $0x38;
	[tilespmem:$0x11AD0] =	vst v63  }
.Ltmp2:
0x8e: {  	(pc) =	sbr.rel .LBB2_7-.Ltmp2, $4  }
0x8f: {  	_ = 	snop  }
0x90: {  	_ =	swait.ge [sflag:s22], $0x7D00  }
0x91: {  	[sflag:s22] =	ssyncset.done $0x0  }
0x92: {  	[sflag:s22] =	ssyncadd.s32 $0xFFFF8300  }
.LBB2_6:
0x93: {  	s0 =	sadd.s32 s31, s13  }
0x94: {  	s0 =	smul.u32 $0x14, s0;
	_ =	sdelay $0x1  }
0x95: {  	s0 =	sshrl.u32 s0, $0x3  }
0x96: {  	s0 =	sadd.s32 s5, s0  }
0x97: {  	[tilespmem:s2], [sflag:$0x5] =	stream.linear.gather [hbm4b:s0+s2], $0x3E8, $0x38;
	[tilespmem:$0x11AD0] =	vst v63  }
0x98: {  	_ =	swait.ge [sflag:s15], $0x3E8  }
0x99: {  	[sflag:s15] =	ssyncset.done $0x0  }
.Ltmp3:
0x9a: {  	[sflag:s15] =	ssyncadd.s32 $0xFFFFFC18;
	(pc) =	sbr.rel @p0 .LBB2_8-.Ltmp3, $4  }
0x9b: {  	[tilespmem:s17], [sflag:$0x1] =	stream.indirect.gather [hbm4b:s3+s16], $0x20, s2, s16, $0xb8;
	[tilespmem:$0x11AD0] =	vst v63  }
0x9c: {  	_ =	swait.ge [sflag:s22], $0x7D00  }
0x9d: {  	[sflag:s22] =	ssyncset.done $0x0  }
0x9e: {  	[sflag:s22] =	ssyncadd.s32 $0xFFFF8300  }
.LBB2_7:
0x9f: {  	_ =	swait.ge [sflag:s23], $0x640  }
0xa0: {  	[sflag:s23] =	ssyncset.done $0x0  }
0xa1: {  	[sflag:s23] =	ssyncadd.s32 $0xFFFFF9C0  }
0xa2: {  	_ =	swait.ge [sflag:s23], $0x640  }
0xa3: {  	[sflag:s23] =	ssyncset.done $0x0  }
0xa4: {  	[sflag:s23] =	ssyncadd.s32 $0xFFFFF9C0  }
.LBB2_8:
0xa5: {  	s0 =	simm.s32 $0x8610  }
0xa6: {  	v0 =	vld [tilespmem:s0+$0xFFFFFEC0]  }
0xa7: {  	v1 =	vld [tilespmem:s0+$0xFFFFFED0]  }
0xa8: {  	v2 =	vld [tilespmem:s0+$0xFFFFFEE0]  }
0xa9: {  	v3 =	vld [tilespmem:s0+$0xFFFFFEF0]  }
0xaa: {  	v4 =	vld [tilespmem:s0+$0xFFFFFF00]  }
0xab: {  	v6 =	vld [tilespmem:s0+$0xFFFFFF10];
	v5 =	vadd.f32 $0.0e+00, v0;
	v0 =	vmul.f32 $3.125000000e-02, v0  }
0xac: {  	v8 =	vld [tilespmem:s0+$0xFFFFFF20];
	v7 =	vadd.f32 $0.0e+00, v1;
	v1 =	vmul.f32 $3.125000000e-02, v1  }
0xad: {  	v9 =	vld [tilespmem:s0+$0xFFFFFF30];
	v0 =	vsub.f32 $0.0e+00, v0;
	v5 =	vadd.f32 v2, v5;
	v2 =	vmul.f32 $2.187499960e-02, v2  }
0xae: {  	v10 =	vld [tilespmem:s0+$0xFFFFFF40];
	v1 =	vsub.f32 $0.0e+00, v1;
	v7 =	vadd.f32 v3, v7;
	v3 =	vmul.f32 $2.187499960e-02, v3  }
0xaf: {  	v52 =	vld [tilespmem:s0+$0xFFFFFF50];
	v0 =	vadd.f32 v2, v0;
	v2 =	vadd.f32 v4, v5;
	v4 =	vmul.f32 $7.500000300e-02, v4  }
0xb0: {  	v53 =	vld [tilespmem:s0+$0xFFFFFF60];
	v1 =	vadd.f32 v3, v1;
	v3 =	vadd.f32 v6, v7;
	v6 =	vmul.f32 $7.500000300e-02, v6  }
0xb1: {  	v55 =	vld [tilespmem:s0+$0xFFFFFF70];
	v54 =	vmul.f32 $1.281249970e-01, v8;
	v0 =	vadd.f32 v4, v0;
	v2 =	vadd.f32 v8, v2  }
0xb2: {  	v57 =	vld [tilespmem:s0+$0xFFFFFF80];
	v56 =	vmul.f32 $1.281249970e-01, v9;
	v1 =	vadd.f32 v6, v1;
	v3 =	vadd.f32 v9, v3  }
0xb3: {  	v59 =	vld [tilespmem:s0+$0xFFFFFF90];
	v58 =	vmul.f32 $1.812500060e-01, v10;
	v0 =	vadd.f32 v54, v0;
	v2 =	vadd.f32 v10, v2  }
0xb4: {  	v60 =	vld [tilespmem:s0+$0xFFFFFFA0];
	v5 =	vmul.f32 $1.812500060e-01, v52;
	v1 =	vadd.f32 v56, v1;
	v3 =	vadd.f32 v52, v3  }
0xb5: {  	v62 =	vld [tilespmem:s0+$0xFFFFFFB0];
	v61 =	vmul.f32 $2.343750000e-01, v53;
	v0 =	vadd.f32 v58, v0;
	v2 =	vadd.f32 v53, v2  }
0xb6: {  	v12 =	vld [tilespmem:s0+$0xFFFFFFC0];
	v63 =	vmul.f32 $2.343750000e-01, v55;
	v1 =	vadd.f32 v5, v1;
	v3 =	vadd.f32 v55, v3  }
0xb7: {  	v14 =	vld [tilespmem:s0+$0xFFFFFFD0];
	v13 =	vmul.f32 $2.874999940e-01, v57;
	v0 =	vadd.f32 v61, v0;
	v2 =	vadd.f32 v57, v2  }
0xb8: {  	v16 =	vld [tilespmem:s0+$0xFFFFFFE0];
	v15 =	vmul.f32 $2.874999940e-01, v59;
	v1 =	vadd.f32 v63, v1;
	v3 =	vadd.f32 v59, v3  }
0xb9: {  	v18 =	vld [tilespmem:s0+$0xFFFFFFF0];
	v17 =	vmul.f32 $3.406249880e-01, v60;
	v0 =	vadd.f32 v13, v0;
	v2 =	vadd.f32 v60, v2  }
0xba: {  	v20 =	vld [tilespmem:s0+$0x0];
	v19 =	vmul.f32 $3.406249880e-01, v62;
	v1 =	vadd.f32 v15, v1;
	v3 =	vadd.f32 v62, v3  }
0xbb: {  	v22 =	vld [tilespmem:s0+$0x10];
	v21 =	vmul.f32 $3.937500120e-01, v12;
	v0 =	vadd.f32 v17, v0;
	v2 =	vadd.f32 v12, v2  }
0xbc: {  	v24 =	vld [tilespmem:s0+$0x20];
	v23 =	vmul.f32 $3.937500120e-01, v14;
	v1 =	vadd.f32 v19, v1;
	v3 =	vadd.f32 v14, v3  }
0xbd: {  	v26 =	vld [tilespmem:s0+$0x30];
	v25 =	vmul.f32 $4.468750060e-01, v16;
	v0 =	vadd.f32 v21, v0;
	v2 =	vadd.f32 v16, v2  }
0xbe: {  	v28 =	vld [tilespmem:s0+$0x40];
	v27 =	vmul.f32 $4.468750060e-01, v18;
	v1 =	vadd.f32 v23, v1;
	v3 =	vadd.f32 v18, v3  }
0xbf: {  	v30 =	vld [tilespmem:s0+$0x50];
	v29 =	vmul.f32 $5.000000000e-01, v20;
	v0 =	vadd.f32 v25, v0;
	v2 =	vadd.f32 v20, v2  }
0xc0: {  	v32 =	vld [tilespmem:s0+$0x60];
	v31 =	vmul.f32 $5.000000000e-01, v22;
	v1 =	vadd.f32 v27, v1;
	v3 =	vadd.f32 v22, v3  }
0xc1: {  	v34 =	vld [tilespmem:s0+$0x70];
	v33 =	vmul.f32 $5.531250240e-01, v24;
	v0 =	vadd.f32 v29, v0;
	v2 =	vadd.f32 v24, v2  }
0xc2: {  	v36 =	vld [tilespmem:s0+$0x80];
	v35 =	vmul.f32 $5.531250240e-01, v26;
	v1 =	vadd.f32 v31, v1;
	v3 =	vadd.f32 v26, v3  }
0xc3: {  	v38 =	vld [tilespmem:s0+$0x90];
	v37 =	vmul.f32 $6.062499880e-01, v28;
	v0 =	vadd.f32 v33, v0;
	v2 =	vadd.f32 v28, v2  }
0xc4: {  	v40 =	vld [tilespmem:s0+$0xA0];
	v39 =	vmul.f32 $6.062499880e-01, v30;
	v1 =	vadd.f32 v35, v1;
	v3 =	vadd.f32 v30, v3  }
0xc5: {  	v42 =	vld [tilespmem:s0+$0xB0];
	v41 =	vmul.f32 $6.593750110e-01, v32;
	v0 =	vadd.f32 v37, v0;
	v2 =	vadd.f32 v32, v2  }
0xc6: {  	v44 =	vld [tilespmem:s0+$0xC0];
	v43 =	vmul.f32 $6.593750110e-01, v34;
	v1 =	vadd.f32 v39, v1;
	v3 =	vadd.f32 v34, v3  }
0xc7: {  	v46 =	vld [tilespmem:s0+$0xD0];
	v45 =	vmul.f32 $7.124999760e-01, v36;
	v0 =	vadd.f32 v41, v0;
	v2 =	vadd.f32 v36, v2  }
0xc8: {  	v48 =	vld [tilespmem:s0+$0xE0];
	v47 =	vmul.f32 $7.124999760e-01, v38;
	v1 =	vadd.f32 v43, v1;
	v3 =	vadd.f32 v38, v3  }
0xc9: {  	v50 =	vld [tilespmem:s0+$0xF0];
	v49 =	vmul.f32 $7.656250000e-01, v40;
	v0 =	vadd.f32 v45, v0;
	v2 =	vadd.f32 v40, v2  }
0xca: {  	v51 =	vmul.f32 $7.656250000e-01, v42;
	v52 =	vld [tilespmem:s0+$0x100];
	v1 =	vadd.f32 v47, v1;
	v3 =	vadd.f32 v42, v3  }
0xcb: {  	v54 =	vld [tilespmem:s0+$0x110];
	v53 =	vmul.f32 $8.187500230e-01, v44;
	v0 =	vadd.f32 v49, v0;
	v2 =	vadd.f32 v44, v2  }
0xcc: {  	v56 =	vld [tilespmem:s0+$0x120];
	v55 =	vmul.f32 $8.187500230e-01, v46;
	v1 =	vadd.f32 v51, v1;
	v3 =	vadd.f32 v46, v3  }
0xcd: {  	v58 =	vld [tilespmem:s0+$0x130];
	v57 =	vmul.f32 $8.718749880e-01, v48;
	v0 =	vadd.f32 v53, v0;
	v2 =	vadd.f32 v48, v2  }
0xce: {  	v59 =	vmul.f32 $8.718749880e-01, v50;
	v1 =	vadd.f32 v55, v1;
	v3 =	vadd.f32 v50, v3  }
0xcf: {  	v60 =	vmul.f32 $9.250000110e-01, v52;
	v0 =	vadd.f32 v57, v0;
	v2 =	vadd.f32 v52, v2  }
0xd0: {  	v61 =	vmul.f32 $9.250000110e-01, v54;
	v1 =	vadd.f32 v59, v1;
	v3 =	vadd.f32 v54, v3  }
0xd1: {  	v62 =	vmul.f32 $9.781249760e-01, v56;
	v0 =	vadd.f32 v60, v0;
	v2 =	vadd.f32 v56, v2  }
0xd2: {  	s14 =	simm.s32 $0x0;
	v3 =	vadd.f32 v58, v3  }
0xd3: {  	v63 =	vmul.f32 $9.781249760e-01, v58;
	v1 =	vadd.f32 v61, v1;
	v4 =	vadd.f32 v62, v0;
	[tilespmem:s14+$0x10810] =	vst v2  }
0xd4: {  	[tilespmem:s14+$0x10820] =	vst v3  }
0xd5: {  	s1 =	simm.s32 $0x80;
	v0 =	vadd.f32 v63, v1;
	[tilespmem:s14+$0x11490] =	vst v4  }
.LBB2_9:
0xd6: {  	p0 =	sne.s32 s1, $0x1880  }
0xd7: {  	[tilespmem:s14+$0x114A0] =	vst v0;
	s0 =	sadd.s32 $0x280, s0;
	s14 =	smov.u32 s1;
	s1 =	sadd.s32 $0x80, s1  }
0xd8: {  	v0 =	vld [tilespmem:s0+$0xFFFFFEC0]  }
0xd9: {  	v1 =	vld [tilespmem:s0+$0xFFFFFED0]  }
0xda: {  	v2 =	vld [tilespmem:s0+$0xFFFFFEE0]  }
0xdb: {  	v3 =	vld [tilespmem:s0+$0xFFFFFEF0]  }
0xdc: {  	v4 =	vld [tilespmem:s0+$0xFFFFFF00]  }
0xdd: {  	v5 =	vadd.f32 $0.0e+00, v0;
	v0 =	vmul.f32 $3.125000000e-02, v0;
	v6 =	vld [tilespmem:s0+$0xFFFFFF10]  }
0xde: {  	v7 =	vadd.f32 $0.0e+00, v1;
	v1 =	vmul.f32 $3.125000000e-02, v1;
	v8 =	vld [tilespmem:s0+$0xFFFFFF20]  }
0xdf: {  	v0 =	vsub.f32 $0.0e+00, v0;
	v5 =	vadd.f32 v2, v5;
	v2 =	vmul.f32 $2.187499960e-02, v2;
	v9 =	vld [tilespmem:s0+$0xFFFFFF30]  }
0xe0: {  	v1 =	vsub.f32 $0.0e+00, v1;
	v7 =	vadd.f32 v3, v7;
	v3 =	vmul.f32 $2.187499960e-02, v3;
	v10 =	vld [tilespmem:s0+$0xFFFFFF40]  }
0xe1: {  	v0 =	vadd.f32 v2, v0;
	v2 =	vadd.f32 v4, v5;
	v4 =	vmul.f32 $7.500000300e-02, v4;
	v5 =	vld [tilespmem:s0+$0xFFFFFF50]  }
0xe2: {  	v1 =	vadd.f32 v3, v1;
	v3 =	vadd.f32 v6, v7;
	v6 =	vmul.f32 $7.500000300e-02, v6;
	v7 =	vld [tilespmem:s0+$0xFFFFFF60]  }
0xe3: {  	v0 =	vadd.f32 v4, v0;
	v2 =	vadd.f32 v8, v2;
	v4 =	vmul.f32 $1.281249970e-01, v8;
	v8 =	vld [tilespmem:s0+$0xFFFFFF70]  }
0xe4: {  	v1 =	vadd.f32 v6, v1;
	v3 =	vadd.f32 v9, v3;
	v6 =	vmul.f32 $1.281249970e-01, v9;
	v9 =	vld [tilespmem:s0+$0xFFFFFF80]  }
0xe5: {  	v0 =	vadd.f32 v4, v0;
	v2 =	vadd.f32 v10, v2;
	v4 =	vmul.f32 $1.812500060e-01, v10;
	v10 =	vld [tilespmem:s0+$0xFFFFFF90]  }
0xe6: {  	v1 =	vadd.f32 v6, v1;
	v3 =	vadd.f32 v5, v3;
	v5 =	vmul.f32 $1.812500060e-01, v5;
	v6 =	vld [tilespmem:s0+$0xFFFFFFA0]  }
0xe7: {  	v0 =	vadd.f32 v4, v0;
	v2 =	vadd.f32 v7, v2;
	v4 =	vmul.f32 $2.343750000e-01, v7;
	v7 =	vld [tilespmem:s0+$0xFFFFFFB0]  }
0xe8: {  	v1 =	vadd.f32 v5, v1;
	v3 =	vadd.f32 v8, v3;
	v5 =	vmul.f32 $2.343750000e-01, v8;
	v8 =	vld [tilespmem:s0+$0xFFFFFFC0]  }
0xe9: {  	v0 =	vadd.f32 v4, v0;
	v2 =	vadd.f32 v9, v2;
	v4 =	vmul.f32 $2.874999940e-01, v9;
	v9 =	vld [tilespmem:s0+$0xFFFFFFD0]  }
0xea: {  	v1 =	vadd.f32 v5, v1;
	v3 =	vadd.f32 v10, v3;
	v5 =	vmul.f32 $2.874999940e-01, v10;
	v10 =	vld [tilespmem:s0+$0xFFFFFFE0]  }
0xeb: {  	v0 =	vadd.f32 v4, v0;
	v2 =	vadd.f32 v6, v2;
	v4 =	vmul.f32 $3.406249880e-01, v6;
	v6 =	vld [tilespmem:s0+$0xFFFFFFF0]  }
0xec: {  	v1 =	vadd.f32 v5, v1;
	v3 =	vadd.f32 v7, v3;
	v5 =	vmul.f32 $3.406249880e-01, v7;
	v7 =	vld [tilespmem:s0+$0x0]  }
0xed: {  	v0 =	vadd.f32 v4, v0;
	v2 =	vadd.f32 v8, v2;
	v4 =	vmul.f32 $3.937500120e-01, v8;
	v8 =	vld [tilespmem:s0+$0x10]  }
0xee: {  	v1 =	vadd.f32 v5, v1;
	v3 =	vadd.f32 v9, v3;
	v5 =	vmul.f32 $3.937500120e-01, v9;
	v9 =	vld [tilespmem:s0+$0x20]  }
0xef: {  	v0 =	vadd.f32 v4, v0;
	v2 =	vadd.f32 v10, v2;
	v4 =	vmul.f32 $4.468750060e-01, v10;
	v10 =	vld [tilespmem:s0+$0x30]  }
0xf0: {  	v1 =	vadd.f32 v5, v1;
	v3 =	vadd.f32 v6, v3;
	v5 =	vmul.f32 $4.468750060e-01, v6;
	v6 =	vld [tilespmem:s0+$0x40]  }
0xf1: {  	v0 =	vadd.f32 v4, v0;
	v2 =	vadd.f32 v7, v2;
	v4 =	vmul.f32 $5.000000000e-01, v7;
	v7 =	vld [tilespmem:s0+$0x50]  }
0xf2: {  	v1 =	vadd.f32 v5, v1;
	v3 =	vadd.f32 v8, v3;
	v5 =	vmul.f32 $5.000000000e-01, v8;
	v8 =	vld [tilespmem:s0+$0x60]  }
0xf3: {  	v0 =	vadd.f32 v4, v0;
	v2 =	vadd.f32 v9, v2;
	v4 =	vmul.f32 $5.531250240e-01, v9;
	v9 =	vld [tilespmem:s0+$0x70]  }
0xf4: {  	v1 =	vadd.f32 v5, v1;
	v3 =	vadd.f32 v10, v3;
	v5 =	vmul.f32 $5.531250240e-01, v10;
	v10 =	vld [tilespmem:s0+$0x80]  }
0xf5: {  	v0 =	vadd.f32 v4, v0;
	v2 =	vadd.f32 v6, v2;
	v4 =	vmul.f32 $6.062499880e-01, v6;
	v6 =	vld [tilespmem:s0+$0x90]  }
0xf6: {  	v1 =	vadd.f32 v5, v1;
	v3 =	vadd.f32 v7, v3;
	v5 =	vmul.f32 $6.062499880e-01, v7;
	v7 =	vld [tilespmem:s0+$0xA0]  }
0xf7: {  	v0 =	vadd.f32 v4, v0;
	v2 =	vadd.f32 v8, v2;
	v4 =	vmul.f32 $6.593750110e-01, v8;
	v8 =	vld [tilespmem:s0+$0xB0]  }
0xf8: {  	v1 =	vadd.f32 v5, v1;
	v3 =	vadd.f32 v9, v3;
	v5 =	vmul.f32 $6.593750110e-01, v9;
	v9 =	vld [tilespmem:s0+$0xC0]  }
0xf9: {  	v0 =	vadd.f32 v4, v0;
	v2 =	vadd.f32 v10, v2;
	v4 =	vmul.f32 $7.124999760e-01, v10;
	v10 =	vld [tilespmem:s0+$0xD0]  }
0xfa: {  	v1 =	vadd.f32 v5, v1;
	v3 =	vadd.f32 v6, v3;
	v5 =	vmul.f32 $7.124999760e-01, v6;
	v6 =	vld [tilespmem:s0+$0xE0]  }
0xfb: {  	v0 =	vadd.f32 v4, v0;
	v2 =	vadd.f32 v7, v2;
	v4 =	vmul.f32 $7.656250000e-01, v7;
	v7 =	vld [tilespmem:s0+$0xF0]  }
0xfc: {  	v1 =	vadd.f32 v5, v1;
	v3 =	vadd.f32 v8, v3;
	v5 =	vmul.f32 $7.656250000e-01, v8;
	v8 =	vld [tilespmem:s0+$0x100]  }
0xfd: {  	v0 =	vadd.f32 v4, v0;
	v2 =	vadd.f32 v9, v2;
	v4 =	vmul.f32 $8.187500230e-01, v9;
	v9 =	vld [tilespmem:s0+$0x110]  }
0xfe: {  	v1 =	vadd.f32 v5, v1;
	v3 =	vadd.f32 v10, v3;
	v5 =	vmul.f32 $8.187500230e-01, v10;
	v10 =	vld [tilespmem:s0+$0x120]  }
0xff: {  	v0 =	vadd.f32 v4, v0;
	v2 =	vadd.f32 v6, v2;
	v4 =	vmul.f32 $8.718749880e-01, v6;
	v6 =	vld [tilespmem:s0+$0x130]  }
0x100: {  	v1 =	vadd.f32 v5, v1;
	v3 =	vadd.f32 v7, v3;
	v5 =	vmul.f32 $8.718749880e-01, v7  }
0x101: {  	v0 =	vadd.f32 v4, v0;
	v2 =	vadd.f32 v8, v2;
	v4 =	vmul.f32 $9.250000110e-01, v8  }
0x102: {  	v1 =	vadd.f32 v5, v1;
	v3 =	vadd.f32 v9, v3;
	v5 =	vmul.f32 $9.250000110e-01, v9  }
.Ltmp4:
0x103: {  	v0 =	vadd.f32 v4, v0;
	v2 =	vadd.f32 v10, v2;
	v4 =	vmul.f32 $9.781249760e-01, v10;
	(pc) =	sbr.rel @p0 .LBB2_9-.Ltmp4, $4  }
0x104: {  	s14 =	sshra.s32 s14, $0x2;
	v1 =	vadd.f32 v5, v1;
	v3 =	vadd.f32 v6, v3;
	v5 =	vmul.f32 $9.781249760e-01, v6  }
0x105: {  	v4 =	vadd.f32 v4, v0;
	[tilespmem:s14+$0x10810] =	vst v2  }
0x106: {  	v0 =	vadd.f32 v5, v1;
	[tilespmem:s14+$0x10820] =	vst v3  }
0x107: {  	[tilespmem:s14+$0x11490] =	vst v4  }
0x108: {  	s29 =	sadd.s32 $0x1, s29  }
0x109: {  	s0 =	sshll.u32 s30, $0x2;
	p0 =	sne.s32 s29, $0x10  }
.Ltmp5:
0x10a: {  	s0 =	sand.u32 $0x1FFFFFF8, s0;
	(pc) =	sbr.rel @p0 .LBB2_2-.Ltmp5, $4  }
0x10b: {  	[tilespmem:s14+$0x114A0] =	vst v0;
	s1 =	sadd.s32 s6, s0  }
0x10c: {  	[hbm4b:s1+s2] =	stream.linear.scatter [tilespmem:s24], [sflag:$0x4], $0x640, $0x38;
	[tilespmem:$0x11AD0] =	vst v63  }
0x10d: {  	s0 =	sadd.s32 s7, s0  }
0x10e: {  	[hbm4b:s0+s2] =	stream.linear.scatter [tilespmem:s25], [sflag:$0x4], $0x640, $0x38;
	[tilespmem:$0x11AD0] =	vst v63  }
0x10f: {  	_ =	swait.ge [sflag:s26], $0x640  }
0x110: {  	[sflag:s26] =	ssyncset.done $0x0  }
0x111: {  	[sflag:s26] =	ssyncadd.s32 $0xFFFFF9C0  }
0x112: {  	_ =	swait.ge [sflag:s26], $0x640  }
0x113: {  	[sflag:s26] =	ssyncset.done $0x0  }
0x114: {  	[sflag:s26] =	ssyncadd.s32 $0xFFFFF9C0  }
0x115: {  	_ =	swait.ge [sflag:s23], $0x640  }
0x116: {  	[sflag:s23] =	ssyncset.done $0x0  }
0x117: {  	[sflag:s23] =	ssyncadd.s32 $0xFFFFF9C0  }
0x118: {  	_ =	swait.ge [sflag:s23], $0x640  }
0x119: {  	[sflag:s23] =	ssyncset.done $0x0  }
0x11a: {  	s29 =	simm.s32 $0x0;
	[sflag:s23] =	ssyncadd.s32 $0xFFFFF9C0  }
0x11b: {  	[tilespmem:s29], [sflag:$0x5] =	stream.linear.gather [hbm4b:s11+s29], $0x3E8, $0x38;
	[tilespmem:$0x11AD0] =	vst v63  }
0x11c: {  	_ =	swait.ge [sflag:s15], $0x3E8  }
0x11d: {  	[sflag:s15] =	ssyncset.done $0x0  }
0x11e: {  	[sflag:s15] =	ssyncadd.s32 $0xFFFFFC18  }
0x11f: {  	[tilespmem:s17], [sflag:$0x1] =	stream.indirect.gather [hbm4b:s4+s16], $0x20, s29, s16, $0xb8;
	[tilespmem:$0x11AD0] =	vst v63  }
.LBB2_12:
0x120: {  	s31 =	smul.u32 $0x64, s29;
	_ =	sdelay $0x1  }
0x121: {  	s30 =	sadd.s32 s31, s12  }
0x122: {  	s0 =	smul.u32 $0x14, s30;
	_ =	sdelay $0x1  }
0x123: {  	s0 =	sshrl.u32 s0, $0x3  }
0x124: {  	s0 =	sadd.s32 s5, s0  }
0x125: {  	[tilespmem:s16], [sflag:$0x5] =	stream.linear.gather [hbm4b:s0+s2], $0x3E8, $0x38;
	[tilespmem:$0x11AD0] =	vst v63  }
0x126: {  	_ =	swait.ge [sflag:s15], $0x3E8  }
0x127: {  	[sflag:s15] =	ssyncset.done $0x0  }
0x128: {  	[sflag:s15] =	ssyncadd.s32 $0xFFFFFC18  }
0x129: {  	[tilespmem:s18], [sflag:$0x2] =	stream.indirect.gather [hbm4b:s4+s16], $0x20, s16, s16, $0xb8;
	[tilespmem:$0x11AD0] =	vst v63  }
0x12a: {  	_ =	swait.ge [sflag:s19], $0x7D00  }
0x12b: {  	p0 =	seq.s32 s29, $0x0;
	[sflag:s19] =	ssyncset.done $0x0  }
0x12c: {  	s0 =	simm.s32 @!p0 $0x3;
	[sflag:s19] =	ssyncadd.s32 $0xFFFF8300  }
0x12d: {  	_ =	swait.ge @!p0 [sflag:s0], $0x640  }
0x12e: {  	[sflag:s0] =	ssyncset.done @!p0 $0x0  }
0x12f: {  	[sflag:s0] =	ssyncadd.s32 @!p0 $0xFFFFF9C0  }
0x130: {  	_ =	swait.ge @!p0 [sflag:s0], $0x640  }
0x131: {  	[sflag:s0] =	ssyncset.done @!p0 $0x0  }
0x132: {  	[sflag:s0] =	ssyncadd.s32 @!p0 $0xFFFFF9C0;
	s0 =	simm.s32 $0x910  }
0x133: {  	v0 =	vld [tilespmem:s0+$0xFFFFFEC0]  }
0x134: {  	v1 =	vld [tilespmem:s0+$0xFFFFFED0]  }
0x135: {  	v2 =	vld [tilespmem:s0+$0xFFFFFEE0]  }
0x136: {  	v3 =	vld [tilespmem:s0+$0xFFFFFEF0]  }
0x137: {  	v4 =	vld [tilespmem:s0+$0xFFFFFF00]  }
0x138: {  	v6 =	vld [tilespmem:s0+$0xFFFFFF10];
	v5 =	vadd.f32 $0.0e+00, v0;
	v0 =	vmul.f32 $1.031250000e+00, v0  }
0x139: {  	v8 =	vld [tilespmem:s0+$0xFFFFFF20];
	v7 =	vadd.f32 $0.0e+00, v1;
	v1 =	vmul.f32 $1.031250000e+00, v1  }
0x13a: {  	v9 =	vld [tilespmem:s0+$0xFFFFFF30];
	v0 =	vsub.f32 $0.0e+00, v0;
	v5 =	vadd.f32 v2, v5;
	v2 =	vmul.f32 $8.781250110e-01, v2  }
0x13b: {  	v10 =	vld [tilespmem:s0+$0xFFFFFF40];
	v1 =	vsub.f32 $0.0e+00, v1;
	v7 =	vadd.f32 v3, v7;
	v3 =	vmul.f32 $8.781250110e-01, v3  }
0x13c: {  	v52 =	vld [tilespmem:s0+$0xFFFFFF50];
	v0 =	vsub.f32 v0, v2;
	v2 =	vadd.f32 v4, v5;
	v4 =	vmul.f32 $7.250000240e-01, v4  }
0x13d: {  	v53 =	vld [tilespmem:s0+$0xFFFFFF60];
	v1 =	vsub.f32 v1, v3;
	v3 =	vadd.f32 v6, v7;
	v6 =	vmul.f32 $7.250000240e-01, v6  }
0x13e: {  	v55 =	vld [tilespmem:s0+$0xFFFFFF70];
	v54 =	vmul.f32 $5.718749760e-01, v8;
	v0 =	vsub.f32 v0, v4;
	v2 =	vadd.f32 v8, v2  }
0x13f: {  	v57 =	vld [tilespmem:s0+$0xFFFFFF80];
	v56 =	vmul.f32 $5.718749760e-01, v9;
	v1 =	vsub.f32 v1, v6;
	v3 =	vadd.f32 v9, v3  }
0x140: {  	v59 =	vld [tilespmem:s0+$0xFFFFFF90];
	v58 =	vmul.f32 $4.187499880e-01, v10;
	v0 =	vsub.f32 v0, v54;
	v2 =	vadd.f32 v10, v2  }
0x141: {  	v60 =	vld [tilespmem:s0+$0xFFFFFFA0];
	v5 =	vmul.f32 $4.187499880e-01, v52;
	v1 =	vsub.f32 v1, v56;
	v3 =	vadd.f32 v52, v3  }
0x142: {  	v62 =	vld [tilespmem:s0+$0xFFFFFFB0];
	v61 =	vmul.f32 $2.656250000e-01, v53;
	v0 =	vsub.f32 v0, v58;
	v2 =	vadd.f32 v53, v2  }
0x143: {  	v12 =	vld [tilespmem:s0+$0xFFFFFFC0];
	v63 =	vmul.f32 $2.656250000e-01, v55;
	v1 =	vsub.f32 v1, v5;
	v3 =	vadd.f32 v55, v3  }
0x144: {  	v14 =	vld [tilespmem:s0+$0xFFFFFFD0];
	v13 =	vmul.f32 $1.124999970e-01, v57;
	v0 =	vsub.f32 v0, v61;
	v2 =	vadd.f32 v57, v2  }
0x145: {  	v16 =	vld [tilespmem:s0+$0xFFFFFFE0];
	v15 =	vmul.f32 $1.124999970e-01, v59;
	v1 =	vsub.f32 v1, v63;
	v3 =	vadd.f32 v59, v3  }
0x146: {  	v18 =	vld [tilespmem:s0+$0xFFFFFFF0];
	v17 =	vmul.f32 $4.062499850e-02, v60;
	v0 =	vsub.f32 v0, v13;
	v2 =	vadd.f32 v60, v2  }
0x147: {  	v20 =	vld [tilespmem:s0+$0x0];
	v19 =	vmul.f32 $4.062499850e-02, v62;
	v1 =	vsub.f32 v1, v15;
	v3 =	vadd.f32 v62, v3  }
0x148: {  	v22 =	vld [tilespmem:s0+$0x10];
	v21 =	vmul.f32 $1.937499940e-01, v12;
	v0 =	vadd.f32 v17, v0;
	v2 =	vadd.f32 v12, v2  }
0x149: {  	v24 =	vld [tilespmem:s0+$0x20];
	v23 =	vmul.f32 $1.937499940e-01, v14;
	v1 =	vadd.f32 v19, v1;
	v3 =	vadd.f32 v14, v3  }
0x14a: {  	v26 =	vld [tilespmem:s0+$0x30];
	v25 =	vmul.f32 $3.468750120e-01, v16;
	v0 =	vadd.f32 v21, v0;
	v2 =	vadd.f32 v16, v2  }
0x14b: {  	v28 =	vld [tilespmem:s0+$0x40];
	v27 =	vmul.f32 $3.468750120e-01, v18;
	v1 =	vadd.f32 v23, v1;
	v3 =	vadd.f32 v18, v3  }
0x14c: {  	v30 =	vld [tilespmem:s0+$0x50];
	v29 =	vmul.f32 $5.000000000e-01, v20;
	v0 =	vadd.f32 v25, v0;
	v2 =	vadd.f32 v20, v2  }
0x14d: {  	v32 =	vld [tilespmem:s0+$0x60];
	v31 =	vmul.f32 $5.000000000e-01, v22;
	v1 =	vadd.f32 v27, v1;
	v3 =	vadd.f32 v22, v3  }
0x14e: {  	v34 =	vld [tilespmem:s0+$0x70];
	v33 =	vmul.f32 $6.531249880e-01, v24;
	v0 =	vadd.f32 v29, v0;
	v2 =	vadd.f32 v24, v2  }
0x14f: {  	v36 =	vld [tilespmem:s0+$0x80];
	v35 =	vmul.f32 $6.531249880e-01, v26;
	v1 =	vadd.f32 v31, v1;
	v3 =	vadd.f32 v26, v3  }
0x150: {  	v38 =	vld [tilespmem:s0+$0x90];
	v37 =	vmul.f32 $8.062499760e-01, v28;
	v0 =	vadd.f32 v33, v0;
	v2 =	vadd.f32 v28, v2  }
0x151: {  	v40 =	vld [tilespmem:s0+$0xA0];
	v39 =	vmul.f32 $8.062499760e-01, v30;
	v1 =	vadd.f32 v35, v1;
	v3 =	vadd.f32 v30, v3  }
0x152: {  	v42 =	vld [tilespmem:s0+$0xB0];
	v41 =	vmul.f32 $9.593750230e-01, v32;
	v0 =	vadd.f32 v37, v0;
	v2 =	vadd.f32 v32, v2  }
0x153: {  	v44 =	vld [tilespmem:s0+$0xC0];
	v43 =	vmul.f32 $9.593750230e-01, v34;
	v1 =	vadd.f32 v39, v1;
	v3 =	vadd.f32 v34, v3  }
0x154: {  	v46 =	vld [tilespmem:s0+$0xD0];
	v45 =	vmul.f32 $1.112499950e+00, v36;
	v0 =	vadd.f32 v41, v0;
	v2 =	vadd.f32 v36, v2  }
0x155: {  	v48 =	vld [tilespmem:s0+$0xE0];
	v47 =	vmul.f32 $1.112499950e+00, v38;
	v1 =	vadd.f32 v43, v1;
	v3 =	vadd.f32 v38, v3  }
0x156: {  	v50 =	vld [tilespmem:s0+$0xF0];
	v49 =	vmul.f32 $1.265625000e+00, v40;
	v0 =	vadd.f32 v45, v0;
	v2 =	vadd.f32 v40, v2  }
0x157: {  	v51 =	vmul.f32 $1.265625000e+00, v42;
	v52 =	vld [tilespmem:s0+$0x100];
	v1 =	vadd.f32 v47, v1;
	v3 =	vadd.f32 v42, v3  }
0x158: {  	v54 =	vld [tilespmem:s0+$0x110];
	v53 =	vmul.f32 $1.418750050e+00, v44;
	v0 =	vadd.f32 v49, v0;
	v2 =	vadd.f32 v44, v2  }
0x159: {  	v56 =	vld [tilespmem:s0+$0x120];
	v55 =	vmul.f32 $1.418750050e+00, v46;
	v1 =	vadd.f32 v51, v1;
	v3 =	vadd.f32 v46, v3  }
0x15a: {  	v58 =	vld [tilespmem:s0+$0x130];
	v57 =	vmul.f32 $1.571874980e+00, v48;
	v0 =	vadd.f32 v53, v0;
	v2 =	vadd.f32 v48, v2  }
0x15b: {  	v59 =	vmul.f32 $1.571874980e+00, v50;
	v1 =	vadd.f32 v55, v1;
	v3 =	vadd.f32 v50, v3  }
0x15c: {  	v60 =	vmul.f32 $1.725000020e+00, v52;
	v0 =	vadd.f32 v57, v0;
	v2 =	vadd.f32 v52, v2  }
0x15d: {  	v61 =	vmul.f32 $1.725000020e+00, v54;
	v1 =	vadd.f32 v59, v1;
	v3 =	vadd.f32 v54, v3  }
0x15e: {  	v62 =	vmul.f32 $1.878124950e+00, v56;
	v0 =	vadd.f32 v60, v0;
	v2 =	vadd.f32 v56, v2  }
0x15f: {  	s14 =	simm.s32 $0x0;
	v3 =	vadd.f32 v58, v3  }
0x160: {  	v63 =	vmul.f32 $1.878124950e+00, v58;
	v1 =	vadd.f32 v61, v1;
	v4 =	vadd.f32 v62, v0;
	[tilespmem:s14+$0x101D0] =	vst v2  }
0x161: {  	[tilespmem:s14+$0x101E0] =	vst v3  }
0x162: {  	s1 =	simm.s32 $0x80;
	v0 =	vadd.f32 v63, v1;
	[tilespmem:s14+$0x10E50] =	vst v4  }
.LBB2_13:
0x163: {  	p1 =	sne.s32 s1, $0x1880  }
0x164: {  	[tilespmem:s14+$0x10E60] =	vst v0;
	s0 =	sadd.s32 $0x280, s0;
	s14 =	smov.u32 s1;
	s1 =	sadd.s32 $0x80, s1  }
0x165: {  	v0 =	vld [tilespmem:s0+$0xFFFFFEC0]  }
0x166: {  	v1 =	vld [tilespmem:s0+$0xFFFFFED0]  }
0x167: {  	v2 =	vld [tilespmem:s0+$0xFFFFFEE0]  }
0x168: {  	v3 =	vld [tilespmem:s0+$0xFFFFFEF0]  }
0x169: {  	v4 =	vld [tilespmem:s0+$0xFFFFFF00]  }
0x16a: {  	v5 =	vadd.f32 $0.0e+00, v0;
	v0 =	vmul.f32 $1.031250000e+00, v0;
	v6 =	vld [tilespmem:s0+$0xFFFFFF10]  }
0x16b: {  	v7 =	vadd.f32 $0.0e+00, v1;
	v1 =	vmul.f32 $1.031250000e+00, v1;
	v8 =	vld [tilespmem:s0+$0xFFFFFF20]  }
0x16c: {  	v0 =	vsub.f32 $0.0e+00, v0;
	v5 =	vadd.f32 v2, v5;
	v2 =	vmul.f32 $8.781250110e-01, v2;
	v9 =	vld [tilespmem:s0+$0xFFFFFF30]  }
0x16d: {  	v1 =	vsub.f32 $0.0e+00, v1;
	v7 =	vadd.f32 v3, v7;
	v3 =	vmul.f32 $8.781250110e-01, v3;
	v10 =	vld [tilespmem:s0+$0xFFFFFF40]  }
0x16e: {  	v0 =	vsub.f32 v0, v2;
	v2 =	vadd.f32 v4, v5;
	v4 =	vmul.f32 $7.250000240e-01, v4;
	v5 =	vld [tilespmem:s0+$0xFFFFFF50]  }
0x16f: {  	v1 =	vsub.f32 v1, v3;
	v3 =	vadd.f32 v6, v7;
	v6 =	vmul.f32 $7.250000240e-01, v6;
	v7 =	vld [tilespmem:s0+$0xFFFFFF60]  }
0x170: {  	v0 =	vsub.f32 v0, v4;
	v2 =	vadd.f32 v8, v2;
	v4 =	vmul.f32 $5.718749760e-01, v8;
	v8 =	vld [tilespmem:s0+$0xFFFFFF70]  }
0x171: {  	v1 =	vsub.f32 v1, v6;
	v3 =	vadd.f32 v9, v3;
	v6 =	vmul.f32 $5.718749760e-01, v9;
	v9 =	vld [tilespmem:s0+$0xFFFFFF80]  }
0x172: {  	v0 =	vsub.f32 v0, v4;
	v2 =	vadd.f32 v10, v2;
	v4 =	vmul.f32 $4.187499880e-01, v10;
	v10 =	vld [tilespmem:s0+$0xFFFFFF90]  }
0x173: {  	v1 =	vsub.f32 v1, v6;
	v3 =	vadd.f32 v5, v3;
	v5 =	vmul.f32 $4.187499880e-01, v5;
	v6 =	vld [tilespmem:s0+$0xFFFFFFA0]  }
0x174: {  	v0 =	vsub.f32 v0, v4;
	v2 =	vadd.f32 v7, v2;
	v4 =	vmul.f32 $2.656250000e-01, v7;
	v7 =	vld [tilespmem:s0+$0xFFFFFFB0]  }
0x175: {  	v1 =	vsub.f32 v1, v5;
	v3 =	vadd.f32 v8, v3;
	v5 =	vmul.f32 $2.656250000e-01, v8;
	v8 =	vld [tilespmem:s0+$0xFFFFFFC0]  }
0x176: {  	v0 =	vsub.f32 v0, v4;
	v2 =	vadd.f32 v9, v2;
	v4 =	vmul.f32 $1.124999970e-01, v9;
	v9 =	vld [tilespmem:s0+$0xFFFFFFD0]  }
0x177: {  	v1 =	vsub.f32 v1, v5;
	v3 =	vadd.f32 v10, v3;
	v5 =	vmul.f32 $1.124999970e-01, v10;
	v10 =	vld [tilespmem:s0+$0xFFFFFFE0]  }
0x178: {  	v0 =	vsub.f32 v0, v4;
	v2 =	vadd.f32 v6, v2;
	v4 =	vmul.f32 $4.062499850e-02, v6;
	v6 =	vld [tilespmem:s0+$0xFFFFFFF0]  }
0x179: {  	v1 =	vsub.f32 v1, v5;
	v3 =	vadd.f32 v7, v3;
	v5 =	vmul.f32 $4.062499850e-02, v7;
	v7 =	vld [tilespmem:s0+$0x0]  }
0x17a: {  	v0 =	vadd.f32 v4, v0;
	v2 =	vadd.f32 v8, v2;
	v4 =	vmul.f32 $1.937499940e-01, v8;
	v8 =	vld [tilespmem:s0+$0x10]  }
0x17b: {  	v1 =	vadd.f32 v5, v1;
	v3 =	vadd.f32 v9, v3;
	v5 =	vmul.f32 $1.937499940e-01, v9;
	v9 =	vld [tilespmem:s0+$0x20]  }
0x17c: {  	v0 =	vadd.f32 v4, v0;
	v2 =	vadd.f32 v10, v2;
	v4 =	vmul.f32 $3.468750120e-01, v10;
	v10 =	vld [tilespmem:s0+$0x30]  }
0x17d: {  	v1 =	vadd.f32 v5, v1;
	v3 =	vadd.f32 v6, v3;
	v5 =	vmul.f32 $3.468750120e-01, v6;
	v6 =	vld [tilespmem:s0+$0x40]  }
0x17e: {  	v0 =	vadd.f32 v4, v0;
	v2 =	vadd.f32 v7, v2;
	v4 =	vmul.f32 $5.000000000e-01, v7;
	v7 =	vld [tilespmem:s0+$0x50]  }
0x17f: {  	v1 =	vadd.f32 v5, v1;
	v3 =	vadd.f32 v8, v3;
	v5 =	vmul.f32 $5.000000000e-01, v8;
	v8 =	vld [tilespmem:s0+$0x60]  }
0x180: {  	v0 =	vadd.f32 v4, v0;
	v2 =	vadd.f32 v9, v2;
	v4 =	vmul.f32 $6.531249880e-01, v9;
	v9 =	vld [tilespmem:s0+$0x70]  }
0x181: {  	v1 =	vadd.f32 v5, v1;
	v3 =	vadd.f32 v10, v3;
	v5 =	vmul.f32 $6.531249880e-01, v10;
	v10 =	vld [tilespmem:s0+$0x80]  }
0x182: {  	v0 =	vadd.f32 v4, v0;
	v2 =	vadd.f32 v6, v2;
	v4 =	vmul.f32 $8.062499760e-01, v6;
	v6 =	vld [tilespmem:s0+$0x90]  }
0x183: {  	v1 =	vadd.f32 v5, v1;
	v3 =	vadd.f32 v7, v3;
	v5 =	vmul.f32 $8.062499760e-01, v7;
	v7 =	vld [tilespmem:s0+$0xA0]  }
0x184: {  	v0 =	vadd.f32 v4, v0;
	v2 =	vadd.f32 v8, v2;
	v4 =	vmul.f32 $9.593750230e-01, v8;
	v8 =	vld [tilespmem:s0+$0xB0]  }
0x185: {  	v1 =	vadd.f32 v5, v1;
	v3 =	vadd.f32 v9, v3;
	v5 =	vmul.f32 $9.593750230e-01, v9;
	v9 =	vld [tilespmem:s0+$0xC0]  }
0x186: {  	v0 =	vadd.f32 v4, v0;
	v2 =	vadd.f32 v10, v2;
	v4 =	vmul.f32 $1.112499950e+00, v10;
	v10 =	vld [tilespmem:s0+$0xD0]  }
0x187: {  	v1 =	vadd.f32 v5, v1;
	v3 =	vadd.f32 v6, v3;
	v5 =	vmul.f32 $1.112499950e+00, v6;
	v6 =	vld [tilespmem:s0+$0xE0]  }
0x188: {  	v0 =	vadd.f32 v4, v0;
	v2 =	vadd.f32 v7, v2;
	v4 =	vmul.f32 $1.265625000e+00, v7;
	v7 =	vld [tilespmem:s0+$0xF0]  }
0x189: {  	v1 =	vadd.f32 v5, v1;
	v3 =	vadd.f32 v8, v3;
	v5 =	vmul.f32 $1.265625000e+00, v8;
	v8 =	vld [tilespmem:s0+$0x100]  }
0x18a: {  	v0 =	vadd.f32 v4, v0;
	v2 =	vadd.f32 v9, v2;
	v4 =	vmul.f32 $1.418750050e+00, v9;
	v9 =	vld [tilespmem:s0+$0x110]  }
0x18b: {  	v1 =	vadd.f32 v5, v1;
	v3 =	vadd.f32 v10, v3;
	v5 =	vmul.f32 $1.418750050e+00, v10;
	v10 =	vld [tilespmem:s0+$0x120]  }
0x18c: {  	v0 =	vadd.f32 v4, v0;
	v2 =	vadd.f32 v6, v2;
	v4 =	vmul.f32 $1.571874980e+00, v6;
	v6 =	vld [tilespmem:s0+$0x130]  }
0x18d: {  	v1 =	vadd.f32 v5, v1;
	v3 =	vadd.f32 v7, v3;
	v5 =	vmul.f32 $1.571874980e+00, v7  }
0x18e: {  	v0 =	vadd.f32 v4, v0;
	v2 =	vadd.f32 v8, v2;
	v4 =	vmul.f32 $1.725000020e+00, v8  }
0x18f: {  	v1 =	vadd.f32 v5, v1;
	v3 =	vadd.f32 v9, v3;
	v5 =	vmul.f32 $1.725000020e+00, v9  }
.Ltmp6:
0x190: {  	v0 =	vadd.f32 v4, v0;
	v2 =	vadd.f32 v10, v2;
	v4 =	vmul.f32 $1.878124950e+00, v10;
	(pc) =	sbr.rel @p1 .LBB2_13-.Ltmp6, $4  }
0x191: {  	s14 =	sshra.s32 s14, $0x2;
	v1 =	vadd.f32 v5, v1;
	v3 =	vadd.f32 v6, v3;
	v5 =	vmul.f32 $1.878124950e+00, v6  }
0x192: {  	v4 =	vadd.f32 v4, v0;
	[tilespmem:s14+$0x101D0] =	vst v2  }
0x193: {  	v0 =	vadd.f32 v5, v1;
	[tilespmem:s14+$0x101E0] =	vst v3  }
0x194: {  	[tilespmem:s14+$0x10E50] =	vst v4  }
0x195: {  	s0 =	sadd.s32 s8, s31;
	p1 =	sne.s32 s29, $0xF  }
.Ltmp7:
0x196: {  	s0 =	sshll.u32 s0, $0x2;
	(pc) =	sbr.rel @p1 .LBB2_16-.Ltmp7, $4  }
0x197: {  	[tilespmem:s14+$0x10E60] =	vst v0;
	s1 =	sadd.s32 s9, s0  }
0x198: {  	[hbm4b:s1+s2] =	stream.linear.scatter [tilespmem:s20], [sflag:$0x3], $0x640, $0x38;
	[tilespmem:$0x11AD0] =	vst v63  }
0x199: {  	s0 =	sadd.s32 s10, s0  }
0x19a: {  	[hbm4b:s0+s2] =	stream.linear.scatter [tilespmem:s21], [sflag:$0x3], $0x640, $0x38;
	[tilespmem:$0x11AD0] =	vst v63  }
.Ltmp8:
0x19b: {  	(pc) =	sbr.rel .LBB2_17-.Ltmp8, $4  }
0x19c: {  	_ = 	snop  }
0x19d: {  	_ =	swait.ge [sflag:s22], $0x7D00  }
0x19e: {  	[sflag:s22] =	ssyncset.done $0x0  }
0x19f: {  	[sflag:s22] =	ssyncadd.s32 $0xFFFF8300  }
.LBB2_16:
0x1a0: {  	s0 =	sadd.s32 s31, s13  }
0x1a1: {  	s0 =	smul.u32 $0x14, s0;
	_ =	sdelay $0x1  }
0x1a2: {  	s0 =	sshrl.u32 s0, $0x3  }
0x1a3: {  	s0 =	sadd.s32 s5, s0  }
0x1a4: {  	[tilespmem:s2], [sflag:$0x5] =	stream.linear.gather [hbm4b:s0+s2], $0x3E8, $0x38;
	[tilespmem:$0x11AD0] =	vst v63  }
0x1a5: {  	_ =	swait.ge [sflag:s15], $0x3E8  }
0x1a6: {  	[sflag:s15] =	ssyncset.done $0x0  }
.Ltmp9:
0x1a7: {  	[sflag:s15] =	ssyncadd.s32 $0xFFFFFC18;
	(pc) =	sbr.rel @p0 .LBB2_18-.Ltmp9, $4  }
0x1a8: {  	[tilespmem:s17], [sflag:$0x1] =	stream.indirect.gather [hbm4b:s4+s16], $0x20, s2, s16, $0xb8;
	[tilespmem:$0x11AD0] =	vst v63  }
0x1a9: {  	_ =	swait.ge [sflag:s22], $0x7D00  }
0x1aa: {  	[sflag:s22] =	ssyncset.done $0x0  }
0x1ab: {  	[sflag:s22] =	ssyncadd.s32 $0xFFFF8300  }
.LBB2_17:
0x1ac: {  	_ =	swait.ge [sflag:s23], $0x640  }
0x1ad: {  	[sflag:s23] =	ssyncset.done $0x0  }
0x1ae: {  	[sflag:s23] =	ssyncadd.s32 $0xFFFFF9C0  }
0x1af: {  	_ =	swait.ge [sflag:s23], $0x640  }
0x1b0: {  	[sflag:s23] =	ssyncset.done $0x0  }
0x1b1: {  	[sflag:s23] =	ssyncadd.s32 $0xFFFFF9C0  }
.LBB2_18:
0x1b2: {  	s0 =	simm.s32 $0x8610  }
0x1b3: {  	v0 =	vld [tilespmem:s0+$0xFFFFFEC0]  }
0x1b4: {  	v1 =	vld [tilespmem:s0+$0xFFFFFED0]  }
0x1b5: {  	v2 =	vld [tilespmem:s0+$0xFFFFFEE0]  }
0x1b6: {  	v3 =	vld [tilespmem:s0+$0xFFFFFEF0]  }
0x1b7: {  	v4 =	vld [tilespmem:s0+$0xFFFFFF00]  }
0x1b8: {  	v6 =	vld [tilespmem:s0+$0xFFFFFF10];
	v5 =	vadd.f32 $0.0e+00, v0;
	v0 =	vmul.f32 $1.031250000e+00, v0  }
0x1b9: {  	v8 =	vld [tilespmem:s0+$0xFFFFFF20];
	v7 =	vadd.f32 $0.0e+00, v1;
	v1 =	vmul.f32 $1.031250000e+00, v1  }
0x1ba: {  	v9 =	vld [tilespmem:s0+$0xFFFFFF30];
	v0 =	vsub.f32 $0.0e+00, v0;
	v5 =	vadd.f32 v2, v5;
	v2 =	vmul.f32 $8.781250110e-01, v2  }
0x1bb: {  	v10 =	vld [tilespmem:s0+$0xFFFFFF40];
	v1 =	vsub.f32 $0.0e+00, v1;
	v7 =	vadd.f32 v3, v7;
	v3 =	vmul.f32 $8.781250110e-01, v3  }
0x1bc: {  	v52 =	vld [tilespmem:s0+$0xFFFFFF50];
	v0 =	vsub.f32 v0, v2;
	v2 =	vadd.f32 v4, v5;
	v4 =	vmul.f32 $7.250000240e-01, v4  }
0x1bd: {  	v53 =	vld [tilespmem:s0+$0xFFFFFF60];
	v1 =	vsub.f32 v1, v3;
	v3 =	vadd.f32 v6, v7;
	v6 =	vmul.f32 $7.250000240e-01, v6  }
0x1be: {  	v55 =	vld [tilespmem:s0+$0xFFFFFF70];
	v54 =	vmul.f32 $5.718749760e-01, v8;
	v0 =	vsub.f32 v0, v4;
	v2 =	vadd.f32 v8, v2  }
0x1bf: {  	v57 =	vld [tilespmem:s0+$0xFFFFFF80];
	v56 =	vmul.f32 $5.718749760e-01, v9;
	v1 =	vsub.f32 v1, v6;
	v3 =	vadd.f32 v9, v3  }
0x1c0: {  	v59 =	vld [tilespmem:s0+$0xFFFFFF90];
	v58 =	vmul.f32 $4.187499880e-01, v10;
	v0 =	vsub.f32 v0, v54;
	v2 =	vadd.f32 v10, v2  }
0x1c1: {  	v60 =	vld [tilespmem:s0+$0xFFFFFFA0];
	v5 =	vmul.f32 $4.187499880e-01, v52;
	v1 =	vsub.f32 v1, v56;
	v3 =	vadd.f32 v52, v3  }
0x1c2: {  	v62 =	vld [tilespmem:s0+$0xFFFFFFB0];
	v61 =	vmul.f32 $2.656250000e-01, v53;
	v0 =	vsub.f32 v0, v58;
	v2 =	vadd.f32 v53, v2  }
0x1c3: {  	v12 =	vld [tilespmem:s0+$0xFFFFFFC0];
	v63 =	vmul.f32 $2.656250000e-01, v55;
	v1 =	vsub.f32 v1, v5;
	v3 =	vadd.f32 v55, v3  }
0x1c4: {  	v14 =	vld [tilespmem:s0+$0xFFFFFFD0];
	v13 =	vmul.f32 $1.124999970e-01, v57;
	v0 =	vsub.f32 v0, v61;
	v2 =	vadd.f32 v57, v2  }
0x1c5: {  	v16 =	vld [tilespmem:s0+$0xFFFFFFE0];
	v15 =	vmul.f32 $1.124999970e-01, v59;
	v1 =	vsub.f32 v1, v63;
	v3 =	vadd.f32 v59, v3  }
0x1c6: {  	v18 =	vld [tilespmem:s0+$0xFFFFFFF0];
	v17 =	vmul.f32 $4.062499850e-02, v60;
	v0 =	vsub.f32 v0, v13;
	v2 =	vadd.f32 v60, v2  }
0x1c7: {  	v20 =	vld [tilespmem:s0+$0x0];
	v19 =	vmul.f32 $4.062499850e-02, v62;
	v1 =	vsub.f32 v1, v15;
	v3 =	vadd.f32 v62, v3  }
0x1c8: {  	v22 =	vld [tilespmem:s0+$0x10];
	v21 =	vmul.f32 $1.937499940e-01, v12;
	v0 =	vadd.f32 v17, v0;
	v2 =	vadd.f32 v12, v2  }
0x1c9: {  	v24 =	vld [tilespmem:s0+$0x20];
	v23 =	vmul.f32 $1.937499940e-01, v14;
	v1 =	vadd.f32 v19, v1;
	v3 =	vadd.f32 v14, v3  }
0x1ca: {  	v26 =	vld [tilespmem:s0+$0x30];
	v25 =	vmul.f32 $3.468750120e-01, v16;
	v0 =	vadd.f32 v21, v0;
	v2 =	vadd.f32 v16, v2  }
0x1cb: {  	v28 =	vld [tilespmem:s0+$0x40];
	v27 =	vmul.f32 $3.468750120e-01, v18;
	v1 =	vadd.f32 v23, v1;
	v3 =	vadd.f32 v18, v3  }
0x1cc: {  	v30 =	vld [tilespmem:s0+$0x50];
	v29 =	vmul.f32 $5.000000000e-01, v20;
	v0 =	vadd.f32 v25, v0;
	v2 =	vadd.f32 v20, v2  }
0x1cd: {  	v32 =	vld [tilespmem:s0+$0x60];
	v31 =	vmul.f32 $5.000000000e-01, v22;
	v1 =	vadd.f32 v27, v1;
	v3 =	vadd.f32 v22, v3  }
0x1ce: {  	v34 =	vld [tilespmem:s0+$0x70];
	v33 =	vmul.f32 $6.531249880e-01, v24;
	v0 =	vadd.f32 v29, v0;
	v2 =	vadd.f32 v24, v2  }
0x1cf: {  	v36 =	vld [tilespmem:s0+$0x80];
	v35 =	vmul.f32 $6.531249880e-01, v26;
	v1 =	vadd.f32 v31, v1;
	v3 =	vadd.f32 v26, v3  }
0x1d0: {  	v38 =	vld [tilespmem:s0+$0x90];
	v37 =	vmul.f32 $8.062499760e-01, v28;
	v0 =	vadd.f32 v33, v0;
	v2 =	vadd.f32 v28, v2  }
0x1d1: {  	v40 =	vld [tilespmem:s0+$0xA0];
	v39 =	vmul.f32 $8.062499760e-01, v30;
	v1 =	vadd.f32 v35, v1;
	v3 =	vadd.f32 v30, v3  }
0x1d2: {  	v42 =	vld [tilespmem:s0+$0xB0];
	v41 =	vmul.f32 $9.593750230e-01, v32;
	v0 =	vadd.f32 v37, v0;
	v2 =	vadd.f32 v32, v2  }
0x1d3: {  	v44 =	vld [tilespmem:s0+$0xC0];
	v43 =	vmul.f32 $9.593750230e-01, v34;
	v1 =	vadd.f32 v39, v1;
	v3 =	vadd.f32 v34, v3  }
0x1d4: {  	v46 =	vld [tilespmem:s0+$0xD0];
	v45 =	vmul.f32 $1.112499950e+00, v36;
	v0 =	vadd.f32 v41, v0;
	v2 =	vadd.f32 v36, v2  }
0x1d5: {  	v48 =	vld [tilespmem:s0+$0xE0];
	v47 =	vmul.f32 $1.112499950e+00, v38;
	v1 =	vadd.f32 v43, v1;
	v3 =	vadd.f32 v38, v3  }
0x1d6: {  	v50 =	vld [tilespmem:s0+$0xF0];
	v49 =	vmul.f32 $1.265625000e+00, v40;
	v0 =	vadd.f32 v45, v0;
	v2 =	vadd.f32 v40, v2  }
0x1d7: {  	v51 =	vmul.f32 $1.265625000e+00, v42;
	v52 =	vld [tilespmem:s0+$0x100];
	v1 =	vadd.f32 v47, v1;
	v3 =	vadd.f32 v42, v3  }
0x1d8: {  	v54 =	vld [tilespmem:s0+$0x110];
	v53 =	vmul.f32 $1.418750050e+00, v44;
	v0 =	vadd.f32 v49, v0;
	v2 =	vadd.f32 v44, v2  }
0x1d9: {  	v56 =	vld [tilespmem:s0+$0x120];
	v55 =	vmul.f32 $1.418750050e+00, v46;
	v1 =	vadd.f32 v51, v1;
	v3 =	vadd.f32 v46, v3  }
0x1da: {  	v58 =	vld [tilespmem:s0+$0x130];
	v57 =	vmul.f32 $1.571874980e+00, v48;
	v0 =	vadd.f32 v53, v0;
	v2 =	vadd.f32 v48, v2  }
0x1db: {  	v59 =	vmul.f32 $1.571874980e+00, v50;
	v1 =	vadd.f32 v55, v1;
	v3 =	vadd.f32 v50, v3  }
0x1dc: {  	v60 =	vmul.f32 $1.725000020e+00, v52;
	v0 =	vadd.f32 v57, v0;
	v2 =	vadd.f32 v52, v2  }
0x1dd: {  	v61 =	vmul.f32 $1.725000020e+00, v54;
	v1 =	vadd.f32 v59, v1;
	v3 =	vadd.f32 v54, v3  }
0x1de: {  	v62 =	vmul.f32 $1.878124950e+00, v56;
	v0 =	vadd.f32 v60, v0;
	v2 =	vadd.f32 v56, v2  }
0x1df: {  	s14 =	simm.s32 $0x0;
	v3 =	vadd.f32 v58, v3  }
0x1e0: {  	v63 =	vmul.f32 $1.878124950e+00, v58;
	v1 =	vadd.f32 v61, v1;
	v4 =	vadd.f32 v62, v0;
	[tilespmem:s14+$0x10810] =	vst v2  }
0x1e1: {  	[tilespmem:s14+$0x10820] =	vst v3  }
0x1e2: {  	s1 =	simm.s32 $0x80;
	v0 =	vadd.f32 v63, v1;
	[tilespmem:s14+$0x11490] =	vst v4  }
.LBB2_19:
0x1e3: {  	p0 =	sne.s32 s1, $0x1880  }
0x1e4: {  	[tilespmem:s14+$0x114A0] =	vst v0;
	s0 =	sadd.s32 $0x280, s0;
	s14 =	smov.u32 s1;
	s1 =	sadd.s32 $0x80, s1  }
0x1e5: {  	v0 =	vld [tilespmem:s0+$0xFFFFFEC0]  }
0x1e6: {  	v1 =	vld [tilespmem:s0+$0xFFFFFED0]  }
0x1e7: {  	v2 =	vld [tilespmem:s0+$0xFFFFFEE0]  }
0x1e8: {  	v3 =	vld [tilespmem:s0+$0xFFFFFEF0]  }
0x1e9: {  	v4 =	vld [tilespmem:s0+$0xFFFFFF00]  }
0x1ea: {  	v5 =	vadd.f32 $0.0e+00, v0;
	v0 =	vmul.f32 $1.031250000e+00, v0;
	v6 =	vld [tilespmem:s0+$0xFFFFFF10]  }
0x1eb: {  	v7 =	vadd.f32 $0.0e+00, v1;
	v1 =	vmul.f32 $1.031250000e+00, v1;
	v8 =	vld [tilespmem:s0+$0xFFFFFF20]  }
0x1ec: {  	v0 =	vsub.f32 $0.0e+00, v0;
	v5 =	vadd.f32 v2, v5;
	v2 =	vmul.f32 $8.781250110e-01, v2;
	v9 =	vld [tilespmem:s0+$0xFFFFFF30]  }
0x1ed: {  	v1 =	vsub.f32 $0.0e+00, v1;
	v7 =	vadd.f32 v3, v7;
	v3 =	vmul.f32 $8.781250110e-01, v3;
	v10 =	vld [tilespmem:s0+$0xFFFFFF40]  }
0x1ee: {  	v0 =	vsub.f32 v0, v2;
	v2 =	vadd.f32 v4, v5;
	v4 =	vmul.f32 $7.250000240e-01, v4;
	v5 =	vld [tilespmem:s0+$0xFFFFFF50]  }
0x1ef: {  	v1 =	vsub.f32 v1, v3;
	v3 =	vadd.f32 v6, v7;
	v6 =	vmul.f32 $7.250000240e-01, v6;
	v7 =	vld [tilespmem:s0+$0xFFFFFF60]  }
0x1f0: {  	v0 =	vsub.f32 v0, v4;
	v2 =	vadd.f32 v8, v2;
	v4 =	vmul.f32 $5.718749760e-01, v8;
	v8 =	vld [tilespmem:s0+$0xFFFFFF70]  }
0x1f1: {  	v1 =	vsub.f32 v1, v6;
	v3 =	vadd.f32 v9, v3;
	v6 =	vmul.f32 $5.718749760e-01, v9;
	v9 =	vld [tilespmem:s0+$0xFFFFFF80]  }
0x1f2: {  	v0 =	vsub.f32 v0, v4;
	v2 =	vadd.f32 v10, v2;
	v4 =	vmul.f32 $4.187499880e-01, v10;
	v10 =	vld [tilespmem:s0+$0xFFFFFF90]  }
0x1f3: {  	v1 =	vsub.f32 v1, v6;
	v3 =	vadd.f32 v5, v3;
	v5 =	vmul.f32 $4.187499880e-01, v5;
	v6 =	vld [tilespmem:s0+$0xFFFFFFA0]  }
0x1f4: {  	v0 =	vsub.f32 v0, v4;
	v2 =	vadd.f32 v7, v2;
	v4 =	vmul.f32 $2.656250000e-01, v7;
	v7 =	vld [tilespmem:s0+$0xFFFFFFB0]  }
0x1f5: {  	v1 =	vsub.f32 v1, v5;
	v3 =	vadd.f32 v8, v3;
	v5 =	vmul.f32 $2.656250000e-01, v8;
	v8 =	vld [tilespmem:s0+$0xFFFFFFC0]  }
0x1f6: {  	v0 =	vsub.f32 v0, v4;
	v2 =	vadd.f32 v9, v2;
	v4 =	vmul.f32 $1.124999970e-01, v9;
	v9 =	vld [tilespmem:s0+$0xFFFFFFD0]  }
0x1f7: {  	v1 =	vsub.f32 v1, v5;
	v3 =	vadd.f32 v10, v3;
	v5 =	vmul.f32 $1.124999970e-01, v10;
	v10 =	vld [tilespmem:s0+$0xFFFFFFE0]  }
0x1f8: {  	v0 =	vsub.f32 v0, v4;
	v2 =	vadd.f32 v6, v2;
	v4 =	vmul.f32 $4.062499850e-02, v6;
	v6 =	vld [tilespmem:s0+$0xFFFFFFF0]  }
0x1f9: {  	v1 =	vsub.f32 v1, v5;
	v3 =	vadd.f32 v7, v3;
	v5 =	vmul.f32 $4.062499850e-02, v7;
	v7 =	vld [tilespmem:s0+$0x0]  }
0x1fa: {  	v0 =	vadd.f32 v4, v0;
	v2 =	vadd.f32 v8, v2;
	v4 =	vmul.f32 $1.937499940e-01, v8;
	v8 =	vld [tilespmem:s0+$0x10]  }
0x1fb: {  	v1 =	vadd.f32 v5, v1;
	v3 =	vadd.f32 v9, v3;
	v5 =	vmul.f32 $1.937499940e-01, v9;
	v9 =	vld [tilespmem:s0+$0x20]  }
0x1fc: {  	v0 =	vadd.f32 v4, v0;
	v2 =	vadd.f32 v10, v2;
	v4 =	vmul.f32 $3.468750120e-01, v10;
	v10 =	vld [tilespmem:s0+$0x30]  }
0x1fd: {  	v1 =	vadd.f32 v5, v1;
	v3 =	vadd.f32 v6, v3;
	v5 =	vmul.f32 $3.468750120e-01, v6;
	v6 =	vld [tilespmem:s0+$0x40]  }
0x1fe: {  	v0 =	vadd.f32 v4, v0;
	v2 =	vadd.f32 v7, v2;
	v4 =	vmul.f32 $5.000000000e-01, v7;
	v7 =	vld [tilespmem:s0+$0x50]  }
0x1ff: {  	v1 =	vadd.f32 v5, v1;
	v3 =	vadd.f32 v8, v3;
	v5 =	vmul.f32 $5.000000000e-01, v8;
	v8 =	vld [tilespmem:s0+$0x60]  }
0x200: {  	v0 =	vadd.f32 v4, v0;
	v2 =	vadd.f32 v9, v2;
	v4 =	vmul.f32 $6.531249880e-01, v9;
	v9 =	vld [tilespmem:s0+$0x70]  }
0x201: {  	v1 =	vadd.f32 v5, v1;
	v3 =	vadd.f32 v10, v3;
	v5 =	vmul.f32 $6.531249880e-01, v10;
	v10 =	vld [tilespmem:s0+$0x80]  }
0x202: {  	v0 =	vadd.f32 v4, v0;
	v2 =	vadd.f32 v6, v2;
	v4 =	vmul.f32 $8.062499760e-01, v6;
	v6 =	vld [tilespmem:s0+$0x90]  }
0x203: {  	v1 =	vadd.f32 v5, v1;
	v3 =	vadd.f32 v7, v3;
	v5 =	vmul.f32 $8.062499760e-01, v7;
	v7 =	vld [tilespmem:s0+$0xA0]  }
0x204: {  	v0 =	vadd.f32 v4, v0;
	v2 =	vadd.f32 v8, v2;
	v4 =	vmul.f32 $9.593750230e-01, v8;
	v8 =	vld [tilespmem:s0+$0xB0]  }
0x205: {  	v1 =	vadd.f32 v5, v1;
	v3 =	vadd.f32 v9, v3;
	v5 =	vmul.f32 $9.593750230e-01, v9;
	v9 =	vld [tilespmem:s0+$0xC0]  }
0x206: {  	v0 =	vadd.f32 v4, v0;
	v2 =	vadd.f32 v10, v2;
	v4 =	vmul.f32 $1.112499950e+00, v10;
	v10 =	vld [tilespmem:s0+$0xD0]  }
0x207: {  	v1 =	vadd.f32 v5, v1;
	v3 =	vadd.f32 v6, v3;
	v5 =	vmul.f32 $1.112499950e+00, v6;
	v6 =	vld [tilespmem:s0+$0xE0]  }
0x208: {  	v0 =	vadd.f32 v4, v0;
	v2 =	vadd.f32 v7, v2;
	v4 =	vmul.f32 $1.265625000e+00, v7;
	v7 =	vld [tilespmem:s0+$0xF0]  }
0x209: {  	v1 =	vadd.f32 v5, v1;
	v3 =	vadd.f32 v8, v3;
	v5 =	vmul.f32 $1.265625000e+00, v8;
	v8 =	vld [tilespmem:s0+$0x100]  }
0x20a: {  	v0 =	vadd.f32 v4, v0;
	v2 =	vadd.f32 v9, v2;
	v4 =	vmul.f32 $1.418750050e+00, v9;
	v9 =	vld [tilespmem:s0+$0x110]  }
0x20b: {  	v1 =	vadd.f32 v5, v1;
	v3 =	vadd.f32 v10, v3;
	v5 =	vmul.f32 $1.418750050e+00, v10;
	v10 =	vld [tilespmem:s0+$0x120]  }
0x20c: {  	v0 =	vadd.f32 v4, v0;
	v2 =	vadd.f32 v6, v2;
	v4 =	vmul.f32 $1.571874980e+00, v6;
	v6 =	vld [tilespmem:s0+$0x130]  }
0x20d: {  	v1 =	vadd.f32 v5, v1;
	v3 =	vadd.f32 v7, v3;
	v5 =	vmul.f32 $1.571874980e+00, v7  }
0x20e: {  	v0 =	vadd.f32 v4, v0;
	v2 =	vadd.f32 v8, v2;
	v4 =	vmul.f32 $1.725000020e+00, v8  }
0x20f: {  	v1 =	vadd.f32 v5, v1;
	v3 =	vadd.f32 v9, v3;
	v5 =	vmul.f32 $1.725000020e+00, v9  }
.Ltmp10:
0x210: {  	v0 =	vadd.f32 v4, v0;
	v2 =	vadd.f32 v10, v2;
	v4 =	vmul.f32 $1.878124950e+00, v10;
	(pc) =	sbr.rel @p0 .LBB2_19-.Ltmp10, $4  }
0x211: {  	s14 =	sshra.s32 s14, $0x2;
	v1 =	vadd.f32 v5, v1;
	v3 =	vadd.f32 v6, v3;
	v5 =	vmul.f32 $1.878124950e+00, v6  }
0x212: {  	v4 =	vadd.f32 v4, v0;
	[tilespmem:s14+$0x10810] =	vst v2  }
0x213: {  	v0 =	vadd.f32 v5, v1;
	[tilespmem:s14+$0x10820] =	vst v3  }
0x214: {  	[tilespmem:s14+$0x11490] =	vst v4  }
0x215: {  	s29 =	sadd.s32 $0x1, s29  }
0x216: {  	s0 =	sshll.u32 s30, $0x2;
	p0 =	sne.s32 s29, $0x10  }
.Ltmp11:
0x217: {  	s0 =	sand.u32 $0x1FFFFFF8, s0;
	(pc) =	sbr.rel @p0 .LBB2_12-.Ltmp11, $4  }
0x218: {  	[tilespmem:s14+$0x114A0] =	vst v0;
	s1 =	sadd.s32 s9, s0  }
0x219: {  	[hbm4b:s1+s2] =	stream.linear.scatter [tilespmem:s24], [sflag:$0x4], $0x640, $0x38;
	[tilespmem:$0x11AD0] =	vst v63  }
0x21a: {  	s0 =	sadd.s32 s10, s0  }
0x21b: {  	[hbm4b:s0+s2] =	stream.linear.scatter [tilespmem:s25], [sflag:$0x4], $0x640, $0x38;
	[tilespmem:$0x11AD0] =	vst v63  }
0x21c: {  	_ =	swait.ge [sflag:s26], $0x640  }
0x21d: {  	[sflag:s26] =	ssyncset.done $0x0  }
0x21e: {  	[sflag:s26] =	ssyncadd.s32 $0xFFFFF9C0  }
0x21f: {  	_ =	swait.ge [sflag:s26], $0x640  }
0x220: {  	[sflag:s26] =	ssyncset.done $0x0  }
0x221: {  	[sflag:s26] =	ssyncadd.s32 $0xFFFFF9C0  }
0x222: {  	_ =	swait.ge [sflag:s23], $0x640  }
0x223: {  	[sflag:s23] =	ssyncset.done $0x0  }
0x224: {  	[sflag:s23] =	ssyncadd.s32 $0xFFFFF9C0  }
0x225: {  	_ =	swait.ge [sflag:s23], $0x640  }
0x226: {  	s28 =	sadd.s32 $0x1, s28;
	s0 =	rddreg [dreg:$0x2]  }
0x227: {  	p0 =	sne.s32 s28, s0  }
.Ltmp12:
0x228: {  	_ = 	snop;
	(pc) =	sbr.rel @p0 .LBB2_1-.Ltmp12, $3  }
0x229: {  	_ =	sdelay $0x1  }
0x22a: {  	[sflag:s23] =	ssyncset.done $0x0  }
0x22b: {  	[sflag:s23] =	ssyncadd.s32 $0xFFFFF9C0  }
0x22c: {  	_ =	sfence.sel $0x180000  }
0x22d: {  	[bflag:$0x0] =	sbarrier.arrive $0xFFFF  }
0x22e: {  	_ =	strace $0x9000004A  }
0x22f: {  	s0 =	stileid.u32;
	[bflag:$0x2] =	sbarrier.arrive $0xFFFF  }
0x230: {  	p0 =	sne.s32 s0, $0x0;
	s0 =	rddreg [dreg:$0x1]  }
0x231: {  	s0 =	sadd.s32 @!p0 $0x100000, s0  }
0x232: {  	[sflag:s0] =	ssyncadd.tile.s32 @!p0 $0x1;
	_ =	shalt  }
.Lfunc_end2:
_tile_overlayer_lowered:
.L_overlay_start_2:
0x233: {  	(tag) =	ssettag $0x2  }
0x234: {  	s0 =	rddreg [dreg:$0x0];
	s2 =	stileid.u32  }
0x235: {  	s1 =	rddreg [dreg:$0x1];
	p0 =	sne.s32 s2, $0x0  }
0x236: {  	s3 =	rddreg [dreg:$0x2];
	[bflag:$0x3] =	sbarrier.arrive $0xFFFF;
	s2 =	simm.s32 @!p0 $0x1C05  }
0x237: {  	[timem:s3], [sflag:s2] =	dma.local @!p0 [hbm:s0], s1  }
0x238: {  	s0 =	simm.s32 @!p0 $0x5  }
0x239: {  	_ =	swait.ge @!p0 [sflag:s0], s1  }
0x23a: {  	s1 =	ssub.s32 @!p0 $0x0, s1;
	[sflag:s0] =	ssyncset.done @!p0 $0x0  }
0x23b: {  	[sflag:s0] =	ssyncadd.s32 @!p0 s1  }
0x23c: {  	[bflag:$0x3] =	sbarrier.arrive $0xFFFF  }
0x23d: {  	_ =	shalt  }

// kernel: kernel.9.cloned.1.call-start
scs
__scs_entry_jumppad:
0x0: {  	(pc) =	sbr.rel $0x88, $3  }
0x1: {  	(tag) =	ssettag $0x0;
	lr =	simm.s32 $0x1  }
0x2: {  	[smem:$0x3F99] =	sst lr;
	_ =	strace $0xD0000000  }
0x3: {  	_ = 	snop  }
0x4: {  	_ = 	snop  }
0x5: {  	_ = 	snop  }
0x6: {  	_ = 	snop  }
0x7: {  	_ = 	snop  }
__scs_overlays_trampoline_lowered:
0x8: {  	[smem:$0x3FA8] =	sst s0  }
0x9: {  	[smem:$0x3FA9] =	sst s1  }
0xa: {  	[smem:$0x3FAA] =	sst s2  }
0xb: {  	[smem:$0x3FAB] =	sst s3  }
0xc: {  	[smem:$0x3FAC] =	sst s4  }
0xd: {  	[smem:$0x3FAD] =	sst s5  }
0xe: {  	[smem:$0x3FAE] =	sst s6  }
0xf: {  	[smem:$0x3FAF] =	sst s7  }
0x10: {  	[smem:$0x3FB0] =	sst s8  }
0x11: {  	[smem:$0x3FB1] =	sst s9;
	s0 =	simm.s32 @!p0 $0x0  }
0x12: {  	s1 =	sld [smem:$0x3F97];
	s0 =	simm.s32 @p0 $0x1  }
0x13: {  	[smem:$0x3FB2] =	sst s0;
	s0 =	simm.s32 @!p1 $0x0  }
0x14: {  	s2 =	sld [smem:$0x3F96];
	s0 =	simm.s32 @p1 $0x1  }
0x15: {  	[smem:$0x3FB3] =	sst s0;
	s0 =	simm.s32 @!p2 $0x0  }
0x16: {  	s3 =	sld [smem:$0x3FDB];
	s0 =	simm.s32 @p2 $0x1  }
0x17: {  	s4 =	simm.s32 $0x1BF5;
	[smem:$0x3FB5] =	sst s0  }
0x18: {  	s0 =	sld [smem:$0x3F98];
	_ =	swait.ge [sflag:s4], $0x0  }
0x19: {  	s7 =	sld [smem:$0x3F99]  }
0x1a: {  	s8 =	sadd.s32 $0xFFFFE003, lr  }
0x1b: {  	s9 =	sadd.s32 $0xFFFFFEF7, lr;
	s5 =	simm.s32 $0xFFFFFFFF;
	p2 =	slt.u32 s8, $0xFFFFF086  }
0x1c: {  	p1 =	slt.u32 s9, $0xF7A;
	s5 =	simm.s32 @!p2 $0x0  }
0x1d: {  	s5 =	simm.s32 @p1 $0x1;
	p0 =	seq.s32 s7, s2  }
0x1e: {  	s7 =	smul.u32 @!p0 $0xF7A, s2;
	p2 =	seq.s32 @!p0 s5, $0x0  }
0x1f: {  	s9 =	smul.u32 $0xF7A, s1;
	s8 =	simm.s32 @!p0 $0x1BF5;
	p2 =	por !p2, p0  }
0x20: {  	[sflag:s8] =	ssyncset.s32 @!p0 $0xFFFFF086;
	s6 =	sadd.s32 @!p0 s3, s7;
	s7 =	simm.s32 @!p0 $0x108  }
0x21: {  	s3 =	sadd.s32 s3, s9;
	s6 =	sadd.s32 @!p0 $0x88, s6;
	s7 =	simm.s32 @p2 $0x1082  }
0x22: {  	[simem:s7], [sflag:s8] =	dma.local @!p0 [hbm:s6], $0xF7A  }
0x23: {  	s9 =	sor.u32 $0xD0000000, s2;
	s6 =	simm.s32 $0x108;
	_ =	swait.ge @!p0 [sflag:s8], $0x0  }
0x24: {  	s3 =	sadd.s32 $0x88, s3;
	s6 =	simm.s32 @!p1 $0x1082;
	[sflag:s4] =	ssyncset.s32 $0xFFFFF086  }
0x25: {  	[simem:s6], [sflag:s4] =	dma.local [hbm:s3], $0xF7A  }
0x26: {  	[smem:$0x3F99] =	sst s1;
	(tag) =	ssettag s2;
	_ =	strace s9  }
0x27: {  	s1 =	sld [smem:$0x3FA9]  }
0x28: {  	s2 =	sld [smem:$0x3FAA]  }
0x29: {  	s4 =	sld [smem:$0x3FAC]  }
0x2a: {  	p0 =	seq.s32 s5, $0x0;
	s5 =	sld [smem:$0x3FAD]  }
0x2b: {  	s6 =	sld [smem:$0x3FAE]  }
0x2c: {  	s7 =	sld [smem:$0x3FAF]  }
0x2d: {  	s3 =	simm.s32 $0x108;
	s8 =	sld [smem:$0x3FB0]  }
0x2e: {  	s3 =	simm.s32 @!p0 $0x1082;
	s9 =	sld [smem:$0x3FB1]  }
0x2f: {  	lr =	sadd.s32 s0, s3;
	s0 =	sld [smem:$0x3FA8]  }
0x30: {  	s3 =	sld [smem:$0x3FAB]  }
0x31: {  	[smem:$0x3FB4] =	sst s10  }
0x32: {  	s10 =	sld [smem:$0x3FB2];
	_ =	sdelay $0x3  }
0x33: {  	p0 =	seq.s32 s10, $0x1;
	s10 =	sld [smem:$0x3FB4];
	_ =	sdelay $0x3  }
0x34: {  	[smem:$0x3FB4] =	sst s10  }
0x35: {  	s10 =	sld [smem:$0x3FB3];
	_ =	sdelay $0x3  }
0x36: {  	p1 =	seq.s32 s10, $0x1;
	s10 =	sld [smem:$0x3FB4];
	_ =	sdelay $0x3  }
0x37: {  	[smem:$0x3FB4] =	sst s10  }
0x38: {  	s10 =	sld [smem:$0x3FB5]  }
0x39: {  	_ = 	snop;
	(pc) =	sbr.ind lr, $3  }
0x3a: {  	_ = 	snop  }
0x3b: {  	_ = 	snop  }
0x3c: {  	p2 =	seq.s32 s10, $0x1;
	s10 =	sld [smem:$0x3FB4]  }
0x3d: {  	_ =	shalt  }
0x3e: {  	_ =	shalt  }
0x3f: {  	_ =	shalt  }
0x40: {  	_ =	shalt  }
0x41: {  	_ =	shalt  }
0x42: {  	_ =	shalt  }
0x43: {  	_ =	shalt  }
0x44: {  	_ =	shalt  }
0x45: {  	_ =	shalt  }
0x46: {  	_ =	shalt  }
0x47: {  	_ =	shalt  }
0x48: {  	_ =	shalt  }
0x49: {  	_ =	shalt  }
0x4a: {  	_ =	shalt  }
0x4b: {  	_ =	shalt  }
0x4c: {  	_ =	shalt  }
0x4d: {  	_ =	shalt  }
0x4e: {  	_ =	shalt  }
0x4f: {  	_ =	shalt  }
0x50: {  	_ =	shalt  }
0x51: {  	_ =	shalt  }
0x52: {  	_ =	shalt  }
0x53: {  	_ =	shalt  }
0x54: {  	_ =	shalt  }
0x55: {  	_ =	shalt  }
0x56: {  	_ =	shalt  }
0x57: {  	_ =	shalt  }
0x58: {  	_ =	shalt  }
0x59: {  	_ =	shalt  }
0x5a: {  	_ =	shalt  }
0x5b: {  	_ =	shalt  }
0x5c: {  	_ =	shalt  }
0x5d: {  	_ =	shalt  }
0x5e: {  	_ =	shalt  }
0x5f: {  	_ =	shalt  }
0x60: {  	_ =	shalt  }
0x61: {  	_ =	shalt  }
0x62: {  	_ =	shalt  }
0x63: {  	_ =	shalt  }
0x64: {  	_ =	shalt  }
0x65: {  	_ =	shalt  }
0x66: {  	_ =	shalt  }
0x67: {  	_ =	shalt  }
0x68: {  	_ =	shalt  }
0x69: {  	_ =	shalt  }
0x6a: {  	_ =	shalt  }
0x6b: {  	_ =	shalt  }
0x6c: {  	_ =	shalt  }
0x6d: {  	_ =	shalt  }
0x6e: {  	_ =	shalt  }
0x6f: {  	_ =	shalt  }
0x70: {  	_ =	shalt  }
0x71: {  	_ =	shalt  }
0x72: {  	_ =	shalt  }
0x73: {  	_ =	shalt  }
0x74: {  	_ =	shalt  }
0x75: {  	_ =	shalt  }
0x76: {  	_ =	shalt  }
0x77: {  	_ =	shalt  }
0x78: {  	_ =	shalt  }
0x79: {  	_ =	shalt  }
0x7a: {  	_ =	shalt  }
0x7b: {  	_ =	shalt  }
0x7c: {  	_ =	shalt  }
0x7d: {  	_ =	shalt  }
0x7e: {  	_ =	shalt  }
0x7f: {  	_ =	shalt  }
0x80: {  	_ =	shalt  }
0x81: {  	_ =	shalt  }
0x82: {  	_ =	shalt  }
0x83: {  	_ =	shalt  }
0x84: {  	_ =	shalt  }
0x85: {  	_ =	shalt  }
0x86: {  	_ =	shalt  }
0x87: {  	_ =	shalt  }
.Lfunc_end0:
.L_simem_size_0:
called_computation.1_lowered:
.L_overlay_start_0:
0x88: {  	s2 =	sld [smem:$0x3FD9]  }
0x89: {  	s3 =	sld [smem:$0x3FFE];
	_ =	sdelay $0x1  }
0x8a: {  	s1 =	srdreg.scid  }
0x8b: {  	s0 =	sand.u32 $0x1, s1  }
0x8c: {  	s16 =	sshll.u32 s0, $0xA;
	s2 =	sadd.s32 s3, s2  }
0x8d: {  	s2 =	sadd.s32 s2, s16  }
0x8e: {  	[smem:$0x3FC0] =	sst s2  }
0x8f: {  	_ = 	snop  }
0x90: {  	(tm) =	ssettm $0x1  }
0x91: {  	s17 =	sld [smem:$0x3FFB];
	_ =	sdelay $0x3  }
0x92: {  	_ =	strace s17  }
0x93: {  	s2 =	sld [smem:$0x3FFC];
	_ =	sdelay $0x3  }
0x94: {  	_ =	strace s2  }
0x95: {  	s2 =	sld [smem:$0x3FFD];
	_ =	sdelay $0x3  }
0x96: {  	_ =	strace s2  }
0x97: {  	_ =	strace $0x8FFFFFFF  }
0x98: {  	s18 =	sld [smem:$0x3FDB];
	_ =	sdelay $0x1  }
0x99: {  	s19 =	simm.s32 $_scs_section_size  }
0x9a: {  	s4 =	simm.s32 $_size__tile_overlayer_lowered;
	s5 =	simm.s32 $_tile_overlayer_lowered  }
0x9b: {  	s22 =	simm.s32 $0x1BFF;
	s21 =	sshll.u32 s5, $0x1;
	s2 =	sadd.s32 s19, s18  }
0x9c: {  	s6 =	simm.s32 $0x0;
	s20 =	sshll.u32 s4, $0x1;
	s4 =	sadd.s32 s21, s2  }
0x9d: {  	[timem:s6], [sflag:s22] =	dma.local [hbm:s4], s20  }
0x9e: {  	_ =	swait.ge [sflag:s22], s20  }
0x9f: {  	s3 =	ssub.s32 $0x0, s20;
	[sflag:s22] =	ssyncset.done $0x0  }
0xa0: {  	[sflag:s22] =	ssyncadd.s32 s3;
	_ =	sdelay $0x1  }
0xa1: {  	s23 =	simm.s32 $0x1B8B  }
0xa2: {  	_ =	swait.ge [sflag:s23], $0x1  }
0xa3: {  	[sflag:s23] =	ssyncset.done $0x0  }
0xa4: {  	s25 =	simm.s32 $0x1B8E;
	s24 =	sld [smem:$0x3FFE];
	[sflag:s23] =	ssyncadd.s32 $0xFFFFFFFF  }
0xa5: {  	s26 =	simm.s32 $execute0_lowered;
	[smem:$0x3FD2] =	sst s25  }
0xa6: {  	s4 =	sshll.u32 s26, $0x1;
	_ =	strace $0x80000046;
	[dreg:$0x1] =	wrdreg $0xFFFFFFFF  }
0xa7: {  	s28 =	simm.s32 $_size_execute0_lowered;
	s2 =	sadd.s32 s2, s4;
	[dreg:$0x0] =	wrdreg $0x0  }
0xa8: {  	s4 =	sshll.u32 s28, $0x1;
	[dreg:$0x2] =	wrdreg s2  }
0xa9: {  	[dreg:$0x3] =	wrdreg s4  }
0xaa: {  	[dreg:$0x4] =	wrdreg $0xC0  }
0xab: {  	_ =	task [dreg:s6], $0x5FFFF  }
0xac: {  	[dreg:$0x1] =	wrdreg $0xFFFFFFFF  }
0xad: {  	[dreg:$0x0] =	wrdreg $0x60  }
0xae: {  	[dreg:$0x2] =	wrdreg s24  }
0xaf: {  	[dreg:$0x3] =	wrdreg $0xA  }
0xb0: {  	_ =	task.clear_ibuf [dreg:s6], $0x4FFFF;
	_ =	strace $0x90000046  }
0xb1: {  	s29 =	simm.s32 $0xA;
	_ =	strace $0x80000048  }
0xb2: {  	_ =	swait.ge [sflag:s29], $0x1  }
0xb3: {  	[sflag:s29] =	ssyncadd.s32 $0xFFFFFFFF  }
0xb4: {  	_ =	strace $0x90000048  }
0xb5: {  	_ =	sfence  }
0xb6: {  	s30 =	sld [smem:$0x0];
	_ =	sdelay $0x2  }
0xb7: {  	s31 =	sshll.u32 s1, $0xD;
	s1 =	sshrl.u32 s1, $0x2  }
0xb8: {  	s3 =	sand.u32 $0x4000, s31;
	s1 =	sadd.s32 s1, s30  }
0xb9: {  	s0 =	sor.u32 s3, s0;
	s1 =	sshll.u32 s1, $0x11  }
0xba: {  	s0 =	sor.u32 s1, s0  }
0xbb: {  	s0 =	sadd.s32 $0x8F2B, s0  }
0xbc: {  	[sflag:s0] =	ssyncadd.remote.s32 $0x1  }
0xbd: {  	_ =	sfence.sel $0xFFFF  }
0xbe: {  	[dreg:$0x0] =	wrdreg $0xFFFFFFFF;
	(pc) =	sbr.abs _section_cstart, $3  }
0xbf: {  	[dreg:$0x1] =	wrdreg $0xFFFFFFFF  }
0xc0: {  	_ =	task.clear_ibuf [dreg:s6], $0x2FFFF;
	_ =	strace $0x9FFFFFFF  }
0xc1: {  	(tm) =	ssettm $0x7FFFFFFF  }
tec
execute0_lowered:
.L_overlay_start_1:
0x0: {  	(tag) =	ssettag $0x1  }
0x1: {  	s0 =	srdreg.scid  }
0x2: {  	s2 =	stileid.u32;
	s1 =	rddreg [dreg:$0x0];
	s16 =	simm.s32 $0x5  }
0x3: {  	s18 =	simm.s32 $0x7D0;
	s19 =	simm.s32 $0x1;
	s20 =	simm.s32 $0x101D0  }
0x4: {  	s21 =	simm.s32 $0x3E8;
	s22 =	simm.s32 $0x84D0;
	s23 =	simm.s32 $0x10E50  }
0x5: {  	s24 =	simm.s32 $0x2;
	s25 =	simm.s32 $0x4;
	s26 =	simm.s32 $0x11490  }
0x6: {  	s28 =	simm.s32 $0x3;
	s29 =	simm.s32 $0x10810;
	s30 =	simm.s32 $0x0  }
0x7: {  	s0 =	sand.u32 $0x1, s0;
	s3 =	sshll.u32 s2, $0x1;
	s2 =	simm.s32 $0x0  }
0x8: {  	s5 =	sadd.s32 $0x1AB400, s1;
	s7 =	sadd.s32 $0x2A1C00, s1;
	s8 =	sor.u32 s0, s3  }
0x9: {  	[smem:$0x7FF] =	sst s2;
	s3 =	sadd.s32 $0x5600, s1;
	s4 =	smul.u32 $0x50, s8  }
0xa: {  	s0 =	ssub.s32 $0x2, s0;
	_ =	strace $0x80000047;
	s12 =	smul.u32 $0xFA0, s8  }
0xb: {  	s6 =	sshll.u32 s8, $0x7;
	s11 =	sshrl.u32 s0, $0x1;
	s8 =	smul.u32 $0x640, s8  }
0xc: {  	s10 =	sadd.s32 s6, s1;
	s6 =	sadd.s32 $0x26FC00, s1;
	s0 =	ssub.s32 s0, s11  }
0xd: {  	s9 =	sadd.s32 s4, s1;
	s4 =	sadd.s32 $0x20D000, s1;
	s10 =	sadd.s32 $0x26EC00, s10  }
0xe: {  	s11 =	sadd.s32 s3, s12;
	s12 =	sor.u32 $0x32, s8;
	s31 =	sadd.s32 $0x4C00, s9  }
0xf: {  	s13 =	sadd.s32 $0x64, s8;
	s14 =	smax.u32 s0, $0x1;
	[dreg:$0x2] =	wrdreg s31  }
.LBB2_1:
0x10: {  	s0 =	rddreg [dreg:$0x2];
	s1 =	simm.s32 $0x11AD0  }
0x11: {  	[tilespmem:s1], [sflag:$0x5] =	stream.linear.gather [hbm4b:s0+s2], $0x280, $0x38;
	[tilespmem:$0x11D50] =	vst v63  }
0x12: {  	_ =	swait.ge [sflag:s16], $0x280  }
0x13: {  	[sflag:s16] =	ssyncset.done $0x0  }
0x14: {  	s31 =	simm.s32 $0x280;
	[sflag:s16] =	ssyncadd.s32 $0xFFFFFD80  }
0x15: {  	[tilespmem:s18], [sflag:$0x1] =	stream.indirect.gather [hbm4b:s4+s31], $0x20, s1, s31, $0xb8;
	[tilespmem:$0x11D50] =	vst v63  }
0x16: {  	_ =	swait.ge [sflag:s19], $0x5000  }
0x17: {  	[sflag:s19] =	ssyncset.done $0x0  }
0x18: {  	s0 =	simm.s32 $0x910;
	[sflag:s19] =	ssyncadd.s32 $0xFFFFB000  }
0x19: {  	v0 =	vld [tilespmem:s0+$0xFFFFFEC0]  }
0x1a: {  	v1 =	vld [tilespmem:s0+$0xFFFFFED0]  }
0x1b: {  	v2 =	vld [tilespmem:s0+$0xFFFFFEE0]  }
0x1c: {  	v3 =	vld [tilespmem:s0+$0xFFFFFEF0]  }
0x1d: {  	v4 =	vld [tilespmem:s0+$0xFFFFFF00]  }
0x1e: {  	v5 =	vld [tilespmem:s0+$0xFFFFFF10];
	v0 =	vadd.f32 $0.0e+00, v0  }
0x1f: {  	v6 =	vld [tilespmem:s0+$0xFFFFFF20]  }
0x20: {  	v7 =	vld [tilespmem:s0+$0xFFFFFF40];
	v1 =	vadd.f32 $0.0e+00, v1;
	v0 =	vadd.f32 v2, v0  }
0x21: {  	v2 =	vld [tilespmem:s0+$0xFFFFFF30]  }
0x22: {  	v44 =	vld [tilespmem:s0+$0xFFFFFF60];
	v1 =	vadd.f32 v3, v1;
	v0 =	vadd.f32 v4, v0  }
0x23: {  	v3 =	vld [tilespmem:s0+$0xFFFFFF50]  }
0x24: {  	v45 =	vld [tilespmem:s0+$0xFFFFFF70];
	v1 =	vadd.f32 v5, v1;
	v0 =	vadd.f32 v6, v0  }
0x25: {  	v46 =	vld [tilespmem:s0+$0xFFFFFF80]  }
0x26: {  	v47 =	vld [tilespmem:s0+$0xFFFFFFA0];
	v1 =	vadd.f32 v2, v1;
	v0 =	vadd.f32 v7, v0  }
0x27: {  	v2 =	vld [tilespmem:s0+$0xFFFFFF90]  }
0x28: {  	v48 =	vld [tilespmem:s0+$0xFFFFFFC0];
	v1 =	vadd.f32 v3, v1;
	v0 =	vadd.f32 v44, v0  }
0x29: {  	v3 =	vld [tilespmem:s0+$0xFFFFFFB0]  }
0x2a: {  	v49 =	vld [tilespmem:s0+$0xFFFFFFD0];
	v1 =	vadd.f32 v45, v1;
	v0 =	vadd.f32 v46, v0  }
0x2b: {  	v50 =	vld [tilespmem:s0+$0xFFFFFFE0]  }
0x2c: {  	v51 =	vld [tilespmem:s0+$0x0];
	v1 =	vadd.f32 v2, v1;
	v0 =	vadd.f32 v47, v0  }
0x2d: {  	v2 =	vld [tilespmem:s0+$0xFFFFFFF0]  }
0x2e: {  	v52 =	vld [tilespmem:s0+$0x20];
	v1 =	vadd.f32 v3, v1;
	v0 =	vadd.f32 v48, v0  }
0x2f: {  	v3 =	vld [tilespmem:s0+$0x10]  }
0x30: {  	v53 =	vld [tilespmem:s0+$0x30];
	v1 =	vadd.f32 v49, v1;
	v0 =	vadd.f32 v50, v0  }
0x31: {  	v54 =	vld [tilespmem:s0+$0x40]  }
0x32: {  	v55 =	vld [tilespmem:s0+$0x60];
	v1 =	vadd.f32 v2, v1;
	v0 =	vadd.f32 v51, v0  }
0x33: {  	v2 =	vld [tilespmem:s0+$0x50]  }
0x34: {  	v56 =	vld [tilespmem:s0+$0x80];
	v1 =	vadd.f32 v3, v1;
	v0 =	vadd.f32 v52, v0  }
0x35: {  	v3 =	vld [tilespmem:s0+$0x70]  }
0x36: {  	v57 =	vld [tilespmem:s0+$0x90];
	v1 =	vadd.f32 v53, v1;
	v0 =	vadd.f32 v54, v0  }
0x37: {  	v58 =	vld [tilespmem:s0+$0xA0]  }
0x38: {  	v59 =	vld [tilespmem:s0+$0xC0];
	v1 =	vadd.f32 v2, v1;
	v0 =	vadd.f32 v55, v0  }
0x39: {  	v2 =	vld [tilespmem:s0+$0xB0]  }
0x3a: {  	v60 =	vld [tilespmem:s0+$0xE0];
	v1 =	vadd.f32 v3, v1;
	v0 =	vadd.f32 v56, v0  }
0x3b: {  	v3 =	vld [tilespmem:s0+$0xD0]  }
0x3c: {  	v61 =	vld [tilespmem:s0+$0xF0];
	v1 =	vadd.f32 v57, v1;
	v0 =	vadd.f32 v58, v0  }
0x3d: {  	v62 =	vld [tilespmem:s0+$0x100]  }
0x3e: {  	v63 =	vld [tilespmem:s0+$0x120];
	v1 =	vadd.f32 v2, v1;
	v0 =	vadd.f32 v59, v0  }
0x3f: {  	v2 =	vld [tilespmem:s0+$0x110]  }
0x40: {  	v1 =	vadd.f32 v3, v1;
	v0 =	vadd.f32 v60, v0  }
0x41: {  	v3 =	vld [tilespmem:s0+$0x130]  }
0x42: {  	v1 =	vadd.f32 v61, v1;
	v0 =	vadd.f32 v62, v0;
	_ =	sdelay $0x1  }
0x43: {  	v1 =	vadd.f32 v2, v1;
	v2 =	vadd.f32 v63, v0  }
0x44: {  	s9 =	simm.s32 $0x0  }
0x45: {  	s1 =	simm.s32 $0x80;
	v0 =	vadd.f32 v3, v1;
	[tilespmem:s9+$0x101D0] =	vst v2  }
.LBB2_2:
0x46: {  	p0 =	sne.s32 s1, $0xF80  }
0x47: {  	[tilespmem:s9+$0x101E0] =	vst v0;
	s0 =	sadd.s32 $0x280, s0;
	s9 =	smov.u32 s1;
	s1 =	sadd.s32 $0x80, s1  }
0x48: {  	v0 =	vld [tilespmem:s0+$0xFFFFFEC0]  }
0x49: {  	v1 =	vld [tilespmem:s0+$0xFFFFFED0]  }
0x4a: {  	v2 =	vld [tilespmem:s0+$0xFFFFFEE0]  }
0x4b: {  	v3 =	vld [tilespmem:s0+$0xFFFFFEF0]  }
0x4c: {  	v4 =	vld [tilespmem:s0+$0xFFFFFF00]  }
0x4d: {  	v0 =	vadd.f32 $0.0e+00, v0;
	v5 =	vld [tilespmem:s0+$0xFFFFFF10]  }
0x4e: {  	v1 =	vadd.f32 $0.0e+00, v1;
	v6 =	vld [tilespmem:s0+$0xFFFFFF20]  }
0x4f: {  	v0 =	vadd.f32 v2, v0;
	v2 =	vld [tilespmem:s0+$0xFFFFFF30]  }
0x50: {  	v1 =	vadd.f32 v3, v1;
	v3 =	vld [tilespmem:s0+$0xFFFFFF40]  }
0x51: {  	v0 =	vadd.f32 v4, v0;
	v4 =	vld [tilespmem:s0+$0xFFFFFF50]  }
0x52: {  	v1 =	vadd.f32 v5, v1;
	v5 =	vld [tilespmem:s0+$0xFFFFFF60]  }
0x53: {  	v0 =	vadd.f32 v6, v0;
	v6 =	vld [tilespmem:s0+$0xFFFFFF70]  }
0x54: {  	v1 =	vadd.f32 v2, v1;
	v2 =	vld [tilespmem:s0+$0xFFFFFF80]  }
0x55: {  	v0 =	vadd.f32 v3, v0;
	v3 =	vld [tilespmem:s0+$0xFFFFFF90]  }
0x56: {  	v1 =	vadd.f32 v4, v1;
	v4 =	vld [tilespmem:s0+$0xFFFFFFA0]  }
0x57: {  	v0 =	vadd.f32 v5, v0;
	v5 =	vld [tilespmem:s0+$0xFFFFFFB0]  }
0x58: {  	v1 =	vadd.f32 v6, v1;
	v6 =	vld [tilespmem:s0+$0xFFFFFFC0]  }
0x59: {  	v0 =	vadd.f32 v2, v0;
	v2 =	vld [tilespmem:s0+$0xFFFFFFD0]  }
0x5a: {  	v1 =	vadd.f32 v3, v1;
	v3 =	vld [tilespmem:s0+$0xFFFFFFE0]  }
0x5b: {  	v0 =	vadd.f32 v4, v0;
	v4 =	vld [tilespmem:s0+$0xFFFFFFF0]  }
0x5c: {  	v1 =	vadd.f32 v5, v1;
	v5 =	vld [tilespmem:s0+$0x0]  }
0x5d: {  	v0 =	vadd.f32 v6, v0;
	v6 =	vld [tilespmem:s0+$0x10]  }
0x5e: {  	v1 =	vadd.f32 v2, v1;
	v2 =	vld [tilespmem:s0+$0x20]  }
0x5f: {  	v0 =	vadd.f32 v3, v0;
	v3 =	vld [tilespmem:s0+$0x30]  }
0x60: {  	v1 =	vadd.f32 v4, v1;
	v4 =	vld [tilespmem:s0+$0x40]  }
0x61: {  	v0 =	vadd.f32 v5, v0;
	v5 =	vld [tilespmem:s0+$0x50]  }
0x62: {  	v1 =	vadd.f32 v6, v1;
	v6 =	vld [tilespmem:s0+$0x60]  }
0x63: {  	v0 =	vadd.f32 v2, v0;
	v2 =	vld [tilespmem:s0+$0x70]  }
0x64: {  	v1 =	vadd.f32 v3, v1;
	v3 =	vld [tilespmem:s0+$0x80]  }
0x65: {  	v0 =	vadd.f32 v4, v0;
	v4 =	vld [tilespmem:s0+$0x90]  }
0x66: {  	v1 =	vadd.f32 v5, v1;
	v5 =	vld [tilespmem:s0+$0xA0]  }
0x67: {  	v0 =	vadd.f32 v6, v0;
	v6 =	vld [tilespmem:s0+$0xB0]  }
0x68: {  	v1 =	vadd.f32 v2, v1;
	v2 =	vld [tilespmem:s0+$0xC0]  }
0x69: {  	v0 =	vadd.f32 v3, v0;
	v3 =	vld [tilespmem:s0+$0xD0]  }
0x6a: {  	v1 =	vadd.f32 v4, v1;
	v4 =	vld [tilespmem:s0+$0xE0]  }
0x6b: {  	v0 =	vadd.f32 v5, v0;
	v5 =	vld [tilespmem:s0+$0xF0]  }
0x6c: {  	v1 =	vadd.f32 v6, v1;
	v6 =	vld [tilespmem:s0+$0x100]  }
0x6d: {  	v0 =	vadd.f32 v2, v0;
	v2 =	vld [tilespmem:s0+$0x110]  }
0x6e: {  	v1 =	vadd.f32 v3, v1;
	v3 =	vld [tilespmem:s0+$0x120]  }
0x6f: {  	v0 =	vadd.f32 v4, v0;
	v4 =	vld [tilespmem:s0+$0x130]  }
0x70: {  	v1 =	vadd.f32 v5, v1  }
.Ltmp0:
0x71: {  	v0 =	vadd.f32 v6, v0;
	(pc) =	sbr.rel @p0 .LBB2_2-.Ltmp0, $4  }
0x72: {  	v1 =	vadd.f32 v2, v1  }
0x73: {  	v2 =	vadd.f32 v3, v0  }
0x74: {  	s9 =	sshra.s32 s9, $0x2;
	v0 =	vadd.f32 v4, v1  }
0x75: {  	[tilespmem:s9+$0x101D0] =	vst v2  }
0x76: {  	[tilespmem:s9+$0x101E0] =	vst v0;
	s31 =	simm.s32 $0x0  }
0x77: {  	[hbm4b:s10+s31] =	stream.linear.scatter [tilespmem:s20], [sflag:$0x5], $0x400, $0x38;
	[tilespmem:$0x11D50] =	vst v63  }
0x78: {  	_ =	swait.ge [sflag:s16], $0x400  }
0x79: {  	[sflag:s16] =	ssyncset.done $0x0  }
0x7a: {  	[sflag:s16] =	ssyncadd.s32 $0xFFFFFC00  }
0x7b: {  	[tilespmem:s31], [sflag:$0x5] =	stream.linear.gather [hbm4b:s11+s31], $0x3E8, $0x38;
	[tilespmem:$0x11D50] =	vst v63  }
0x7c: {  	_ =	swait.ge [sflag:s16], $0x3E8  }
0x7d: {  	[sflag:s16] =	ssyncset.done $0x0  }
0x7e: {  	[sflag:s16] =	ssyncadd.s32 $0xFFFFFC18  }
0x7f: {  	[tilespmem:s18], [sflag:$0x1] =	stream.indirect.gather [hbm4b:s4+s21], $0x20, s31, s21, $0xb8;
	[tilespmem:$0x11D50] =	vst v63  }
.LBB2_4:
0x80: {  	s0 =	smul.u32 $0x64, s31;
	_ =	sdelay $0x1  }
0x81: {  	s1 =	sadd.s32 s0, s12  }
0x82: {  	s9 =	smul.u32 $0x14, s1;
	_ =	sdelay $0x1  }
0x83: {  	s9 =	sshrl.u32 s9, $0x3  }
0x84: {  	s9 =	sadd.s32 s3, s9  }
0x85: {  	[tilespmem:s21], [sflag:$0x5] =	stream.linear.gather [hbm4b:s9+s2], $0x3E8, $0x38;
	[tilespmem:$0x11D50] =	vst v63  }
0x86: {  	_ =	swait.ge [sflag:s16], $0x3E8  }
0x87: {  	[sflag:s16] =	ssyncset.done $0x0  }
0x88: {  	[sflag:s16] =	ssyncadd.s32 $0xFFFFFC18  }
0x89: {  	[tilespmem:s22], [sflag:$0x2] =	stream.indirect.gather [hbm4b:s4+s21], $0x20, s21, s21, $0xb8;
	[tilespmem:$0x11D50] =	vst v63  }
0x8a: {  	_ =	swait.ge [sflag:s19], $0x7D00  }
0x8b: {  	p0 =	seq.s32 s31, $0x0;
	[sflag:s19] =	ssyncset.done $0x0  }
0x8c: {  	s9 =	simm.s32 @!p0 $0x3;
	[sflag:s19] =	ssyncadd.s32 $0xFFFF8300  }
0x8d: {  	_ =	swait.ge @!p0 [sflag:s9], $0x640  }
0x8e: {  	[sflag:s9] =	ssyncset.done @!p0 $0x0  }
0x8f: {  	s17 =	simm.s32 $0x910;
	[sflag:s9] =	ssyncadd.s32 @!p0 $0xFFFFF9C0  }
0x90: {  	v0 =	vld [tilespmem:s17+$0xFFFFFEC0]  }
0x91: {  	v1 =	vld [tilespmem:s17+$0xFFFFFED0]  }
0x92: {  	v2 =	vld [tilespmem:s17+$0xFFFFFEE0]  }
0x93: {  	v3 =	vld [tilespmem:s17+$0xFFFFFEF0]  }
0x94: {  	v4 =	vld [tilespmem:s17+$0xFFFFFF00]  }
0x95: {  	v5 =	vld [tilespmem:s17+$0xFFFFFF10];
	v0 =	vmul.f32 $9.687500000e-01, v0  }
0x96: {  	v6 =	vld [tilespmem:s17+$0xFFFFFF20];
	v1 =	vmul.f32 $9.687500000e-01, v1  }
0x97: {  	v7 =	vld [tilespmem:s17+$0xFFFFFF30];
	v2 =	vmul.f32 $9.218750000e-01, v2;
	v0 =	vadd.f32 $0.0e+00, v0  }
0x98: {  	v8 =	vld [tilespmem:s17+$0xFFFFFF40];
	v3 =	vmul.f32 $9.218750000e-01, v3;
	v1 =	vadd.f32 $0.0e+00, v1  }
0x99: {  	v33 =	vld [tilespmem:s17+$0xFFFFFF50];
	v0 =	vadd.f32 v2, v0;
	v2 =	vmul.f32 $8.750000000e-01, v4  }
0x9a: {  	v34 =	vld [tilespmem:s17+$0xFFFFFF60];
	v1 =	vadd.f32 v3, v1;
	v3 =	vmul.f32 $8.750000000e-01, v5  }
0x9b: {  	v35 =	vld [tilespmem:s17+$0xFFFFFF70];
	v0 =	vadd.f32 v2, v0;
	v2 =	vmul.f32 $8.281250000e-01, v6  }
0x9c: {  	v36 =	vld [tilespmem:s17+$0xFFFFFF80];
	v1 =	vadd.f32 v3, v1;
	v3 =	vmul.f32 $8.281250000e-01, v7  }
0x9d: {  	v37 =	vld [tilespmem:s17+$0xFFFFFF90];
	v0 =	vadd.f32 v2, v0;
	v2 =	vmul.f32 $7.812500000e-01, v8  }
0x9e: {  	v38 =	vld [tilespmem:s17+$0xFFFFFFA0];
	v1 =	vadd.f32 v3, v1;
	v3 =	vmul.f32 $7.812500000e-01, v33  }
0x9f: {  	v39 =	vld [tilespmem:s17+$0xFFFFFFB0];
	v0 =	vadd.f32 v2, v0;
	v2 =	vmul.f32 $7.343750000e-01, v34  }
0xa0: {  	v40 =	vld [tilespmem:s17+$0xFFFFFFC0];
	v1 =	vadd.f32 v3, v1;
	v3 =	vmul.f32 $7.343750000e-01, v35  }
0xa1: {  	v41 =	vld [tilespmem:s17+$0xFFFFFFD0];
	v0 =	vadd.f32 v2, v0;
	v2 =	vmul.f32 $6.875000000e-01, v36  }
0xa2: {  	v42 =	vld [tilespmem:s17+$0xFFFFFFE0];
	v1 =	vadd.f32 v3, v1;
	v3 =	vmul.f32 $6.875000000e-01, v37  }
0xa3: {  	v43 =	vld [tilespmem:s17+$0xFFFFFFF0];
	v0 =	vadd.f32 v2, v0;
	v2 =	vmul.f32 $6.406250000e-01, v38  }
0xa4: {  	v44 =	vld [tilespmem:s17+$0x0];
	v1 =	vadd.f32 v3, v1;
	v3 =	vmul.f32 $6.406250000e-01, v39  }
0xa5: {  	v45 =	vld [tilespmem:s17+$0x10];
	v0 =	vadd.f32 v2, v0;
	v2 =	vmul.f32 $5.937500000e-01, v40  }
0xa6: {  	v46 =	vld [tilespmem:s17+$0x20];
	v1 =	vadd.f32 v3, v1;
	v3 =	vmul.f32 $5.937500000e-01, v41  }
0xa7: {  	v47 =	vld [tilespmem:s17+$0x30];
	v0 =	vadd.f32 v2, v0;
	v2 =	vmul.f32 $5.468750000e-01, v42  }
0xa8: {  	v48 =	vld [tilespmem:s17+$0x40];
	v1 =	vadd.f32 v3, v1;
	v3 =	vmul.f32 $5.468750000e-01, v43  }
0xa9: {  	v49 =	vld [tilespmem:s17+$0x50];
	v0 =	vadd.f32 v2, v0;
	v2 =	vmul.f32 $5.000000000e-01, v44  }
0xaa: {  	v50 =	vld [tilespmem:s17+$0x60];
	v1 =	vadd.f32 v3, v1;
	v3 =	vmul.f32 $5.000000000e-01, v45  }
0xab: {  	v51 =	vld [tilespmem:s17+$0x70];
	v0 =	vadd.f32 v2, v0;
	v2 =	vmul.f32 $4.531250000e-01, v46  }
0xac: {  	v52 =	vld [tilespmem:s17+$0x80];
	v1 =	vadd.f32 v3, v1;
	v3 =	vmul.f32 $4.531250000e-01, v47  }
0xad: {  	v53 =	vld [tilespmem:s17+$0x90];
	v0 =	vadd.f32 v2, v0;
	v2 =	vmul.f32 $4.062500000e-01, v48  }
0xae: {  	v54 =	vld [tilespmem:s17+$0xA0];
	v1 =	vadd.f32 v3, v1;
	v3 =	vmul.f32 $4.062500000e-01, v49  }
0xaf: {  	v55 =	vld [tilespmem:s17+$0xB0];
	v0 =	vadd.f32 v2, v0;
	v2 =	vmul.f32 $3.593750000e-01, v50  }
0xb0: {  	v56 =	vld [tilespmem:s17+$0xC0];
	v1 =	vadd.f32 v3, v1;
	v3 =	vmul.f32 $3.593750000e-01, v51  }
0xb1: {  	v57 =	vld [tilespmem:s17+$0xD0];
	v0 =	vadd.f32 v2, v0;
	v2 =	vmul.f32 $3.125000000e-01, v52  }
0xb2: {  	v58 =	vld [tilespmem:s17+$0xE0];
	v1 =	vadd.f32 v3, v1;
	v3 =	vmul.f32 $3.125000000e-01, v53  }
0xb3: {  	v59 =	vld [tilespmem:s17+$0xF0];
	v0 =	vadd.f32 v2, v0;
	v2 =	vmul.f32 $2.656250000e-01, v54  }
0xb4: {  	v60 =	vld [tilespmem:s17+$0x100];
	v1 =	vadd.f32 v3, v1;
	v3 =	vmul.f32 $2.656250000e-01, v55  }
0xb5: {  	v61 =	vld [tilespmem:s17+$0x110];
	v0 =	vadd.f32 v2, v0;
	v2 =	vmul.f32 $2.187500000e-01, v56  }
0xb6: {  	v62 =	vld [tilespmem:s17+$0x120];
	v1 =	vadd.f32 v3, v1;
	v3 =	vmul.f32 $2.187500000e-01, v57  }
0xb7: {  	v0 =	vadd.f32 v2, v0;
	v2 =	vmul.f32 $1.718750000e-01, v58  }
0xb8: {  	v63 =	vld [tilespmem:s17+$0x130];
	v1 =	vadd.f32 v3, v1;
	v3 =	vmul.f32 $1.718750000e-01, v59  }
0xb9: {  	v0 =	vadd.f32 v2, v0;
	v2 =	vmul.f32 $1.250000000e-01, v60  }
0xba: {  	v1 =	vadd.f32 v3, v1  }
0xbb: {  	v3 =	vmul.f32 $1.250000000e-01, v61;
	v0 =	vadd.f32 v2, v0;
	v2 =	vmul.f32 $7.812500000e-02, v62;
	_ =	sdelay $0x1  }
0xbc: {  	v1 =	vadd.f32 v3, v1;
	v3 =	vmul.f32 $7.812500000e-02, v63;
	v2 =	vadd.f32 v2, v0  }
0xbd: {  	s9 =	simm.s32 $0x0  }
0xbe: {  	s15 =	simm.s32 $0x80;
	v0 =	vadd.f32 v3, v1;
	[tilespmem:s9+$0x10E50] =	vst v2  }
.LBB2_5:
0xbf: {  	p1 =	sne.s32 s15, $0x1880  }
0xc0: {  	[tilespmem:s9+$0x10E60] =	vst v0;
	s17 =	sadd.s32 $0x280, s17;
	s9 =	smov.u32 s15;
	s15 =	sadd.s32 $0x80, s15  }
0xc1: {  	v0 =	vld [tilespmem:s17+$0xFFFFFEC0]  }
0xc2: {  	v1 =	vld [tilespmem:s17+$0xFFFFFED0]  }
0xc3: {  	v2 =	vld [tilespmem:s17+$0xFFFFFEE0]  }
0xc4: {  	v3 =	vld [tilespmem:s17+$0xFFFFFEF0]  }
0xc5: {  	v4 =	vld [tilespmem:s17+$0xFFFFFF00]  }
0xc6: {  	v0 =	vmul.f32 $9.687500000e-01, v0;
	v5 =	vld [tilespmem:s17+$0xFFFFFF10]  }
0xc7: {  	v1 =	vmul.f32 $9.687500000e-01, v1;
	v6 =	vld [tilespmem:s17+$0xFFFFFF20]  }
0xc8: {  	v0 =	vadd.f32 $0.0e+00, v0;
	v2 =	vmul.f32 $9.218750000e-01, v2;
	v7 =	vld [tilespmem:s17+$0xFFFFFF30]  }
0xc9: {  	v1 =	vadd.f32 $0.0e+00, v1;
	v3 =	vmul.f32 $9.218750000e-01, v3;
	v8 =	vld [tilespmem:s17+$0xFFFFFF40]  }
0xca: {  	v0 =	vadd.f32 v2, v0;
	v2 =	vmul.f32 $8.750000000e-01, v4;
	v4 =	vld [tilespmem:s17+$0xFFFFFF50]  }
0xcb: {  	v1 =	vadd.f32 v3, v1;
	v3 =	vmul.f32 $8.750000000e-01, v5;
	v5 =	vld [tilespmem:s17+$0xFFFFFF60]  }
0xcc: {  	v0 =	vadd.f32 v2, v0;
	v2 =	vmul.f32 $8.281250000e-01, v6;
	v6 =	vld [tilespmem:s17+$0xFFFFFF70]  }
0xcd: {  	v1 =	vadd.f32 v3, v1;
	v3 =	vmul.f32 $8.281250000e-01, v7;
	v7 =	vld [tilespmem:s17+$0xFFFFFF80]  }
0xce: {  	v0 =	vadd.f32 v2, v0;
	v2 =	vmul.f32 $7.812500000e-01, v8;
	v8 =	vld [tilespmem:s17+$0xFFFFFF90]  }
0xcf: {  	v1 =	vadd.f32 v3, v1;
	v3 =	vmul.f32 $7.812500000e-01, v4;
	v4 =	vld [tilespmem:s17+$0xFFFFFFA0]  }
0xd0: {  	v0 =	vadd.f32 v2, v0;
	v2 =	vmul.f32 $7.343750000e-01, v5;
	v5 =	vld [tilespmem:s17+$0xFFFFFFB0]  }
0xd1: {  	v1 =	vadd.f32 v3, v1;
	v3 =	vmul.f32 $7.343750000e-01, v6;
	v6 =	vld [tilespmem:s17+$0xFFFFFFC0]  }
0xd2: {  	v0 =	vadd.f32 v2, v0;
	v2 =	vmul.f32 $6.875000000e-01, v7;
	v7 =	vld [tilespmem:s17+$0xFFFFFFD0]  }
0xd3: {  	v1 =	vadd.f32 v3, v1;
	v3 =	vmul.f32 $6.875000000e-01, v8;
	v8 =	vld [tilespmem:s17+$0xFFFFFFE0]  }
0xd4: {  	v0 =	vadd.f32 v2, v0;
	v2 =	vmul.f32 $6.406250000e-01, v4;
	v4 =	vld [tilespmem:s17+$0xFFFFFFF0]  }
0xd5: {  	v1 =	vadd.f32 v3, v1;
	v3 =	vmul.f32 $6.406250000e-01, v5;
	v5 =	vld [tilespmem:s17+$0x0]  }
0xd6: {  	v0 =	vadd.f32 v2, v0;
	v2 =	vmul.f32 $5.937500000e-01, v6;
	v6 =	vld [tilespmem:s17+$0x10]  }
0xd7: {  	v1 =	vadd.f32 v3, v1;
	v3 =	vmul.f32 $5.937500000e-01, v7;
	v7 =	vld [tilespmem:s17+$0x20]  }
0xd8: {  	v0 =	vadd.f32 v2, v0;
	v2 =	vmul.f32 $5.468750000e-01, v8;
	v8 =	vld [tilespmem:s17+$0x30]  }
0xd9: {  	v1 =	vadd.f32 v3, v1;
	v3 =	vmul.f32 $5.468750000e-01, v4;
	v4 =	vld [tilespmem:s17+$0x40]  }
0xda: {  	v0 =	vadd.f32 v2, v0;
	v2 =	vmul.f32 $5.000000000e-01, v5;
	v5 =	vld [tilespmem:s17+$0x50]  }
0xdb: {  	v1 =	vadd.f32 v3, v1;
	v3 =	vmul.f32 $5.000000000e-01, v6;
	v6 =	vld [tilespmem:s17+$0x60]  }
0xdc: {  	v0 =	vadd.f32 v2, v0;
	v2 =	vmul.f32 $4.531250000e-01, v7;
	v7 =	vld [tilespmem:s17+$0x70]  }
0xdd: {  	v1 =	vadd.f32 v3, v1;
	v3 =	vmul.f32 $4.531250000e-01, v8;
	v8 =	vld [tilespmem:s17+$0x80]  }
0xde: {  	v0 =	vadd.f32 v2, v0;
	v2 =	vmul.f32 $4.062500000e-01, v4;
	v4 =	vld [tilespmem:s17+$0x90]  }
0xdf: {  	v1 =	vadd.f32 v3, v1;
	v3 =	vmul.f32 $4.062500000e-01, v5;
	v5 =	vld [tilespmem:s17+$0xA0]  }
0xe0: {  	v0 =	vadd.f32 v2, v0;
	v2 =	vmul.f32 $3.593750000e-01, v6;
	v6 =	vld [tilespmem:s17+$0xB0]  }
0xe1: {  	v1 =	vadd.f32 v3, v1;
	v3 =	vmul.f32 $3.593750000e-01, v7;
	v7 =	vld [tilespmem:s17+$0xC0]  }
0xe2: {  	v0 =	vadd.f32 v2, v0;
	v2 =	vmul.f32 $3.125000000e-01, v8;
	v8 =	vld [tilespmem:s17+$0xD0]  }
0xe3: {  	v1 =	vadd.f32 v3, v1;
	v3 =	vmul.f32 $3.125000000e-01, v4;
	v4 =	vld [tilespmem:s17+$0xE0]  }
0xe4: {  	v0 =	vadd.f32 v2, v0;
	v2 =	vmul.f32 $2.656250000e-01, v5;
	v5 =	vld [tilespmem:s17+$0xF0]  }
0xe5: {  	v1 =	vadd.f32 v3, v1;
	v3 =	vmul.f32 $2.656250000e-01, v6;
	v6 =	vld [tilespmem:s17+$0x100]  }
0xe6: {  	v0 =	vadd.f32 v2, v0;
	v2 =	vmul.f32 $2.187500000e-01, v7;
	v7 =	vld [tilespmem:s17+$0x110]  }
0xe7: {  	v1 =	vadd.f32 v3, v1;
	v3 =	vmul.f32 $2.187500000e-01, v8;
	v8 =	vld [tilespmem:s17+$0x120]  }
0xe8: {  	v0 =	vadd.f32 v2, v0;
	v2 =	vmul.f32 $1.718750000e-01, v4;
	v4 =	vld [tilespmem:s17+$0x130]  }
0xe9: {  	v1 =	vadd.f32 v3, v1;
	v3 =	vmul.f32 $1.718750000e-01, v5  }
0xea: {  	v0 =	vadd.f32 v2, v0;
	v2 =	vmul.f32 $1.250000000e-01, v6  }
0xeb: {  	v1 =	vadd.f32 v3, v1;
	v3 =	vmul.f32 $1.250000000e-01, v7  }
.Ltmp1:
0xec: {  	v0 =	vadd.f32 v2, v0;
	v2 =	vmul.f32 $7.812500000e-02, v8;
	(pc) =	sbr.rel @p1 .LBB2_5-.Ltmp1, $4  }
0xed: {  	v1 =	vadd.f32 v3, v1;
	v3 =	vmul.f32 $7.812500000e-02, v4  }
0xee: {  	v2 =	vadd.f32 v2, v0  }
0xef: {  	s9 =	sshra.s32 s9, $0x2;
	v0 =	vadd.f32 v3, v1  }
0xf0: {  	[tilespmem:s9+$0x10E50] =	vst v2  }
0xf1: {  	p1 =	sne.s32 s31, $0xF  }
.Ltmp2:
0xf2: {  	_ = 	snop;
	(pc) =	sbr.rel @p1 .LBB2_8-.Ltmp2, $4  }
0xf3: {  	s15 =	sadd.s32 s8, s0  }
0xf4: {  	s15 =	sshll.u32 s15, $0x2  }
0xf5: {  	[tilespmem:s9+$0x10E60] =	vst v0;
	s17 =	sadd.s32 s6, s15  }
0xf6: {  	[hbm4b:s17+s2] =	stream.linear.scatter [tilespmem:s23], [sflag:$0x3], $0x640, $0x38;
	[tilespmem:$0x11D50] =	vst v63  }
.Ltmp3:
0xf7: {  	(pc) =	sbr.rel .LBB2_9-.Ltmp3, $4  }
0xf8: {  	_ = 	snop  }
0xf9: {  	_ =	swait.ge [sflag:s24], $0x7D00  }
0xfa: {  	[sflag:s24] =	ssyncset.done $0x0  }
0xfb: {  	[sflag:s24] =	ssyncadd.s32 $0xFFFF8300  }
.LBB2_8:
0xfc: {  	s0 =	sadd.s32 s0, s13  }
0xfd: {  	s0 =	smul.u32 $0x14, s0;
	_ =	sdelay $0x1  }
0xfe: {  	s0 =	sshrl.u32 s0, $0x3  }
0xff: {  	s0 =	sadd.s32 s3, s0  }
0x100: {  	[tilespmem:s2], [sflag:$0x5] =	stream.linear.gather [hbm4b:s0+s2], $0x3E8, $0x38;
	[tilespmem:$0x11D50] =	vst v63  }
0x101: {  	_ =	swait.ge [sflag:s16], $0x3E8  }
0x102: {  	[sflag:s16] =	ssyncset.done $0x0  }
.Ltmp4:
0x103: {  	[sflag:s16] =	ssyncadd.s32 $0xFFFFFC18;
	(pc) =	sbr.rel @p0 .LBB2_10-.Ltmp4, $4  }
0x104: {  	[tilespmem:s18], [sflag:$0x1] =	stream.indirect.gather [hbm4b:s4+s21], $0x20, s2, s21, $0xb8;
	[tilespmem:$0x11D50] =	vst v63  }
0x105: {  	_ =	swait.ge [sflag:s24], $0x7D00  }
0x106: {  	[sflag:s24] =	ssyncset.done $0x0  }
0x107: {  	[sflag:s24] =	ssyncadd.s32 $0xFFFF8300  }
.LBB2_9:
0x108: {  	_ =	swait.ge [sflag:s25], $0x640  }
0x109: {  	[sflag:s25] =	ssyncset.done $0x0  }
0x10a: {  	[sflag:s25] =	ssyncadd.s32 $0xFFFFF9C0  }
.LBB2_10:
0x10b: {  	s0 =	simm.s32 $0x8610  }
0x10c: {  	v0 =	vld [tilespmem:s0+$0xFFFFFEC0]  }
0x10d: {  	v1 =	vld [tilespmem:s0+$0xFFFFFED0]  }
0x10e: {  	v2 =	vld [tilespmem:s0+$0xFFFFFEE0]  }
0x10f: {  	v3 =	vld [tilespmem:s0+$0xFFFFFEF0]  }
0x110: {  	v4 =	vld [tilespmem:s0+$0xFFFFFF00]  }
0x111: {  	v5 =	vld [tilespmem:s0+$0xFFFFFF10];
	v0 =	vmul.f32 $9.687500000e-01, v0  }
0x112: {  	v6 =	vld [tilespmem:s0+$0xFFFFFF20];
	v1 =	vmul.f32 $9.687500000e-01, v1  }
0x113: {  	v7 =	vld [tilespmem:s0+$0xFFFFFF30];
	v2 =	vmul.f32 $9.218750000e-01, v2;
	v0 =	vadd.f32 $0.0e+00, v0  }
0x114: {  	v8 =	vld [tilespmem:s0+$0xFFFFFF40];
	v3 =	vmul.f32 $9.218750000e-01, v3;
	v1 =	vadd.f32 $0.0e+00, v1  }
0x115: {  	v33 =	vld [tilespmem:s0+$0xFFFFFF50];
	v0 =	vadd.f32 v2, v0;
	v2 =	vmul.f32 $8.750000000e-01, v4  }
0x116: {  	v34 =	vld [tilespmem:s0+$0xFFFFFF60];
	v1 =	vadd.f32 v3, v1;
	v3 =	vmul.f32 $8.750000000e-01, v5  }
0x117: {  	v35 =	vld [tilespmem:s0+$0xFFFFFF70];
	v0 =	vadd.f32 v2, v0;
	v2 =	vmul.f32 $8.281250000e-01, v6  }
0x118: {  	v36 =	vld [tilespmem:s0+$0xFFFFFF80];
	v1 =	vadd.f32 v3, v1;
	v3 =	vmul.f32 $8.281250000e-01, v7  }
0x119: {  	v37 =	vld [tilespmem:s0+$0xFFFFFF90];
	v0 =	vadd.f32 v2, v0;
	v2 =	vmul.f32 $7.812500000e-01, v8  }
0x11a: {  	v38 =	vld [tilespmem:s0+$0xFFFFFFA0];
	v1 =	vadd.f32 v3, v1;
	v3 =	vmul.f32 $7.812500000e-01, v33  }
0x11b: {  	v39 =	vld [tilespmem:s0+$0xFFFFFFB0];
	v0 =	vadd.f32 v2, v0;
	v2 =	vmul.f32 $7.343750000e-01, v34  }
0x11c: {  	v40 =	vld [tilespmem:s0+$0xFFFFFFC0];
	v1 =	vadd.f32 v3, v1;
	v3 =	vmul.f32 $7.343750000e-01, v35  }
0x11d: {  	v41 =	vld [tilespmem:s0+$0xFFFFFFD0];
	v0 =	vadd.f32 v2, v0;
	v2 =	vmul.f32 $6.875000000e-01, v36  }
0x11e: {  	v42 =	vld [tilespmem:s0+$0xFFFFFFE0];
	v1 =	vadd.f32 v3, v1;
	v3 =	vmul.f32 $6.875000000e-01, v37  }
0x11f: {  	v43 =	vld [tilespmem:s0+$0xFFFFFFF0];
	v0 =	vadd.f32 v2, v0;
	v2 =	vmul.f32 $6.406250000e-01, v38  }
0x120: {  	v44 =	vld [tilespmem:s0+$0x0];
	v1 =	vadd.f32 v3, v1;
	v3 =	vmul.f32 $6.406250000e-01, v39  }
0x121: {  	v45 =	vld [tilespmem:s0+$0x10];
	v0 =	vadd.f32 v2, v0;
	v2 =	vmul.f32 $5.937500000e-01, v40  }
0x122: {  	v46 =	vld [tilespmem:s0+$0x20];
	v1 =	vadd.f32 v3, v1;
	v3 =	vmul.f32 $5.937500000e-01, v41  }
0x123: {  	v47 =	vld [tilespmem:s0+$0x30];
	v0 =	vadd.f32 v2, v0;
	v2 =	vmul.f32 $5.468750000e-01, v42  }
0x124: {  	v48 =	vld [tilespmem:s0+$0x40];
	v1 =	vadd.f32 v3, v1;
	v3 =	vmul.f32 $5.468750000e-01, v43  }
0x125: {  	v49 =	vld [tilespmem:s0+$0x50];
	v0 =	vadd.f32 v2, v0;
	v2 =	vmul.f32 $5.000000000e-01, v44  }
0x126: {  	v50 =	vld [tilespmem:s0+$0x60];
	v1 =	vadd.f32 v3, v1;
	v3 =	vmul.f32 $5.000000000e-01, v45  }
0x127: {  	v51 =	vld [tilespmem:s0+$0x70];
	v0 =	vadd.f32 v2, v0;
	v2 =	vmul.f32 $4.531250000e-01, v46  }
0x128: {  	v52 =	vld [tilespmem:s0+$0x80];
	v1 =	vadd.f32 v3, v1;
	v3 =	vmul.f32 $4.531250000e-01, v47  }
0x129: {  	v53 =	vld [tilespmem:s0+$0x90];
	v0 =	vadd.f32 v2, v0;
	v2 =	vmul.f32 $4.062500000e-01, v48  }
0x12a: {  	v54 =	vld [tilespmem:s0+$0xA0];
	v1 =	vadd.f32 v3, v1;
	v3 =	vmul.f32 $4.062500000e-01, v49  }
0x12b: {  	v55 =	vld [tilespmem:s0+$0xB0];
	v0 =	vadd.f32 v2, v0;
	v2 =	vmul.f32 $3.593750000e-01, v50  }
0x12c: {  	v56 =	vld [tilespmem:s0+$0xC0];
	v1 =	vadd.f32 v3, v1;
	v3 =	vmul.f32 $3.593750000e-01, v51  }
0x12d: {  	v57 =	vld [tilespmem:s0+$0xD0];
	v0 =	vadd.f32 v2, v0;
	v2 =	vmul.f32 $3.125000000e-01, v52  }
0x12e: {  	v58 =	vld [tilespmem:s0+$0xE0];
	v1 =	vadd.f32 v3, v1;
	v3 =	vmul.f32 $3.125000000e-01, v53  }
0x12f: {  	v59 =	vld [tilespmem:s0+$0xF0];
	v0 =	vadd.f32 v2, v0;
	v2 =	vmul.f32 $2.656250000e-01, v54  }
0x130: {  	v60 =	vld [tilespmem:s0+$0x100];
	v1 =	vadd.f32 v3, v1;
	v3 =	vmul.f32 $2.656250000e-01, v55  }
0x131: {  	v61 =	vld [tilespmem:s0+$0x110];
	v0 =	vadd.f32 v2, v0;
	v2 =	vmul.f32 $2.187500000e-01, v56  }
0x132: {  	v62 =	vld [tilespmem:s0+$0x120];
	v1 =	vadd.f32 v3, v1;
	v3 =	vmul.f32 $2.187500000e-01, v57  }
0x133: {  	v0 =	vadd.f32 v2, v0;
	v2 =	vmul.f32 $1.718750000e-01, v58  }
0x134: {  	v63 =	vld [tilespmem:s0+$0x130];
	v1 =	vadd.f32 v3, v1;
	v3 =	vmul.f32 $1.718750000e-01, v59  }
0x135: {  	v0 =	vadd.f32 v2, v0;
	v2 =	vmul.f32 $1.250000000e-01, v60  }
0x136: {  	v1 =	vadd.f32 v3, v1  }
0x137: {  	v3 =	vmul.f32 $1.250000000e-01, v61;
	v0 =	vadd.f32 v2, v0;
	v2 =	vmul.f32 $7.812500000e-02, v62;
	_ =	sdelay $0x1  }
0x138: {  	v1 =	vadd.f32 v3, v1;
	v3 =	vmul.f32 $7.812500000e-02, v63;
	v2 =	vadd.f32 v2, v0  }
0x139: {  	s9 =	simm.s32 $0x0  }
0x13a: {  	s15 =	simm.s32 $0x80;
	v0 =	vadd.f32 v3, v1;
	[tilespmem:s9+$0x11490] =	vst v2  }
.LBB2_11:
0x13b: {  	p0 =	sne.s32 s15, $0x1880  }
0x13c: {  	[tilespmem:s9+$0x114A0] =	vst v0;
	s0 =	sadd.s32 $0x280, s0;
	s9 =	smov.u32 s15;
	s15 =	sadd.s32 $0x80, s15  }
0x13d: {  	v0 =	vld [tilespmem:s0+$0xFFFFFEC0]  }
0x13e: {  	v1 =	vld [tilespmem:s0+$0xFFFFFED0]  }
0x13f: {  	v2 =	vld [tilespmem:s0+$0xFFFFFEE0]  }
0x140: {  	v3 =	vld [tilespmem:s0+$0xFFFFFEF0]  }
0x141: {  	v4 =	vld [tilespmem:s0+$0xFFFFFF00]  }
0x142: {  	v0 =	vmul.f32 $9.687500000e-01, v0;
	v5 =	vld [tilespmem:s0+$0xFFFFFF10]  }
0x143: {  	v1 =	vmul.f32 $9.687500000e-01, v1;
	v6 =	vld [tilespmem:s0+$0xFFFFFF20]  }
0x144: {  	v0 =	vadd.f32 $0.0e+00, v0;
	v2 =	vmul.f32 $9.218750000e-01, v2;
	v7 =	vld [tilespmem:s0+$0xFFFFFF30]  }
0x145: {  	v1 =	vadd.f32 $0.0e+00, v1;
	v3 =	vmul.f32 $9.218750000e-01, v3;
	v8 =	vld [tilespmem:s0+$0xFFFFFF40]  }
0x146: {  	v0 =	vadd.f32 v2, v0;
	v2 =	vmul.f32 $8.750000000e-01, v4;
	v4 =	vld [tilespmem:s0+$0xFFFFFF50]  }
0x147: {  	v1 =	vadd.f32 v3, v1;
	v3 =	vmul.f32 $8.750000000e-01, v5;
	v5 =	vld [tilespmem:s0+$0xFFFFFF60]  }
0x148: {  	v0 =	vadd.f32 v2, v0;
	v2 =	vmul.f32 $8.281250000e-01, v6;
	v6 =	vld [tilespmem:s0+$0xFFFFFF70]  }
0x149: {  	v1 =	vadd.f32 v3, v1;
	v3 =	vmul.f32 $8.281250000e-01, v7;
	v7 =	vld [tilespmem:s0+$0xFFFFFF80]  }
0x14a: {  	v0 =	vadd.f32 v2, v0;
	v2 =	vmul.f32 $7.812500000e-01, v8;
	v8 =	vld [tilespmem:s0+$0xFFFFFF90]  }
0x14b: {  	v1 =	vadd.f32 v3, v1;
	v3 =	vmul.f32 $7.812500000e-01, v4;
	v4 =	vld [tilespmem:s0+$0xFFFFFFA0]  }
0x14c: {  	v0 =	vadd.f32 v2, v0;
	v2 =	vmul.f32 $7.343750000e-01, v5;
	v5 =	vld [tilespmem:s0+$0xFFFFFFB0]  }
0x14d: {  	v1 =	vadd.f32 v3, v1;
	v3 =	vmul.f32 $7.343750000e-01, v6;
	v6 =	vld [tilespmem:s0+$0xFFFFFFC0]  }
0x14e: {  	v0 =	vadd.f32 v2, v0;
	v2 =	vmul.f32 $6.875000000e-01, v7;
	v7 =	vld [tilespmem:s0+$0xFFFFFFD0]  }
0x14f: {  	v1 =	vadd.f32 v3, v1;
	v3 =	vmul.f32 $6.875000000e-01, v8;
	v8 =	vld [tilespmem:s0+$0xFFFFFFE0]  }
0x150: {  	v0 =	vadd.f32 v2, v0;
	v2 =	vmul.f32 $6.406250000e-01, v4;
	v4 =	vld [tilespmem:s0+$0xFFFFFFF0]  }
0x151: {  	v1 =	vadd.f32 v3, v1;
	v3 =	vmul.f32 $6.406250000e-01, v5;
	v5 =	vld [tilespmem:s0+$0x0]  }
0x152: {  	v0 =	vadd.f32 v2, v0;
	v2 =	vmul.f32 $5.937500000e-01, v6;
	v6 =	vld [tilespmem:s0+$0x10]  }
0x153: {  	v1 =	vadd.f32 v3, v1;
	v3 =	vmul.f32 $5.937500000e-01, v7;
	v7 =	vld [tilespmem:s0+$0x20]  }
0x154: {  	v0 =	vadd.f32 v2, v0;
	v2 =	vmul.f32 $5.468750000e-01, v8;
	v8 =	vld [tilespmem:s0+$0x30]  }
0x155: {  	v1 =	vadd.f32 v3, v1;
	v3 =	vmul.f32 $5.468750000e-01, v4;
	v4 =	vld [tilespmem:s0+$0x40]  }
0x156: {  	v0 =	vadd.f32 v2, v0;
	v2 =	vmul.f32 $5.000000000e-01, v5;
	v5 =	vld [tilespmem:s0+$0x50]  }
0x157: {  	v1 =	vadd.f32 v3, v1;
	v3 =	vmul.f32 $5.000000000e-01, v6;
	v6 =	vld [tilespmem:s0+$0x60]  }
0x158: {  	v0 =	vadd.f32 v2, v0;
	v2 =	vmul.f32 $4.531250000e-01, v7;
	v7 =	vld [tilespmem:s0+$0x70]  }
0x159: {  	v1 =	vadd.f32 v3, v1;
	v3 =	vmul.f32 $4.531250000e-01, v8;
	v8 =	vld [tilespmem:s0+$0x80]  }
0x15a: {  	v0 =	vadd.f32 v2, v0;
	v2 =	vmul.f32 $4.062500000e-01, v4;
	v4 =	vld [tilespmem:s0+$0x90]  }
0x15b: {  	v1 =	vadd.f32 v3, v1;
	v3 =	vmul.f32 $4.062500000e-01, v5;
	v5 =	vld [tilespmem:s0+$0xA0]  }
0x15c: {  	v0 =	vadd.f32 v2, v0;
	v2 =	vmul.f32 $3.593750000e-01, v6;
	v6 =	vld [tilespmem:s0+$0xB0]  }
0x15d: {  	v1 =	vadd.f32 v3, v1;
	v3 =	vmul.f32 $3.593750000e-01, v7;
	v7 =	vld [tilespmem:s0+$0xC0]  }
0x15e: {  	v0 =	vadd.f32 v2, v0;
	v2 =	vmul.f32 $3.125000000e-01, v8;
	v8 =	vld [tilespmem:s0+$0xD0]  }
0x15f: {  	v1 =	vadd.f32 v3, v1;
	v3 =	vmul.f32 $3.125000000e-01, v4;
	v4 =	vld [tilespmem:s0+$0xE0]  }
0x160: {  	v0 =	vadd.f32 v2, v0;
	v2 =	vmul.f32 $2.656250000e-01, v5;
	v5 =	vld [tilespmem:s0+$0xF0]  }
0x161: {  	v1 =	vadd.f32 v3, v1;
	v3 =	vmul.f32 $2.656250000e-01, v6;
	v6 =	vld [tilespmem:s0+$0x100]  }
0x162: {  	v0 =	vadd.f32 v2, v0;
	v2 =	vmul.f32 $2.187500000e-01, v7;
	v7 =	vld [tilespmem:s0+$0x110]  }
0x163: {  	v1 =	vadd.f32 v3, v1;
	v3 =	vmul.f32 $2.187500000e-01, v8;
	v8 =	vld [tilespmem:s0+$0x120]  }
0x164: {  	v0 =	vadd.f32 v2, v0;
	v2 =	vmul.f32 $1.718750000e-01, v4;
	v4 =	vld [tilespmem:s0+$0x130]  }
0x165: {  	v1 =	vadd.f32 v3, v1;
	v3 =	vmul.f32 $1.718750000e-01, v5  }
0x166: {  	v0 =	vadd.f32 v2, v0;
	v2 =	vmul.f32 $1.250000000e-01, v6  }
0x167: {  	v1 =	vadd.f32 v3, v1;
	v3 =	vmul.f32 $1.250000000e-01, v7  }
.Ltmp5:
0x168: {  	v0 =	vadd.f32 v2, v0;
	v2 =	vmul.f32 $7.812500000e-02, v8;
	(pc) =	sbr.rel @p0 .LBB2_11-.Ltmp5, $4  }
0x169: {  	v1 =	vadd.f32 v3, v1;
	v3 =	vmul.f32 $7.812500000e-02, v4  }
0x16a: {  	v2 =	vadd.f32 v2, v0  }
0x16b: {  	s9 =	sshra.s32 s9, $0x2;
	v0 =	vadd.f32 v3, v1  }
0x16c: {  	[tilespmem:s9+$0x11490] =	vst v2  }
0x16d: {  	s31 =	sadd.s32 $0x1, s31  }
0x16e: {  	p0 =	sne.s32 s31, $0x10  }
.Ltmp6:
0x16f: {  	_ = 	snop;
	(pc) =	sbr.rel @p0 .LBB2_4-.Ltmp6, $4  }
0x170: {  	s0 =	sshll.u32 s1, $0x2  }
0x171: {  	s0 =	sand.u32 $0x1FFFFFF8, s0  }
0x172: {  	[tilespmem:s9+$0x114A0] =	vst v0;
	s0 =	sadd.s32 s6, s0  }
0x173: {  	[hbm4b:s0+s2] =	stream.linear.scatter [tilespmem:s26], [sflag:$0x4], $0x640, $0x38;
	[tilespmem:$0x11D50] =	vst v63  }
0x174: {  	_ =	swait.ge [sflag:s28], $0x640  }
0x175: {  	[sflag:s28] =	ssyncset.done $0x0  }
0x176: {  	[sflag:s28] =	ssyncadd.s32 $0xFFFFF9C0  }
0x177: {  	_ =	swait.ge [sflag:s25], $0x640  }
0x178: {  	[sflag:s25] =	ssyncset.done $0x0  }
0x179: {  	s1 =	simm.s32 $0x0;
	[sflag:s25] =	ssyncadd.s32 $0xFFFFF9C0  }
0x17a: {  	[tilespmem:s1], [sflag:$0x5] =	stream.linear.gather [hbm4b:s11+s1], $0x3E8, $0x38;
	[tilespmem:$0x11D50] =	vst v63  }
0x17b: {  	_ =	swait.ge [sflag:s16], $0x3E8  }
0x17c: {  	[sflag:s16] =	ssyncset.done $0x0  }
0x17d: {  	[sflag:s16] =	ssyncadd.s32 $0xFFFFFC18  }
0x17e: {  	[tilespmem:s18], [sflag:$0x1] =	stream.indirect.gather [hbm4b:s5+s21], $0x20, s1, s21, $0xb8;
	[tilespmem:$0x11D50] =	vst v63  }
.LBB2_14:
0x17f: {  	s0 =	smul.u32 $0x64, s1;
	_ =	sdelay $0x1  }
0x180: {  	s31 =	sadd.s32 s0, s12  }
0x181: {  	s9 =	smul.u32 $0x14, s31;
	_ =	sdelay $0x1  }
0x182: {  	s9 =	sshrl.u32 s9, $0x3  }
0x183: {  	s9 =	sadd.s32 s3, s9  }
0x184: {  	[tilespmem:s21], [sflag:$0x5] =	stream.linear.gather [hbm4b:s9+s2], $0x3E8, $0x38;
	[tilespmem:$0x11D50] =	vst v63  }
0x185: {  	_ =	swait.ge [sflag:s16], $0x3E8  }
0x186: {  	[sflag:s16] =	ssyncset.done $0x0  }
0x187: {  	[sflag:s16] =	ssyncadd.s32 $0xFFFFFC18  }
0x188: {  	[tilespmem:s22], [sflag:$0x2] =	stream.indirect.gather [hbm4b:s5+s21], $0x20, s21, s21, $0xb8;
	[tilespmem:$0x11D50] =	vst v63  }
0x189: {  	_ =	swait.ge [sflag:s19], $0x7D00  }
0x18a: {  	p0 =	seq.s32 s1, $0x0;
	[sflag:s19] =	ssyncset.done $0x0  }
0x18b: {  	s9 =	simm.s32 @!p0 $0x3;
	[sflag:s19] =	ssyncadd.s32 $0xFFFF8300  }
0x18c: {  	_ =	swait.ge @!p0 [sflag:s9], $0x640  }
0x18d: {  	[sflag:s9] =	ssyncset.done @!p0 $0x0  }
0x18e: {  	s17 =	simm.s32 $0x910;
	[sflag:s9] =	ssyncadd.s32 @!p0 $0xFFFFF9C0  }
0x18f: {  	v0 =	vld [tilespmem:s17+$0xFFFFFEC0]  }
0x190: {  	v1 =	vld [tilespmem:s17+$0xFFFFFED0]  }
0x191: {  	v2 =	vld [tilespmem:s17+$0xFFFFFEE0]  }
0x192: {  	v3 =	vld [tilespmem:s17+$0xFFFFFEF0]  }
0x193: {  	v4 =	vld [tilespmem:s17+$0xFFFFFF00]  }
0x194: {  	v5 =	vld [tilespmem:s17+$0xFFFFFF10];
	v0 =	vadd.f32 $0.0e+00, v0  }
0x195: {  	v6 =	vld [tilespmem:s17+$0xFFFFFF20]  }
0x196: {  	v7 =	vld [tilespmem:s17+$0xFFFFFF40];
	v1 =	vadd.f32 $0.0e+00, v1;
	v0 =	vadd.f32 v2, v0  }
0x197: {  	v2 =	vld [tilespmem:s17+$0xFFFFFF30]  }
0x198: {  	v44 =	vld [tilespmem:s17+$0xFFFFFF60];
	v1 =	vadd.f32 v3, v1;
	v0 =	vadd.f32 v4, v0  }
0x199: {  	v3 =	vld [tilespmem:s17+$0xFFFFFF50]  }
0x19a: {  	v45 =	vld [tilespmem:s17+$0xFFFFFF70];
	v1 =	vadd.f32 v5, v1;
	v0 =	vadd.f32 v6, v0  }
0x19b: {  	v46 =	vld [tilespmem:s17+$0xFFFFFF80]  }
0x19c: {  	v47 =	vld [tilespmem:s17+$0xFFFFFFA0];
	v1 =	vadd.f32 v2, v1;
	v0 =	vadd.f32 v7, v0  }
0x19d: {  	v2 =	vld [tilespmem:s17+$0xFFFFFF90]  }
0x19e: {  	v48 =	vld [tilespmem:s17+$0xFFFFFFC0];
	v1 =	vadd.f32 v3, v1;
	v0 =	vadd.f32 v44, v0  }
0x19f: {  	v3 =	vld [tilespmem:s17+$0xFFFFFFB0]  }
0x1a0: {  	v49 =	vld [tilespmem:s17+$0xFFFFFFD0];
	v1 =	vadd.f32 v45, v1;
	v0 =	vadd.f32 v46, v0  }
0x1a1: {  	v50 =	vld [tilespmem:s17+$0xFFFFFFE0]  }
0x1a2: {  	v51 =	vld [tilespmem:s17+$0x0];
	v1 =	vadd.f32 v2, v1;
	v0 =	vadd.f32 v47, v0  }
0x1a3: {  	v2 =	vld [tilespmem:s17+$0xFFFFFFF0]  }
0x1a4: {  	v52 =	vld [tilespmem:s17+$0x20];
	v1 =	vadd.f32 v3, v1;
	v0 =	vadd.f32 v48, v0  }
0x1a5: {  	v3 =	vld [tilespmem:s17+$0x10]  }
0x1a6: {  	v53 =	vld [tilespmem:s17+$0x30];
	v1 =	vadd.f32 v49, v1;
	v0 =	vadd.f32 v50, v0  }
0x1a7: {  	v54 =	vld [tilespmem:s17+$0x40]  }
0x1a8: {  	v55 =	vld [tilespmem:s17+$0x60];
	v1 =	vadd.f32 v2, v1;
	v0 =	vadd.f32 v51, v0  }
0x1a9: {  	v2 =	vld [tilespmem:s17+$0x50]  }
0x1aa: {  	v56 =	vld [tilespmem:s17+$0x80];
	v1 =	vadd.f32 v3, v1;
	v0 =	vadd.f32 v52, v0  }
0x1ab: {  	v3 =	vld [tilespmem:s17+$0x70]  }
0x1ac: {  	v57 =	vld [tilespmem:s17+$0x90];
	v1 =	vadd.f32 v53, v1;
	v0 =	vadd.f32 v54, v0  }
0x1ad: {  	v58 =	vld [tilespmem:s17+$0xA0]  }
0x1ae: {  	v59 =	vld [tilespmem:s17+$0xC0];
	v1 =	vadd.f32 v2, v1;
	v0 =	vadd.f32 v55, v0  }
0x1af: {  	v2 =	vld [tilespmem:s17+$0xB0]  }
0x1b0: {  	v60 =	vld [tilespmem:s17+$0xE0];
	v1 =	vadd.f32 v3, v1;
	v0 =	vadd.f32 v56, v0  }
0x1b1: {  	v3 =	vld [tilespmem:s17+$0xD0]  }
0x1b2: {  	v61 =	vld [tilespmem:s17+$0xF0];
	v1 =	vadd.f32 v57, v1;
	v0 =	vadd.f32 v58, v0  }
0x1b3: {  	v62 =	vld [tilespmem:s17+$0x100]  }
0x1b4: {  	v63 =	vld [tilespmem:s17+$0x120];
	v1 =	vadd.f32 v2, v1;
	v0 =	vadd.f32 v59, v0  }
0x1b5: {  	v2 =	vld [tilespmem:s17+$0x110]  }
0x1b6: {  	v1 =	vadd.f32 v3, v1;
	v0 =	vadd.f32 v60, v0  }
0x1b7: {  	v3 =	vld [tilespmem:s17+$0x130]  }
0x1b8: {  	v1 =	vadd.f32 v61, v1;
	v0 =	vadd.f32 v62, v0;
	_ =	sdelay $0x1  }
0x1b9: {  	v1 =	vadd.f32 v2, v1;
	v2 =	vadd.f32 v63, v0  }
0x1ba: {  	s15 =	simm.s32 $0x0  }
0x1bb: {  	s9 =	simm.s32 $0x80;
	v0 =	vadd.f32 v3, v1;
	[tilespmem:s15+$0x101D0] =	vst v2  }
.LBB2_15:
0x1bc: {  	p1 =	sne.s32 s9, $0x1880  }
0x1bd: {  	[tilespmem:s15+$0x101E0] =	vst v0;
	s17 =	sadd.s32 $0x280, s17;
	s15 =	smov.u32 s9;
	s9 =	sadd.s32 $0x80, s9  }
0x1be: {  	v0 =	vld [tilespmem:s17+$0xFFFFFEC0]  }
0x1bf: {  	v1 =	vld [tilespmem:s17+$0xFFFFFED0]  }
0x1c0: {  	v2 =	vld [tilespmem:s17+$0xFFFFFEE0]  }
0x1c1: {  	v3 =	vld [tilespmem:s17+$0xFFFFFEF0]  }
0x1c2: {  	v4 =	vld [tilespmem:s17+$0xFFFFFF00]  }
0x1c3: {  	v0 =	vadd.f32 $0.0e+00, v0;
	v5 =	vld [tilespmem:s17+$0xFFFFFF10]  }
0x1c4: {  	v1 =	vadd.f32 $0.0e+00, v1;
	v6 =	vld [tilespmem:s17+$0xFFFFFF20]  }
0x1c5: {  	v0 =	vadd.f32 v2, v0;
	v2 =	vld [tilespmem:s17+$0xFFFFFF30]  }
0x1c6: {  	v1 =	vadd.f32 v3, v1;
	v3 =	vld [tilespmem:s17+$0xFFFFFF40]  }
0x1c7: {  	v0 =	vadd.f32 v4, v0;
	v4 =	vld [tilespmem:s17+$0xFFFFFF50]  }
0x1c8: {  	v1 =	vadd.f32 v5, v1;
	v5 =	vld [tilespmem:s17+$0xFFFFFF60]  }
0x1c9: {  	v0 =	vadd.f32 v6, v0;
	v6 =	vld [tilespmem:s17+$0xFFFFFF70]  }
0x1ca: {  	v1 =	vadd.f32 v2, v1;
	v2 =	vld [tilespmem:s17+$0xFFFFFF80]  }
0x1cb: {  	v0 =	vadd.f32 v3, v0;
	v3 =	vld [tilespmem:s17+$0xFFFFFF90]  }
0x1cc: {  	v1 =	vadd.f32 v4, v1;
	v4 =	vld [tilespmem:s17+$0xFFFFFFA0]  }
0x1cd: {  	v0 =	vadd.f32 v5, v0;
	v5 =	vld [tilespmem:s17+$0xFFFFFFB0]  }
0x1ce: {  	v1 =	vadd.f32 v6, v1;
	v6 =	vld [tilespmem:s17+$0xFFFFFFC0]  }
0x1cf: {  	v0 =	vadd.f32 v2, v0;
	v2 =	vld [tilespmem:s17+$0xFFFFFFD0]  }
0x1d0: {  	v1 =	vadd.f32 v3, v1;
	v3 =	vld [tilespmem:s17+$0xFFFFFFE0]  }
0x1d1: {  	v0 =	vadd.f32 v4, v0;
	v4 =	vld [tilespmem:s17+$0xFFFFFFF0]  }
0x1d2: {  	v1 =	vadd.f32 v5, v1;
	v5 =	vld [tilespmem:s17+$0x0]  }
0x1d3: {  	v0 =	vadd.f32 v6, v0;
	v6 =	vld [tilespmem:s17+$0x10]  }
0x1d4: {  	v1 =	vadd.f32 v2, v1;
	v2 =	vld [tilespmem:s17+$0x20]  }
0x1d5: {  	v0 =	vadd.f32 v3, v0;
	v3 =	vld [tilespmem:s17+$0x30]  }
0x1d6: {  	v1 =	vadd.f32 v4, v1;
	v4 =	vld [tilespmem:s17+$0x40]  }
0x1d7: {  	v0 =	vadd.f32 v5, v0;
	v5 =	vld [tilespmem:s17+$0x50]  }
0x1d8: {  	v1 =	vadd.f32 v6, v1;
	v6 =	vld [tilespmem:s17+$0x60]  }
0x1d9: {  	v0 =	vadd.f32 v2, v0;
	v2 =	vld [tilespmem:s17+$0x70]  }
0x1da: {  	v1 =	vadd.f32 v3, v1;
	v3 =	vld [tilespmem:s17+$0x80]  }
0x1db: {  	v0 =	vadd.f32 v4, v0;
	v4 =	vld [tilespmem:s17+$0x90]  }
0x1dc: {  	v1 =	vadd.f32 v5, v1;
	v5 =	vld [tilespmem:s17+$0xA0]  }
0x1dd: {  	v0 =	vadd.f32 v6, v0;
	v6 =	vld [tilespmem:s17+$0xB0]  }
0x1de: {  	v1 =	vadd.f32 v2, v1;
	v2 =	vld [tilespmem:s17+$0xC0]  }
0x1df: {  	v0 =	vadd.f32 v3, v0;
	v3 =	vld [tilespmem:s17+$0xD0]  }
0x1e0: {  	v1 =	vadd.f32 v4, v1;
	v4 =	vld [tilespmem:s17+$0xE0]  }
0x1e1: {  	v0 =	vadd.f32 v5, v0;
	v5 =	vld [tilespmem:s17+$0xF0]  }
0x1e2: {  	v1 =	vadd.f32 v6, v1;
	v6 =	vld [tilespmem:s17+$0x100]  }
0x1e3: {  	v0 =	vadd.f32 v2, v0;
	v2 =	vld [tilespmem:s17+$0x110]  }
0x1e4: {  	v1 =	vadd.f32 v3, v1;
	v3 =	vld [tilespmem:s17+$0x120]  }
0x1e5: {  	v0 =	vadd.f32 v4, v0;
	v4 =	vld [tilespmem:s17+$0x130]  }
0x1e6: {  	v1 =	vadd.f32 v5, v1  }
.Ltmp7:
0x1e7: {  	v0 =	vadd.f32 v6, v0;
	(pc) =	sbr.rel @p1 .LBB2_15-.Ltmp7, $4  }
0x1e8: {  	v1 =	vadd.f32 v2, v1  }
0x1e9: {  	v2 =	vadd.f32 v3, v0  }
0x1ea: {  	s15 =	sshra.s32 s15, $0x2;
	v0 =	vadd.f32 v4, v1  }
0x1eb: {  	[tilespmem:s15+$0x101D0] =	vst v2  }
0x1ec: {  	p1 =	sne.s32 s1, $0xF  }
.Ltmp8:
0x1ed: {  	_ = 	snop;
	(pc) =	sbr.rel @p1 .LBB2_18-.Ltmp8, $4  }
0x1ee: {  	s9 =	sadd.s32 s8, s0  }
0x1ef: {  	s9 =	sshll.u32 s9, $0x2  }
0x1f0: {  	[tilespmem:s15+$0x101E0] =	vst v0;
	s9 =	sadd.s32 s7, s9  }
0x1f1: {  	[hbm4b:s9+s2] =	stream.linear.scatter [tilespmem:s20], [sflag:$0x3], $0x640, $0x38;
	[tilespmem:$0x11D50] =	vst v63  }
.Ltmp9:
0x1f2: {  	(pc) =	sbr.rel .LBB2_19-.Ltmp9, $4  }
0x1f3: {  	_ = 	snop  }
0x1f4: {  	_ =	swait.ge [sflag:s24], $0x7D00  }
0x1f5: {  	[sflag:s24] =	ssyncset.done $0x0  }
0x1f6: {  	[sflag:s24] =	ssyncadd.s32 $0xFFFF8300  }
.LBB2_18:
0x1f7: {  	s0 =	sadd.s32 s0, s13  }
0x1f8: {  	s0 =	smul.u32 $0x14, s0;
	_ =	sdelay $0x1  }
0x1f9: {  	s0 =	sshrl.u32 s0, $0x3  }
0x1fa: {  	s0 =	sadd.s32 s3, s0  }
0x1fb: {  	[tilespmem:s2], [sflag:$0x5] =	stream.linear.gather [hbm4b:s0+s2], $0x3E8, $0x38;
	[tilespmem:$0x11D50] =	vst v63  }
0x1fc: {  	_ =	swait.ge [sflag:s16], $0x3E8  }
0x1fd: {  	[sflag:s16] =	ssyncset.done $0x0  }
.Ltmp10:
0x1fe: {  	[sflag:s16] =	ssyncadd.s32 $0xFFFFFC18;
	(pc) =	sbr.rel @p0 .LBB2_20-.Ltmp10, $4  }
0x1ff: {  	[tilespmem:s18], [sflag:$0x1] =	stream.indirect.gather [hbm4b:s5+s21], $0x20, s2, s21, $0xb8;
	[tilespmem:$0x11D50] =	vst v63  }
0x200: {  	_ =	swait.ge [sflag:s24], $0x7D00  }
0x201: {  	[sflag:s24] =	ssyncset.done $0x0  }
0x202: {  	[sflag:s24] =	ssyncadd.s32 $0xFFFF8300  }
.LBB2_19:
0x203: {  	_ =	swait.ge [sflag:s25], $0x640  }
0x204: {  	[sflag:s25] =	ssyncset.done $0x0  }
0x205: {  	[sflag:s25] =	ssyncadd.s32 $0xFFFFF9C0  }
.LBB2_20:
0x206: {  	s0 =	simm.s32 $0x8610  }
0x207: {  	v0 =	vld [tilespmem:s0+$0xFFFFFEC0]  }
0x208: {  	v1 =	vld [tilespmem:s0+$0xFFFFFED0]  }
0x209: {  	v2 =	vld [tilespmem:s0+$0xFFFFFEE0]  }
0x20a: {  	v3 =	vld [tilespmem:s0+$0xFFFFFEF0]  }
0x20b: {  	v4 =	vld [tilespmem:s0+$0xFFFFFF00]  }
0x20c: {  	v5 =	vld [tilespmem:s0+$0xFFFFFF10];
	v0 =	vadd.f32 $0.0e+00, v0  }
0x20d: {  	v6 =	vld [tilespmem:s0+$0xFFFFFF20]  }
0x20e: {  	v7 =	vld [tilespmem:s0+$0xFFFFFF40];
	v1 =	vadd.f32 $0.0e+00, v1;
	v0 =	vadd.f32 v2, v0  }
0x20f: {  	v2 =	vld [tilespmem:s0+$0xFFFFFF30]  }
0x210: {  	v44 =	vld [tilespmem:s0+$0xFFFFFF60];
	v1 =	vadd.f32 v3, v1;
	v0 =	vadd.f32 v4, v0  }
0x211: {  	v3 =	vld [tilespmem:s0+$0xFFFFFF50]  }
0x212: {  	v45 =	vld [tilespmem:s0+$0xFFFFFF70];
	v1 =	vadd.f32 v5, v1;
	v0 =	vadd.f32 v6, v0  }
0x213: {  	v46 =	vld [tilespmem:s0+$0xFFFFFF80]  }
0x214: {  	v47 =	vld [tilespmem:s0+$0xFFFFFFA0];
	v1 =	vadd.f32 v2, v1;
	v0 =	vadd.f32 v7, v0  }
0x215: {  	v2 =	vld [tilespmem:s0+$0xFFFFFF90]  }
0x216: {  	v48 =	vld [tilespmem:s0+$0xFFFFFFC0];
	v1 =	vadd.f32 v3, v1;
	v0 =	vadd.f32 v44, v0  }
0x217: {  	v3 =	vld [tilespmem:s0+$0xFFFFFFB0]  }
0x218: {  	v49 =	vld [tilespmem:s0+$0xFFFFFFD0];
	v1 =	vadd.f32 v45, v1;
	v0 =	vadd.f32 v46, v0  }
0x219: {  	v50 =	vld [tilespmem:s0+$0xFFFFFFE0]  }
0x21a: {  	v51 =	vld [tilespmem:s0+$0x0];
	v1 =	vadd.f32 v2, v1;
	v0 =	vadd.f32 v47, v0  }
0x21b: {  	v2 =	vld [tilespmem:s0+$0xFFFFFFF0]  }
0x21c: {  	v52 =	vld [tilespmem:s0+$0x20];
	v1 =	vadd.f32 v3, v1;
	v0 =	vadd.f32 v48, v0  }
0x21d: {  	v3 =	vld [tilespmem:s0+$0x10]  }
0x21e: {  	v53 =	vld [tilespmem:s0+$0x30];
	v1 =	vadd.f32 v49, v1;
	v0 =	vadd.f32 v50, v0  }
0x21f: {  	v54 =	vld [tilespmem:s0+$0x40]  }
0x220: {  	v55 =	vld [tilespmem:s0+$0x60];
	v1 =	vadd.f32 v2, v1;
	v0 =	vadd.f32 v51, v0  }
0x221: {  	v2 =	vld [tilespmem:s0+$0x50]  }
0x222: {  	v56 =	vld [tilespmem:s0+$0x80];
	v1 =	vadd.f32 v3, v1;
	v0 =	vadd.f32 v52, v0  }
0x223: {  	v3 =	vld [tilespmem:s0+$0x70]  }
0x224: {  	v57 =	vld [tilespmem:s0+$0x90];
	v1 =	vadd.f32 v53, v1;
	v0 =	vadd.f32 v54, v0  }
0x225: {  	v58 =	vld [tilespmem:s0+$0xA0]  }
0x226: {  	v59 =	vld [tilespmem:s0+$0xC0];
	v1 =	vadd.f32 v2, v1;
	v0 =	vadd.f32 v55, v0  }
0x227: {  	v2 =	vld [tilespmem:s0+$0xB0]  }
0x228: {  	v60 =	vld [tilespmem:s0+$0xE0];
	v1 =	vadd.f32 v3, v1;
	v0 =	vadd.f32 v56, v0  }
0x229: {  	v3 =	vld [tilespmem:s0+$0xD0]  }
0x22a: {  	v61 =	vld [tilespmem:s0+$0xF0];
	v1 =	vadd.f32 v57, v1;
	v0 =	vadd.f32 v58, v0  }
0x22b: {  	v62 =	vld [tilespmem:s0+$0x100]  }
0x22c: {  	v63 =	vld [tilespmem:s0+$0x120];
	v1 =	vadd.f32 v2, v1;
	v0 =	vadd.f32 v59, v0  }
0x22d: {  	v2 =	vld [tilespmem:s0+$0x110]  }
0x22e: {  	v1 =	vadd.f32 v3, v1;
	v0 =	vadd.f32 v60, v0  }
0x22f: {  	v3 =	vld [tilespmem:s0+$0x130]  }
0x230: {  	v1 =	vadd.f32 v61, v1;
	v0 =	vadd.f32 v62, v0;
	_ =	sdelay $0x1  }
0x231: {  	v1 =	vadd.f32 v2, v1;
	v2 =	vadd.f32 v63, v0  }
0x232: {  	s15 =	simm.s32 $0x0  }
0x233: {  	s9 =	simm.s32 $0x80;
	v0 =	vadd.f32 v3, v1;
	[tilespmem:s15+$0x10810] =	vst v2  }
.LBB2_21:
0x234: {  	p0 =	sne.s32 s9, $0x1880  }
0x235: {  	[tilespmem:s15+$0x10820] =	vst v0;
	s0 =	sadd.s32 $0x280, s0;
	s15 =	smov.u32 s9;
	s9 =	sadd.s32 $0x80, s9  }
0x236: {  	v0 =	vld [tilespmem:s0+$0xFFFFFEC0]  }
0x237: {  	v1 =	vld [tilespmem:s0+$0xFFFFFED0]  }
0x238: {  	v2 =	vld [tilespmem:s0+$0xFFFFFEE0]  }
0x239: {  	v3 =	vld [tilespmem:s0+$0xFFFFFEF0]  }
0x23a: {  	v4 =	vld [tilespmem:s0+$0xFFFFFF00]  }
0x23b: {  	v0 =	vadd.f32 $0.0e+00, v0;
	v5 =	vld [tilespmem:s0+$0xFFFFFF10]  }
0x23c: {  	v1 =	vadd.f32 $0.0e+00, v1;
	v6 =	vld [tilespmem:s0+$0xFFFFFF20]  }
0x23d: {  	v0 =	vadd.f32 v2, v0;
	v2 =	vld [tilespmem:s0+$0xFFFFFF30]  }
0x23e: {  	v1 =	vadd.f32 v3, v1;
	v3 =	vld [tilespmem:s0+$0xFFFFFF40]  }
0x23f: {  	v0 =	vadd.f32 v4, v0;
	v4 =	vld [tilespmem:s0+$0xFFFFFF50]  }
0x240: {  	v1 =	vadd.f32 v5, v1;
	v5 =	vld [tilespmem:s0+$0xFFFFFF60]  }
0x241: {  	v0 =	vadd.f32 v6, v0;
	v6 =	vld [tilespmem:s0+$0xFFFFFF70]  }
0x242: {  	v1 =	vadd.f32 v2, v1;
	v2 =	vld [tilespmem:s0+$0xFFFFFF80]  }
0x243: {  	v0 =	vadd.f32 v3, v0;
	v3 =	vld [tilespmem:s0+$0xFFFFFF90]  }
0x244: {  	v1 =	vadd.f32 v4, v1;
	v4 =	vld [tilespmem:s0+$0xFFFFFFA0]  }
0x245: {  	v0 =	vadd.f32 v5, v0;
	v5 =	vld [tilespmem:s0+$0xFFFFFFB0]  }
0x246: {  	v1 =	vadd.f32 v6, v1;
	v6 =	vld [tilespmem:s0+$0xFFFFFFC0]  }
0x247: {  	v0 =	vadd.f32 v2, v0;
	v2 =	vld [tilespmem:s0+$0xFFFFFFD0]  }
0x248: {  	v1 =	vadd.f32 v3, v1;
	v3 =	vld [tilespmem:s0+$0xFFFFFFE0]  }
0x249: {  	v0 =	vadd.f32 v4, v0;
	v4 =	vld [tilespmem:s0+$0xFFFFFFF0]  }
0x24a: {  	v1 =	vadd.f32 v5, v1;
	v5 =	vld [tilespmem:s0+$0x0]  }
0x24b: {  	v0 =	vadd.f32 v6, v0;
	v6 =	vld [tilespmem:s0+$0x10]  }
0x24c: {  	v1 =	vadd.f32 v2, v1;
	v2 =	vld [tilespmem:s0+$0x20]  }
0x24d: {  	v0 =	vadd.f32 v3, v0;
	v3 =	vld [tilespmem:s0+$0x30]  }
0x24e: {  	v1 =	vadd.f32 v4, v1;
	v4 =	vld [tilespmem:s0+$0x40]  }
0x24f: {  	v0 =	vadd.f32 v5, v0;
	v5 =	vld [tilespmem:s0+$0x50]  }
0x250: {  	v1 =	vadd.f32 v6, v1;
	v6 =	vld [tilespmem:s0+$0x60]  }
0x251: {  	v0 =	vadd.f32 v2, v0;
	v2 =	vld [tilespmem:s0+$0x70]  }
0x252: {  	v1 =	vadd.f32 v3, v1;
	v3 =	vld [tilespmem:s0+$0x80]  }
0x253: {  	v0 =	vadd.f32 v4, v0;
	v4 =	vld [tilespmem:s0+$0x90]  }
0x254: {  	v1 =	vadd.f32 v5, v1;
	v5 =	vld [tilespmem:s0+$0xA0]  }
0x255: {  	v0 =	vadd.f32 v6, v0;
	v6 =	vld [tilespmem:s0+$0xB0]  }
0x256: {  	v1 =	vadd.f32 v2, v1;
	v2 =	vld [tilespmem:s0+$0xC0]  }
0x257: {  	v0 =	vadd.f32 v3, v0;
	v3 =	vld [tilespmem:s0+$0xD0]  }
0x258: {  	v1 =	vadd.f32 v4, v1;
	v4 =	vld [tilespmem:s0+$0xE0]  }
0x259: {  	v0 =	vadd.f32 v5, v0;
	v5 =	vld [tilespmem:s0+$0xF0]  }
0x25a: {  	v1 =	vadd.f32 v6, v1;
	v6 =	vld [tilespmem:s0+$0x100]  }
0x25b: {  	v0 =	vadd.f32 v2, v0;
	v2 =	vld [tilespmem:s0+$0x110]  }
0x25c: {  	v1 =	vadd.f32 v3, v1;
	v3 =	vld [tilespmem:s0+$0x120]  }
0x25d: {  	v0 =	vadd.f32 v4, v0;
	v4 =	vld [tilespmem:s0+$0x130]  }
0x25e: {  	v1 =	vadd.f32 v5, v1  }
.Ltmp11:
0x25f: {  	v0 =	vadd.f32 v6, v0;
	(pc) =	sbr.rel @p0 .LBB2_21-.Ltmp11, $4  }
0x260: {  	v1 =	vadd.f32 v2, v1  }
0x261: {  	v2 =	vadd.f32 v3, v0  }
0x262: {  	s15 =	sshra.s32 s15, $0x2;
	v0 =	vadd.f32 v4, v1  }
0x263: {  	[tilespmem:s15+$0x10810] =	vst v2  }
0x264: {  	s1 =	sadd.s32 $0x1, s1  }
0x265: {  	p0 =	sne.s32 s1, $0x10  }
.Ltmp12:
0x266: {  	_ = 	snop;
	(pc) =	sbr.rel @p0 .LBB2_14-.Ltmp12, $4  }
0x267: {  	s0 =	sshll.u32 s31, $0x2  }
0x268: {  	s0 =	sand.u32 $0x1FFFFFF8, s0  }
0x269: {  	[tilespmem:s15+$0x10820] =	vst v0;
	s0 =	sadd.s32 s7, s0  }
0x26a: {  	[hbm4b:s0+s2] =	stream.linear.scatter [tilespmem:s29], [sflag:$0x4], $0x640, $0x38;
	[tilespmem:$0x11D50] =	vst v63  }
0x26b: {  	s30 =	sadd.s32 $0x1, s30  }
0x26c: {  	_ =	swait.ge [sflag:s28], $0x640;
	p0 =	sne.s32 s30, s14  }
.Ltmp13:
0x26d: {  	[sflag:s28] =	ssyncset.done $0x0;
	(pc) =	sbr.rel @p0 .LBB2_1-.Ltmp13, $4  }
0x26e: {  	[sflag:s28] =	ssyncadd.s32 $0xFFFFF9C0  }
0x26f: {  	_ =	swait.ge [sflag:s25], $0x640  }
0x270: {  	[sflag:s25] =	ssyncset.done $0x0  }
0x271: {  	[sflag:s25] =	ssyncadd.s32 $0xFFFFF9C0  }
0x272: {  	_ =	sfence.sel $0x180000  }
0x273: {  	[bflag:$0x0] =	sbarrier.arrive $0xFFFF  }
0x274: {  	_ =	strace $0x90000047  }
0x275: {  	s0 =	stileid.u32;
	[bflag:$0x2] =	sbarrier.arrive $0xFFFF  }
0x276: {  	p0 =	sne.s32 s0, $0x0;
	s0 =	rddreg [dreg:$0x1]  }
0x277: {  	s0 =	sadd.s32 @!p0 $0x100000, s0  }
0x278: {  	[sflag:s0] =	ssyncadd.tile.s32 @!p0 $0x1;
	_ =	shalt  }
.Lfunc_end2:
_tile_overlayer_lowered:
.L_overlay_start_2:
0x279: {  	(tag) =	ssettag $0x2  }
0x27a: {  	s0 =	rddreg [dreg:$0x0];
	s2 =	stileid.u32  }
0x27b: {  	s1 =	rddreg [dreg:$0x1];
	p0 =	sne.s32 s2, $0x0  }
0x27c: {  	s3 =	rddreg [dreg:$0x2];
	[bflag:$0x3] =	sbarrier.arrive $0xFFFF;
	s2 =	simm.s32 @!p0 $0x1C05  }
0x27d: {  	[timem:s3], [sflag:s2] =	dma.local @!p0 [hbm:s0], s1  }
0x27e: {  	s0 =	simm.s32 @!p0 $0x5  }
0x27f: {  	_ =	swait.ge @!p0 [sflag:s0], s1  }
0x280: {  	s1 =	ssub.s32 @!p0 $0x0, s1;
	[sflag:s0] =	ssyncset.done @!p0 $0x0  }
0x281: {  	[sflag:s0] =	ssyncadd.s32 @!p0 s1  }
0x282: {  	[bflag:$0x3] =	sbarrier.arrive $0xFFFF  }
0x283: {  	_ =	shalt  }

</sc_bundles>
